<compile_context>
chip_gen: v7x
topology: tpu7x:2x2x1
jax: 0.10.2.dev20260603
libtpu: 0.0.44.dev20260713+nightly
codegen_flags: <defaults>
</compile_context>

<pallas_src>
import dataclasses
import functools

import jax
import jax.numpy as jnp
from jax import lax
from jax.experimental import pallas as pl
from jax.experimental.pallas import tpu as pltpu
from jax.experimental.pallas import tpu_sc as plsc

B = 4096
F = 26
D = 64
H0 = 200
H1 = 100

NC = 2
NS = 16
NW = NC * NS
BPW = B // NW
G = 4
GF = G * F
STEPS = BPW // G
EPW = BPW * F
DC = D // 16


def _sc_compiler_params():
    cp = pltpu.CompilerParams()
    fields = pltpu.CompilerParams.__dataclass_fields__
    if "needs_layout_passes" in fields:
        cp = dataclasses.replace(cp, needs_layout_passes=False)
    if "use_tc_tiling_on_sc" in fields:
        cp = dataclasses.replace(cp, use_tc_tiling_on_sc=False)
    return cp


def _sc_pool(idx_flat, vals_flat, emb_table, fmw_flat):
    mesh = plsc.VectorSubcoreMesh(core_axis_name="c", subcore_axis_name="s")

    @functools.partial(
        pl.kernel,
        compiler_params=_sc_compiler_params(),
        out_type=jax.ShapeDtypeStruct((B, 2 * D), jnp.float32),
        mesh=mesh,
        scratch_types=[
            pltpu.VMEM((EPW,), jnp.int32),
            pltpu.VMEM((EPW,), jnp.float32),
            pltpu.VMEM((EPW,), jnp.float32),
            pltpu.VMEM((2, GF, D), jnp.float32),
            pltpu.VMEM((BPW, 2 * D), jnp.float32),
            pltpu.VMEM_SHARED((100000,), jnp.float32),
            pltpu.SemaphoreType.DMA,
            pltpu.SemaphoreType.DMA,
            pltpu.SemaphoreType.DMA,
            pltpu.SemaphoreType.DMA,
        ],
    )
    def sck(idx_hbm, vals_hbm, emb_hbm, fmw_hbm, fm2_hbm,
            idx_v, vals_v, fmw_v, rows_v, o2_v, fmw_sh, sem0, sem1, semf,
            semsh):
        sid = lax.axis_index("s")
        wid = sid * NC + lax.axis_index("c")

        fill = pltpu.make_async_copy(fmw_hbm, fmw_sh, semsh)

        @pl.when(sid == 0)
        def _():
            fill.start()
        base_e = pl.multiple_of(wid * EPW, 8)
        base_r = pl.multiple_of(wid * BPW, 8)

        pltpu.sync_copy(idx_hbm.at[pl.ds(base_e, EPW)], idx_v)
        pltpu.sync_copy(vals_hbm.at[pl.ds(base_e, EPW)], vals_v)

        sems = (sem0, sem1)

        def emb_desc(step, buf):
            off = pl.multiple_of(step * GF, 8)
            return pltpu.make_async_copy(
                emb_hbm.at[idx_v.at[pl.ds(off, GF)]], rows_v.at[buf], sems[buf])

        def fm_desc(step):
            off = pl.multiple_of(step * GF, 8)
            return pltpu.make_async_copy(
                fmw_sh.at[idx_v.at[pl.ds(off, GF)]],
                fmw_v.at[pl.ds(off, GF)], semf)

        emb_desc(0, 0).start()
        emb_desc(1, 1).start()

        @pl.when(sid == 0)
        def _():
            fill.wait()

        plsc.subcore_barrier()

        def compute(step, buf):
            rows = rows_v.at[buf]

            @pl.loop(0, G)
            def _(g):
                r_local = step * G + g
                acc = [jnp.zeros((16,), jnp.float32) for _ in range(DC)]
                sq = [jnp.zeros((16,), jnp.float32) for _ in range(DC)]
                for f in range(F):
                    off16 = jnp.full((16,), r_local * F + f, jnp.int32)
                    val16 = plsc.load_gather(vals_v, [off16])
                    row = g * F + f
                    for c in range(DC):
                        e = rows[row, pl.ds(c * 16, 16)]
                        t = e * val16
                        acc[c] = acc[c] + t
                        sq[c] = sq[c] + t * t
                for c in range(DC):
                    o2_v[r_local, pl.ds(c * 16, 16)] = (
                        0.5 * (acc[c] * acc[c] - sq[c]))

        @pl.loop(0, STEPS, step=2)
        def _(s0):
            emb_desc(s0, 0).wait()
            compute(s0, 0)

            @pl.when(s0 + 2 < STEPS)
            def _():
                emb_desc(s0 + 2, 0).start()

            emb_desc(s0 + 1, 1).wait()
            compute(s0 + 1, 1)

            @pl.when(s0 + 3 < STEPS)
            def _():
                emb_desc(s0 + 3, 1).start()

        for s in range(STEPS):
            fm_desc(s).start()
        for s in range(STEPS):
            fm_desc(s).wait()

        iota16 = lax.iota(jnp.int32, 16)

        @pl.loop(0, BPW // 16)
        def _(rg):
            accw = jnp.zeros((16,), jnp.float32)
            for f in range(F):
                idx16 = (rg * 16 + iota16) * F + f
                w16 = plsc.load_gather(fmw_v, [idx16])
                v16 = plsc.load_gather(vals_v, [idx16])
                accw = accw + w16 * v16
            row16 = rg * 16 + iota16
            col16 = jnp.full((16,), D, jnp.int32)
            plsc.store_scatter(o2_v, [row16, col16], accw)

        pltpu.sync_copy(o2_v, fm2_hbm.at[pl.ds(base_r, BPW)])

    return sck(idx_flat, vals_flat, emb_table, fmw_flat)


BLK = 1024


def _mlp_body(fm2_ref, w0_ref, b0_ref, w1_ref, b1_ref, fcw_ref,
              c0_ref, out_ref):
    xa = fm2_ref[...]
    x = xa[:, :D]
    fm1 = xa[:, D:D + 1]
    h = jnp.dot(x, w0_ref[...], preferred_element_type=jnp.float32,
                precision=lax.Precision.DEFAULT) + b0_ref[...]
    h = jnp.maximum(h, 0.0)
    h = jnp.dot(h, w1_ref[...], preferred_element_type=jnp.float32,
                precision=lax.Precision.DEFAULT) + b1_ref[...]
    h = jnp.maximum(h, 0.0)
    logit = jnp.sum(h * fcw_ref[...], axis=1, keepdims=True)
    out_ref[...] = jax.nn.sigmoid(logit + fm1 + c0_ref[...])


def _mlp(fm2, W0, b0_row, W1, b1_row, fcw_row, c0):
    return pl.pallas_call(
        _mlp_body,
        grid=(B // BLK,),
        in_specs=[
            pl.BlockSpec((BLK, 2 * D), lambda i: (i, 0)),
            pl.BlockSpec((D, H0), lambda i: (0, 0)),
            pl.BlockSpec((1, H0), lambda i: (0, 0)),
            pl.BlockSpec((H0, H1), lambda i: (0, 0)),
            pl.BlockSpec((1, H1), lambda i: (0, 0)),
            pl.BlockSpec((1, H1), lambda i: (0, 0)),
            pl.BlockSpec((1, 1), lambda i: (0, 0)),
        ],
        out_specs=pl.BlockSpec((BLK, 1), lambda i: (i, 0)),
        out_shape=jax.ShapeDtypeStruct((B, 1), jnp.float32),
    )(fm2, W0, b0_row, W1, b1_row, fcw_row, c0)


def kernel(idxs, vals, emb_table, fm_w, W0, b0, W1, b1, fcW, fcb, bias):
    idx_flat = idxs.reshape(-1)
    vals_flat = vals.reshape(-1)
    fmw_flat = fm_w[:, 0]
    fm2 = _sc_pool(idx_flat, vals_flat, emb_table, fmw_flat)
    c0 = (fcb[0] + bias[0]).reshape(1, 1)
    out = _mlp(fm2, W0, b0.reshape(1, H0), W1,
               b1.reshape(1, H1), fcW.reshape(1, H1), c0)
    return out.reshape(B)

# --- scband reference (transcript-rebuilt; emitter-appended) ---
"""Pipeline reference for scband-nfm-84250078478436 (READ-ONLY COPY).

The authoritative reference and input builder live on the scoring server;
editing this copy changes nothing except your own understanding.
"""

import jax, jax.numpy as jnp
import numpy as np

FEATURE_SIZE = 100000
FIELD_SIZE = 26
EMB = 64
BATCH = 4096
DNN_HIDDEN = [200, 100]


def setup_inputs(seed: int = 0) -> dict:
    key = jax.random.key(seed)
    ks = jax.random.split(key, 12)
    idxs = jax.random.randint(ks[0], (BATCH, FIELD_SIZE), 0, FEATURE_SIZE, dtype=jnp.int64 if jax.config.jax_enable_x64 else jnp.int32).astype(jnp.int32)
    vals = jax.random.uniform(ks[1], (BATCH, FIELD_SIZE), dtype=jnp.float32)
    emb_table = jax.random.normal(ks[2], (FEATURE_SIZE, EMB), dtype=jnp.float32) * 0.05
    fm_w = jax.random.normal(ks[3], (FEATURE_SIZE, 1), dtype=jnp.float32) * 0.05
    W0 = jax.random.normal(ks[4], (EMB, DNN_HIDDEN[0]), dtype=jnp.float32) * (1.0 / np.sqrt(EMB))
    b0 = jnp.zeros((DNN_HIDDEN[0],), dtype=jnp.float32)
    W1 = jax.random.normal(ks[5], (DNN_HIDDEN[0], DNN_HIDDEN[1]), dtype=jnp.float32) * (1.0 / np.sqrt(DNN_HIDDEN[0]))
    b1 = jnp.zeros((DNN_HIDDEN[1],), dtype=jnp.float32)
    fcW = jax.random.normal(ks[6], (DNN_HIDDEN[1], 1), dtype=jnp.float32) * (1.0 / np.sqrt(DNN_HIDDEN[1]))
    fcb = jnp.zeros((1,), dtype=jnp.float32)
    bias = jnp.zeros((1,), dtype=jnp.float32)
    return {"idxs": idxs, "vals": vals, "emb_table": emb_table, "fm_w": fm_w,
            "W0": W0, "b0": b0, "W1": W1, "b1": b1, "fcW": fcW, "fcb": fcb, "bias": bias}


def reference(idxs, vals, emb_table, fm_w, W0, b0, W1, b1, fcW, fcb, bias):
    # Embedding lookups (SparseCore gathers)
    emb = jnp.take(emb_table, idxs, axis=0) * vals[..., None]          # [B, F, D]
    fm_first_w = jnp.take(fm_w, idxs, axis=0)                          # [B, F, 1]
    fm_first_order = jnp.sum(jnp.squeeze(fm_first_w, -1) * vals, axis=-1)  # [B]
    # FM second order
    tmp = jnp.sum(emb, axis=1)                                         # [B, D]
    square_of_sum = tmp * tmp
    sum_of_square = jnp.sum(emb * emb, axis=1)
    fm_second_order = 0.5 * (square_of_sum - sum_of_square)            # [B, D]
    # DNN
    x = fm_second_order
    x = jax.nn.relu(x @ W0 + b0)
    x = jax.nn.relu(x @ W1 + b1)
    dnn_out = jnp.squeeze(x @ fcW + fcb, -1)                           # [B]
    return jax.nn.sigmoid(dnn_out + fm_first_order + bias[0])

if __name__ == "__main__":
    import jax
    _d = setup_inputs()
    print(jax.jit(kernel)(*tuple(_d.values())))

</pallas_src>

<mosaic_0001>
#map = affine_map<(d0, d1) -> (0)>
#map1 = affine_map<(d0, d1) -> (0, 0)>
module attributes {stable_mosaic.version = 14 : i64} {
  func.func @sck(%arg0: i32, %arg1: i32, %arg2: memref<106496xi32, #tpu.memory_space<hbm>>, %arg3: memref<106496xf32, #tpu.memory_space<hbm>>, %arg4: memref<100000x64xf32, #tpu.memory_space<hbm>>, %arg5: memref<100000xf32, #tpu.memory_space<hbm>>, %arg6: memref<4096x128xf32, #tpu.memory_space<hbm>>, %arg7: memref<3328xi32, #tpu.memory_space<vmem>>, %arg8: memref<3328xf32, #tpu.memory_space<vmem>>, %arg9: memref<3328xf32, #tpu.memory_space<vmem>>, %arg10: memref<2x104x64xf32, #tpu.memory_space<vmem>>, %arg11: memref<128x128xf32, #tpu.memory_space<vmem>>, %arg12: memref<100000xf32, #tpu.memory_space<vmem_shared>>, %arg13: memref<!tpu.dma_semaphore, #tpu.memory_space<semaphore_mem>>, %arg14: memref<!tpu.dma_semaphore, #tpu.memory_space<semaphore_mem>>, %arg15: memref<!tpu.dma_semaphore, #tpu.memory_space<semaphore_mem>>, %arg16: memref<!tpu.dma_semaphore, #tpu.memory_space<semaphore_mem>>) attributes {dimension_semantics = [#tpu.dimension_semantics<core_parallel>, #tpu.dimension_semantics<subcore_parallel>], iteration_bounds = array<i64: 2, 16>, scalar_prefetch = 0 : i64, scratch_operands = 10 : i64, tpu.core_type = #tpu.core_type<sc_vector_subcore>, window_params = [{transform_indices = #map}, {transform_indices = #map}, {transform_indices = #map1}, {transform_indices = #map}, {transform_indices = #map1}]} {
    %mul3A = arith.constant 2 : i32
    %mul3A_0 = arith.muli %arg1, %mul3A : i32
    %add3A = arith.addi %mul3A_0, %arg0 : i32
    %eq3A = arith.constant 0 : i32
    %eq3A_1 = arith.cmpi eq, %arg1, %eq3A : i32
    %convert_element_type3A = arith.extui %eq3A_1 : i1 to i32
    %cond3A = arith.constant 0 : i32
    %cond3A_2 = arith.cmpi ne, %convert_element_type3A, %cond3A : i32
    scf.if %cond3A_2 {
      tpu.enqueue_dma source(%arg5 : memref<100000xf32, #tpu.memory_space<hbm>>) target(%arg12 : memref<100000xf32, #tpu.memory_space<vmem_shared>>) target_semaphore(%arg16 : memref<!tpu.dma_semaphore, #tpu.memory_space<semaphore_mem>>)
    } else {
    }
    %mul3A_3 = arith.constant 3328 : i32
    %mul3A_4 = arith.muli %add3A, %mul3A_3 : i32
    %multiple_of3A = tpu.assume_multiple %mul3A_4, 8 : i32
    %mul3A_5 = arith.constant 128 : i32
    %mul3A_6 = arith.muli %add3A, %mul3A_5 : i32
    %multiple_of3A_7 = tpu.assume_multiple %mul3A_6, 8 : i32
    "tpu.region"() ({
      %run_scoped3A = tpu.sem_alloc : memref<!tpu.dma_semaphore, #tpu.memory_space<semaphore_mem>>
      %dma_start3A_426 = tpu.memref_slice %arg2[%multiple_of3A] : memref<106496xi32, #tpu.memory_space<hbm>> -> memref<3328xi32, #tpu.memory_space<hbm>>
      %dma_start3A_427 = tpu.memref_slice %arg2[%multiple_of3A] : memref<106496xi32, #tpu.memory_space<hbm>> -> memref<3328xi32, #tpu.memory_space<hbm>>
      tpu.enqueue_dma source(%dma_start3A_427 : memref<3328xi32, #tpu.memory_space<hbm>>) target(%arg7 : memref<3328xi32, #tpu.memory_space<vmem>>) target_semaphore(%run_scoped3A : memref<!tpu.dma_semaphore, #tpu.memory_space<semaphore_mem>>)
      %dma_wait3A_428 = tpu.memref_slice %arg2[%multiple_of3A] : memref<106496xi32, #tpu.memory_space<hbm>> -> memref<3328xi32, #tpu.memory_space<hbm>>
      %dma_wait3A_429 = tpu.memref_slice %arg2[%multiple_of3A] : memref<106496xi32, #tpu.memory_space<hbm>> -> memref<3328xi32, #tpu.memory_space<hbm>>
      tpu.wait_dma2 semaphore(%run_scoped3A : memref<!tpu.dma_semaphore, #tpu.memory_space<semaphore_mem>>) src(%dma_wait3A_429 : memref<3328xi32, #tpu.memory_space<hbm>>) dst(%arg7 : memref<3328xi32, #tpu.memory_space<vmem>>)
      tpu.yield
    }) : () -> ()
    "tpu.region"() ({
      %run_scoped3A = tpu.sem_alloc : memref<!tpu.dma_semaphore, #tpu.memory_space<semaphore_mem>>
      %dma_start3A_426 = tpu.memref_slice %arg3[%multiple_of3A] : memref<106496xf32, #tpu.memory_space<hbm>> -> memref<3328xf32, #tpu.memory_space<hbm>>
      %dma_start3A_427 = tpu.memref_slice %arg3[%multiple_of3A] : memref<106496xf32, #tpu.memory_space<hbm>> -> memref<3328xf32, #tpu.memory_space<hbm>>
      tpu.enqueue_dma source(%dma_start3A_427 : memref<3328xf32, #tpu.memory_space<hbm>>) target(%arg8 : memref<3328xf32, #tpu.memory_space<vmem>>) target_semaphore(%run_scoped3A : memref<!tpu.dma_semaphore, #tpu.memory_space<semaphore_mem>>)
      %dma_wait3A_428 = tpu.memref_slice %arg3[%multiple_of3A] : memref<106496xf32, #tpu.memory_space<hbm>> -> memref<3328xf32, #tpu.memory_space<hbm>>
      %dma_wait3A_429 = tpu.memref_slice %arg3[%multiple_of3A] : memref<106496xf32, #tpu.memory_space<hbm>> -> memref<3328xf32, #tpu.memory_space<hbm>>
      tpu.wait_dma2 semaphore(%run_scoped3A : memref<!tpu.dma_semaphore, #tpu.memory_space<semaphore_mem>>) src(%dma_wait3A_429 : memref<3328xf32, #tpu.memory_space<hbm>>) dst(%arg8 : memref<3328xf32, #tpu.memory_space<vmem>>)
      tpu.yield
    }) : () -> ()
    %multiple_of3A_8 = arith.constant 0 : i32
    %multiple_of3A_9 = tpu.assume_multiple %multiple_of3A_8, 8 : i32
    %dma_start3A = arith.constant 0 : i32
    %dma_start3A_10 = arith.constant 0 : i32
    %dma_start3A_11 = arith.constant 0 : i32
    %dma_start3A_12 = tpu.memref_slice %arg10[%dma_start3A, %dma_start3A_10, %dma_start3A_11] : memref<2x104x64xf32, #tpu.memory_space<vmem>> -> memref<1x104x64xf32, #tpu.memory_space<vmem>>
    %dma_start3A_13 = tpu.memref_squeeze %dma_start3A_12 : memref<1x104x64xf32, #tpu.memory_space<vmem>> -> memref<104x64xf32, #tpu.memory_space<vmem>>
    %dma_start3A_14 = tpu.memref_slice %arg7[%multiple_of3A_9] : memref<3328xi32, #tpu.memory_space<vmem>> -> memref<104xi32, #tpu.memory_space<vmem>>
    %dma_start3A_15 = arith.constant 0 : i32
    %dma_start3A_16 = arith.constant 0 : i32
    %dma_start3A_17 = tpu.memref_slice %arg4[%dma_start3A_15, %dma_start3A_16] : memref<100000x64xf32, #tpu.memory_space<hbm>> -> memref<100000x64xf32, #tpu.memory_space<hbm>>
    tpu.enqueue_indirect_dma source(%dma_start3A_17 : memref<100000x64xf32, #tpu.memory_space<hbm>>) target(%dma_start3A_13 : memref<104x64xf32, #tpu.memory_space<vmem>>) offsets(%dma_start3A_14 : memref<104xi32, #tpu.memory_space<vmem>>) semaphore(%arg13 : memref<!tpu.dma_semaphore, #tpu.memory_space<semaphore_mem>>)
    %multiple_of3A_18 = arith.constant 104 : i32
    %multiple_of3A_19 = tpu.assume_multiple %multiple_of3A_18, 8 : i32
    %dma_start3A_20 = arith.constant 1 : i32
    %dma_start3A_21 = arith.constant 0 : i32
    %dma_start3A_22 = arith.constant 0 : i32
    %dma_start3A_23 = tpu.memref_slice %arg10[%dma_start3A_20, %dma_start3A_21, %dma_start3A_22] : memref<2x104x64xf32, #tpu.memory_space<vmem>> -> memref<1x104x64xf32, #tpu.memory_space<vmem>>
    %dma_start3A_24 = tpu.memref_squeeze %dma_start3A_23 : memref<1x104x64xf32, #tpu.memory_space<vmem>> -> memref<104x64xf32, #tpu.memory_space<vmem>>
    %dma_start3A_25 = tpu.memref_slice %arg7[%multiple_of3A_19] : memref<3328xi32, #tpu.memory_space<vmem>> -> memref<104xi32, #tpu.memory_space<vmem>>
    %dma_start3A_26 = arith.constant 0 : i32
    %dma_start3A_27 = arith.constant 0 : i32
    %dma_start3A_28 = tpu.memref_slice %arg4[%dma_start3A_26, %dma_start3A_27] : memref<100000x64xf32, #tpu.memory_space<hbm>> -> memref<100000x64xf32, #tpu.memory_space<hbm>>
    tpu.enqueue_indirect_dma source(%dma_start3A_28 : memref<100000x64xf32, #tpu.memory_space<hbm>>) target(%dma_start3A_24 : memref<104x64xf32, #tpu.memory_space<vmem>>) offsets(%dma_start3A_25 : memref<104xi32, #tpu.memory_space<vmem>>) semaphore(%arg14 : memref<!tpu.dma_semaphore, #tpu.memory_space<semaphore_mem>>)
    %eq3A_29 = arith.constant 0 : i32
    %eq3A_30 = arith.cmpi eq, %arg1, %eq3A_29 : i32
    %convert_element_type3A_31 = arith.extui %eq3A_30 : i1 to i32
    %cond3A_32 = arith.constant 0 : i32
    %cond3A_33 = arith.cmpi ne, %convert_element_type3A_31, %cond3A_32 : i32
    scf.if %cond3A_33 {
      tpu.wait_dma2 semaphore(%arg16 : memref<!tpu.dma_semaphore, #tpu.memory_space<semaphore_mem>>) src(%arg5 : memref<100000xf32, #tpu.memory_space<hbm>>) dst(%arg12 : memref<100000xf32, #tpu.memory_space<vmem_shared>>)
    } else {
    }
    %barrier3A = arith.constant 0 : index
    tpu.barrier barrier_id(%barrier3A)
    %scan3A = arith.constant 0 : i32
    %scan3A_34 = arith.constant 16 : i32
    %scan3A_35 = arith.addi %scan3A, %scan3A_34 : i32
    %scan3A_36 = arith.constant 1 : i32
    scf.for %scan3A_426 = %scan3A to %scan3A_35 step %scan3A_36  : i32 {
      %mul3A_427 = arith.constant 2 : i32
      %mul3A_428 = arith.muli %scan3A_426, %mul3A_427 : i32
      %add3A_429 = arith.constant 0 : i32
      %add3A_430 = arith.addi %add3A_429, %mul3A_428 : i32
      %mul3A_431 = arith.constant 104 : i32
      %mul3A_432 = arith.muli %add3A_430, %mul3A_431 : i32
      %multiple_of3A_433 = tpu.assume_multiple %mul3A_432, 8 : i32
      %dma_wait3A_434 = arith.constant 0 : i32
      %dma_wait3A_435 = arith.constant 0 : i32
      %dma_wait3A_436 = arith.constant 0 : i32
      %dma_wait3A_437 = tpu.memref_slice %arg10[%dma_wait3A_434, %dma_wait3A_435, %dma_wait3A_436] : memref<2x104x64xf32, #tpu.memory_space<vmem>> -> memref<1x104x64xf32, #tpu.memory_space<vmem>>
      %dma_wait3A_438 = tpu.memref_squeeze %dma_wait3A_437 : memref<1x104x64xf32, #tpu.memory_space<vmem>> -> memref<104x64xf32, #tpu.memory_space<vmem>>
      %dma_wait3A_439 = tpu.memref_slice %arg7[%multiple_of3A_433] : memref<3328xi32, #tpu.memory_space<vmem>> -> memref<104xi32, #tpu.memory_space<vmem>>
      %dma_wait3A_440 = arith.constant 0 : i32
      %dma_wait3A_441 = arith.constant 0 : i32
      %dma_wait3A_442 = tpu.memref_slice %arg4[%dma_wait3A_440, %dma_wait3A_441] : memref<100000x64xf32, #tpu.memory_space<hbm>> -> memref<100000x64xf32, #tpu.memory_space<hbm>>
      tpu.wait_indirect_dma semaphore(%arg13 : memref<!tpu.dma_semaphore, #tpu.memory_space<semaphore_mem>>) src(%dma_wait3A_442 : memref<100000x64xf32, #tpu.memory_space<hbm>>) dst(%dma_wait3A_438 : memref<104x64xf32, #tpu.memory_space<vmem>>)
      %scan3A_443 = arith.constant 0 : i32
      %scan3A_444 = arith.constant 0 : i32
      %scan3A_445 = arith.constant 4 : i32
      %scan3A_446 = arith.addi %scan3A_444, %scan3A_445 : i32
      %scan3A_447 = arith.constant 1 : i32
      scf.for %scan3A_484 = %scan3A_444 to %scan3A_446 step %scan3A_447  : i32 {
        %mul3A_485 = arith.constant 1 : i32
        %mul3A_486 = arith.muli %scan3A_484, %mul3A_485 : i32
        %add3A_487 = arith.constant 0 : i32
        %add3A_488 = arith.addi %add3A_487, %mul3A_486 : i32
        %mul3A_489 = arith.constant 4 : i32
        %mul3A_490 = arith.muli %add3A_430, %mul3A_489 : i32
        %add3A_491 = arith.addi %mul3A_490, %add3A_488 : i32
        %broadcast_in_dim3A = arith.constant 0.000000e+00 : f32
        %broadcast_in_dim3A_492 = vector.broadcast %broadcast_in_dim3A : f32 to vector<16xf32>
        %broadcast_in_dim3A_493 = arith.constant 0.000000e+00 : f32
        %broadcast_in_dim3A_494 = vector.broadcast %broadcast_in_dim3A_493 : f32 to vector<16xf32>
        %broadcast_in_dim3A_495 = arith.constant 0.000000e+00 : f32
        %broadcast_in_dim3A_496 = vector.broadcast %broadcast_in_dim3A_495 : f32 to vector<16xf32>
        %broadcast_in_dim3A_497 = arith.constant 0.000000e+00 : f32
        %broadcast_in_dim3A_498 = vector.broadcast %broadcast_in_dim3A_497 : f32 to vector<16xf32>
        %broadcast_in_dim3A_499 = arith.constant 0.000000e+00 : f32
        %broadcast_in_dim3A_500 = vector.broadcast %broadcast_in_dim3A_499 : f32 to vector<16xf32>
        %broadcast_in_dim3A_501 = arith.constant 0.000000e+00 : f32
        %broadcast_in_dim3A_502 = vector.broadcast %broadcast_in_dim3A_501 : f32 to vector<16xf32>
        %broadcast_in_dim3A_503 = arith.constant 0.000000e+00 : f32
        %broadcast_in_dim3A_504 = vector.broadcast %broadcast_in_dim3A_503 : f32 to vector<16xf32>
        %broadcast_in_dim3A_505 = arith.constant 0.000000e+00 : f32
        %broadcast_in_dim3A_506 = vector.broadcast %broadcast_in_dim3A_505 : f32 to vector<16xf32>
        %mul3A_507 = arith.constant 26 : i32
        %mul3A_508 = arith.muli %add3A_491, %mul3A_507 : i32
        %add3A_509 = arith.constant 0 : i32
        %add3A_510 = arith.addi %mul3A_508, %add3A_509 : i32
        %broadcast_in_dim3A_511 = vector.broadcast %add3A_510 : i32 to vector<16xi32>
        %gather3A = tpu.vector_load_idx %arg8[%broadcast_in_dim3A_511] : memref<3328xf32, #tpu.memory_space<vmem>>[vector<16xi32>], vector<16xf32>,
        %mul3A_512 = arith.constant 26 : i32
        %mul3A_513 = arith.muli %add3A_488, %mul3A_512 : i32
        %add3A_514 = arith.constant 0 : i32
        %add3A_515 = arith.addi %mul3A_513, %add3A_514 : i32
        %get3A = arith.constant 0 : i32
        %get3A_516 = arith.constant 0 : i32
        %get3A_517 = tpu.memref_slice %arg10[%scan3A_443, %get3A, %get3A_516] : memref<2x104x64xf32, #tpu.memory_space<vmem>> -> memref<1x104x64xf32, #tpu.memory_space<vmem>>
        %get3A_518 = tpu.memref_squeeze %get3A_517 : memref<1x104x64xf32, #tpu.memory_space<vmem>> -> memref<104x64xf32, #tpu.memory_space<vmem>>
        %get3A_519 = arith.index_cast %add3A_515 : i32 to index
        %get3A_520 = arith.constant 0 : index
        %get3A_521 = tpu.vector_load %get3A_518[%get3A_519, %get3A_520] {strides = array<i32>} : memref<104x64xf32, #tpu.memory_space<vmem>>, vector<16xf32>,
        %mul3A_522 = arith.mulf %get3A_521, %gather3A : vector<16xf32>
        %add3A_523 = arith.addf %broadcast_in_dim3A_492, %mul3A_522 : vector<16xf32>
        %mul3A_524 = arith.mulf %mul3A_522, %mul3A_522 : vector<16xf32>
        %add3A_525 = arith.addf %broadcast_in_dim3A_500, %mul3A_524 : vector<16xf32>
        %get3A_526 = arith.constant 0 : i32
        %get3A_527 = arith.constant 0 : i32
        %get3A_528 = tpu.memref_slice %arg10[%scan3A_443, %get3A_526, %get3A_527] : memref<2x104x64xf32, #tpu.memory_space<vmem>> -> memref<1x104x64xf32, #tpu.memory_space<vmem>>
        %get3A_529 = tpu.memref_squeeze %get3A_528 : memref<1x104x64xf32, #tpu.memory_space<vmem>> -> memref<104x64xf32, #tpu.memory_space<vmem>>
        %get3A_530 = arith.index_cast %add3A_515 : i32 to index
        %get3A_531 = arith.constant 16 : index
        %get3A_532 = tpu.vector_load %get3A_529[%get3A_530, %get3A_531] {strides = array<i32>} : memref<104x64xf32, #tpu.memory_space<vmem>>, vector<16xf32>,
        %mul3A_533 = arith.mulf %get3A_532, %gather3A : vector<16xf32>
        %add3A_534 = arith.addf %broadcast_in_dim3A_494, %mul3A_533 : vector<16xf32>
        %mul3A_535 = arith.mulf %mul3A_533, %mul3A_533 : vector<16xf32>
        %add3A_536 = arith.addf %broadcast_in_dim3A_502, %mul3A_535 : vector<16xf32>
        %get3A_537 = arith.constant 0 : i32
        %get3A_538 = arith.constant 0 : i32
        %get3A_539 = tpu.memref_slice %arg10[%scan3A_443, %get3A_537, %get3A_538] : memref<2x104x64xf32, #tpu.memory_space<vmem>> -> memref<1x104x64xf32, #tpu.memory_space<vmem>>
        %get3A_540 = tpu.memref_squeeze %get3A_539 : memref<1x104x64xf32, #tpu.memory_space<vmem>> -> memref<104x64xf32, #tpu.memory_space<vmem>>
        %get3A_541 = arith.index_cast %add3A_515 : i32 to index
        %get3A_542 = arith.constant 32 : index
        %get3A_543 = tpu.vector_load %get3A_540[%get3A_541, %get3A_542] {strides = array<i32>} : memref<104x64xf32, #tpu.memory_space<vmem>>, vector<16xf32>,
        %mul3A_544 = arith.mulf %get3A_543, %gather3A : vector<16xf32>
        %add3A_545 = arith.addf %broadcast_in_dim3A_496, %mul3A_544 : vector<16xf32>
        %mul3A_546 = arith.mulf %mul3A_544, %mul3A_544 : vector<16xf32>
        %add3A_547 = arith.addf %broadcast_in_dim3A_504, %mul3A_546 : vector<16xf32>
        %get3A_548 = arith.constant 0 : i32
        %get3A_549 = arith.constant 0 : i32
        %get3A_550 = tpu.memref_slice %arg10[%scan3A_443, %get3A_548, %get3A_549] : memref<2x104x64xf32, #tpu.memory_space<vmem>> -> memref<1x104x64xf32, #tpu.memory_space<vmem>>
        %get3A_551 = tpu.memref_squeeze %get3A_550 : memref<1x104x64xf32, #tpu.memory_space<vmem>> -> memref<104x64xf32, #tpu.memory_space<vmem>>
        %get3A_552 = arith.index_cast %add3A_515 : i32 to index
        %get3A_553 = arith.constant 48 : index
        %get3A_554 = tpu.vector_load %get3A_551[%get3A_552, %get3A_553] {strides = array<i32>} : memref<104x64xf32, #tpu.memory_space<vmem>>, vector<16xf32>,
        %mul3A_555 = arith.mulf %get3A_554, %gather3A : vector<16xf32>
        %add3A_556 = arith.addf %broadcast_in_dim3A_498, %mul3A_555 : vector<16xf32>
        %mul3A_557 = arith.mulf %mul3A_555, %mul3A_555 : vector<16xf32>
        %add3A_558 = arith.addf %broadcast_in_dim3A_506, %mul3A_557 : vector<16xf32>
        %mul3A_559 = arith.constant 26 : i32
        %mul3A_560 = arith.muli %add3A_491, %mul3A_559 : i32
        %add3A_561 = arith.constant 1 : i32
        %add3A_562 = arith.addi %mul3A_560, %add3A_561 : i32
        %broadcast_in_dim3A_563 = vector.broadcast %add3A_562 : i32 to vector<16xi32>
        %gather3A_564 = tpu.vector_load_idx %arg8[%broadcast_in_dim3A_563] : memref<3328xf32, #tpu.memory_space<vmem>>[vector<16xi32>], vector<16xf32>,
        %mul3A_565 = arith.constant 26 : i32
        %mul3A_566 = arith.muli %add3A_488, %mul3A_565 : i32
        %add3A_567 = arith.constant 1 : i32
        %add3A_568 = arith.addi %mul3A_566, %add3A_567 : i32
        %get3A_569 = arith.constant 0 : i32
        %get3A_570 = arith.constant 0 : i32
        %get3A_571 = tpu.memref_slice %arg10[%scan3A_443, %get3A_569, %get3A_570] : memref<2x104x64xf32, #tpu.memory_space<vmem>> -> memref<1x104x64xf32, #tpu.memory_space<vmem>>
        %get3A_572 = tpu.memref_squeeze %get3A_571 : memref<1x104x64xf32, #tpu.memory_space<vmem>> -> memref<104x64xf32, #tpu.memory_space<vmem>>
        %get3A_573 = arith.index_cast %add3A_568 : i32 to index
        %get3A_574 = arith.constant 0 : index
        %get3A_575 = tpu.vector_load %get3A_572[%get3A_573, %get3A_574] {strides = array<i32>} : memref<104x64xf32, #tpu.memory_space<vmem>>, vector<16xf32>,
        %mul3A_576 = arith.mulf %get3A_575, %gather3A_564 : vector<16xf32>
        %add3A_577 = arith.addf %add3A_523, %mul3A_576 : vector<16xf32>
        %mul3A_578 = arith.mulf %mul3A_576, %mul3A_576 : vector<16xf32>
        %add3A_579 = arith.addf %add3A_525, %mul3A_578 : vector<16xf32>
        %get3A_580 = arith.constant 0 : i32
        %get3A_581 = arith.constant 0 : i32
        %get3A_582 = tpu.memref_slice %arg10[%scan3A_443, %get3A_580, %get3A_581] : memref<2x104x64xf32, #tpu.memory_space<vmem>> -> memref<1x104x64xf32, #tpu.memory_space<vmem>>
        %get3A_583 = tpu.memref_squeeze %get3A_582 : memref<1x104x64xf32, #tpu.memory_space<vmem>> -> memref<104x64xf32, #tpu.memory_space<vmem>>
        %get3A_584 = arith.index_cast %add3A_568 : i32 to index
        %get3A_585 = arith.constant 16 : index
        %get3A_586 = tpu.vector_load %get3A_583[%get3A_584, %get3A_585] {strides = array<i32>} : memref<104x64xf32, #tpu.memory_space<vmem>>, vector<16xf32>,
        %mul3A_587 = arith.mulf %get3A_586, %gather3A_564 : vector<16xf32>
        %add3A_588 = arith.addf %add3A_534, %mul3A_587 : vector<16xf32>
        %mul3A_589 = arith.mulf %mul3A_587, %mul3A_587 : vector<16xf32>
        %add3A_590 = arith.addf %add3A_536, %mul3A_589 : vector<16xf32>
        %get3A_591 = arith.constant 0 : i32
        %get3A_592 = arith.constant 0 : i32
        %get3A_593 = tpu.memref_slice %arg10[%scan3A_443, %get3A_591, %get3A_592] : memref<2x104x64xf32, #tpu.memory_space<vmem>> -> memref<1x104x64xf32, #tpu.memory_space<vmem>>
        %get3A_594 = tpu.memref_squeeze %get3A_593 : memref<1x104x64xf32, #tpu.memory_space<vmem>> -> memref<104x64xf32, #tpu.memory_space<vmem>>
        %get3A_595 = arith.index_cast %add3A_568 : i32 to index
        %get3A_596 = arith.constant 32 : index
        %get3A_597 = tpu.vector_load %get3A_594[%get3A_595, %get3A_596] {strides = array<i32>} : memref<104x64xf32, #tpu.memory_space<vmem>>, vector<16xf32>,
        %mul3A_598 = arith.mulf %get3A_597, %gather3A_564 : vector<16xf32>
        %add3A_599 = arith.addf %add3A_545, %mul3A_598 : vector<16xf32>
        %mul3A_600 = arith.mulf %mul3A_598, %mul3A_598 : vector<16xf32>
        %add3A_601 = arith.addf %add3A_547, %mul3A_600 : vector<16xf32>
        %get3A_602 = arith.constant 0 : i32
        %get3A_603 = arith.constant 0 : i32
        %get3A_604 = tpu.memref_slice %arg10[%scan3A_443, %get3A_602, %get3A_603] : memref<2x104x64xf32, #tpu.memory_space<vmem>> -> memref<1x104x64xf32, #tpu.memory_space<vmem>>
        %get3A_605 = tpu.memref_squeeze %get3A_604 : memref<1x104x64xf32, #tpu.memory_space<vmem>> -> memref<104x64xf32, #tpu.memory_space<vmem>>
        %get3A_606 = arith.index_cast %add3A_568 : i32 to index
        %get3A_607 = arith.constant 48 : index
        %get3A_608 = tpu.vector_load %get3A_605[%get3A_606, %get3A_607] {strides = array<i32>} : memref<104x64xf32, #tpu.memory_space<vmem>>, vector<16xf32>,
        %mul3A_609 = arith.mulf %get3A_608, %gather3A_564 : vector<16xf32>
        %add3A_610 = arith.addf %add3A_556, %mul3A_609 : vector<16xf32>
        %mul3A_611 = arith.mulf %mul3A_609, %mul3A_609 : vector<16xf32>
        %add3A_612 = arith.addf %add3A_558, %mul3A_611 : vector<16xf32>
        %mul3A_613 = arith.constant 26 : i32
        %mul3A_614 = arith.muli %add3A_491, %mul3A_613 : i32
        %add3A_615 = arith.constant 2 : i32
        %add3A_616 = arith.addi %mul3A_614, %add3A_615 : i32
        %broadcast_in_dim3A_617 = vector.broadcast %add3A_616 : i32 to vector<16xi32>
        %gather3A_618 = tpu.vector_load_idx %arg8[%broadcast_in_dim3A_617] : memref<3328xf32, #tpu.memory_space<vmem>>[vector<16xi32>], vector<16xf32>,
        %mul3A_619 = arith.constant 26 : i32
        %mul3A_620 = arith.muli %add3A_488, %mul3A_619 : i32
        %add3A_621 = arith.constant 2 : i32
        %add3A_622 = arith.addi %mul3A_620, %add3A_621 : i32
        %get3A_623 = arith.constant 0 : i32
        %get3A_624 = arith.constant 0 : i32
        %get3A_625 = tpu.memref_slice %arg10[%scan3A_443, %get3A_623, %get3A_624] : memref<2x104x64xf32, #tpu.memory_space<vmem>> -> memref<1x104x64xf32, #tpu.memory_space<vmem>>
        %get3A_626 = tpu.memref_squeeze %get3A_625 : memref<1x104x64xf32, #tpu.memory_space<vmem>> -> memref<104x64xf32, #tpu.memory_space<vmem>>
        %get3A_627 = arith.index_cast %add3A_622 : i32 to index
        %get3A_628 = arith.constant 0 : index
        %get3A_629 = tpu.vector_load %get3A_626[%get3A_627, %get3A_628] {strides = array<i32>} : memref<104x64xf32, #tpu.memory_space<vmem>>, vector<16xf32>,
        %mul3A_630 = arith.mulf %get3A_629, %gather3A_618 : vector<16xf32>
        %add3A_631 = arith.addf %add3A_577, %mul3A_630 : vector<16xf32>
        %mul3A_632 = arith.mulf %mul3A_630, %mul3A_630 : vector<16xf32>
        %add3A_633 = arith.addf %add3A_579, %mul3A_632 : vector<16xf32>
        %get3A_634 = arith.constant 0 : i32
        %get3A_635 = arith.constant 0 : i32
        %get3A_636 = tpu.memref_slice %arg10[%scan3A_443, %get3A_634, %get3A_635] : memref<2x104x64xf32, #tpu.memory_space<vmem>> -> memref<1x104x64xf32, #tpu.memory_space<vmem>>
        %get3A_637 = tpu.memref_squeeze %get3A_636 : memref<1x104x64xf32, #tpu.memory_space<vmem>> -> memref<104x64xf32, #tpu.memory_space<vmem>>
        %get3A_638 = arith.index_cast %add3A_622 : i32 to index
        %get3A_639 = arith.constant 16 : index
        %get3A_640 = tpu.vector_load %get3A_637[%get3A_638, %get3A_639] {strides = array<i32>} : memref<104x64xf32, #tpu.memory_space<vmem>>, vector<16xf32>,
        %mul3A_641 = arith.mulf %get3A_640, %gather3A_618 : vector<16xf32>
        %add3A_642 = arith.addf %add3A_588, %mul3A_641 : vector<16xf32>
        %mul3A_643 = arith.mulf %mul3A_641, %mul3A_641 : vector<16xf32>
        %add3A_644 = arith.addf %add3A_590, %mul3A_643 : vector<16xf32>
        %get3A_645 = arith.constant 0 : i32
        %get3A_646 = arith.constant 0 : i32
        %get3A_647 = tpu.memref_slice %arg10[%scan3A_443, %get3A_645, %get3A_646] : memref<2x104x64xf32, #tpu.memory_space<vmem>> -> memref<1x104x64xf32, #tpu.memory_space<vmem>>
        %get3A_648 = tpu.memref_squeeze %get3A_647 : memref<1x104x64xf32, #tpu.memory_space<vmem>> -> memref<104x64xf32, #tpu.memory_space<vmem>>
        %get3A_649 = arith.index_cast %add3A_622 : i32 to index
        %get3A_650 = arith.constant 32 : index
        %get3A_651 = tpu.vector_load %get3A_648[%get3A_649, %get3A_650] {strides = array<i32>} : memref<104x64xf32, #tpu.memory_space<vmem>>, vector<16xf32>,
        %mul3A_652 = arith.mulf %get3A_651, %gather3A_618 : vector<16xf32>
        %add3A_653 = arith.addf %add3A_599, %mul3A_652 : vector<16xf32>
        %mul3A_654 = arith.mulf %mul3A_652, %mul3A_652 : vector<16xf32>
        %add3A_655 = arith.addf %add3A_601, %mul3A_654 : vector<16xf32>
        %get3A_656 = arith.constant 0 : i32
        %get3A_657 = arith.constant 0 : i32
        %get3A_658 = tpu.memref_slice %arg10[%scan3A_443, %get3A_656, %get3A_657] : memref<2x104x64xf32, #tpu.memory_space<vmem>> -> memref<1x104x64xf32, #tpu.memory_space<vmem>>
        %get3A_659 = tpu.memref_squeeze %get3A_658 : memref<1x104x64xf32, #tpu.memory_space<vmem>> -> memref<104x64xf32, #tpu.memory_space<vmem>>
        %get3A_660 = arith.index_cast %add3A_622 : i32 to index
        %get3A_661 = arith.constant 48 : index
        %get3A_662 = tpu.vector_load %get3A_659[%get3A_660, %get3A_661] {strides = array<i32>} : memref<104x64xf32, #tpu.memory_space<vmem>>, vector<16xf32>,
        %mul3A_663 = arith.mulf %get3A_662, %gather3A_618 : vector<16xf32>
        %add3A_664 = arith.addf %add3A_610, %mul3A_663 : vector<16xf32>
        %mul3A_665 = arith.mulf %mul3A_663, %mul3A_663 : vector<16xf32>
        %add3A_666 = arith.addf %add3A_612, %mul3A_665 : vector<16xf32>
        %mul3A_667 = arith.constant 26 : i32
        %mul3A_668 = arith.muli %add3A_491, %mul3A_667 : i32
        %add3A_669 = arith.constant 3 : i32
        %add3A_670 = arith.addi %mul3A_668, %add3A_669 : i32
        %broadcast_in_dim3A_671 = vector.broadcast %add3A_670 : i32 to vector<16xi32>
        %gather3A_672 = tpu.vector_load_idx %arg8[%broadcast_in_dim3A_671] : memref<3328xf32, #tpu.memory_space<vmem>>[vector<16xi32>], vector<16xf32>,
        %mul3A_673 = arith.constant 26 : i32
        %mul3A_674 = arith.muli %add3A_488, %mul3A_673 : i32
        %add3A_675 = arith.constant 3 : i32
        %add3A_676 = arith.addi %mul3A_674, %add3A_675 : i32
        %get3A_677 = arith.constant 0 : i32
        %get3A_678 = arith.constant 0 : i32
        %get3A_679 = tpu.memref_slice %arg10[%scan3A_443, %get3A_677, %get3A_678] : memref<2x104x64xf32, #tpu.memory_space<vmem>> -> memref<1x104x64xf32, #tpu.memory_space<vmem>>
        %get3A_680 = tpu.memref_squeeze %get3A_679 : memref<1x104x64xf32, #tpu.memory_space<vmem>> -> memref<104x64xf32, #tpu.memory_space<vmem>>
        %get3A_681 = arith.index_cast %add3A_676 : i32 to index
        %get3A_682 = arith.constant 0 : index
        %get3A_683 = tpu.vector_load %get3A_680[%get3A_681, %get3A_682] {strides = array<i32>} : memref<104x64xf32, #tpu.memory_space<vmem>>, vector<16xf32>,
        %mul3A_684 = arith.mulf %get3A_683, %gather3A_672 : vector<16xf32>
        %add3A_685 = arith.addf %add3A_631, %mul3A_684 : vector<16xf32>
        %mul3A_686 = arith.mulf %mul3A_684, %mul3A_684 : vector<16xf32>
        %add3A_687 = arith.addf %add3A_633, %mul3A_686 : vector<16xf32>
        %get3A_688 = arith.constant 0 : i32
        %get3A_689 = arith.constant 0 : i32
        %get3A_690 = tpu.memref_slice %arg10[%scan3A_443, %get3A_688, %get3A_689] : memref<2x104x64xf32, #tpu.memory_space<vmem>> -> memref<1x104x64xf32, #tpu.memory_space<vmem>>
        %get3A_691 = tpu.memref_squeeze %get3A_690 : memref<1x104x64xf32, #tpu.memory_space<vmem>> -> memref<104x64xf32, #tpu.memory_space<vmem>>
        %get3A_692 = arith.index_cast %add3A_676 : i32 to index
        %get3A_693 = arith.constant 16 : index
        %get3A_694 = tpu.vector_load %get3A_691[%get3A_692, %get3A_693] {strides = array<i32>} : memref<104x64xf32, #tpu.memory_space<vmem>>, vector<16xf32>,
        %mul3A_695 = arith.mulf %get3A_694, %gather3A_672 : vector<16xf32>
        %add3A_696 = arith.addf %add3A_642, %mul3A_695 : vector<16xf32>
        %mul3A_697 = arith.mulf %mul3A_695, %mul3A_695 : vector<16xf32>
        %add3A_698 = arith.addf %add3A_644, %mul3A_697 : vector<16xf32>
        %get3A_699 = arith.constant 0 : i32
        %get3A_700 = arith.constant 0 : i32
        %get3A_701 = tpu.memref_slice %arg10[%scan3A_443, %get3A_699, %get3A_700] : memref<2x104x64xf32, #tpu.memory_space<vmem>> -> memref<1x104x64xf32, #tpu.memory_space<vmem>>
        %get3A_702 = tpu.memref_squeeze %get3A_701 : memref<1x104x64xf32, #tpu.memory_space<vmem>> -> memref<104x64xf32, #tpu.memory_space<vmem>>
        %get3A_703 = arith.index_cast %add3A_676 : i32 to index
        %get3A_704 = arith.constant 32 : index
        %get3A_705 = tpu.vector_load %get3A_702[%get3A_703, %get3A_704] {strides = array<i32>} : memref<104x64xf32, #tpu.memory_space<vmem>>, vector<16xf32>,
        %mul3A_706 = arith.mulf %get3A_705, %gather3A_672 : vector<16xf32>
        %add3A_707 = arith.addf %add3A_653, %mul3A_706 : vector<16xf32>
        %mul3A_708 = arith.mulf %mul3A_706, %mul3A_706 : vector<16xf32>
        %add3A_709 = arith.addf %add3A_655, %mul3A_708 : vector<16xf32>
        %get3A_710 = arith.constant 0 : i32
        %get3A_711 = arith.constant 0 : i32
        %get3A_712 = tpu.memref_slice %arg10[%scan3A_443, %get3A_710, %get3A_711] : memref<2x104x64xf32, #tpu.memory_space<vmem>> -> memref<1x104x64xf32, #tpu.memory_space<vmem>>
        %get3A_713 = tpu.memref_squeeze %get3A_712 : memref<1x104x64xf32, #tpu.memory_space<vmem>> -> memref<104x64xf32, #tpu.memory_space<vmem>>
        %get3A_714 = arith.index_cast %add3A_676 : i32 to index
        %get3A_715 = arith.constant 48 : index
        %get3A_716 = tpu.vector_load %get3A_713[%get3A_714, %get3A_715] {strides = array<i32>} : memref<104x64xf32, #tpu.memory_space<vmem>>, vector<16xf32>,
        %mul3A_717 = arith.mulf %get3A_716, %gather3A_672 : vector<16xf32>
        %add3A_718 = arith.addf %add3A_664, %mul3A_717 : vector<16xf32>
        %mul3A_719 = arith.mulf %mul3A_717, %mul3A_717 : vector<16xf32>
        %add3A_720 = arith.addf %add3A_666, %mul3A_719 : vector<16xf32>
        %mul3A_721 = arith.constant 26 : i32
        %mul3A_722 = arith.muli %add3A_491, %mul3A_721 : i32
        %add3A_723 = arith.constant 4 : i32
        %add3A_724 = arith.addi %mul3A_722, %add3A_723 : i32
        %broadcast_in_dim3A_725 = vector.broadcast %add3A_724 : i32 to vector<16xi32>
        %gather3A_726 = tpu.vector_load_idx %arg8[%broadcast_in_dim3A_725] : memref<3328xf32, #tpu.memory_space<vmem>>[vector<16xi32>], vector<16xf32>,
        %mul3A_727 = arith.constant 26 : i32
        %mul3A_728 = arith.muli %add3A_488, %mul3A_727 : i32
        %add3A_729 = arith.constant 4 : i32
        %add3A_730 = arith.addi %mul3A_728, %add3A_729 : i32
        %get3A_731 = arith.constant 0 : i32
        %get3A_732 = arith.constant 0 : i32
        %get3A_733 = tpu.memref_slice %arg10[%scan3A_443, %get3A_731, %get3A_732] : memref<2x104x64xf32, #tpu.memory_space<vmem>> -> memref<1x104x64xf32, #tpu.memory_space<vmem>>
        %get3A_734 = tpu.memref_squeeze %get3A_733 : memref<1x104x64xf32, #tpu.memory_space<vmem>> -> memref<104x64xf32, #tpu.memory_space<vmem>>
        %get3A_735 = arith.index_cast %add3A_730 : i32 to index
        %get3A_736 = arith.constant 0 : index
        %get3A_737 = tpu.vector_load %get3A_734[%get3A_735, %get3A_736] {strides = array<i32>} : memref<104x64xf32, #tpu.memory_space<vmem>>, vector<16xf32>,
        %mul3A_738 = arith.mulf %get3A_737, %gather3A_726 : vector<16xf32>
        %add3A_739 = arith.addf %add3A_685, %mul3A_738 : vector<16xf32>
        %mul3A_740 = arith.mulf %mul3A_738, %mul3A_738 : vector<16xf32>
        %add3A_741 = arith.addf %add3A_687, %mul3A_740 : vector<16xf32>
        %get3A_742 = arith.constant 0 : i32
        %get3A_743 = arith.constant 0 : i32
        %get3A_744 = tpu.memref_slice %arg10[%scan3A_443, %get3A_742, %get3A_743] : memref<2x104x64xf32, #tpu.memory_space<vmem>> -> memref<1x104x64xf32, #tpu.memory_space<vmem>>
        %get3A_745 = tpu.memref_squeeze %get3A_744 : memref<1x104x64xf32, #tpu.memory_space<vmem>> -> memref<104x64xf32, #tpu.memory_space<vmem>>
        %get3A_746 = arith.index_cast %add3A_730 : i32 to index
        %get3A_747 = arith.constant 16 : index
        %get3A_748 = tpu.vector_load %get3A_745[%get3A_746, %get3A_747] {strides = array<i32>} : memref<104x64xf32, #tpu.memory_space<vmem>>, vector<16xf32>,
        %mul3A_749 = arith.mulf %get3A_748, %gather3A_726 : vector<16xf32>
        %add3A_750 = arith.addf %add3A_696, %mul3A_749 : vector<16xf32>
        %mul3A_751 = arith.mulf %mul3A_749, %mul3A_749 : vector<16xf32>
        %add3A_752 = arith.addf %add3A_698, %mul3A_751 : vector<16xf32>
        %get3A_753 = arith.constant 0 : i32
        %get3A_754 = arith.constant 0 : i32
        %get3A_755 = tpu.memref_slice %arg10[%scan3A_443, %get3A_753, %get3A_754] : memref<2x104x64xf32, #tpu.memory_space<vmem>> -> memref<1x104x64xf32, #tpu.memory_space<vmem>>
        %get3A_756 = tpu.memref_squeeze %get3A_755 : memref<1x104x64xf32, #tpu.memory_space<vmem>> -> memref<104x64xf32, #tpu.memory_space<vmem>>
        %get3A_757 = arith.index_cast %add3A_730 : i32 to index
        %get3A_758 = arith.constant 32 : index
        %get3A_759 = tpu.vector_load %get3A_756[%get3A_757, %get3A_758] {strides = array<i32>} : memref<104x64xf32, #tpu.memory_space<vmem>>, vector<16xf32>,
        %mul3A_760 = arith.mulf %get3A_759, %gather3A_726 : vector<16xf32>
        %add3A_761 = arith.addf %add3A_707, %mul3A_760 : vector<16xf32>
        %mul3A_762 = arith.mulf %mul3A_760, %mul3A_760 : vector<16xf32>
        %add3A_763 = arith.addf %add3A_709, %mul3A_762 : vector<16xf32>
        %get3A_764 = arith.constant 0 : i32
        %get3A_765 = arith.constant 0 : i32
        %get3A_766 = tpu.memref_slice %arg10[%scan3A_443, %get3A_764, %get3A_765] : memref<2x104x64xf32, #tpu.memory_space<vmem>> -> memref<1x104x64xf32, #tpu.memory_space<vmem>>
        %get3A_767 = tpu.memref_squeeze %get3A_766 : memref<1x104x64xf32, #tpu.memory_space<vmem>> -> memref<104x64xf32, #tpu.memory_space<vmem>>
        %get3A_768 = arith.index_cast %add3A_730 : i32 to index
        %get3A_769 = arith.constant 48 : index
        %get3A_770 = tpu.vector_load %get3A_767[%get3A_768, %get3A_769] {strides = array<i32>} : memref<104x64xf32, #tpu.memory_space<vmem>>, vector<16xf32>,
        %mul3A_771 = arith.mulf %get3A_770, %gather3A_726 : vector<16xf32>
        %add3A_772 = arith.addf %add3A_718, %mul3A_771 : vector<16xf32>
        %mul3A_773 = arith.mulf %mul3A_771, %mul3A_771 : vector<16xf32>
        %add3A_774 = arith.addf %add3A_720, %mul3A_773 : vector<16xf32>
        %mul3A_775 = arith.constant 26 : i32
        %mul3A_776 = arith.muli %add3A_491, %mul3A_775 : i32
        %add3A_777 = arith.constant 5 : i32
        %add3A_778 = arith.addi %mul3A_776, %add3A_777 : i32
        %broadcast_in_dim3A_779 = vector.broadcast %add3A_778 : i32 to vector<16xi32>
        %gather3A_780 = tpu.vector_load_idx %arg8[%broadcast_in_dim3A_779] : memref<3328xf32, #tpu.memory_space<vmem>>[vector<16xi32>], vector<16xf32>,
        %mul3A_781 = arith.constant 26 : i32
        %mul3A_782 = arith.muli %add3A_488, %mul3A_781 : i32
        %add3A_783 = arith.constant 5 : i32
        %add3A_784 = arith.addi %mul3A_782, %add3A_783 : i32
        %get3A_785 = arith.constant 0 : i32
        %get3A_786 = arith.constant 0 : i32
        %get3A_787 = tpu.memref_slice %arg10[%scan3A_443, %get3A_785, %get3A_786] : memref<2x104x64xf32, #tpu.memory_space<vmem>> -> memref<1x104x64xf32, #tpu.memory_space<vmem>>
        %get3A_788 = tpu.memref_squeeze %get3A_787 : memref<1x104x64xf32, #tpu.memory_space<vmem>> -> memref<104x64xf32, #tpu.memory_space<vmem>>
        %get3A_789 = arith.index_cast %add3A_784 : i32 to index
        %get3A_790 = arith.constant 0 : index
        %get3A_791 = tpu.vector_load %get3A_788[%get3A_789, %get3A_790] {strides = array<i32>} : memref<104x64xf32, #tpu.memory_space<vmem>>, vector<16xf32>,
        %mul3A_792 = arith.mulf %get3A_791, %gather3A_780 : vector<16xf32>
        %add3A_793 = arith.addf %add3A_739, %mul3A_792 : vector<16xf32>
        %mul3A_794 = arith.mulf %mul3A_792, %mul3A_792 : vector<16xf32>
        %add3A_795 = arith.addf %add3A_741, %mul3A_794 : vector<16xf32>
        %get3A_796 = arith.constant 0 : i32
        %get3A_797 = arith.constant 0 : i32
        %get3A_798 = tpu.memref_slice %arg10[%scan3A_443, %get3A_796, %get3A_797] : memref<2x104x64xf32, #tpu.memory_space<vmem>> -> memref<1x104x64xf32, #tpu.memory_space<vmem>>
        %get3A_799 = tpu.memref_squeeze %get3A_798 : memref<1x104x64xf32, #tpu.memory_space<vmem>> -> memref<104x64xf32, #tpu.memory_space<vmem>>
        %get3A_800 = arith.index_cast %add3A_784 : i32 to index
        %get3A_801 = arith.constant 16 : index
        %get3A_802 = tpu.vector_load %get3A_799[%get3A_800, %get3A_801] {strides = array<i32>} : memref<104x64xf32, #tpu.memory_space<vmem>>, vector<16xf32>,
        %mul3A_803 = arith.mulf %get3A_802, %gather3A_780 : vector<16xf32>
        %add3A_804 = arith.addf %add3A_750, %mul3A_803 : vector<16xf32>
        %mul3A_805 = arith.mulf %mul3A_803, %mul3A_803 : vector<16xf32>
        %add3A_806 = arith.addf %add3A_752, %mul3A_805 : vector<16xf32>
        %get3A_807 = arith.constant 0 : i32
        %get3A_808 = arith.constant 0 : i32
        %get3A_809 = tpu.memref_slice %arg10[%scan3A_443, %get3A_807, %get3A_808] : memref<2x104x64xf32, #tpu.memory_space<vmem>> -> memref<1x104x64xf32, #tpu.memory_space<vmem>>
        %get3A_810 = tpu.memref_squeeze %get3A_809 : memref<1x104x64xf32, #tpu.memory_space<vmem>> -> memref<104x64xf32, #tpu.memory_space<vmem>>
        %get3A_811 = arith.index_cast %add3A_784 : i32 to index
        %get3A_812 = arith.constant 32 : index
        %get3A_813 = tpu.vector_load %get3A_810[%get3A_811, %get3A_812] {strides = array<i32>} : memref<104x64xf32, #tpu.memory_space<vmem>>, vector<16xf32>,
        %mul3A_814 = arith.mulf %get3A_813, %gather3A_780 : vector<16xf32>
        %add3A_815 = arith.addf %add3A_761, %mul3A_814 : vector<16xf32>
        %mul3A_816 = arith.mulf %mul3A_814, %mul3A_814 : vector<16xf32>
        %add3A_817 = arith.addf %add3A_763, %mul3A_816 : vector<16xf32>
        %get3A_818 = arith.constant 0 : i32
        %get3A_819 = arith.constant 0 : i32
        %get3A_820 = tpu.memref_slice %arg10[%scan3A_443, %get3A_818, %get3A_819] : memref<2x104x64xf32, #tpu.memory_space<vmem>> -> memref<1x104x64xf32, #tpu.memory_space<vmem>>
        %get3A_821 = tpu.memref_squeeze %get3A_820 : memref<1x104x64xf32, #tpu.memory_space<vmem>> -> memref<104x64xf32, #tpu.memory_space<vmem>>
        %get3A_822 = arith.index_cast %add3A_784 : i32 to index
        %get3A_823 = arith.constant 48 : index
        %get3A_824 = tpu.vector_load %get3A_821[%get3A_822, %get3A_823] {strides = array<i32>} : memref<104x64xf32, #tpu.memory_space<vmem>>, vector<16xf32>,
        %mul3A_825 = arith.mulf %get3A_824, %gather3A_780 : vector<16xf32>
        %add3A_826 = arith.addf %add3A_772, %mul3A_825 : vector<16xf32>
        %mul3A_827 = arith.mulf %mul3A_825, %mul3A_825 : vector<16xf32>
        %add3A_828 = arith.addf %add3A_774, %mul3A_827 : vector<16xf32>
        %mul3A_829 = arith.constant 26 : i32
        %mul3A_830 = arith.muli %add3A_491, %mul3A_829 : i32
        %add3A_831 = arith.constant 6 : i32
        %add3A_832 = arith.addi %mul3A_830, %add3A_831 : i32
        %broadcast_in_dim3A_833 = vector.broadcast %add3A_832 : i32 to vector<16xi32>
        %gather3A_834 = tpu.vector_load_idx %arg8[%broadcast_in_dim3A_833] : memref<3328xf32, #tpu.memory_space<vmem>>[vector<16xi32>], vector<16xf32>,
        %mul3A_835 = arith.constant 26 : i32
        %mul3A_836 = arith.muli %add3A_488, %mul3A_835 : i32
        %add3A_837 = arith.constant 6 : i32
        %add3A_838 = arith.addi %mul3A_836, %add3A_837 : i32
        %get3A_839 = arith.constant 0 : i32
        %get3A_840 = arith.constant 0 : i32
        %get3A_841 = tpu.memref_slice %arg10[%scan3A_443, %get3A_839, %get3A_840] : memref<2x104x64xf32, #tpu.memory_space<vmem>> -> memref<1x104x64xf32, #tpu.memory_space<vmem>>
        %get3A_842 = tpu.memref_squeeze %get3A_841 : memref<1x104x64xf32, #tpu.memory_space<vmem>> -> memref<104x64xf32, #tpu.memory_space<vmem>>
        %get3A_843 = arith.index_cast %add3A_838 : i32 to index
        %get3A_844 = arith.constant 0 : index
        %get3A_845 = tpu.vector_load %get3A_842[%get3A_843, %get3A_844] {strides = array<i32>} : memref<104x64xf32, #tpu.memory_space<vmem>>, vector<16xf32>,
        %mul3A_846 = arith.mulf %get3A_845, %gather3A_834 : vector<16xf32>
        %add3A_847 = arith.addf %add3A_793, %mul3A_846 : vector<16xf32>
        %mul3A_848 = arith.mulf %mul3A_846, %mul3A_846 : vector<16xf32>
        %add3A_849 = arith.addf %add3A_795, %mul3A_848 : vector<16xf32>
        %get3A_850 = arith.constant 0 : i32
        %get3A_851 = arith.constant 0 : i32
        %get3A_852 = tpu.memref_slice %arg10[%scan3A_443, %get3A_850, %get3A_851] : memref<2x104x64xf32, #tpu.memory_space<vmem>> -> memref<1x104x64xf32, #tpu.memory_space<vmem>>
        %get3A_853 = tpu.memref_squeeze %get3A_852 : memref<1x104x64xf32, #tpu.memory_space<vmem>> -> memref<104x64xf32, #tpu.memory_space<vmem>>
        %get3A_854 = arith.index_cast %add3A_838 : i32 to index
        %get3A_855 = arith.constant 16 : index
        %get3A_856 = tpu.vector_load %get3A_853[%get3A_854, %get3A_855] {strides = array<i32>} : memref<104x64xf32, #tpu.memory_space<vmem>>, vector<16xf32>,
        %mul3A_857 = arith.mulf %get3A_856, %gather3A_834 : vector<16xf32>
        %add3A_858 = arith.addf %add3A_804, %mul3A_857 : vector<16xf32>
        %mul3A_859 = arith.mulf %mul3A_857, %mul3A_857 : vector<16xf32>
        %add3A_860 = arith.addf %add3A_806, %mul3A_859 : vector<16xf32>
        %get3A_861 = arith.constant 0 : i32
        %get3A_862 = arith.constant 0 : i32
        %get3A_863 = tpu.memref_slice %arg10[%scan3A_443, %get3A_861, %get3A_862] : memref<2x104x64xf32, #tpu.memory_space<vmem>> -> memref<1x104x64xf32, #tpu.memory_space<vmem>>
        %get3A_864 = tpu.memref_squeeze %get3A_863 : memref<1x104x64xf32, #tpu.memory_space<vmem>> -> memref<104x64xf32, #tpu.memory_space<vmem>>
        %get3A_865 = arith.index_cast %add3A_838 : i32 to index
        %get3A_866 = arith.constant 32 : index
        %get3A_867 = tpu.vector_load %get3A_864[%get3A_865, %get3A_866] {strides = array<i32>} : memref<104x64xf32, #tpu.memory_space<vmem>>, vector<16xf32>,
        %mul3A_868 = arith.mulf %get3A_867, %gather3A_834 : vector<16xf32>
        %add3A_869 = arith.addf %add3A_815, %mul3A_868 : vector<16xf32>
        %mul3A_870 = arith.mulf %mul3A_868, %mul3A_868 : vector<16xf32>
        %add3A_871 = arith.addf %add3A_817, %mul3A_870 : vector<16xf32>
        %get3A_872 = arith.constant 0 : i32
        %get3A_873 = arith.constant 0 : i32
        %get3A_874 = tpu.memref_slice %arg10[%scan3A_443, %get3A_872, %get3A_873] : memref<2x104x64xf32, #tpu.memory_space<vmem>> -> memref<1x104x64xf32, #tpu.memory_space<vmem>>
        %get3A_875 = tpu.memref_squeeze %get3A_874 : memref<1x104x64xf32, #tpu.memory_space<vmem>> -> memref<104x64xf32, #tpu.memory_space<vmem>>
        %get3A_876 = arith.index_cast %add3A_838 : i32 to index
        %get3A_877 = arith.constant 48 : index
        %get3A_878 = tpu.vector_load %get3A_875[%get3A_876, %get3A_877] {strides = array<i32>} : memref<104x64xf32, #tpu.memory_space<vmem>>, vector<16xf32>,
        %mul3A_879 = arith.mulf %get3A_878, %gather3A_834 : vector<16xf32>
        %add3A_880 = arith.addf %add3A_826, %mul3A_879 : vector<16xf32>
        %mul3A_881 = arith.mulf %mul3A_879, %mul3A_879 : vector<16xf32>
        %add3A_882 = arith.addf %add3A_828, %mul3A_881 : vector<16xf32>
        %mul3A_883 = arith.constant 26 : i32
        %mul3A_884 = arith.muli %add3A_491, %mul3A_883 : i32
        %add3A_885 = arith.constant 7 : i32
        %add3A_886 = arith.addi %mul3A_884, %add3A_885 : i32
        %broadcast_in_dim3A_887 = vector.broadcast %add3A_886 : i32 to vector<16xi32>
        %gather3A_888 = tpu.vector_load_idx %arg8[%broadcast_in_dim3A_887] : memref<3328xf32, #tpu.memory_space<vmem>>[vector<16xi32>], vector<16xf32>,
        %mul3A_889 = arith.constant 26 : i32
        %mul3A_890 = arith.muli %add3A_488, %mul3A_889 : i32
        %add3A_891 = arith.constant 7 : i32
        %add3A_892 = arith.addi %mul3A_890, %add3A_891 : i32
        %get3A_893 = arith.constant 0 : i32
        %get3A_894 = arith.constant 0 : i32
        %get3A_895 = tpu.memref_slice %arg10[%scan3A_443, %get3A_893, %get3A_894] : memref<2x104x64xf32, #tpu.memory_space<vmem>> -> memref<1x104x64xf32, #tpu.memory_space<vmem>>
        %get3A_896 = tpu.memref_squeeze %get3A_895 : memref<1x104x64xf32, #tpu.memory_space<vmem>> -> memref<104x64xf32, #tpu.memory_space<vmem>>
        %get3A_897 = arith.index_cast %add3A_892 : i32 to index
        %get3A_898 = arith.constant 0 : index
        %get3A_899 = tpu.vector_load %get3A_896[%get3A_897, %get3A_898] {strides = array<i32>} : memref<104x64xf32, #tpu.memory_space<vmem>>, vector<16xf32>,
        %mul3A_900 = arith.mulf %get3A_899, %gather3A_888 : vector<16xf32>
        %add3A_901 = arith.addf %add3A_847, %mul3A_900 : vector<16xf32>
        %mul3A_902 = arith.mulf %mul3A_900, %mul3A_900 : vector<16xf32>
        %add3A_903 = arith.addf %add3A_849, %mul3A_902 : vector<16xf32>
        %get3A_904 = arith.constant 0 : i32
        %get3A_905 = arith.constant 0 : i32
        %get3A_906 = tpu.memref_slice %arg10[%scan3A_443, %get3A_904, %get3A_905] : memref<2x104x64xf32, #tpu.memory_space<vmem>> -> memref<1x104x64xf32, #tpu.memory_space<vmem>>
        %get3A_907 = tpu.memref_squeeze %get3A_906 : memref<1x104x64xf32, #tpu.memory_space<vmem>> -> memref<104x64xf32, #tpu.memory_space<vmem>>
        %get3A_908 = arith.index_cast %add3A_892 : i32 to index
        %get3A_909 = arith.constant 16 : index
        %get3A_910 = tpu.vector_load %get3A_907[%get3A_908, %get3A_909] {strides = array<i32>} : memref<104x64xf32, #tpu.memory_space<vmem>>, vector<16xf32>,
        %mul3A_911 = arith.mulf %get3A_910, %gather3A_888 : vector<16xf32>
        %add3A_912 = arith.addf %add3A_858, %mul3A_911 : vector<16xf32>
        %mul3A_913 = arith.mulf %mul3A_911, %mul3A_911 : vector<16xf32>
        %add3A_914 = arith.addf %add3A_860, %mul3A_913 : vector<16xf32>
        %get3A_915 = arith.constant 0 : i32
        %get3A_916 = arith.constant 0 : i32
        %get3A_917 = tpu.memref_slice %arg10[%scan3A_443, %get3A_915, %get3A_916] : memref<2x104x64xf32, #tpu.memory_space<vmem>> -> memref<1x104x64xf32, #tpu.memory_space<vmem>>
        %get3A_918 = tpu.memref_squeeze %get3A_917 : memref<1x104x64xf32, #tpu.memory_space<vmem>> -> memref<104x64xf32, #tpu.memory_space<vmem>>
        %get3A_919 = arith.index_cast %add3A_892 : i32 to index
        %get3A_920 = arith.constant 32 : index
        %get3A_921 = tpu.vector_load %get3A_918[%get3A_919, %get3A_920] {strides = array<i32>} : memref<104x64xf32, #tpu.memory_space<vmem>>, vector<16xf32>,
        %mul3A_922 = arith.mulf %get3A_921, %gather3A_888 : vector<16xf32>
        %add3A_923 = arith.addf %add3A_869, %mul3A_922 : vector<16xf32>
        %mul3A_924 = arith.mulf %mul3A_922, %mul3A_922 : vector<16xf32>
        %add3A_925 = arith.addf %add3A_871, %mul3A_924 : vector<16xf32>
        %get3A_926 = arith.constant 0 : i32
        %get3A_927 = arith.constant 0 : i32
        %get3A_928 = tpu.memref_slice %arg10[%scan3A_443, %get3A_926, %get3A_927] : memref<2x104x64xf32, #tpu.memory_space<vmem>> -> memref<1x104x64xf32, #tpu.memory_space<vmem>>
        %get3A_929 = tpu.memref_squeeze %get3A_928 : memref<1x104x64xf32, #tpu.memory_space<vmem>> -> memref<104x64xf32, #tpu.memory_space<vmem>>
        %get3A_930 = arith.index_cast %add3A_892 : i32 to index
        %get3A_931 = arith.constant 48 : index
        %get3A_932 = tpu.vector_load %get3A_929[%get3A_930, %get3A_931] {strides = array<i32>} : memref<104x64xf32, #tpu.memory_space<vmem>>, vector<16xf32>,
        %mul3A_933 = arith.mulf %get3A_932, %gather3A_888 : vector<16xf32>
        %add3A_934 = arith.addf %add3A_880, %mul3A_933 : vector<16xf32>
        %mul3A_935 = arith.mulf %mul3A_933, %mul3A_933 : vector<16xf32>
        %add3A_936 = arith.addf %add3A_882, %mul3A_935 : vector<16xf32>
        %mul3A_937 = arith.constant 26 : i32
        %mul3A_938 = arith.muli %add3A_491, %mul3A_937 : i32
        %add3A_939 = arith.constant 8 : i32
        %add3A_940 = arith.addi %mul3A_938, %add3A_939 : i32
        %broadcast_in_dim3A_941 = vector.broadcast %add3A_940 : i32 to vector<16xi32>
        %gather3A_942 = tpu.vector_load_idx %arg8[%broadcast_in_dim3A_941] : memref<3328xf32, #tpu.memory_space<vmem>>[vector<16xi32>], vector<16xf32>,
        %mul3A_943 = arith.constant 26 : i32
        %mul3A_944 = arith.muli %add3A_488, %mul3A_943 : i32
        %add3A_945 = arith.constant 8 : i32
        %add3A_946 = arith.addi %mul3A_944, %add3A_945 : i32
        %get3A_947 = arith.constant 0 : i32
        %get3A_948 = arith.constant 0 : i32
        %get3A_949 = tpu.memref_slice %arg10[%scan3A_443, %get3A_947, %get3A_948] : memref<2x104x64xf32, #tpu.memory_space<vmem>> -> memref<1x104x64xf32, #tpu.memory_space<vmem>>
        %get3A_950 = tpu.memref_squeeze %get3A_949 : memref<1x104x64xf32, #tpu.memory_space<vmem>> -> memref<104x64xf32, #tpu.memory_space<vmem>>
        %get3A_951 = arith.index_cast %add3A_946 : i32 to index
        %get3A_952 = arith.constant 0 : index
        %get3A_953 = tpu.vector_load %get3A_950[%get3A_951, %get3A_952] {strides = array<i32>} : memref<104x64xf32, #tpu.memory_space<vmem>>, vector<16xf32>,
        %mul3A_954 = arith.mulf %get3A_953, %gather3A_942 : vector<16xf32>
        %add3A_955 = arith.addf %add3A_901, %mul3A_954 : vector<16xf32>
        %mul3A_956 = arith.mulf %mul3A_954, %mul3A_954 : vector<16xf32>
        %add3A_957 = arith.addf %add3A_903, %mul3A_956 : vector<16xf32>
        %get3A_958 = arith.constant 0 : i32
        %get3A_959 = arith.constant 0 : i32
        %get3A_960 = tpu.memref_slice %arg10[%scan3A_443, %get3A_958, %get3A_959] : memref<2x104x64xf32, #tpu.memory_space<vmem>> -> memref<1x104x64xf32, #tpu.memory_space<vmem>>
        %get3A_961 = tpu.memref_squeeze %get3A_960 : memref<1x104x64xf32, #tpu.memory_space<vmem>> -> memref<104x64xf32, #tpu.memory_space<vmem>>
        %get3A_962 = arith.index_cast %add3A_946 : i32 to index
        %get3A_963 = arith.constant 16 : index
        %get3A_964 = tpu.vector_load %get3A_961[%get3A_962, %get3A_963] {strides = array<i32>} : memref<104x64xf32, #tpu.memory_space<vmem>>, vector<16xf32>,
        %mul3A_965 = arith.mulf %get3A_964, %gather3A_942 : vector<16xf32>
        %add3A_966 = arith.addf %add3A_912, %mul3A_965 : vector<16xf32>
        %mul3A_967 = arith.mulf %mul3A_965, %mul3A_965 : vector<16xf32>
        %add3A_968 = arith.addf %add3A_914, %mul3A_967 : vector<16xf32>
        %get3A_969 = arith.constant 0 : i32
        %get3A_970 = arith.constant 0 : i32
        %get3A_971 = tpu.memref_slice %arg10[%scan3A_443, %get3A_969, %get3A_970] : memref<2x104x64xf32, #tpu.memory_space<vmem>> -> memref<1x104x64xf32, #tpu.memory_space<vmem>>
        %get3A_972 = tpu.memref_squeeze %get3A_971 : memref<1x104x64xf32, #tpu.memory_space<vmem>> -> memref<104x64xf32, #tpu.memory_space<vmem>>
        %get3A_973 = arith.index_cast %add3A_946 : i32 to index
        %get3A_974 = arith.constant 32 : index
        %get3A_975 = tpu.vector_load %get3A_972[%get3A_973, %get3A_974] {strides = array<i32>} : memref<104x64xf32, #tpu.memory_space<vmem>>, vector<16xf32>,
        %mul3A_976 = arith.mulf %get3A_975, %gather3A_942 : vector<16xf32>
        %add3A_977 = arith.addf %add3A_923, %mul3A_976 : vector<16xf32>
        %mul3A_978 = arith.mulf %mul3A_976, %mul3A_976 : vector<16xf32>
        %add3A_979 = arith.addf %add3A_925, %mul3A_978 : vector<16xf32>
        %get3A_980 = arith.constant 0 : i32
        %get3A_981 = arith.constant 0 : i32
        %get3A_982 = tpu.memref_slice %arg10[%scan3A_443, %get3A_980, %get3A_981] : memref<2x104x64xf32, #tpu.memory_space<vmem>> -> memref<1x104x64xf32, #tpu.memory_space<vmem>>
        %get3A_983 = tpu.memref_squeeze %get3A_982 : memref<1x104x64xf32, #tpu.memory_space<vmem>> -> memref<104x64xf32, #tpu.memory_space<vmem>>
        %get3A_984 = arith.index_cast %add3A_946 : i32 to index
        %get3A_985 = arith.constant 48 : index
        %get3A_986 = tpu.vector_load %get3A_983[%get3A_984, %get3A_985] {strides = array<i32>} : memref<104x64xf32, #tpu.memory_space<vmem>>, vector<16xf32>,
        %mul3A_987 = arith.mulf %get3A_986, %gather3A_942 : vector<16xf32>
        %add3A_988 = arith.addf %add3A_934, %mul3A_987 : vector<16xf32>
        %mul3A_989 = arith.mulf %mul3A_987, %mul3A_987 : vector<16xf32>
        %add3A_990 = arith.addf %add3A_936, %mul3A_989 : vector<16xf32>
        %mul3A_991 = arith.constant 26 : i32
        %mul3A_992 = arith.muli %add3A_491, %mul3A_991 : i32
        %add3A_993 = arith.constant 9 : i32
        %add3A_994 = arith.addi %mul3A_992, %add3A_993 : i32
        %broadcast_in_dim3A_995 = vector.broadcast %add3A_994 : i32 to vector<16xi32>
        %gather3A_996 = tpu.vector_load_idx %arg8[%broadcast_in_dim3A_995] : memref<3328xf32, #tpu.memory_space<vmem>>[vector<16xi32>], vector<16xf32>,
        %mul3A_997 = arith.constant 26 : i32
        %mul3A_998 = arith.muli %add3A_488, %mul3A_997 : i32
        %add3A_999 = arith.constant 9 : i32
        %add3A_1000 = arith.addi %mul3A_998, %add3A_999 : i32
        %get3A_1001 = arith.constant 0 : i32
        %get3A_1002 = arith.constant 0 : i32
        %get3A_1003 = tpu.memref_slice %arg10[%scan3A_443, %get3A_1001, %get3A_1002] : memref<2x104x64xf32, #tpu.memory_space<vmem>> -> memref<1x104x64xf32, #tpu.memory_space<vmem>>
        %get3A_1004 = tpu.memref_squeeze %get3A_1003 : memref<1x104x64xf32, #tpu.memory_space<vmem>> -> memref<104x64xf32, #tpu.memory_space<vmem>>
        %get3A_1005 = arith.index_cast %add3A_1000 : i32 to index
        %get3A_1006 = arith.constant 0 : index
        %get3A_1007 = tpu.vector_load %get3A_1004[%get3A_1005, %get3A_1006] {strides = array<i32>} : memref<104x64xf32, #tpu.memory_space<vmem>>, vector<16xf32>,
        %mul3A_1008 = arith.mulf %get3A_1007, %gather3A_996 : vector<16xf32>
        %add3A_1009 = arith.addf %add3A_955, %mul3A_1008 : vector<16xf32>
        %mul3A_1010 = arith.mulf %mul3A_1008, %mul3A_1008 : vector<16xf32>
        %add3A_1011 = arith.addf %add3A_957, %mul3A_1010 : vector<16xf32>
        %get3A_1012 = arith.constant 0 : i32
        %get3A_1013 = arith.constant 0 : i32
        %get3A_1014 = tpu.memref_slice %arg10[%scan3A_443, %get3A_1012, %get3A_1013] : memref<2x104x64xf32, #tpu.memory_space<vmem>> -> memref<1x104x64xf32, #tpu.memory_space<vmem>>
        %get3A_1015 = tpu.memref_squeeze %get3A_1014 : memref<1x104x64xf32, #tpu.memory_space<vmem>> -> memref<104x64xf32, #tpu.memory_space<vmem>>
        %get3A_1016 = arith.index_cast %add3A_1000 : i32 to index
        %get3A_1017 = arith.constant 16 : index
        %get3A_1018 = tpu.vector_load %get3A_1015[%get3A_1016, %get3A_1017] {strides = array<i32>} : memref<104x64xf32, #tpu.memory_space<vmem>>, vector<16xf32>,
        %mul3A_1019 = arith.mulf %get3A_1018, %gather3A_996 : vector<16xf32>
        %add3A_1020 = arith.addf %add3A_966, %mul3A_1019 : vector<16xf32>
        %mul3A_1021 = arith.mulf %mul3A_1019, %mul3A_1019 : vector<16xf32>
        %add3A_1022 = arith.addf %add3A_968, %mul3A_1021 : vector<16xf32>
        %get3A_1023 = arith.constant 0 : i32
        %get3A_1024 = arith.constant 0 : i32
        %get3A_1025 = tpu.memref_slice %arg10[%scan3A_443, %get3A_1023, %get3A_1024] : memref<2x104x64xf32, #tpu.memory_space<vmem>> -> memref<1x104x64xf32, #tpu.memory_space<vmem>>
        %get3A_1026 = tpu.memref_squeeze %get3A_1025 : memref<1x104x64xf32, #tpu.memory_space<vmem>> -> memref<104x64xf32, #tpu.memory_space<vmem>>
        %get3A_1027 = arith.index_cast %add3A_1000 : i32 to index
        %get3A_1028 = arith.constant 32 : index
        %get3A_1029 = tpu.vector_load %get3A_1026[%get3A_1027, %get3A_1028] {strides = array<i32>} : memref<104x64xf32, #tpu.memory_space<vmem>>, vector<16xf32>,
        %mul3A_1030 = arith.mulf %get3A_1029, %gather3A_996 : vector<16xf32>
        %add3A_1031 = arith.addf %add3A_977, %mul3A_1030 : vector<16xf32>
        %mul3A_1032 = arith.mulf %mul3A_1030, %mul3A_1030 : vector<16xf32>
        %add3A_1033 = arith.addf %add3A_979, %mul3A_1032 : vector<16xf32>
        %get3A_1034 = arith.constant 0 : i32
        %get3A_1035 = arith.constant 0 : i32
        %get3A_1036 = tpu.memref_slice %arg10[%scan3A_443, %get3A_1034, %get3A_1035] : memref<2x104x64xf32, #tpu.memory_space<vmem>> -> memref<1x104x64xf32, #tpu.memory_space<vmem>>
        %get3A_1037 = tpu.memref_squeeze %get3A_1036 : memref<1x104x64xf32, #tpu.memory_space<vmem>> -> memref<104x64xf32, #tpu.memory_space<vmem>>
        %get3A_1038 = arith.index_cast %add3A_1000 : i32 to index
        %get3A_1039 = arith.constant 48 : index
        %get3A_1040 = tpu.vector_load %get3A_1037[%get3A_1038, %get3A_1039] {strides = array<i32>} : memref<104x64xf32, #tpu.memory_space<vmem>>, vector<16xf32>,
        %mul3A_1041 = arith.mulf %get3A_1040, %gather3A_996 : vector<16xf32>
        %add3A_1042 = arith.addf %add3A_988, %mul3A_1041 : vector<16xf32>
        %mul3A_1043 = arith.mulf %mul3A_1041, %mul3A_1041 : vector<16xf32>
        %add3A_1044 = arith.addf %add3A_990, %mul3A_1043 : vector<16xf32>
        %mul3A_1045 = arith.constant 26 : i32
        %mul3A_1046 = arith.muli %add3A_491, %mul3A_1045 : i32
        %add3A_1047 = arith.constant 10 : i32
        %add3A_1048 = arith.addi %mul3A_1046, %add3A_1047 : i32
        %broadcast_in_dim3A_1049 = vector.broadcast %add3A_1048 : i32 to vector<16xi32>
        %gather3A_1050 = tpu.vector_load_idx %arg8[%broadcast_in_dim3A_1049] : memref<3328xf32, #tpu.memory_space<vmem>>[vector<16xi32>], vector<16xf32>,
        %mul3A_1051 = arith.constant 26 : i32
        %mul3A_1052 = arith.muli %add3A_488, %mul3A_1051 : i32
        %add3A_1053 = arith.constant 10 : i32
        %add3A_1054 = arith.addi %mul3A_1052, %add3A_1053 : i32
        %get3A_1055 = arith.constant 0 : i32
        %get3A_1056 = arith.constant 0 : i32
        %get3A_1057 = tpu.memref_slice %arg10[%scan3A_443, %get3A_1055, %get3A_1056] : memref<2x104x64xf32, #tpu.memory_space<vmem>> -> memref<1x104x64xf32, #tpu.memory_space<vmem>>
        %get3A_1058 = tpu.memref_squeeze %get3A_1057 : memref<1x104x64xf32, #tpu.memory_space<vmem>> -> memref<104x64xf32, #tpu.memory_space<vmem>>
        %get3A_1059 = arith.index_cast %add3A_1054 : i32 to index
        %get3A_1060 = arith.constant 0 : index
        %get3A_1061 = tpu.vector_load %get3A_1058[%get3A_1059, %get3A_1060] {strides = array<i32>} : memref<104x64xf32, #tpu.memory_space<vmem>>, vector<16xf32>,
        %mul3A_1062 = arith.mulf %get3A_1061, %gather3A_1050 : vector<16xf32>
        %add3A_1063 = arith.addf %add3A_1009, %mul3A_1062 : vector<16xf32>
        %mul3A_1064 = arith.mulf %mul3A_1062, %mul3A_1062 : vector<16xf32>
        %add3A_1065 = arith.addf %add3A_1011, %mul3A_1064 : vector<16xf32>
        %get3A_1066 = arith.constant 0 : i32
        %get3A_1067 = arith.constant 0 : i32
        %get3A_1068 = tpu.memref_slice %arg10[%scan3A_443, %get3A_1066, %get3A_1067] : memref<2x104x64xf32, #tpu.memory_space<vmem>> -> memref<1x104x64xf32, #tpu.memory_space<vmem>>
        %get3A_1069 = tpu.memref_squeeze %get3A_1068 : memref<1x104x64xf32, #tpu.memory_space<vmem>> -> memref<104x64xf32, #tpu.memory_space<vmem>>
        %get3A_1070 = arith.index_cast %add3A_1054 : i32 to index
        %get3A_1071 = arith.constant 16 : index
        %get3A_1072 = tpu.vector_load %get3A_1069[%get3A_1070, %get3A_1071] {strides = array<i32>} : memref<104x64xf32, #tpu.memory_space<vmem>>, vector<16xf32>,
        %mul3A_1073 = arith.mulf %get3A_1072, %gather3A_1050 : vector<16xf32>
        %add3A_1074 = arith.addf %add3A_1020, %mul3A_1073 : vector<16xf32>
        %mul3A_1075 = arith.mulf %mul3A_1073, %mul3A_1073 : vector<16xf32>
        %add3A_1076 = arith.addf %add3A_1022, %mul3A_1075 : vector<16xf32>
        %get3A_1077 = arith.constant 0 : i32
        %get3A_1078 = arith.constant 0 : i32
        %get3A_1079 = tpu.memref_slice %arg10[%scan3A_443, %get3A_1077, %get3A_1078] : memref<2x104x64xf32, #tpu.memory_space<vmem>> -> memref<1x104x64xf32, #tpu.memory_space<vmem>>
        %get3A_1080 = tpu.memref_squeeze %get3A_1079 : memref<1x104x64xf32, #tpu.memory_space<vmem>> -> memref<104x64xf32, #tpu.memory_space<vmem>>
        %get3A_1081 = arith.index_cast %add3A_1054 : i32 to index
        %get3A_1082 = arith.constant 32 : index
        %get3A_1083 = tpu.vector_load %get3A_1080[%get3A_1081, %get3A_1082] {strides = array<i32>} : memref<104x64xf32, #tpu.memory_space<vmem>>, vector<16xf32>,
        %mul3A_1084 = arith.mulf %get3A_1083, %gather3A_1050 : vector<16xf32>
        %add3A_1085 = arith.addf %add3A_1031, %mul3A_1084 : vector<16xf32>
        %mul3A_1086 = arith.mulf %mul3A_1084, %mul3A_1084 : vector<16xf32>
        %add3A_1087 = arith.addf %add3A_1033, %mul3A_1086 : vector<16xf32>
        %get3A_1088 = arith.constant 0 : i32
        %get3A_1089 = arith.constant 0 : i32
        %get3A_1090 = tpu.memref_slice %arg10[%scan3A_443, %get3A_1088, %get3A_1089] : memref<2x104x64xf32, #tpu.memory_space<vmem>> -> memref<1x104x64xf32, #tpu.memory_space<vmem>>
        %get3A_1091 = tpu.memref_squeeze %get3A_1090 : memref<1x104x64xf32, #tpu.memory_space<vmem>> -> memref<104x64xf32, #tpu.memory_space<vmem>>
        %get3A_1092 = arith.index_cast %add3A_1054 : i32 to index
        %get3A_1093 = arith.constant 48 : index
        %get3A_1094 = tpu.vector_load %get3A_1091[%get3A_1092, %get3A_1093] {strides = array<i32>} : memref<104x64xf32, #tpu.memory_space<vmem>>, vector<16xf32>,
        %mul3A_1095 = arith.mulf %get3A_1094, %gather3A_1050 : vector<16xf32>
        %add3A_1096 = arith.addf %add3A_1042, %mul3A_1095 : vector<16xf32>
        %mul3A_1097 = arith.mulf %mul3A_1095, %mul3A_1095 : vector<16xf32>
        %add3A_1098 = arith.addf %add3A_1044, %mul3A_1097 : vector<16xf32>
        %mul3A_1099 = arith.constant 26 : i32
        %mul3A_1100 = arith.muli %add3A_491, %mul3A_1099 : i32
        %add3A_1101 = arith.constant 11 : i32
        %add3A_1102 = arith.addi %mul3A_1100, %add3A_1101 : i32
        %broadcast_in_dim3A_1103 = vector.broadcast %add3A_1102 : i32 to vector<16xi32>
        %gather3A_1104 = tpu.vector_load_idx %arg8[%broadcast_in_dim3A_1103] : memref<3328xf32, #tpu.memory_space<vmem>>[vector<16xi32>], vector<16xf32>,
        %mul3A_1105 = arith.constant 26 : i32
        %mul3A_1106 = arith.muli %add3A_488, %mul3A_1105 : i32
        %add3A_1107 = arith.constant 11 : i32
        %add3A_1108 = arith.addi %mul3A_1106, %add3A_1107 : i32
        %get3A_1109 = arith.constant 0 : i32
        %get3A_1110 = arith.constant 0 : i32
        %get3A_1111 = tpu.memref_slice %arg10[%scan3A_443, %get3A_1109, %get3A_1110] : memref<2x104x64xf32, #tpu.memory_space<vmem>> -> memref<1x104x64xf32, #tpu.memory_space<vmem>>
        %get3A_1112 = tpu.memref_squeeze %get3A_1111 : memref<1x104x64xf32, #tpu.memory_space<vmem>> -> memref<104x64xf32, #tpu.memory_space<vmem>>
        %get3A_1113 = arith.index_cast %add3A_1108 : i32 to index
        %get3A_1114 = arith.constant 0 : index
        %get3A_1115 = tpu.vector_load %get3A_1112[%get3A_1113, %get3A_1114] {strides = array<i32>} : memref<104x64xf32, #tpu.memory_space<vmem>>, vector<16xf32>,
        %mul3A_1116 = arith.mulf %get3A_1115, %gather3A_1104 : vector<16xf32>
        %add3A_1117 = arith.addf %add3A_1063, %mul3A_1116 : vector<16xf32>
        %mul3A_1118 = arith.mulf %mul3A_1116, %mul3A_1116 : vector<16xf32>
        %add3A_1119 = arith.addf %add3A_1065, %mul3A_1118 : vector<16xf32>
        %get3A_1120 = arith.constant 0 : i32
        %get3A_1121 = arith.constant 0 : i32
        %get3A_1122 = tpu.memref_slice %arg10[%scan3A_443, %get3A_1120, %get3A_1121] : memref<2x104x64xf32, #tpu.memory_space<vmem>> -> memref<1x104x64xf32, #tpu.memory_space<vmem>>
        %get3A_1123 = tpu.memref_squeeze %get3A_1122 : memref<1x104x64xf32, #tpu.memory_space<vmem>> -> memref<104x64xf32, #tpu.memory_space<vmem>>
        %get3A_1124 = arith.index_cast %add3A_1108 : i32 to index
        %get3A_1125 = arith.constant 16 : index
        %get3A_1126 = tpu.vector_load %get3A_1123[%get3A_1124, %get3A_1125] {strides = array<i32>} : memref<104x64xf32, #tpu.memory_space<vmem>>, vector<16xf32>,
        %mul3A_1127 = arith.mulf %get3A_1126, %gather3A_1104 : vector<16xf32>
        %add3A_1128 = arith.addf %add3A_1074, %mul3A_1127 : vector<16xf32>
        %mul3A_1129 = arith.mulf %mul3A_1127, %mul3A_1127 : vector<16xf32>
        %add3A_1130 = arith.addf %add3A_1076, %mul3A_1129 : vector<16xf32>
        %get3A_1131 = arith.constant 0 : i32
        %get3A_1132 = arith.constant 0 : i32
        %get3A_1133 = tpu.memref_slice %arg10[%scan3A_443, %get3A_1131, %get3A_1132] : memref<2x104x64xf32, #tpu.memory_space<vmem>> -> memref<1x104x64xf32, #tpu.memory_space<vmem>>
        %get3A_1134 = tpu.memref_squeeze %get3A_1133 : memref<1x104x64xf32, #tpu.memory_space<vmem>> -> memref<104x64xf32, #tpu.memory_space<vmem>>
        %get3A_1135 = arith.index_cast %add3A_1108 : i32 to index
        %get3A_1136 = arith.constant 32 : index
        %get3A_1137 = tpu.vector_load %get3A_1134[%get3A_1135, %get3A_1136] {strides = array<i32>} : memref<104x64xf32, #tpu.memory_space<vmem>>, vector<16xf32>,
        %mul3A_1138 = arith.mulf %get3A_1137, %gather3A_1104 : vector<16xf32>
        %add3A_1139 = arith.addf %add3A_1085, %mul3A_1138 : vector<16xf32>
        %mul3A_1140 = arith.mulf %mul3A_1138, %mul3A_1138 : vector<16xf32>
        %add3A_1141 = arith.addf %add3A_1087, %mul3A_1140 : vector<16xf32>
        %get3A_1142 = arith.constant 0 : i32
        %get3A_1143 = arith.constant 0 : i32
        %get3A_1144 = tpu.memref_slice %arg10[%scan3A_443, %get3A_1142, %get3A_1143] : memref<2x104x64xf32, #tpu.memory_space<vmem>> -> memref<1x104x64xf32, #tpu.memory_space<vmem>>
        %get3A_1145 = tpu.memref_squeeze %get3A_1144 : memref<1x104x64xf32, #tpu.memory_space<vmem>> -> memref<104x64xf32, #tpu.memory_space<vmem>>
        %get3A_1146 = arith.index_cast %add3A_1108 : i32 to index
        %get3A_1147 = arith.constant 48 : index
        %get3A_1148 = tpu.vector_load %get3A_1145[%get3A_1146, %get3A_1147] {strides = array<i32>} : memref<104x64xf32, #tpu.memory_space<vmem>>, vector<16xf32>,
        %mul3A_1149 = arith.mulf %get3A_1148, %gather3A_1104 : vector<16xf32>
        %add3A_1150 = arith.addf %add3A_1096, %mul3A_1149 : vector<16xf32>
        %mul3A_1151 = arith.mulf %mul3A_1149, %mul3A_1149 : vector<16xf32>
        %add3A_1152 = arith.addf %add3A_1098, %mul3A_1151 : vector<16xf32>
        %mul3A_1153 = arith.constant 26 : i32
        %mul3A_1154 = arith.muli %add3A_491, %mul3A_1153 : i32
        %add3A_1155 = arith.constant 12 : i32
        %add3A_1156 = arith.addi %mul3A_1154, %add3A_1155 : i32
        %broadcast_in_dim3A_1157 = vector.broadcast %add3A_1156 : i32 to vector<16xi32>
        %gather3A_1158 = tpu.vector_load_idx %arg8[%broadcast_in_dim3A_1157] : memref<3328xf32, #tpu.memory_space<vmem>>[vector<16xi32>], vector<16xf32>,
        %mul3A_1159 = arith.constant 26 : i32
        %mul3A_1160 = arith.muli %add3A_488, %mul3A_1159 : i32
        %add3A_1161 = arith.constant 12 : i32
        %add3A_1162 = arith.addi %mul3A_1160, %add3A_1161 : i32
        %get3A_1163 = arith.constant 0 : i32
        %get3A_1164 = arith.constant 0 : i32
        %get3A_1165 = tpu.memref_slice %arg10[%scan3A_443, %get3A_1163, %get3A_1164] : memref<2x104x64xf32, #tpu.memory_space<vmem>> -> memref<1x104x64xf32, #tpu.memory_space<vmem>>
        %get3A_1166 = tpu.memref_squeeze %get3A_1165 : memref<1x104x64xf32, #tpu.memory_space<vmem>> -> memref<104x64xf32, #tpu.memory_space<vmem>>
        %get3A_1167 = arith.index_cast %add3A_1162 : i32 to index
        %get3A_1168 = arith.constant 0 : index
        %get3A_1169 = tpu.vector_load %get3A_1166[%get3A_1167, %get3A_1168] {strides = array<i32>} : memref<104x64xf32, #tpu.memory_space<vmem>>, vector<16xf32>,
        %mul3A_1170 = arith.mulf %get3A_1169, %gather3A_1158 : vector<16xf32>
        %add3A_1171 = arith.addf %add3A_1117, %mul3A_1170 : vector<16xf32>
        %mul3A_1172 = arith.mulf %mul3A_1170, %mul3A_1170 : vector<16xf32>
        %add3A_1173 = arith.addf %add3A_1119, %mul3A_1172 : vector<16xf32>
        %get3A_1174 = arith.constant 0 : i32
        %get3A_1175 = arith.constant 0 : i32
        %get3A_1176 = tpu.memref_slice %arg10[%scan3A_443, %get3A_1174, %get3A_1175] : memref<2x104x64xf32, #tpu.memory_space<vmem>> -> memref<1x104x64xf32, #tpu.memory_space<vmem>>
        %get3A_1177 = tpu.memref_squeeze %get3A_1176 : memref<1x104x64xf32, #tpu.memory_space<vmem>> -> memref<104x64xf32, #tpu.memory_space<vmem>>
        %get3A_1178 = arith.index_cast %add3A_1162 : i32 to index
        %get3A_1179 = arith.constant 16 : index
        %get3A_1180 = tpu.vector_load %get3A_1177[%get3A_1178, %get3A_1179] {strides = array<i32>} : memref<104x64xf32, #tpu.memory_space<vmem>>, vector<16xf32>,
        %mul3A_1181 = arith.mulf %get3A_1180, %gather3A_1158 : vector<16xf32>
        %add3A_1182 = arith.addf %add3A_1128, %mul3A_1181 : vector<16xf32>
        %mul3A_1183 = arith.mulf %mul3A_1181, %mul3A_1181 : vector<16xf32>
        %add3A_1184 = arith.addf %add3A_1130, %mul3A_1183 : vector<16xf32>
        %get3A_1185 = arith.constant 0 : i32
        %get3A_1186 = arith.constant 0 : i32
        %get3A_1187 = tpu.memref_slice %arg10[%scan3A_443, %get3A_1185, %get3A_1186] : memref<2x104x64xf32, #tpu.memory_space<vmem>> -> memref<1x104x64xf32, #tpu.memory_space<vmem>>
        %get3A_1188 = tpu.memref_squeeze %get3A_1187 : memref<1x104x64xf32, #tpu.memory_space<vmem>> -> memref<104x64xf32, #tpu.memory_space<vmem>>
        %get3A_1189 = arith.index_cast %add3A_1162 : i32 to index
        %get3A_1190 = arith.constant 32 : index
        %get3A_1191 = tpu.vector_load %get3A_1188[%get3A_1189, %get3A_1190] {strides = array<i32>} : memref<104x64xf32, #tpu.memory_space<vmem>>, vector<16xf32>,
        %mul3A_1192 = arith.mulf %get3A_1191, %gather3A_1158 : vector<16xf32>
        %add3A_1193 = arith.addf %add3A_1139, %mul3A_1192 : vector<16xf32>
        %mul3A_1194 = arith.mulf %mul3A_1192, %mul3A_1192 : vector<16xf32>
        %add3A_1195 = arith.addf %add3A_1141, %mul3A_1194 : vector<16xf32>
        %get3A_1196 = arith.constant 0 : i32
        %get3A_1197 = arith.constant 0 : i32
        %get3A_1198 = tpu.memref_slice %arg10[%scan3A_443, %get3A_1196, %get3A_1197] : memref<2x104x64xf32, #tpu.memory_space<vmem>> -> memref<1x104x64xf32, #tpu.memory_space<vmem>>
        %get3A_1199 = tpu.memref_squeeze %get3A_1198 : memref<1x104x64xf32, #tpu.memory_space<vmem>> -> memref<104x64xf32, #tpu.memory_space<vmem>>
        %get3A_1200 = arith.index_cast %add3A_1162 : i32 to index
        %get3A_1201 = arith.constant 48 : index
        %get3A_1202 = tpu.vector_load %get3A_1199[%get3A_1200, %get3A_1201] {strides = array<i32>} : memref<104x64xf32, #tpu.memory_space<vmem>>, vector<16xf32>,
        %mul3A_1203 = arith.mulf %get3A_1202, %gather3A_1158 : vector<16xf32>
        %add3A_1204 = arith.addf %add3A_1150, %mul3A_1203 : vector<16xf32>
        %mul3A_1205 = arith.mulf %mul3A_1203, %mul3A_1203 : vector<16xf32>
        %add3A_1206 = arith.addf %add3A_1152, %mul3A_1205 : vector<16xf32>
        %mul3A_1207 = arith.constant 26 : i32
        %mul3A_1208 = arith.muli %add3A_491, %mul3A_1207 : i32
        %add3A_1209 = arith.constant 13 : i32
        %add3A_1210 = arith.addi %mul3A_1208, %add3A_1209 : i32
        %broadcast_in_dim3A_1211 = vector.broadcast %add3A_1210 : i32 to vector<16xi32>
        %gather3A_1212 = tpu.vector_load_idx %arg8[%broadcast_in_dim3A_1211] : memref<3328xf32, #tpu.memory_space<vmem>>[vector<16xi32>], vector<16xf32>,
        %mul3A_1213 = arith.constant 26 : i32
        %mul3A_1214 = arith.muli %add3A_488, %mul3A_1213 : i32
        %add3A_1215 = arith.constant 13 : i32
        %add3A_1216 = arith.addi %mul3A_1214, %add3A_1215 : i32
        %get3A_1217 = arith.constant 0 : i32
        %get3A_1218 = arith.constant 0 : i32
        %get3A_1219 = tpu.memref_slice %arg10[%scan3A_443, %get3A_1217, %get3A_1218] : memref<2x104x64xf32, #tpu.memory_space<vmem>> -> memref<1x104x64xf32, #tpu.memory_space<vmem>>
        %get3A_1220 = tpu.memref_squeeze %get3A_1219 : memref<1x104x64xf32, #tpu.memory_space<vmem>> -> memref<104x64xf32, #tpu.memory_space<vmem>>
        %get3A_1221 = arith.index_cast %add3A_1216 : i32 to index
        %get3A_1222 = arith.constant 0 : index
        %get3A_1223 = tpu.vector_load %get3A_1220[%get3A_1221, %get3A_1222] {strides = array<i32>} : memref<104x64xf32, #tpu.memory_space<vmem>>, vector<16xf32>,
        %mul3A_1224 = arith.mulf %get3A_1223, %gather3A_1212 : vector<16xf32>
        %add3A_1225 = arith.addf %add3A_1171, %mul3A_1224 : vector<16xf32>
        %mul3A_1226 = arith.mulf %mul3A_1224, %mul3A_1224 : vector<16xf32>
        %add3A_1227 = arith.addf %add3A_1173, %mul3A_1226 : vector<16xf32>
        %get3A_1228 = arith.constant 0 : i32
        %get3A_1229 = arith.constant 0 : i32
        %get3A_1230 = tpu.memref_slice %arg10[%scan3A_443, %get3A_1228, %get3A_1229] : memref<2x104x64xf32, #tpu.memory_space<vmem>> -> memref<1x104x64xf32, #tpu.memory_space<vmem>>
        %get3A_1231 = tpu.memref_squeeze %get3A_1230 : memref<1x104x64xf32, #tpu.memory_space<vmem>> -> memref<104x64xf32, #tpu.memory_space<vmem>>
        %get3A_1232 = arith.index_cast %add3A_1216 : i32 to index
        %get3A_1233 = arith.constant 16 : index
        %get3A_1234 = tpu.vector_load %get3A_1231[%get3A_1232, %get3A_1233] {strides = array<i32>} : memref<104x64xf32, #tpu.memory_space<vmem>>, vector<16xf32>,
        %mul3A_1235 = arith.mulf %get3A_1234, %gather3A_1212 : vector<16xf32>
        %add3A_1236 = arith.addf %add3A_1182, %mul3A_1235 : vector<16xf32>
        %mul3A_1237 = arith.mulf %mul3A_1235, %mul3A_1235 : vector<16xf32>
        %add3A_1238 = arith.addf %add3A_1184, %mul3A_1237 : vector<16xf32>
        %get3A_1239 = arith.constant 0 : i32
        %get3A_1240 = arith.constant 0 : i32
        %get3A_1241 = tpu.memref_slice %arg10[%scan3A_443, %get3A_1239, %get3A_1240] : memref<2x104x64xf32, #tpu.memory_space<vmem>> -> memref<1x104x64xf32, #tpu.memory_space<vmem>>
        %get3A_1242 = tpu.memref_squeeze %get3A_1241 : memref<1x104x64xf32, #tpu.memory_space<vmem>> -> memref<104x64xf32, #tpu.memory_space<vmem>>
        %get3A_1243 = arith.index_cast %add3A_1216 : i32 to index
        %get3A_1244 = arith.constant 32 : index
        %get3A_1245 = tpu.vector_load %get3A_1242[%get3A_1243, %get3A_1244] {strides = array<i32>} : memref<104x64xf32, #tpu.memory_space<vmem>>, vector<16xf32>,
        %mul3A_1246 = arith.mulf %get3A_1245, %gather3A_1212 : vector<16xf32>
        %add3A_1247 = arith.addf %add3A_1193, %mul3A_1246 : vector<16xf32>
        %mul3A_1248 = arith.mulf %mul3A_1246, %mul3A_1246 : vector<16xf32>
        %add3A_1249 = arith.addf %add3A_1195, %mul3A_1248 : vector<16xf32>
        %get3A_1250 = arith.constant 0 : i32
        %get3A_1251 = arith.constant 0 : i32
        %get3A_1252 = tpu.memref_slice %arg10[%scan3A_443, %get3A_1250, %get3A_1251] : memref<2x104x64xf32, #tpu.memory_space<vmem>> -> memref<1x104x64xf32, #tpu.memory_space<vmem>>
        %get3A_1253 = tpu.memref_squeeze %get3A_1252 : memref<1x104x64xf32, #tpu.memory_space<vmem>> -> memref<104x64xf32, #tpu.memory_space<vmem>>
        %get3A_1254 = arith.index_cast %add3A_1216 : i32 to index
        %get3A_1255 = arith.constant 48 : index
        %get3A_1256 = tpu.vector_load %get3A_1253[%get3A_1254, %get3A_1255] {strides = array<i32>} : memref<104x64xf32, #tpu.memory_space<vmem>>, vector<16xf32>,
        %mul3A_1257 = arith.mulf %get3A_1256, %gather3A_1212 : vector<16xf32>
        %add3A_1258 = arith.addf %add3A_1204, %mul3A_1257 : vector<16xf32>
        %mul3A_1259 = arith.mulf %mul3A_1257, %mul3A_1257 : vector<16xf32>
        %add3A_1260 = arith.addf %add3A_1206, %mul3A_1259 : vector<16xf32>
        %mul3A_1261 = arith.constant 26 : i32
        %mul3A_1262 = arith.muli %add3A_491, %mul3A_1261 : i32
        %add3A_1263 = arith.constant 14 : i32
        %add3A_1264 = arith.addi %mul3A_1262, %add3A_1263 : i32
        %broadcast_in_dim3A_1265 = vector.broadcast %add3A_1264 : i32 to vector<16xi32>
        %gather3A_1266 = tpu.vector_load_idx %arg8[%broadcast_in_dim3A_1265] : memref<3328xf32, #tpu.memory_space<vmem>>[vector<16xi32>], vector<16xf32>,
        %mul3A_1267 = arith.constant 26 : i32
        %mul3A_1268 = arith.muli %add3A_488, %mul3A_1267 : i32
        %add3A_1269 = arith.constant 14 : i32
        %add3A_1270 = arith.addi %mul3A_1268, %add3A_1269 : i32
        %get3A_1271 = arith.constant 0 : i32
        %get3A_1272 = arith.constant 0 : i32
        %get3A_1273 = tpu.memref_slice %arg10[%scan3A_443, %get3A_1271, %get3A_1272] : memref<2x104x64xf32, #tpu.memory_space<vmem>> -> memref<1x104x64xf32, #tpu.memory_space<vmem>>
        %get3A_1274 = tpu.memref_squeeze %get3A_1273 : memref<1x104x64xf32, #tpu.memory_space<vmem>> -> memref<104x64xf32, #tpu.memory_space<vmem>>
        %get3A_1275 = arith.index_cast %add3A_1270 : i32 to index
        %get3A_1276 = arith.constant 0 : index
        %get3A_1277 = tpu.vector_load %get3A_1274[%get3A_1275, %get3A_1276] {strides = array<i32>} : memref<104x64xf32, #tpu.memory_space<vmem>>, vector<16xf32>,
        %mul3A_1278 = arith.mulf %get3A_1277, %gather3A_1266 : vector<16xf32>
        %add3A_1279 = arith.addf %add3A_1225, %mul3A_1278 : vector<16xf32>
        %mul3A_1280 = arith.mulf %mul3A_1278, %mul3A_1278 : vector<16xf32>
        %add3A_1281 = arith.addf %add3A_1227, %mul3A_1280 : vector<16xf32>
        %get3A_1282 = arith.constant 0 : i32
        %get3A_1283 = arith.constant 0 : i32
        %get3A_1284 = tpu.memref_slice %arg10[%scan3A_443, %get3A_1282, %get3A_1283] : memref<2x104x64xf32, #tpu.memory_space<vmem>> -> memref<1x104x64xf32, #tpu.memory_space<vmem>>
        %get3A_1285 = tpu.memref_squeeze %get3A_1284 : memref<1x104x64xf32, #tpu.memory_space<vmem>> -> memref<104x64xf32, #tpu.memory_space<vmem>>
        %get3A_1286 = arith.index_cast %add3A_1270 : i32 to index
        %get3A_1287 = arith.constant 16 : index
        %get3A_1288 = tpu.vector_load %get3A_1285[%get3A_1286, %get3A_1287] {strides = array<i32>} : memref<104x64xf32, #tpu.memory_space<vmem>>, vector<16xf32>,
        %mul3A_1289 = arith.mulf %get3A_1288, %gather3A_1266 : vector<16xf32>
        %add3A_1290 = arith.addf %add3A_1236, %mul3A_1289 : vector<16xf32>
        %mul3A_1291 = arith.mulf %mul3A_1289, %mul3A_1289 : vector<16xf32>
        %add3A_1292 = arith.addf %add3A_1238, %mul3A_1291 : vector<16xf32>
        %get3A_1293 = arith.constant 0 : i32
        %get3A_1294 = arith.constant 0 : i32
        %get3A_1295 = tpu.memref_slice %arg10[%scan3A_443, %get3A_1293, %get3A_1294] : memref<2x104x64xf32, #tpu.memory_space<vmem>> -> memref<1x104x64xf32, #tpu.memory_space<vmem>>
        %get3A_1296 = tpu.memref_squeeze %get3A_1295 : memref<1x104x64xf32, #tpu.memory_space<vmem>> -> memref<104x64xf32, #tpu.memory_space<vmem>>
        %get3A_1297 = arith.index_cast %add3A_1270 : i32 to index
        %get3A_1298 = arith.constant 32 : index
        %get3A_1299 = tpu.vector_load %get3A_1296[%get3A_1297, %get3A_1298] {strides = array<i32>} : memref<104x64xf32, #tpu.memory_space<vmem>>, vector<16xf32>,
        %mul3A_1300 = arith.mulf %get3A_1299, %gather3A_1266 : vector<16xf32>
        %add3A_1301 = arith.addf %add3A_1247, %mul3A_1300 : vector<16xf32>
        %mul3A_1302 = arith.mulf %mul3A_1300, %mul3A_1300 : vector<16xf32>
        %add3A_1303 = arith.addf %add3A_1249, %mul3A_1302 : vector<16xf32>
        %get3A_1304 = arith.constant 0 : i32
        %get3A_1305 = arith.constant 0 : i32
        %get3A_1306 = tpu.memref_slice %arg10[%scan3A_443, %get3A_1304, %get3A_1305] : memref<2x104x64xf32, #tpu.memory_space<vmem>> -> memref<1x104x64xf32, #tpu.memory_space<vmem>>
        %get3A_1307 = tpu.memref_squeeze %get3A_1306 : memref<1x104x64xf32, #tpu.memory_space<vmem>> -> memref<104x64xf32, #tpu.memory_space<vmem>>
        %get3A_1308 = arith.index_cast %add3A_1270 : i32 to index
        %get3A_1309 = arith.constant 48 : index
        %get3A_1310 = tpu.vector_load %get3A_1307[%get3A_1308, %get3A_1309] {strides = array<i32>} : memref<104x64xf32, #tpu.memory_space<vmem>>, vector<16xf32>,
        %mul3A_1311 = arith.mulf %get3A_1310, %gather3A_1266 : vector<16xf32>
        %add3A_1312 = arith.addf %add3A_1258, %mul3A_1311 : vector<16xf32>
        %mul3A_1313 = arith.mulf %mul3A_1311, %mul3A_1311 : vector<16xf32>
        %add3A_1314 = arith.addf %add3A_1260, %mul3A_1313 : vector<16xf32>
        %mul3A_1315 = arith.constant 26 : i32
        %mul3A_1316 = arith.muli %add3A_491, %mul3A_1315 : i32
        %add3A_1317 = arith.constant 15 : i32
        %add3A_1318 = arith.addi %mul3A_1316, %add3A_1317 : i32
        %broadcast_in_dim3A_1319 = vector.broadcast %add3A_1318 : i32 to vector<16xi32>
        %gather3A_1320 = tpu.vector_load_idx %arg8[%broadcast_in_dim3A_1319] : memref<3328xf32, #tpu.memory_space<vmem>>[vector<16xi32>], vector<16xf32>,
        %mul3A_1321 = arith.constant 26 : i32
        %mul3A_1322 = arith.muli %add3A_488, %mul3A_1321 : i32
        %add3A_1323 = arith.constant 15 : i32
        %add3A_1324 = arith.addi %mul3A_1322, %add3A_1323 : i32
        %get3A_1325 = arith.constant 0 : i32
        %get3A_1326 = arith.constant 0 : i32
        %get3A_1327 = tpu.memref_slice %arg10[%scan3A_443, %get3A_1325, %get3A_1326] : memref<2x104x64xf32, #tpu.memory_space<vmem>> -> memref<1x104x64xf32, #tpu.memory_space<vmem>>
        %get3A_1328 = tpu.memref_squeeze %get3A_1327 : memref<1x104x64xf32, #tpu.memory_space<vmem>> -> memref<104x64xf32, #tpu.memory_space<vmem>>
        %get3A_1329 = arith.index_cast %add3A_1324 : i32 to index
        %get3A_1330 = arith.constant 0 : index
        %get3A_1331 = tpu.vector_load %get3A_1328[%get3A_1329, %get3A_1330] {strides = array<i32>} : memref<104x64xf32, #tpu.memory_space<vmem>>, vector<16xf32>,
        %mul3A_1332 = arith.mulf %get3A_1331, %gather3A_1320 : vector<16xf32>
        %add3A_1333 = arith.addf %add3A_1279, %mul3A_1332 : vector<16xf32>
        %mul3A_1334 = arith.mulf %mul3A_1332, %mul3A_1332 : vector<16xf32>
        %add3A_1335 = arith.addf %add3A_1281, %mul3A_1334 : vector<16xf32>
        %get3A_1336 = arith.constant 0 : i32
        %get3A_1337 = arith.constant 0 : i32
        %get3A_1338 = tpu.memref_slice %arg10[%scan3A_443, %get3A_1336, %get3A_1337] : memref<2x104x64xf32, #tpu.memory_space<vmem>> -> memref<1x104x64xf32, #tpu.memory_space<vmem>>
        %get3A_1339 = tpu.memref_squeeze %get3A_1338 : memref<1x104x64xf32, #tpu.memory_space<vmem>> -> memref<104x64xf32, #tpu.memory_space<vmem>>
        %get3A_1340 = arith.index_cast %add3A_1324 : i32 to index
        %get3A_1341 = arith.constant 16 : index
        %get3A_1342 = tpu.vector_load %get3A_1339[%get3A_1340, %get3A_1341] {strides = array<i32>} : memref<104x64xf32, #tpu.memory_space<vmem>>, vector<16xf32>,
        %mul3A_1343 = arith.mulf %get3A_1342, %gather3A_1320 : vector<16xf32>
        %add3A_1344 = arith.addf %add3A_1290, %mul3A_1343 : vector<16xf32>
        %mul3A_1345 = arith.mulf %mul3A_1343, %mul3A_1343 : vector<16xf32>
        %add3A_1346 = arith.addf %add3A_1292, %mul3A_1345 : vector<16xf32>
        %get3A_1347 = arith.constant 0 : i32
        %get3A_1348 = arith.constant 0 : i32
        %get3A_1349 = tpu.memref_slice %arg10[%scan3A_443, %get3A_1347, %get3A_1348] : memref<2x104x64xf32, #tpu.memory_space<vmem>> -> memref<1x104x64xf32, #tpu.memory_space<vmem>>
        %get3A_1350 = tpu.memref_squeeze %get3A_1349 : memref<1x104x64xf32, #tpu.memory_space<vmem>> -> memref<104x64xf32, #tpu.memory_space<vmem>>
        %get3A_1351 = arith.index_cast %add3A_1324 : i32 to index
        %get3A_1352 = arith.constant 32 : index
        %get3A_1353 = tpu.vector_load %get3A_1350[%get3A_1351, %get3A_1352] {strides = array<i32>} : memref<104x64xf32, #tpu.memory_space<vmem>>, vector<16xf32>,
        %mul3A_1354 = arith.mulf %get3A_1353, %gather3A_1320 : vector<16xf32>
        %add3A_1355 = arith.addf %add3A_1301, %mul3A_1354 : vector<16xf32>
        %mul3A_1356 = arith.mulf %mul3A_1354, %mul3A_1354 : vector<16xf32>
        %add3A_1357 = arith.addf %add3A_1303, %mul3A_1356 : vector<16xf32>
        %get3A_1358 = arith.constant 0 : i32
        %get3A_1359 = arith.constant 0 : i32
        %get3A_1360 = tpu.memref_slice %arg10[%scan3A_443, %get3A_1358, %get3A_1359] : memref<2x104x64xf32, #tpu.memory_space<vmem>> -> memref<1x104x64xf32, #tpu.memory_space<vmem>>
        %get3A_1361 = tpu.memref_squeeze %get3A_1360 : memref<1x104x64xf32, #tpu.memory_space<vmem>> -> memref<104x64xf32, #tpu.memory_space<vmem>>
        %get3A_1362 = arith.index_cast %add3A_1324 : i32 to index
        %get3A_1363 = arith.constant 48 : index
        %get3A_1364 = tpu.vector_load %get3A_1361[%get3A_1362, %get3A_1363] {strides = array<i32>} : memref<104x64xf32, #tpu.memory_space<vmem>>, vector<16xf32>,
        %mul3A_1365 = arith.mulf %get3A_1364, %gather3A_1320 : vector<16xf32>
        %add3A_1366 = arith.addf %add3A_1312, %mul3A_1365 : vector<16xf32>
        %mul3A_1367 = arith.mulf %mul3A_1365, %mul3A_1365 : vector<16xf32>
        %add3A_1368 = arith.addf %add3A_1314, %mul3A_1367 : vector<16xf32>
        %mul3A_1369 = arith.constant 26 : i32
        %mul3A_1370 = arith.muli %add3A_491, %mul3A_1369 : i32
        %add3A_1371 = arith.constant 16 : i32
        %add3A_1372 = arith.addi %mul3A_1370, %add3A_1371 : i32
        %broadcast_in_dim3A_1373 = vector.broadcast %add3A_1372 : i32 to vector<16xi32>
        %gather3A_1374 = tpu.vector_load_idx %arg8[%broadcast_in_dim3A_1373] : memref<3328xf32, #tpu.memory_space<vmem>>[vector<16xi32>], vector<16xf32>,
        %mul3A_1375 = arith.constant 26 : i32
        %mul3A_1376 = arith.muli %add3A_488, %mul3A_1375 : i32
        %add3A_1377 = arith.constant 16 : i32
        %add3A_1378 = arith.addi %mul3A_1376, %add3A_1377 : i32
        %get3A_1379 = arith.constant 0 : i32
        %get3A_1380 = arith.constant 0 : i32
        %get3A_1381 = tpu.memref_slice %arg10[%scan3A_443, %get3A_1379, %get3A_1380] : memref<2x104x64xf32, #tpu.memory_space<vmem>> -> memref<1x104x64xf32, #tpu.memory_space<vmem>>
        %get3A_1382 = tpu.memref_squeeze %get3A_1381 : memref<1x104x64xf32, #tpu.memory_space<vmem>> -> memref<104x64xf32, #tpu.memory_space<vmem>>
        %get3A_1383 = arith.index_cast %add3A_1378 : i32 to index
        %get3A_1384 = arith.constant 0 : index
        %get3A_1385 = tpu.vector_load %get3A_1382[%get3A_1383, %get3A_1384] {strides = array<i32>} : memref<104x64xf32, #tpu.memory_space<vmem>>, vector<16xf32>,
        %mul3A_1386 = arith.mulf %get3A_1385, %gather3A_1374 : vector<16xf32>
        %add3A_1387 = arith.addf %add3A_1333, %mul3A_1386 : vector<16xf32>
        %mul3A_1388 = arith.mulf %mul3A_1386, %mul3A_1386 : vector<16xf32>
        %add3A_1389 = arith.addf %add3A_1335, %mul3A_1388 : vector<16xf32>
        %get3A_1390 = arith.constant 0 : i32
        %get3A_1391 = arith.constant 0 : i32
        %get3A_1392 = tpu.memref_slice %arg10[%scan3A_443, %get3A_1390, %get3A_1391] : memref<2x104x64xf32, #tpu.memory_space<vmem>> -> memref<1x104x64xf32, #tpu.memory_space<vmem>>
        %get3A_1393 = tpu.memref_squeeze %get3A_1392 : memref<1x104x64xf32, #tpu.memory_space<vmem>> -> memref<104x64xf32, #tpu.memory_space<vmem>>
        %get3A_1394 = arith.index_cast %add3A_1378 : i32 to index
        %get3A_1395 = arith.constant 16 : index
        %get3A_1396 = tpu.vector_load %get3A_1393[%get3A_1394, %get3A_1395] {strides = array<i32>} : memref<104x64xf32, #tpu.memory_space<vmem>>, vector<16xf32>,
        %mul3A_1397 = arith.mulf %get3A_1396, %gather3A_1374 : vector<16xf32>
        %add3A_1398 = arith.addf %add3A_1344, %mul3A_1397 : vector<16xf32>
        %mul3A_1399 = arith.mulf %mul3A_1397, %mul3A_1397 : vector<16xf32>
        %add3A_1400 = arith.addf %add3A_1346, %mul3A_1399 : vector<16xf32>
        %get3A_1401 = arith.constant 0 : i32
        %get3A_1402 = arith.constant 0 : i32
        %get3A_1403 = tpu.memref_slice %arg10[%scan3A_443, %get3A_1401, %get3A_1402] : memref<2x104x64xf32, #tpu.memory_space<vmem>> -> memref<1x104x64xf32, #tpu.memory_space<vmem>>
        %get3A_1404 = tpu.memref_squeeze %get3A_1403 : memref<1x104x64xf32, #tpu.memory_space<vmem>> -> memref<104x64xf32, #tpu.memory_space<vmem>>
        %get3A_1405 = arith.index_cast %add3A_1378 : i32 to index
        %get3A_1406 = arith.constant 32 : index
        %get3A_1407 = tpu.vector_load %get3A_1404[%get3A_1405, %get3A_1406] {strides = array<i32>} : memref<104x64xf32, #tpu.memory_space<vmem>>, vector<16xf32>,
        %mul3A_1408 = arith.mulf %get3A_1407, %gather3A_1374 : vector<16xf32>
        %add3A_1409 = arith.addf %add3A_1355, %mul3A_1408 : vector<16xf32>
        %mul3A_1410 = arith.mulf %mul3A_1408, %mul3A_1408 : vector<16xf32>
        %add3A_1411 = arith.addf %add3A_1357, %mul3A_1410 : vector<16xf32>
        %get3A_1412 = arith.constant 0 : i32
        %get3A_1413 = arith.constant 0 : i32
        %get3A_1414 = tpu.memref_slice %arg10[%scan3A_443, %get3A_1412, %get3A_1413] : memref<2x104x64xf32, #tpu.memory_space<vmem>> -> memref<1x104x64xf32, #tpu.memory_space<vmem>>
        %get3A_1415 = tpu.memref_squeeze %get3A_1414 : memref<1x104x64xf32, #tpu.memory_space<vmem>> -> memref<104x64xf32, #tpu.memory_space<vmem>>
        %get3A_1416 = arith.index_cast %add3A_1378 : i32 to index
        %get3A_1417 = arith.constant 48 : index
        %get3A_1418 = tpu.vector_load %get3A_1415[%get3A_1416, %get3A_1417] {strides = array<i32>} : memref<104x64xf32, #tpu.memory_space<vmem>>, vector<16xf32>,
        %mul3A_1419 = arith.mulf %get3A_1418, %gather3A_1374 : vector<16xf32>
        %add3A_1420 = arith.addf %add3A_1366, %mul3A_1419 : vector<16xf32>
        %mul3A_1421 = arith.mulf %mul3A_1419, %mul3A_1419 : vector<16xf32>
        %add3A_1422 = arith.addf %add3A_1368, %mul3A_1421 : vector<16xf32>
        %mul3A_1423 = arith.constant 26 : i32
        %mul3A_1424 = arith.muli %add3A_491, %mul3A_1423 : i32
        %add3A_1425 = arith.constant 17 : i32
        %add3A_1426 = arith.addi %mul3A_1424, %add3A_1425 : i32
        %broadcast_in_dim3A_1427 = vector.broadcast %add3A_1426 : i32 to vector<16xi32>
        %gather3A_1428 = tpu.vector_load_idx %arg8[%broadcast_in_dim3A_1427] : memref<3328xf32, #tpu.memory_space<vmem>>[vector<16xi32>], vector<16xf32>,
        %mul3A_1429 = arith.constant 26 : i32
        %mul3A_1430 = arith.muli %add3A_488, %mul3A_1429 : i32
        %add3A_1431 = arith.constant 17 : i32
        %add3A_1432 = arith.addi %mul3A_1430, %add3A_1431 : i32
        %get3A_1433 = arith.constant 0 : i32
        %get3A_1434 = arith.constant 0 : i32
        %get3A_1435 = tpu.memref_slice %arg10[%scan3A_443, %get3A_1433, %get3A_1434] : memref<2x104x64xf32, #tpu.memory_space<vmem>> -> memref<1x104x64xf32, #tpu.memory_space<vmem>>
        %get3A_1436 = tpu.memref_squeeze %get3A_1435 : memref<1x104x64xf32, #tpu.memory_space<vmem>> -> memref<104x64xf32, #tpu.memory_space<vmem>>
        %get3A_1437 = arith.index_cast %add3A_1432 : i32 to index
        %get3A_1438 = arith.constant 0 : index
        %get3A_1439 = tpu.vector_load %get3A_1436[%get3A_1437, %get3A_1438] {strides = array<i32>} : memref<104x64xf32, #tpu.memory_space<vmem>>, vector<16xf32>,
        %mul3A_1440 = arith.mulf %get3A_1439, %gather3A_1428 : vector<16xf32>
        %add3A_1441 = arith.addf %add3A_1387, %mul3A_1440 : vector<16xf32>
        %mul3A_1442 = arith.mulf %mul3A_1440, %mul3A_1440 : vector<16xf32>
        %add3A_1443 = arith.addf %add3A_1389, %mul3A_1442 : vector<16xf32>
        %get3A_1444 = arith.constant 0 : i32
        %get3A_1445 = arith.constant 0 : i32
        %get3A_1446 = tpu.memref_slice %arg10[%scan3A_443, %get3A_1444, %get3A_1445] : memref<2x104x64xf32, #tpu.memory_space<vmem>> -> memref<1x104x64xf32, #tpu.memory_space<vmem>>
        %get3A_1447 = tpu.memref_squeeze %get3A_1446 : memref<1x104x64xf32, #tpu.memory_space<vmem>> -> memref<104x64xf32, #tpu.memory_space<vmem>>
        %get3A_1448 = arith.index_cast %add3A_1432 : i32 to index
        %get3A_1449 = arith.constant 16 : index
        %get3A_1450 = tpu.vector_load %get3A_1447[%get3A_1448, %get3A_1449] {strides = array<i32>} : memref<104x64xf32, #tpu.memory_space<vmem>>, vector<16xf32>,
        %mul3A_1451 = arith.mulf %get3A_1450, %gather3A_1428 : vector<16xf32>
        %add3A_1452 = arith.addf %add3A_1398, %mul3A_1451 : vector<16xf32>
        %mul3A_1453 = arith.mulf %mul3A_1451, %mul3A_1451 : vector<16xf32>
        %add3A_1454 = arith.addf %add3A_1400, %mul3A_1453 : vector<16xf32>
        %get3A_1455 = arith.constant 0 : i32
        %get3A_1456 = arith.constant 0 : i32
        %get3A_1457 = tpu.memref_slice %arg10[%scan3A_443, %get3A_1455, %get3A_1456] : memref<2x104x64xf32, #tpu.memory_space<vmem>> -> memref<1x104x64xf32, #tpu.memory_space<vmem>>
        %get3A_1458 = tpu.memref_squeeze %get3A_1457 : memref<1x104x64xf32, #tpu.memory_space<vmem>> -> memref<104x64xf32, #tpu.memory_space<vmem>>
        %get3A_1459 = arith.index_cast %add3A_1432 : i32 to index
        %get3A_1460 = arith.constant 32 : index
        %get3A_1461 = tpu.vector_load %get3A_1458[%get3A_1459, %get3A_1460] {strides = array<i32>} : memref<104x64xf32, #tpu.memory_space<vmem>>, vector<16xf32>,
        %mul3A_1462 = arith.mulf %get3A_1461, %gather3A_1428 : vector<16xf32>
        %add3A_1463 = arith.addf %add3A_1409, %mul3A_1462 : vector<16xf32>
        %mul3A_1464 = arith.mulf %mul3A_1462, %mul3A_1462 : vector<16xf32>
        %add3A_1465 = arith.addf %add3A_1411, %mul3A_1464 : vector<16xf32>
        %get3A_1466 = arith.constant 0 : i32
        %get3A_1467 = arith.constant 0 : i32
        %get3A_1468 = tpu.memref_slice %arg10[%scan3A_443, %get3A_1466, %get3A_1467] : memref<2x104x64xf32, #tpu.memory_space<vmem>> -> memref<1x104x64xf32, #tpu.memory_space<vmem>>
        %get3A_1469 = tpu.memref_squeeze %get3A_1468 : memref<1x104x64xf32, #tpu.memory_space<vmem>> -> memref<104x64xf32, #tpu.memory_space<vmem>>
        %get3A_1470 = arith.index_cast %add3A_1432 : i32 to index
        %get3A_1471 = arith.constant 48 : index
        %get3A_1472 = tpu.vector_load %get3A_1469[%get3A_1470, %get3A_1471] {strides = array<i32>} : memref<104x64xf32, #tpu.memory_space<vmem>>, vector<16xf32>,
        %mul3A_1473 = arith.mulf %get3A_1472, %gather3A_1428 : vector<16xf32>
        %add3A_1474 = arith.addf %add3A_1420, %mul3A_1473 : vector<16xf32>
        %mul3A_1475 = arith.mulf %mul3A_1473, %mul3A_1473 : vector<16xf32>
        %add3A_1476 = arith.addf %add3A_1422, %mul3A_1475 : vector<16xf32>
        %mul3A_1477 = arith.constant 26 : i32
        %mul3A_1478 = arith.muli %add3A_491, %mul3A_1477 : i32
        %add3A_1479 = arith.constant 18 : i32
        %add3A_1480 = arith.addi %mul3A_1478, %add3A_1479 : i32
        %broadcast_in_dim3A_1481 = vector.broadcast %add3A_1480 : i32 to vector<16xi32>
        %gather3A_1482 = tpu.vector_load_idx %arg8[%broadcast_in_dim3A_1481] : memref<3328xf32, #tpu.memory_space<vmem>>[vector<16xi32>], vector<16xf32>,
        %mul3A_1483 = arith.constant 26 : i32
        %mul3A_1484 = arith.muli %add3A_488, %mul3A_1483 : i32
        %add3A_1485 = arith.constant 18 : i32
        %add3A_1486 = arith.addi %mul3A_1484, %add3A_1485 : i32
        %get3A_1487 = arith.constant 0 : i32
        %get3A_1488 = arith.constant 0 : i32
        %get3A_1489 = tpu.memref_slice %arg10[%scan3A_443, %get3A_1487, %get3A_1488] : memref<2x104x64xf32, #tpu.memory_space<vmem>> -> memref<1x104x64xf32, #tpu.memory_space<vmem>>
        %get3A_1490 = tpu.memref_squeeze %get3A_1489 : memref<1x104x64xf32, #tpu.memory_space<vmem>> -> memref<104x64xf32, #tpu.memory_space<vmem>>
        %get3A_1491 = arith.index_cast %add3A_1486 : i32 to index
        %get3A_1492 = arith.constant 0 : index
        %get3A_1493 = tpu.vector_load %get3A_1490[%get3A_1491, %get3A_1492] {strides = array<i32>} : memref<104x64xf32, #tpu.memory_space<vmem>>, vector<16xf32>,
        %mul3A_1494 = arith.mulf %get3A_1493, %gather3A_1482 : vector<16xf32>
        %add3A_1495 = arith.addf %add3A_1441, %mul3A_1494 : vector<16xf32>
        %mul3A_1496 = arith.mulf %mul3A_1494, %mul3A_1494 : vector<16xf32>
        %add3A_1497 = arith.addf %add3A_1443, %mul3A_1496 : vector<16xf32>
        %get3A_1498 = arith.constant 0 : i32
        %get3A_1499 = arith.constant 0 : i32
        %get3A_1500 = tpu.memref_slice %arg10[%scan3A_443, %get3A_1498, %get3A_1499] : memref<2x104x64xf32, #tpu.memory_space<vmem>> -> memref<1x104x64xf32, #tpu.memory_space<vmem>>
        %get3A_1501 = tpu.memref_squeeze %get3A_1500 : memref<1x104x64xf32, #tpu.memory_space<vmem>> -> memref<104x64xf32, #tpu.memory_space<vmem>>
        %get3A_1502 = arith.index_cast %add3A_1486 : i32 to index
        %get3A_1503 = arith.constant 16 : index
        %get3A_1504 = tpu.vector_load %get3A_1501[%get3A_1502, %get3A_1503] {strides = array<i32>} : memref<104x64xf32, #tpu.memory_space<vmem>>, vector<16xf32>,
        %mul3A_1505 = arith.mulf %get3A_1504, %gather3A_1482 : vector<16xf32>
        %add3A_1506 = arith.addf %add3A_1452, %mul3A_1505 : vector<16xf32>
        %mul3A_1507 = arith.mulf %mul3A_1505, %mul3A_1505 : vector<16xf32>
        %add3A_1508 = arith.addf %add3A_1454, %mul3A_1507 : vector<16xf32>
        %get3A_1509 = arith.constant 0 : i32
        %get3A_1510 = arith.constant 0 : i32
        %get3A_1511 = tpu.memref_slice %arg10[%scan3A_443, %get3A_1509, %get3A_1510] : memref<2x104x64xf32, #tpu.memory_space<vmem>> -> memref<1x104x64xf32, #tpu.memory_space<vmem>>
        %get3A_1512 = tpu.memref_squeeze %get3A_1511 : memref<1x104x64xf32, #tpu.memory_space<vmem>> -> memref<104x64xf32, #tpu.memory_space<vmem>>
        %get3A_1513 = arith.index_cast %add3A_1486 : i32 to index
        %get3A_1514 = arith.constant 32 : index
        %get3A_1515 = tpu.vector_load %get3A_1512[%get3A_1513, %get3A_1514] {strides = array<i32>} : memref<104x64xf32, #tpu.memory_space<vmem>>, vector<16xf32>,
        %mul3A_1516 = arith.mulf %get3A_1515, %gather3A_1482 : vector<16xf32>
        %add3A_1517 = arith.addf %add3A_1463, %mul3A_1516 : vector<16xf32>
        %mul3A_1518 = arith.mulf %mul3A_1516, %mul3A_1516 : vector<16xf32>
        %add3A_1519 = arith.addf %add3A_1465, %mul3A_1518 : vector<16xf32>
        %get3A_1520 = arith.constant 0 : i32
        %get3A_1521 = arith.constant 0 : i32
        %get3A_1522 = tpu.memref_slice %arg10[%scan3A_443, %get3A_1520, %get3A_1521] : memref<2x104x64xf32, #tpu.memory_space<vmem>> -> memref<1x104x64xf32, #tpu.memory_space<vmem>>
        %get3A_1523 = tpu.memref_squeeze %get3A_1522 : memref<1x104x64xf32, #tpu.memory_space<vmem>> -> memref<104x64xf32, #tpu.memory_space<vmem>>
        %get3A_1524 = arith.index_cast %add3A_1486 : i32 to index
        %get3A_1525 = arith.constant 48 : index
        %get3A_1526 = tpu.vector_load %get3A_1523[%get3A_1524, %get3A_1525] {strides = array<i32>} : memref<104x64xf32, #tpu.memory_space<vmem>>, vector<16xf32>,
        %mul3A_1527 = arith.mulf %get3A_1526, %gather3A_1482 : vector<16xf32>
        %add3A_1528 = arith.addf %add3A_1474, %mul3A_1527 : vector<16xf32>
        %mul3A_1529 = arith.mulf %mul3A_1527, %mul3A_1527 : vector<16xf32>
        %add3A_1530 = arith.addf %add3A_1476, %mul3A_1529 : vector<16xf32>
        %mul3A_1531 = arith.constant 26 : i32
        %mul3A_1532 = arith.muli %add3A_491, %mul3A_1531 : i32
        %add3A_1533 = arith.constant 19 : i32
        %add3A_1534 = arith.addi %mul3A_1532, %add3A_1533 : i32
        %broadcast_in_dim3A_1535 = vector.broadcast %add3A_1534 : i32 to vector<16xi32>
        %gather3A_1536 = tpu.vector_load_idx %arg8[%broadcast_in_dim3A_1535] : memref<3328xf32, #tpu.memory_space<vmem>>[vector<16xi32>], vector<16xf32>,
        %mul3A_1537 = arith.constant 26 : i32
        %mul3A_1538 = arith.muli %add3A_488, %mul3A_1537 : i32
        %add3A_1539 = arith.constant 19 : i32
        %add3A_1540 = arith.addi %mul3A_1538, %add3A_1539 : i32
        %get3A_1541 = arith.constant 0 : i32
        %get3A_1542 = arith.constant 0 : i32
        %get3A_1543 = tpu.memref_slice %arg10[%scan3A_443, %get3A_1541, %get3A_1542] : memref<2x104x64xf32, #tpu.memory_space<vmem>> -> memref<1x104x64xf32, #tpu.memory_space<vmem>>
        %get3A_1544 = tpu.memref_squeeze %get3A_1543 : memref<1x104x64xf32, #tpu.memory_space<vmem>> -> memref<104x64xf32, #tpu.memory_space<vmem>>
        %get3A_1545 = arith.index_cast %add3A_1540 : i32 to index
        %get3A_1546 = arith.constant 0 : index
        %get3A_1547 = tpu.vector_load %get3A_1544[%get3A_1545, %get3A_1546] {strides = array<i32>} : memref<104x64xf32, #tpu.memory_space<vmem>>, vector<16xf32>,
        %mul3A_1548 = arith.mulf %get3A_1547, %gather3A_1536 : vector<16xf32>
        %add3A_1549 = arith.addf %add3A_1495, %mul3A_1548 : vector<16xf32>
        %mul3A_1550 = arith.mulf %mul3A_1548, %mul3A_1548 : vector<16xf32>
        %add3A_1551 = arith.addf %add3A_1497, %mul3A_1550 : vector<16xf32>
        %get3A_1552 = arith.constant 0 : i32
        %get3A_1553 = arith.constant 0 : i32
        %get3A_1554 = tpu.memref_slice %arg10[%scan3A_443, %get3A_1552, %get3A_1553] : memref<2x104x64xf32, #tpu.memory_space<vmem>> -> memref<1x104x64xf32, #tpu.memory_space<vmem>>
        %get3A_1555 = tpu.memref_squeeze %get3A_1554 : memref<1x104x64xf32, #tpu.memory_space<vmem>> -> memref<104x64xf32, #tpu.memory_space<vmem>>
        %get3A_1556 = arith.index_cast %add3A_1540 : i32 to index
        %get3A_1557 = arith.constant 16 : index
        %get3A_1558 = tpu.vector_load %get3A_1555[%get3A_1556, %get3A_1557] {strides = array<i32>} : memref<104x64xf32, #tpu.memory_space<vmem>>, vector<16xf32>,
        %mul3A_1559 = arith.mulf %get3A_1558, %gather3A_1536 : vector<16xf32>
        %add3A_1560 = arith.addf %add3A_1506, %mul3A_1559 : vector<16xf32>
        %mul3A_1561 = arith.mulf %mul3A_1559, %mul3A_1559 : vector<16xf32>
        %add3A_1562 = arith.addf %add3A_1508, %mul3A_1561 : vector<16xf32>
        %get3A_1563 = arith.constant 0 : i32
        %get3A_1564 = arith.constant 0 : i32
        %get3A_1565 = tpu.memref_slice %arg10[%scan3A_443, %get3A_1563, %get3A_1564] : memref<2x104x64xf32, #tpu.memory_space<vmem>> -> memref<1x104x64xf32, #tpu.memory_space<vmem>>
        %get3A_1566 = tpu.memref_squeeze %get3A_1565 : memref<1x104x64xf32, #tpu.memory_space<vmem>> -> memref<104x64xf32, #tpu.memory_space<vmem>>
        %get3A_1567 = arith.index_cast %add3A_1540 : i32 to index
        %get3A_1568 = arith.constant 32 : index
        %get3A_1569 = tpu.vector_load %get3A_1566[%get3A_1567, %get3A_1568] {strides = array<i32>} : memref<104x64xf32, #tpu.memory_space<vmem>>, vector<16xf32>,
        %mul3A_1570 = arith.mulf %get3A_1569, %gather3A_1536 : vector<16xf32>
        %add3A_1571 = arith.addf %add3A_1517, %mul3A_1570 : vector<16xf32>
        %mul3A_1572 = arith.mulf %mul3A_1570, %mul3A_1570 : vector<16xf32>
        %add3A_1573 = arith.addf %add3A_1519, %mul3A_1572 : vector<16xf32>
        %get3A_1574 = arith.constant 0 : i32
        %get3A_1575 = arith.constant 0 : i32
        %get3A_1576 = tpu.memref_slice %arg10[%scan3A_443, %get3A_1574, %get3A_1575] : memref<2x104x64xf32, #tpu.memory_space<vmem>> -> memref<1x104x64xf32, #tpu.memory_space<vmem>>
        %get3A_1577 = tpu.memref_squeeze %get3A_1576 : memref<1x104x64xf32, #tpu.memory_space<vmem>> -> memref<104x64xf32, #tpu.memory_space<vmem>>
        %get3A_1578 = arith.index_cast %add3A_1540 : i32 to index
        %get3A_1579 = arith.constant 48 : index
        %get3A_1580 = tpu.vector_load %get3A_1577[%get3A_1578, %get3A_1579] {strides = array<i32>} : memref<104x64xf32, #tpu.memory_space<vmem>>, vector<16xf32>,
        %mul3A_1581 = arith.mulf %get3A_1580, %gather3A_1536 : vector<16xf32>
        %add3A_1582 = arith.addf %add3A_1528, %mul3A_1581 : vector<16xf32>
        %mul3A_1583 = arith.mulf %mul3A_1581, %mul3A_1581 : vector<16xf32>
        %add3A_1584 = arith.addf %add3A_1530, %mul3A_1583 : vector<16xf32>
        %mul3A_1585 = arith.constant 26 : i32
        %mul3A_1586 = arith.muli %add3A_491, %mul3A_1585 : i32
        %add3A_1587 = arith.constant 20 : i32
        %add3A_1588 = arith.addi %mul3A_1586, %add3A_1587 : i32
        %broadcast_in_dim3A_1589 = vector.broadcast %add3A_1588 : i32 to vector<16xi32>
        %gather3A_1590 = tpu.vector_load_idx %arg8[%broadcast_in_dim3A_1589] : memref<3328xf32, #tpu.memory_space<vmem>>[vector<16xi32>], vector<16xf32>,
        %mul3A_1591 = arith.constant 26 : i32
        %mul3A_1592 = arith.muli %add3A_488, %mul3A_1591 : i32
        %add3A_1593 = arith.constant 20 : i32
        %add3A_1594 = arith.addi %mul3A_1592, %add3A_1593 : i32
        %get3A_1595 = arith.constant 0 : i32
        %get3A_1596 = arith.constant 0 : i32
        %get3A_1597 = tpu.memref_slice %arg10[%scan3A_443, %get3A_1595, %get3A_1596] : memref<2x104x64xf32, #tpu.memory_space<vmem>> -> memref<1x104x64xf32, #tpu.memory_space<vmem>>
        %get3A_1598 = tpu.memref_squeeze %get3A_1597 : memref<1x104x64xf32, #tpu.memory_space<vmem>> -> memref<104x64xf32, #tpu.memory_space<vmem>>
        %get3A_1599 = arith.index_cast %add3A_1594 : i32 to index
        %get3A_1600 = arith.constant 0 : index
        %get3A_1601 = tpu.vector_load %get3A_1598[%get3A_1599, %get3A_1600] {strides = array<i32>} : memref<104x64xf32, #tpu.memory_space<vmem>>, vector<16xf32>,
        %mul3A_1602 = arith.mulf %get3A_1601, %gather3A_1590 : vector<16xf32>
        %add3A_1603 = arith.addf %add3A_1549, %mul3A_1602 : vector<16xf32>
        %mul3A_1604 = arith.mulf %mul3A_1602, %mul3A_1602 : vector<16xf32>
        %add3A_1605 = arith.addf %add3A_1551, %mul3A_1604 : vector<16xf32>
        %get3A_1606 = arith.constant 0 : i32
        %get3A_1607 = arith.constant 0 : i32
        %get3A_1608 = tpu.memref_slice %arg10[%scan3A_443, %get3A_1606, %get3A_1607] : memref<2x104x64xf32, #tpu.memory_space<vmem>> -> memref<1x104x64xf32, #tpu.memory_space<vmem>>
        %get3A_1609 = tpu.memref_squeeze %get3A_1608 : memref<1x104x64xf32, #tpu.memory_space<vmem>> -> memref<104x64xf32, #tpu.memory_space<vmem>>
        %get3A_1610 = arith.index_cast %add3A_1594 : i32 to index
        %get3A_1611 = arith.constant 16 : index
        %get3A_1612 = tpu.vector_load %get3A_1609[%get3A_1610, %get3A_1611] {strides = array<i32>} : memref<104x64xf32, #tpu.memory_space<vmem>>, vector<16xf32>,
        %mul3A_1613 = arith.mulf %get3A_1612, %gather3A_1590 : vector<16xf32>
        %add3A_1614 = arith.addf %add3A_1560, %mul3A_1613 : vector<16xf32>
        %mul3A_1615 = arith.mulf %mul3A_1613, %mul3A_1613 : vector<16xf32>
        %add3A_1616 = arith.addf %add3A_1562, %mul3A_1615 : vector<16xf32>
        %get3A_1617 = arith.constant 0 : i32
        %get3A_1618 = arith.constant 0 : i32
        %get3A_1619 = tpu.memref_slice %arg10[%scan3A_443, %get3A_1617, %get3A_1618] : memref<2x104x64xf32, #tpu.memory_space<vmem>> -> memref<1x104x64xf32, #tpu.memory_space<vmem>>
        %get3A_1620 = tpu.memref_squeeze %get3A_1619 : memref<1x104x64xf32, #tpu.memory_space<vmem>> -> memref<104x64xf32, #tpu.memory_space<vmem>>
        %get3A_1621 = arith.index_cast %add3A_1594 : i32 to index
        %get3A_1622 = arith.constant 32 : index
        %get3A_1623 = tpu.vector_load %get3A_1620[%get3A_1621, %get3A_1622] {strides = array<i32>} : memref<104x64xf32, #tpu.memory_space<vmem>>, vector<16xf32>,
        %mul3A_1624 = arith.mulf %get3A_1623, %gather3A_1590 : vector<16xf32>
        %add3A_1625 = arith.addf %add3A_1571, %mul3A_1624 : vector<16xf32>
        %mul3A_1626 = arith.mulf %mul3A_1624, %mul3A_1624 : vector<16xf32>
        %add3A_1627 = arith.addf %add3A_1573, %mul3A_1626 : vector<16xf32>
        %get3A_1628 = arith.constant 0 : i32
        %get3A_1629 = arith.constant 0 : i32
        %get3A_1630 = tpu.memref_slice %arg10[%scan3A_443, %get3A_1628, %get3A_1629] : memref<2x104x64xf32, #tpu.memory_space<vmem>> -> memref<1x104x64xf32, #tpu.memory_space<vmem>>
        %get3A_1631 = tpu.memref_squeeze %get3A_1630 : memref<1x104x64xf32, #tpu.memory_space<vmem>> -> memref<104x64xf32, #tpu.memory_space<vmem>>
        %get3A_1632 = arith.index_cast %add3A_1594 : i32 to index
        %get3A_1633 = arith.constant 48 : index
        %get3A_1634 = tpu.vector_load %get3A_1631[%get3A_1632, %get3A_1633] {strides = array<i32>} : memref<104x64xf32, #tpu.memory_space<vmem>>, vector<16xf32>,
        %mul3A_1635 = arith.mulf %get3A_1634, %gather3A_1590 : vector<16xf32>
        %add3A_1636 = arith.addf %add3A_1582, %mul3A_1635 : vector<16xf32>
        %mul3A_1637 = arith.mulf %mul3A_1635, %mul3A_1635 : vector<16xf32>
        %add3A_1638 = arith.addf %add3A_1584, %mul3A_1637 : vector<16xf32>
        %mul3A_1639 = arith.constant 26 : i32
        %mul3A_1640 = arith.muli %add3A_491, %mul3A_1639 : i32
        %add3A_1641 = arith.constant 21 : i32
        %add3A_1642 = arith.addi %mul3A_1640, %add3A_1641 : i32
        %broadcast_in_dim3A_1643 = vector.broadcast %add3A_1642 : i32 to vector<16xi32>
        %gather3A_1644 = tpu.vector_load_idx %arg8[%broadcast_in_dim3A_1643] : memref<3328xf32, #tpu.memory_space<vmem>>[vector<16xi32>], vector<16xf32>,
        %mul3A_1645 = arith.constant 26 : i32
        %mul3A_1646 = arith.muli %add3A_488, %mul3A_1645 : i32
        %add3A_1647 = arith.constant 21 : i32
        %add3A_1648 = arith.addi %mul3A_1646, %add3A_1647 : i32
        %get3A_1649 = arith.constant 0 : i32
        %get3A_1650 = arith.constant 0 : i32
        %get3A_1651 = tpu.memref_slice %arg10[%scan3A_443, %get3A_1649, %get3A_1650] : memref<2x104x64xf32, #tpu.memory_space<vmem>> -> memref<1x104x64xf32, #tpu.memory_space<vmem>>
        %get3A_1652 = tpu.memref_squeeze %get3A_1651 : memref<1x104x64xf32, #tpu.memory_space<vmem>> -> memref<104x64xf32, #tpu.memory_space<vmem>>
        %get3A_1653 = arith.index_cast %add3A_1648 : i32 to index
        %get3A_1654 = arith.constant 0 : index
        %get3A_1655 = tpu.vector_load %get3A_1652[%get3A_1653, %get3A_1654] {strides = array<i32>} : memref<104x64xf32, #tpu.memory_space<vmem>>, vector<16xf32>,
        %mul3A_1656 = arith.mulf %get3A_1655, %gather3A_1644 : vector<16xf32>
        %add3A_1657 = arith.addf %add3A_1603, %mul3A_1656 : vector<16xf32>
        %mul3A_1658 = arith.mulf %mul3A_1656, %mul3A_1656 : vector<16xf32>
        %add3A_1659 = arith.addf %add3A_1605, %mul3A_1658 : vector<16xf32>
        %get3A_1660 = arith.constant 0 : i32
        %get3A_1661 = arith.constant 0 : i32
        %get3A_1662 = tpu.memref_slice %arg10[%scan3A_443, %get3A_1660, %get3A_1661] : memref<2x104x64xf32, #tpu.memory_space<vmem>> -> memref<1x104x64xf32, #tpu.memory_space<vmem>>
        %get3A_1663 = tpu.memref_squeeze %get3A_1662 : memref<1x104x64xf32, #tpu.memory_space<vmem>> -> memref<104x64xf32, #tpu.memory_space<vmem>>
        %get3A_1664 = arith.index_cast %add3A_1648 : i32 to index
        %get3A_1665 = arith.constant 16 : index
        %get3A_1666 = tpu.vector_load %get3A_1663[%get3A_1664, %get3A_1665] {strides = array<i32>} : memref<104x64xf32, #tpu.memory_space<vmem>>, vector<16xf32>,
        %mul3A_1667 = arith.mulf %get3A_1666, %gather3A_1644 : vector<16xf32>
        %add3A_1668 = arith.addf %add3A_1614, %mul3A_1667 : vector<16xf32>
        %mul3A_1669 = arith.mulf %mul3A_1667, %mul3A_1667 : vector<16xf32>
        %add3A_1670 = arith.addf %add3A_1616, %mul3A_1669 : vector<16xf32>
        %get3A_1671 = arith.constant 0 : i32
        %get3A_1672 = arith.constant 0 : i32
        %get3A_1673 = tpu.memref_slice %arg10[%scan3A_443, %get3A_1671, %get3A_1672] : memref<2x104x64xf32, #tpu.memory_space<vmem>> -> memref<1x104x64xf32, #tpu.memory_space<vmem>>
        %get3A_1674 = tpu.memref_squeeze %get3A_1673 : memref<1x104x64xf32, #tpu.memory_space<vmem>> -> memref<104x64xf32, #tpu.memory_space<vmem>>
        %get3A_1675 = arith.index_cast %add3A_1648 : i32 to index
        %get3A_1676 = arith.constant 32 : index
        %get3A_1677 = tpu.vector_load %get3A_1674[%get3A_1675, %get3A_1676] {strides = array<i32>} : memref<104x64xf32, #tpu.memory_space<vmem>>, vector<16xf32>,
        %mul3A_1678 = arith.mulf %get3A_1677, %gather3A_1644 : vector<16xf32>
        %add3A_1679 = arith.addf %add3A_1625, %mul3A_1678 : vector<16xf32>
        %mul3A_1680 = arith.mulf %mul3A_1678, %mul3A_1678 : vector<16xf32>
        %add3A_1681 = arith.addf %add3A_1627, %mul3A_1680 : vector<16xf32>
        %get3A_1682 = arith.constant 0 : i32
        %get3A_1683 = arith.constant 0 : i32
        %get3A_1684 = tpu.memref_slice %arg10[%scan3A_443, %get3A_1682, %get3A_1683] : memref<2x104x64xf32, #tpu.memory_space<vmem>> -> memref<1x104x64xf32, #tpu.memory_space<vmem>>
        %get3A_1685 = tpu.memref_squeeze %get3A_1684 : memref<1x104x64xf32, #tpu.memory_space<vmem>> -> memref<104x64xf32, #tpu.memory_space<vmem>>
        %get3A_1686 = arith.index_cast %add3A_1648 : i32 to index
        %get3A_1687 = arith.constant 48 : index
        %get3A_1688 = tpu.vector_load %get3A_1685[%get3A_1686, %get3A_1687] {strides = array<i32>} : memref<104x64xf32, #tpu.memory_space<vmem>>, vector<16xf32>,
        %mul3A_1689 = arith.mulf %get3A_1688, %gather3A_1644 : vector<16xf32>
        %add3A_1690 = arith.addf %add3A_1636, %mul3A_1689 : vector<16xf32>
        %mul3A_1691 = arith.mulf %mul3A_1689, %mul3A_1689 : vector<16xf32>
        %add3A_1692 = arith.addf %add3A_1638, %mul3A_1691 : vector<16xf32>
        %mul3A_1693 = arith.constant 26 : i32
        %mul3A_1694 = arith.muli %add3A_491, %mul3A_1693 : i32
        %add3A_1695 = arith.constant 22 : i32
        %add3A_1696 = arith.addi %mul3A_1694, %add3A_1695 : i32
        %broadcast_in_dim3A_1697 = vector.broadcast %add3A_1696 : i32 to vector<16xi32>
        %gather3A_1698 = tpu.vector_load_idx %arg8[%broadcast_in_dim3A_1697] : memref<3328xf32, #tpu.memory_space<vmem>>[vector<16xi32>], vector<16xf32>,
        %mul3A_1699 = arith.constant 26 : i32
        %mul3A_1700 = arith.muli %add3A_488, %mul3A_1699 : i32
        %add3A_1701 = arith.constant 22 : i32
        %add3A_1702 = arith.addi %mul3A_1700, %add3A_1701 : i32
        %get3A_1703 = arith.constant 0 : i32
        %get3A_1704 = arith.constant 0 : i32
        %get3A_1705 = tpu.memref_slice %arg10[%scan3A_443, %get3A_1703, %get3A_1704] : memref<2x104x64xf32, #tpu.memory_space<vmem>> -> memref<1x104x64xf32, #tpu.memory_space<vmem>>
        %get3A_1706 = tpu.memref_squeeze %get3A_1705 : memref<1x104x64xf32, #tpu.memory_space<vmem>> -> memref<104x64xf32, #tpu.memory_space<vmem>>
        %get3A_1707 = arith.index_cast %add3A_1702 : i32 to index
        %get3A_1708 = arith.constant 0 : index
        %get3A_1709 = tpu.vector_load %get3A_1706[%get3A_1707, %get3A_1708] {strides = array<i32>} : memref<104x64xf32, #tpu.memory_space<vmem>>, vector<16xf32>,
        %mul3A_1710 = arith.mulf %get3A_1709, %gather3A_1698 : vector<16xf32>
        %add3A_1711 = arith.addf %add3A_1657, %mul3A_1710 : vector<16xf32>
        %mul3A_1712 = arith.mulf %mul3A_1710, %mul3A_1710 : vector<16xf32>
        %add3A_1713 = arith.addf %add3A_1659, %mul3A_1712 : vector<16xf32>
        %get3A_1714 = arith.constant 0 : i32
        %get3A_1715 = arith.constant 0 : i32
        %get3A_1716 = tpu.memref_slice %arg10[%scan3A_443, %get3A_1714, %get3A_1715] : memref<2x104x64xf32, #tpu.memory_space<vmem>> -> memref<1x104x64xf32, #tpu.memory_space<vmem>>
        %get3A_1717 = tpu.memref_squeeze %get3A_1716 : memref<1x104x64xf32, #tpu.memory_space<vmem>> -> memref<104x64xf32, #tpu.memory_space<vmem>>
        %get3A_1718 = arith.index_cast %add3A_1702 : i32 to index
        %get3A_1719 = arith.constant 16 : index
        %get3A_1720 = tpu.vector_load %get3A_1717[%get3A_1718, %get3A_1719] {strides = array<i32>} : memref<104x64xf32, #tpu.memory_space<vmem>>, vector<16xf32>,
        %mul3A_1721 = arith.mulf %get3A_1720, %gather3A_1698 : vector<16xf32>
        %add3A_1722 = arith.addf %add3A_1668, %mul3A_1721 : vector<16xf32>
        %mul3A_1723 = arith.mulf %mul3A_1721, %mul3A_1721 : vector<16xf32>
        %add3A_1724 = arith.addf %add3A_1670, %mul3A_1723 : vector<16xf32>
        %get3A_1725 = arith.constant 0 : i32
        %get3A_1726 = arith.constant 0 : i32
        %get3A_1727 = tpu.memref_slice %arg10[%scan3A_443, %get3A_1725, %get3A_1726] : memref<2x104x64xf32, #tpu.memory_space<vmem>> -> memref<1x104x64xf32, #tpu.memory_space<vmem>>
        %get3A_1728 = tpu.memref_squeeze %get3A_1727 : memref<1x104x64xf32, #tpu.memory_space<vmem>> -> memref<104x64xf32, #tpu.memory_space<vmem>>
        %get3A_1729 = arith.index_cast %add3A_1702 : i32 to index
        %get3A_1730 = arith.constant 32 : index
        %get3A_1731 = tpu.vector_load %get3A_1728[%get3A_1729, %get3A_1730] {strides = array<i32>} : memref<104x64xf32, #tpu.memory_space<vmem>>, vector<16xf32>,
        %mul3A_1732 = arith.mulf %get3A_1731, %gather3A_1698 : vector<16xf32>
        %add3A_1733 = arith.addf %add3A_1679, %mul3A_1732 : vector<16xf32>
        %mul3A_1734 = arith.mulf %mul3A_1732, %mul3A_1732 : vector<16xf32>
        %add3A_1735 = arith.addf %add3A_1681, %mul3A_1734 : vector<16xf32>
        %get3A_1736 = arith.constant 0 : i32
        %get3A_1737 = arith.constant 0 : i32
        %get3A_1738 = tpu.memref_slice %arg10[%scan3A_443, %get3A_1736, %get3A_1737] : memref<2x104x64xf32, #tpu.memory_space<vmem>> -> memref<1x104x64xf32, #tpu.memory_space<vmem>>
        %get3A_1739 = tpu.memref_squeeze %get3A_1738 : memref<1x104x64xf32, #tpu.memory_space<vmem>> -> memref<104x64xf32, #tpu.memory_space<vmem>>
        %get3A_1740 = arith.index_cast %add3A_1702 : i32 to index
        %get3A_1741 = arith.constant 48 : index
        %get3A_1742 = tpu.vector_load %get3A_1739[%get3A_1740, %get3A_1741] {strides = array<i32>} : memref<104x64xf32, #tpu.memory_space<vmem>>, vector<16xf32>,
        %mul3A_1743 = arith.mulf %get3A_1742, %gather3A_1698 : vector<16xf32>
        %add3A_1744 = arith.addf %add3A_1690, %mul3A_1743 : vector<16xf32>
        %mul3A_1745 = arith.mulf %mul3A_1743, %mul3A_1743 : vector<16xf32>
        %add3A_1746 = arith.addf %add3A_1692, %mul3A_1745 : vector<16xf32>
        %mul3A_1747 = arith.constant 26 : i32
        %mul3A_1748 = arith.muli %add3A_491, %mul3A_1747 : i32
        %add3A_1749 = arith.constant 23 : i32
        %add3A_1750 = arith.addi %mul3A_1748, %add3A_1749 : i32
        %broadcast_in_dim3A_1751 = vector.broadcast %add3A_1750 : i32 to vector<16xi32>
        %gather3A_1752 = tpu.vector_load_idx %arg8[%broadcast_in_dim3A_1751] : memref<3328xf32, #tpu.memory_space<vmem>>[vector<16xi32>], vector<16xf32>,
        %mul3A_1753 = arith.constant 26 : i32
        %mul3A_1754 = arith.muli %add3A_488, %mul3A_1753 : i32
        %add3A_1755 = arith.constant 23 : i32
        %add3A_1756 = arith.addi %mul3A_1754, %add3A_1755 : i32
        %get3A_1757 = arith.constant 0 : i32
        %get3A_1758 = arith.constant 0 : i32
        %get3A_1759 = tpu.memref_slice %arg10[%scan3A_443, %get3A_1757, %get3A_1758] : memref<2x104x64xf32, #tpu.memory_space<vmem>> -> memref<1x104x64xf32, #tpu.memory_space<vmem>>
        %get3A_1760 = tpu.memref_squeeze %get3A_1759 : memref<1x104x64xf32, #tpu.memory_space<vmem>> -> memref<104x64xf32, #tpu.memory_space<vmem>>
        %get3A_1761 = arith.index_cast %add3A_1756 : i32 to index
        %get3A_1762 = arith.constant 0 : index
        %get3A_1763 = tpu.vector_load %get3A_1760[%get3A_1761, %get3A_1762] {strides = array<i32>} : memref<104x64xf32, #tpu.memory_space<vmem>>, vector<16xf32>,
        %mul3A_1764 = arith.mulf %get3A_1763, %gather3A_1752 : vector<16xf32>
        %add3A_1765 = arith.addf %add3A_1711, %mul3A_1764 : vector<16xf32>
        %mul3A_1766 = arith.mulf %mul3A_1764, %mul3A_1764 : vector<16xf32>
        %add3A_1767 = arith.addf %add3A_1713, %mul3A_1766 : vector<16xf32>
        %get3A_1768 = arith.constant 0 : i32
        %get3A_1769 = arith.constant 0 : i32
        %get3A_1770 = tpu.memref_slice %arg10[%scan3A_443, %get3A_1768, %get3A_1769] : memref<2x104x64xf32, #tpu.memory_space<vmem>> -> memref<1x104x64xf32, #tpu.memory_space<vmem>>
        %get3A_1771 = tpu.memref_squeeze %get3A_1770 : memref<1x104x64xf32, #tpu.memory_space<vmem>> -> memref<104x64xf32, #tpu.memory_space<vmem>>
        %get3A_1772 = arith.index_cast %add3A_1756 : i32 to index
        %get3A_1773 = arith.constant 16 : index
        %get3A_1774 = tpu.vector_load %get3A_1771[%get3A_1772, %get3A_1773] {strides = array<i32>} : memref<104x64xf32, #tpu.memory_space<vmem>>, vector<16xf32>,
        %mul3A_1775 = arith.mulf %get3A_1774, %gather3A_1752 : vector<16xf32>
        %add3A_1776 = arith.addf %add3A_1722, %mul3A_1775 : vector<16xf32>
        %mul3A_1777 = arith.mulf %mul3A_1775, %mul3A_1775 : vector<16xf32>
        %add3A_1778 = arith.addf %add3A_1724, %mul3A_1777 : vector<16xf32>
        %get3A_1779 = arith.constant 0 : i32
        %get3A_1780 = arith.constant 0 : i32
        %get3A_1781 = tpu.memref_slice %arg10[%scan3A_443, %get3A_1779, %get3A_1780] : memref<2x104x64xf32, #tpu.memory_space<vmem>> -> memref<1x104x64xf32, #tpu.memory_space<vmem>>
        %get3A_1782 = tpu.memref_squeeze %get3A_1781 : memref<1x104x64xf32, #tpu.memory_space<vmem>> -> memref<104x64xf32, #tpu.memory_space<vmem>>
        %get3A_1783 = arith.index_cast %add3A_1756 : i32 to index
        %get3A_1784 = arith.constant 32 : index
        %get3A_1785 = tpu.vector_load %get3A_1782[%get3A_1783, %get3A_1784] {strides = array<i32>} : memref<104x64xf32, #tpu.memory_space<vmem>>, vector<16xf32>,
        %mul3A_1786 = arith.mulf %get3A_1785, %gather3A_1752 : vector<16xf32>
        %add3A_1787 = arith.addf %add3A_1733, %mul3A_1786 : vector<16xf32>
        %mul3A_1788 = arith.mulf %mul3A_1786, %mul3A_1786 : vector<16xf32>
        %add3A_1789 = arith.addf %add3A_1735, %mul3A_1788 : vector<16xf32>
        %get3A_1790 = arith.constant 0 : i32
        %get3A_1791 = arith.constant 0 : i32
        %get3A_1792 = tpu.memref_slice %arg10[%scan3A_443, %get3A_1790, %get3A_1791] : memref<2x104x64xf32, #tpu.memory_space<vmem>> -> memref<1x104x64xf32, #tpu.memory_space<vmem>>
        %get3A_1793 = tpu.memref_squeeze %get3A_1792 : memref<1x104x64xf32, #tpu.memory_space<vmem>> -> memref<104x64xf32, #tpu.memory_space<vmem>>
        %get3A_1794 = arith.index_cast %add3A_1756 : i32 to index
        %get3A_1795 = arith.constant 48 : index
        %get3A_1796 = tpu.vector_load %get3A_1793[%get3A_1794, %get3A_1795] {strides = array<i32>} : memref<104x64xf32, #tpu.memory_space<vmem>>, vector<16xf32>,
        %mul3A_1797 = arith.mulf %get3A_1796, %gather3A_1752 : vector<16xf32>
        %add3A_1798 = arith.addf %add3A_1744, %mul3A_1797 : vector<16xf32>
        %mul3A_1799 = arith.mulf %mul3A_1797, %mul3A_1797 : vector<16xf32>
        %add3A_1800 = arith.addf %add3A_1746, %mul3A_1799 : vector<16xf32>
        %mul3A_1801 = arith.constant 26 : i32
        %mul3A_1802 = arith.muli %add3A_491, %mul3A_1801 : i32
        %add3A_1803 = arith.constant 24 : i32
        %add3A_1804 = arith.addi %mul3A_1802, %add3A_1803 : i32
        %broadcast_in_dim3A_1805 = vector.broadcast %add3A_1804 : i32 to vector<16xi32>
        %gather3A_1806 = tpu.vector_load_idx %arg8[%broadcast_in_dim3A_1805] : memref<3328xf32, #tpu.memory_space<vmem>>[vector<16xi32>], vector<16xf32>,
        %mul3A_1807 = arith.constant 26 : i32
        %mul3A_1808 = arith.muli %add3A_488, %mul3A_1807 : i32
        %add3A_1809 = arith.constant 24 : i32
        %add3A_1810 = arith.addi %mul3A_1808, %add3A_1809 : i32
        %get3A_1811 = arith.constant 0 : i32
        %get3A_1812 = arith.constant 0 : i32
        %get3A_1813 = tpu.memref_slice %arg10[%scan3A_443, %get3A_1811, %get3A_1812] : memref<2x104x64xf32, #tpu.memory_space<vmem>> -> memref<1x104x64xf32, #tpu.memory_space<vmem>>
        %get3A_1814 = tpu.memref_squeeze %get3A_1813 : memref<1x104x64xf32, #tpu.memory_space<vmem>> -> memref<104x64xf32, #tpu.memory_space<vmem>>
        %get3A_1815 = arith.index_cast %add3A_1810 : i32 to index
        %get3A_1816 = arith.constant 0 : index
        %get3A_1817 = tpu.vector_load %get3A_1814[%get3A_1815, %get3A_1816] {strides = array<i32>} : memref<104x64xf32, #tpu.memory_space<vmem>>, vector<16xf32>,
        %mul3A_1818 = arith.mulf %get3A_1817, %gather3A_1806 : vector<16xf32>
        %add3A_1819 = arith.addf %add3A_1765, %mul3A_1818 : vector<16xf32>
        %mul3A_1820 = arith.mulf %mul3A_1818, %mul3A_1818 : vector<16xf32>
        %add3A_1821 = arith.addf %add3A_1767, %mul3A_1820 : vector<16xf32>
        %get3A_1822 = arith.constant 0 : i32
        %get3A_1823 = arith.constant 0 : i32
        %get3A_1824 = tpu.memref_slice %arg10[%scan3A_443, %get3A_1822, %get3A_1823] : memref<2x104x64xf32, #tpu.memory_space<vmem>> -> memref<1x104x64xf32, #tpu.memory_space<vmem>>
        %get3A_1825 = tpu.memref_squeeze %get3A_1824 : memref<1x104x64xf32, #tpu.memory_space<vmem>> -> memref<104x64xf32, #tpu.memory_space<vmem>>
        %get3A_1826 = arith.index_cast %add3A_1810 : i32 to index
        %get3A_1827 = arith.constant 16 : index
        %get3A_1828 = tpu.vector_load %get3A_1825[%get3A_1826, %get3A_1827] {strides = array<i32>} : memref<104x64xf32, #tpu.memory_space<vmem>>, vector<16xf32>,
        %mul3A_1829 = arith.mulf %get3A_1828, %gather3A_1806 : vector<16xf32>
        %add3A_1830 = arith.addf %add3A_1776, %mul3A_1829 : vector<16xf32>
        %mul3A_1831 = arith.mulf %mul3A_1829, %mul3A_1829 : vector<16xf32>
        %add3A_1832 = arith.addf %add3A_1778, %mul3A_1831 : vector<16xf32>
        %get3A_1833 = arith.constant 0 : i32
        %get3A_1834 = arith.constant 0 : i32
        %get3A_1835 = tpu.memref_slice %arg10[%scan3A_443, %get3A_1833, %get3A_1834] : memref<2x104x64xf32, #tpu.memory_space<vmem>> -> memref<1x104x64xf32, #tpu.memory_space<vmem>>
        %get3A_1836 = tpu.memref_squeeze %get3A_1835 : memref<1x104x64xf32, #tpu.memory_space<vmem>> -> memref<104x64xf32, #tpu.memory_space<vmem>>
        %get3A_1837 = arith.index_cast %add3A_1810 : i32 to index
        %get3A_1838 = arith.constant 32 : index
        %get3A_1839 = tpu.vector_load %get3A_1836[%get3A_1837, %get3A_1838] {strides = array<i32>} : memref<104x64xf32, #tpu.memory_space<vmem>>, vector<16xf32>,
        %mul3A_1840 = arith.mulf %get3A_1839, %gather3A_1806 : vector<16xf32>
        %add3A_1841 = arith.addf %add3A_1787, %mul3A_1840 : vector<16xf32>
        %mul3A_1842 = arith.mulf %mul3A_1840, %mul3A_1840 : vector<16xf32>
        %add3A_1843 = arith.addf %add3A_1789, %mul3A_1842 : vector<16xf32>
        %get3A_1844 = arith.constant 0 : i32
        %get3A_1845 = arith.constant 0 : i32
        %get3A_1846 = tpu.memref_slice %arg10[%scan3A_443, %get3A_1844, %get3A_1845] : memref<2x104x64xf32, #tpu.memory_space<vmem>> -> memref<1x104x64xf32, #tpu.memory_space<vmem>>
        %get3A_1847 = tpu.memref_squeeze %get3A_1846 : memref<1x104x64xf32, #tpu.memory_space<vmem>> -> memref<104x64xf32, #tpu.memory_space<vmem>>
        %get3A_1848 = arith.index_cast %add3A_1810 : i32 to index
        %get3A_1849 = arith.constant 48 : index
        %get3A_1850 = tpu.vector_load %get3A_1847[%get3A_1848, %get3A_1849] {strides = array<i32>} : memref<104x64xf32, #tpu.memory_space<vmem>>, vector<16xf32>,
        %mul3A_1851 = arith.mulf %get3A_1850, %gather3A_1806 : vector<16xf32>
        %add3A_1852 = arith.addf %add3A_1798, %mul3A_1851 : vector<16xf32>
        %mul3A_1853 = arith.mulf %mul3A_1851, %mul3A_1851 : vector<16xf32>
        %add3A_1854 = arith.addf %add3A_1800, %mul3A_1853 : vector<16xf32>
        %mul3A_1855 = arith.constant 26 : i32
        %mul3A_1856 = arith.muli %add3A_491, %mul3A_1855 : i32
        %add3A_1857 = arith.constant 25 : i32
        %add3A_1858 = arith.addi %mul3A_1856, %add3A_1857 : i32
        %broadcast_in_dim3A_1859 = vector.broadcast %add3A_1858 : i32 to vector<16xi32>
        %gather3A_1860 = tpu.vector_load_idx %arg8[%broadcast_in_dim3A_1859] : memref<3328xf32, #tpu.memory_space<vmem>>[vector<16xi32>], vector<16xf32>,
        %mul3A_1861 = arith.constant 26 : i32
        %mul3A_1862 = arith.muli %add3A_488, %mul3A_1861 : i32
        %add3A_1863 = arith.constant 25 : i32
        %add3A_1864 = arith.addi %mul3A_1862, %add3A_1863 : i32
        %get3A_1865 = arith.constant 0 : i32
        %get3A_1866 = arith.constant 0 : i32
        %get3A_1867 = tpu.memref_slice %arg10[%scan3A_443, %get3A_1865, %get3A_1866] : memref<2x104x64xf32, #tpu.memory_space<vmem>> -> memref<1x104x64xf32, #tpu.memory_space<vmem>>
        %get3A_1868 = tpu.memref_squeeze %get3A_1867 : memref<1x104x64xf32, #tpu.memory_space<vmem>> -> memref<104x64xf32, #tpu.memory_space<vmem>>
        %get3A_1869 = arith.index_cast %add3A_1864 : i32 to index
        %get3A_1870 = arith.constant 0 : index
        %get3A_1871 = tpu.vector_load %get3A_1868[%get3A_1869, %get3A_1870] {strides = array<i32>} : memref<104x64xf32, #tpu.memory_space<vmem>>, vector<16xf32>,
        %mul3A_1872 = arith.mulf %get3A_1871, %gather3A_1860 : vector<16xf32>
        %add3A_1873 = arith.addf %add3A_1819, %mul3A_1872 : vector<16xf32>
        %mul3A_1874 = arith.mulf %mul3A_1872, %mul3A_1872 : vector<16xf32>
        %add3A_1875 = arith.addf %add3A_1821, %mul3A_1874 : vector<16xf32>
        %get3A_1876 = arith.constant 0 : i32
        %get3A_1877 = arith.constant 0 : i32
        %get3A_1878 = tpu.memref_slice %arg10[%scan3A_443, %get3A_1876, %get3A_1877] : memref<2x104x64xf32, #tpu.memory_space<vmem>> -> memref<1x104x64xf32, #tpu.memory_space<vmem>>
        %get3A_1879 = tpu.memref_squeeze %get3A_1878 : memref<1x104x64xf32, #tpu.memory_space<vmem>> -> memref<104x64xf32, #tpu.memory_space<vmem>>
        %get3A_1880 = arith.index_cast %add3A_1864 : i32 to index
        %get3A_1881 = arith.constant 16 : index
        %get3A_1882 = tpu.vector_load %get3A_1879[%get3A_1880, %get3A_1881] {strides = array<i32>} : memref<104x64xf32, #tpu.memory_space<vmem>>, vector<16xf32>,
        %mul3A_1883 = arith.mulf %get3A_1882, %gather3A_1860 : vector<16xf32>
        %add3A_1884 = arith.addf %add3A_1830, %mul3A_1883 : vector<16xf32>
        %mul3A_1885 = arith.mulf %mul3A_1883, %mul3A_1883 : vector<16xf32>
        %add3A_1886 = arith.addf %add3A_1832, %mul3A_1885 : vector<16xf32>
        %get3A_1887 = arith.constant 0 : i32
        %get3A_1888 = arith.constant 0 : i32
        %get3A_1889 = tpu.memref_slice %arg10[%scan3A_443, %get3A_1887, %get3A_1888] : memref<2x104x64xf32, #tpu.memory_space<vmem>> -> memref<1x104x64xf32, #tpu.memory_space<vmem>>
        %get3A_1890 = tpu.memref_squeeze %get3A_1889 : memref<1x104x64xf32, #tpu.memory_space<vmem>> -> memref<104x64xf32, #tpu.memory_space<vmem>>
        %get3A_1891 = arith.index_cast %add3A_1864 : i32 to index
        %get3A_1892 = arith.constant 32 : index
        %get3A_1893 = tpu.vector_load %get3A_1890[%get3A_1891, %get3A_1892] {strides = array<i32>} : memref<104x64xf32, #tpu.memory_space<vmem>>, vector<16xf32>,
        %mul3A_1894 = arith.mulf %get3A_1893, %gather3A_1860 : vector<16xf32>
        %add3A_1895 = arith.addf %add3A_1841, %mul3A_1894 : vector<16xf32>
        %mul3A_1896 = arith.mulf %mul3A_1894, %mul3A_1894 : vector<16xf32>
        %add3A_1897 = arith.addf %add3A_1843, %mul3A_1896 : vector<16xf32>
        %get3A_1898 = arith.constant 0 : i32
        %get3A_1899 = arith.constant 0 : i32
        %get3A_1900 = tpu.memref_slice %arg10[%scan3A_443, %get3A_1898, %get3A_1899] : memref<2x104x64xf32, #tpu.memory_space<vmem>> -> memref<1x104x64xf32, #tpu.memory_space<vmem>>
        %get3A_1901 = tpu.memref_squeeze %get3A_1900 : memref<1x104x64xf32, #tpu.memory_space<vmem>> -> memref<104x64xf32, #tpu.memory_space<vmem>>
        %get3A_1902 = arith.index_cast %add3A_1864 : i32 to index
        %get3A_1903 = arith.constant 48 : index
        %get3A_1904 = tpu.vector_load %get3A_1901[%get3A_1902, %get3A_1903] {strides = array<i32>} : memref<104x64xf32, #tpu.memory_space<vmem>>, vector<16xf32>,
        %mul3A_1905 = arith.mulf %get3A_1904, %gather3A_1860 : vector<16xf32>
        %add3A_1906 = arith.addf %add3A_1852, %mul3A_1905 : vector<16xf32>
        %mul3A_1907 = arith.mulf %mul3A_1905, %mul3A_1905 : vector<16xf32>
        %add3A_1908 = arith.addf %add3A_1854, %mul3A_1907 : vector<16xf32>
        %mul3A_1909 = arith.mulf %add3A_1873, %add3A_1873 : vector<16xf32>
        %sub3A = arith.subf %mul3A_1909, %add3A_1875 : vector<16xf32>
        %mul3A_1910 = arith.constant 5.000000e-01 : f32
        %mul3A_1911 = vector.broadcast %mul3A_1910 : f32 to vector<16xf32>
        %mul3A_1912 = arith.mulf %mul3A_1911, %sub3A : vector<16xf32>
        %swap3A = arith.index_cast %add3A_491 : i32 to index
        %swap3A_1913 = arith.constant 0 : index
        %swap3A_1914 = tpu.vector_load %arg11[%swap3A, %swap3A_1913] {strides = array<i32>} : memref<128x128xf32, #tpu.memory_space<vmem>>, vector<16xf32>,
        tpu.vector_store %arg11[%swap3A, %swap3A_1913], %mul3A_1912 {strides = array<i32>} : memref<128x128xf32, #tpu.memory_space<vmem>>, vector<16xf32>,
        %mul3A_1915 = arith.mulf %add3A_1884, %add3A_1884 : vector<16xf32>
        %sub3A_1916 = arith.subf %mul3A_1915, %add3A_1886 : vector<16xf32>
        %mul3A_1917 = arith.constant 5.000000e-01 : f32
        %mul3A_1918 = vector.broadcast %mul3A_1917 : f32 to vector<16xf32>
        %mul3A_1919 = arith.mulf %mul3A_1918, %sub3A_1916 : vector<16xf32>
        %swap3A_1920 = arith.index_cast %add3A_491 : i32 to index
        %swap3A_1921 = arith.constant 16 : index
        %swap3A_1922 = tpu.vector_load %arg11[%swap3A_1920, %swap3A_1921] {strides = array<i32>} : memref<128x128xf32, #tpu.memory_space<vmem>>, vector<16xf32>,
        tpu.vector_store %arg11[%swap3A_1920, %swap3A_1921], %mul3A_1919 {strides = array<i32>} : memref<128x128xf32, #tpu.memory_space<vmem>>, vector<16xf32>,
        %mul3A_1923 = arith.mulf %add3A_1895, %add3A_1895 : vector<16xf32>
        %sub3A_1924 = arith.subf %mul3A_1923, %add3A_1897 : vector<16xf32>
        %mul3A_1925 = arith.constant 5.000000e-01 : f32
        %mul3A_1926 = vector.broadcast %mul3A_1925 : f32 to vector<16xf32>
        %mul3A_1927 = arith.mulf %mul3A_1926, %sub3A_1924 : vector<16xf32>
        %swap3A_1928 = arith.index_cast %add3A_491 : i32 to index
        %swap3A_1929 = arith.constant 32 : index
        %swap3A_1930 = tpu.vector_load %arg11[%swap3A_1928, %swap3A_1929] {strides = array<i32>} : memref<128x128xf32, #tpu.memory_space<vmem>>, vector<16xf32>,
        tpu.vector_store %arg11[%swap3A_1928, %swap3A_1929], %mul3A_1927 {strides = array<i32>} : memref<128x128xf32, #tpu.memory_space<vmem>>, vector<16xf32>,
        %mul3A_1931 = arith.mulf %add3A_1906, %add3A_1906 : vector<16xf32>
        %sub3A_1932 = arith.subf %mul3A_1931, %add3A_1908 : vector<16xf32>
        %mul3A_1933 = arith.constant 5.000000e-01 : f32
        %mul3A_1934 = vector.broadcast %mul3A_1933 : f32 to vector<16xf32>
        %mul3A_1935 = arith.mulf %mul3A_1934, %sub3A_1932 : vector<16xf32>
        %swap3A_1936 = arith.index_cast %add3A_491 : i32 to index
        %swap3A_1937 = arith.constant 48 : index
        %swap3A_1938 = tpu.vector_load %arg11[%swap3A_1936, %swap3A_1937] {strides = array<i32>} : memref<128x128xf32, #tpu.memory_space<vmem>>, vector<16xf32>,
        tpu.vector_store %arg11[%swap3A_1936, %swap3A_1937], %mul3A_1935 {strides = array<i32>} : memref<128x128xf32, #tpu.memory_space<vmem>>, vector<16xf32>,
      }
      %scan3A_448 = arith.constant 4 : i32
      %add3A_449 = arith.constant 2 : i32
      %add3A_450 = arith.addi %add3A_430, %add3A_449 : i32
      %lt3A = arith.constant 32 : i32
      %lt3A_451 = arith.cmpi slt, %add3A_450, %lt3A : i32
      %convert_element_type3A_452 = arith.extui %lt3A_451 : i1 to i32
      %cond3A_453 = arith.constant 0 : i32
      %cond3A_454 = arith.cmpi ne, %convert_element_type3A_452, %cond3A_453 : i32
      scf.if %cond3A_454 {
        %add3A_484 = arith.constant 2 : i32
        %add3A_485 = arith.addi %add3A_430, %add3A_484 : i32
        %mul3A_486 = arith.constant 104 : i32
        %mul3A_487 = arith.muli %add3A_485, %mul3A_486 : i32
        %multiple_of3A_488 = tpu.assume_multiple %mul3A_487, 8 : i32
        %dma_start3A_489 = arith.constant 0 : i32
        %dma_start3A_490 = arith.constant 0 : i32
        %dma_start3A_491 = arith.constant 0 : i32
        %dma_start3A_492 = tpu.memref_slice %arg10[%dma_start3A_489, %dma_start3A_490, %dma_start3A_491] : memref<2x104x64xf32, #tpu.memory_space<vmem>> -> memref<1x104x64xf32, #tpu.memory_space<vmem>>
        %dma_start3A_493 = tpu.memref_squeeze %dma_start3A_492 : memref<1x104x64xf32, #tpu.memory_space<vmem>> -> memref<104x64xf32, #tpu.memory_space<vmem>>
        %dma_start3A_494 = tpu.memref_slice %arg7[%multiple_of3A_488] : memref<3328xi32, #tpu.memory_space<vmem>> -> memref<104xi32, #tpu.memory_space<vmem>>
        %dma_start3A_495 = arith.constant 0 : i32
        %dma_start3A_496 = arith.constant 0 : i32
        %dma_start3A_497 = tpu.memref_slice %arg4[%dma_start3A_495, %dma_start3A_496] : memref<100000x64xf32, #tpu.memory_space<hbm>> -> memref<100000x64xf32, #tpu.memory_space<hbm>>
        tpu.enqueue_indirect_dma source(%dma_start3A_497 : memref<100000x64xf32, #tpu.memory_space<hbm>>) target(%dma_start3A_493 : memref<104x64xf32, #tpu.memory_space<vmem>>) offsets(%dma_start3A_494 : memref<104xi32, #tpu.memory_space<vmem>>) semaphore(%arg13 : memref<!tpu.dma_semaphore, #tpu.memory_space<semaphore_mem>>)
      } else {
      }
      %add3A_455 = arith.constant 1 : i32
      %add3A_456 = arith.addi %add3A_430, %add3A_455 : i32
      %mul3A_457 = arith.constant 104 : i32
      %mul3A_458 = arith.muli %add3A_456, %mul3A_457 : i32
      %multiple_of3A_459 = tpu.assume_multiple %mul3A_458, 8 : i32
      %dma_wait3A_460 = arith.constant 1 : i32
      %dma_wait3A_461 = arith.constant 0 : i32
      %dma_wait3A_462 = arith.constant 0 : i32
      %dma_wait3A_463 = tpu.memref_slice %arg10[%dma_wait3A_460, %dma_wait3A_461, %dma_wait3A_462] : memref<2x104x64xf32, #tpu.memory_space<vmem>> -> memref<1x104x64xf32, #tpu.memory_space<vmem>>
      %dma_wait3A_464 = tpu.memref_squeeze %dma_wait3A_463 : memref<1x104x64xf32, #tpu.memory_space<vmem>> -> memref<104x64xf32, #tpu.memory_space<vmem>>
      %dma_wait3A_465 = tpu.memref_slice %arg7[%multiple_of3A_459] : memref<3328xi32, #tpu.memory_space<vmem>> -> memref<104xi32, #tpu.memory_space<vmem>>
      %dma_wait3A_466 = arith.constant 0 : i32
      %dma_wait3A_467 = arith.constant 0 : i32
      %dma_wait3A_468 = tpu.memref_slice %arg4[%dma_wait3A_466, %dma_wait3A_467] : memref<100000x64xf32, #tpu.memory_space<hbm>> -> memref<100000x64xf32, #tpu.memory_space<hbm>>
      tpu.wait_indirect_dma semaphore(%arg14 : memref<!tpu.dma_semaphore, #tpu.memory_space<semaphore_mem>>) src(%dma_wait3A_468 : memref<100000x64xf32, #tpu.memory_space<hbm>>) dst(%dma_wait3A_464 : memref<104x64xf32, #tpu.memory_space<vmem>>)
      %add3A_469 = arith.constant 1 : i32
      %add3A_470 = arith.addi %add3A_430, %add3A_469 : i32
      %scan3A_471 = arith.constant 1 : i32
      %scan3A_472 = arith.constant 0 : i32
      %scan3A_473 = arith.constant 4 : i32
      %scan3A_474 = arith.addi %scan3A_472, %scan3A_473 : i32
      %scan3A_475 = arith.constant 1 : i32
      scf.for %scan3A_484 = %scan3A_472 to %scan3A_474 step %scan3A_475  : i32 {
        %mul3A_485 = arith.constant 1 : i32
        %mul3A_486 = arith.muli %scan3A_484, %mul3A_485 : i32
        %add3A_487 = arith.constant 0 : i32
        %add3A_488 = arith.addi %add3A_487, %mul3A_486 : i32
        %mul3A_489 = arith.constant 4 : i32
        %mul3A_490 = arith.muli %add3A_470, %mul3A_489 : i32
        %add3A_491 = arith.addi %mul3A_490, %add3A_488 : i32
        %broadcast_in_dim3A = arith.constant 0.000000e+00 : f32
        %broadcast_in_dim3A_492 = vector.broadcast %broadcast_in_dim3A : f32 to vector<16xf32>
        %broadcast_in_dim3A_493 = arith.constant 0.000000e+00 : f32
        %broadcast_in_dim3A_494 = vector.broadcast %broadcast_in_dim3A_493 : f32 to vector<16xf32>
        %broadcast_in_dim3A_495 = arith.constant 0.000000e+00 : f32
        %broadcast_in_dim3A_496 = vector.broadcast %broadcast_in_dim3A_495 : f32 to vector<16xf32>
        %broadcast_in_dim3A_497 = arith.constant 0.000000e+00 : f32
        %broadcast_in_dim3A_498 = vector.broadcast %broadcast_in_dim3A_497 : f32 to vector<16xf32>
        %broadcast_in_dim3A_499 = arith.constant 0.000000e+00 : f32
        %broadcast_in_dim3A_500 = vector.broadcast %broadcast_in_dim3A_499 : f32 to vector<16xf32>
        %broadcast_in_dim3A_501 = arith.constant 0.000000e+00 : f32
        %broadcast_in_dim3A_502 = vector.broadcast %broadcast_in_dim3A_501 : f32 to vector<16xf32>
        %broadcast_in_dim3A_503 = arith.constant 0.000000e+00 : f32
        %broadcast_in_dim3A_504 = vector.broadcast %broadcast_in_dim3A_503 : f32 to vector<16xf32>
        %broadcast_in_dim3A_505 = arith.constant 0.000000e+00 : f32
        %broadcast_in_dim3A_506 = vector.broadcast %broadcast_in_dim3A_505 : f32 to vector<16xf32>
        %mul3A_507 = arith.constant 26 : i32
        %mul3A_508 = arith.muli %add3A_491, %mul3A_507 : i32
        %add3A_509 = arith.constant 0 : i32
        %add3A_510 = arith.addi %mul3A_508, %add3A_509 : i32
        %broadcast_in_dim3A_511 = vector.broadcast %add3A_510 : i32 to vector<16xi32>
        %gather3A = tpu.vector_load_idx %arg8[%broadcast_in_dim3A_511] : memref<3328xf32, #tpu.memory_space<vmem>>[vector<16xi32>], vector<16xf32>,
        %mul3A_512 = arith.constant 26 : i32
        %mul3A_513 = arith.muli %add3A_488, %mul3A_512 : i32
        %add3A_514 = arith.constant 0 : i32
        %add3A_515 = arith.addi %mul3A_513, %add3A_514 : i32
        %get3A = arith.constant 0 : i32
        %get3A_516 = arith.constant 0 : i32
        %get3A_517 = tpu.memref_slice %arg10[%scan3A_471, %get3A, %get3A_516] : memref<2x104x64xf32, #tpu.memory_space<vmem>> -> memref<1x104x64xf32, #tpu.memory_space<vmem>>
        %get3A_518 = tpu.memref_squeeze %get3A_517 : memref<1x104x64xf32, #tpu.memory_space<vmem>> -> memref<104x64xf32, #tpu.memory_space<vmem>>
        %get3A_519 = arith.index_cast %add3A_515 : i32 to index
        %get3A_520 = arith.constant 0 : index
        %get3A_521 = tpu.vector_load %get3A_518[%get3A_519, %get3A_520] {strides = array<i32>} : memref<104x64xf32, #tpu.memory_space<vmem>>, vector<16xf32>,
        %mul3A_522 = arith.mulf %get3A_521, %gather3A : vector<16xf32>
        %add3A_523 = arith.addf %broadcast_in_dim3A_492, %mul3A_522 : vector<16xf32>
        %mul3A_524 = arith.mulf %mul3A_522, %mul3A_522 : vector<16xf32>
        %add3A_525 = arith.addf %broadcast_in_dim3A_500, %mul3A_524 : vector<16xf32>
        %get3A_526 = arith.constant 0 : i32
        %get3A_527 = arith.constant 0 : i32
        %get3A_528 = tpu.memref_slice %arg10[%scan3A_471, %get3A_526, %get3A_527] : memref<2x104x64xf32, #tpu.memory_space<vmem>> -> memref<1x104x64xf32, #tpu.memory_space<vmem>>
        %get3A_529 = tpu.memref_squeeze %get3A_528 : memref<1x104x64xf32, #tpu.memory_space<vmem>> -> memref<104x64xf32, #tpu.memory_space<vmem>>
        %get3A_530 = arith.index_cast %add3A_515 : i32 to index
        %get3A_531 = arith.constant 16 : index
        %get3A_532 = tpu.vector_load %get3A_529[%get3A_530, %get3A_531] {strides = array<i32>} : memref<104x64xf32, #tpu.memory_space<vmem>>, vector<16xf32>,
        %mul3A_533 = arith.mulf %get3A_532, %gather3A : vector<16xf32>
        %add3A_534 = arith.addf %broadcast_in_dim3A_494, %mul3A_533 : vector<16xf32>
        %mul3A_535 = arith.mulf %mul3A_533, %mul3A_533 : vector<16xf32>
        %add3A_536 = arith.addf %broadcast_in_dim3A_502, %mul3A_535 : vector<16xf32>
        %get3A_537 = arith.constant 0 : i32
        %get3A_538 = arith.constant 0 : i32
        %get3A_539 = tpu.memref_slice %arg10[%scan3A_471, %get3A_537, %get3A_538] : memref<2x104x64xf32, #tpu.memory_space<vmem>> -> memref<1x104x64xf32, #tpu.memory_space<vmem>>
        %get3A_540 = tpu.memref_squeeze %get3A_539 : memref<1x104x64xf32, #tpu.memory_space<vmem>> -> memref<104x64xf32, #tpu.memory_space<vmem>>
        %get3A_541 = arith.index_cast %add3A_515 : i32 to index
        %get3A_542 = arith.constant 32 : index
        %get3A_543 = tpu.vector_load %get3A_540[%get3A_541, %get3A_542] {strides = array<i32>} : memref<104x64xf32, #tpu.memory_space<vmem>>, vector<16xf32>,
        %mul3A_544 = arith.mulf %get3A_543, %gather3A : vector<16xf32>
        %add3A_545 = arith.addf %broadcast_in_dim3A_496, %mul3A_544 : vector<16xf32>
        %mul3A_546 = arith.mulf %mul3A_544, %mul3A_544 : vector<16xf32>
        %add3A_547 = arith.addf %broadcast_in_dim3A_504, %mul3A_546 : vector<16xf32>
        %get3A_548 = arith.constant 0 : i32
        %get3A_549 = arith.constant 0 : i32
        %get3A_550 = tpu.memref_slice %arg10[%scan3A_471, %get3A_548, %get3A_549] : memref<2x104x64xf32, #tpu.memory_space<vmem>> -> memref<1x104x64xf32, #tpu.memory_space<vmem>>
        %get3A_551 = tpu.memref_squeeze %get3A_550 : memref<1x104x64xf32, #tpu.memory_space<vmem>> -> memref<104x64xf32, #tpu.memory_space<vmem>>
        %get3A_552 = arith.index_cast %add3A_515 : i32 to index
        %get3A_553 = arith.constant 48 : index
        %get3A_554 = tpu.vector_load %get3A_551[%get3A_552, %get3A_553] {strides = array<i32>} : memref<104x64xf32, #tpu.memory_space<vmem>>, vector<16xf32>,
        %mul3A_555 = arith.mulf %get3A_554, %gather3A : vector<16xf32>
        %add3A_556 = arith.addf %broadcast_in_dim3A_498, %mul3A_555 : vector<16xf32>
        %mul3A_557 = arith.mulf %mul3A_555, %mul3A_555 : vector<16xf32>
        %add3A_558 = arith.addf %broadcast_in_dim3A_506, %mul3A_557 : vector<16xf32>
        %mul3A_559 = arith.constant 26 : i32
        %mul3A_560 = arith.muli %add3A_491, %mul3A_559 : i32
        %add3A_561 = arith.constant 1 : i32
        %add3A_562 = arith.addi %mul3A_560, %add3A_561 : i32
        %broadcast_in_dim3A_563 = vector.broadcast %add3A_562 : i32 to vector<16xi32>
        %gather3A_564 = tpu.vector_load_idx %arg8[%broadcast_in_dim3A_563] : memref<3328xf32, #tpu.memory_space<vmem>>[vector<16xi32>], vector<16xf32>,
        %mul3A_565 = arith.constant 26 : i32
        %mul3A_566 = arith.muli %add3A_488, %mul3A_565 : i32
        %add3A_567 = arith.constant 1 : i32
        %add3A_568 = arith.addi %mul3A_566, %add3A_567 : i32
        %get3A_569 = arith.constant 0 : i32
        %get3A_570 = arith.constant 0 : i32
        %get3A_571 = tpu.memref_slice %arg10[%scan3A_471, %get3A_569, %get3A_570] : memref<2x104x64xf32, #tpu.memory_space<vmem>> -> memref<1x104x64xf32, #tpu.memory_space<vmem>>
        %get3A_572 = tpu.memref_squeeze %get3A_571 : memref<1x104x64xf32, #tpu.memory_space<vmem>> -> memref<104x64xf32, #tpu.memory_space<vmem>>
        %get3A_573 = arith.index_cast %add3A_568 : i32 to index
        %get3A_574 = arith.constant 0 : index
        %get3A_575 = tpu.vector_load %get3A_572[%get3A_573, %get3A_574] {strides = array<i32>} : memref<104x64xf32, #tpu.memory_space<vmem>>, vector<16xf32>,
        %mul3A_576 = arith.mulf %get3A_575, %gather3A_564 : vector<16xf32>
        %add3A_577 = arith.addf %add3A_523, %mul3A_576 : vector<16xf32>
        %mul3A_578 = arith.mulf %mul3A_576, %mul3A_576 : vector<16xf32>
        %add3A_579 = arith.addf %add3A_525, %mul3A_578 : vector<16xf32>
        %get3A_580 = arith.constant 0 : i32
        %get3A_581 = arith.constant 0 : i32
        %get3A_582 = tpu.memref_slice %arg10[%scan3A_471, %get3A_580, %get3A_581] : memref<2x104x64xf32, #tpu.memory_space<vmem>> -> memref<1x104x64xf32, #tpu.memory_space<vmem>>
        %get3A_583 = tpu.memref_squeeze %get3A_582 : memref<1x104x64xf32, #tpu.memory_space<vmem>> -> memref<104x64xf32, #tpu.memory_space<vmem>>
        %get3A_584 = arith.index_cast %add3A_568 : i32 to index
        %get3A_585 = arith.constant 16 : index
        %get3A_586 = tpu.vector_load %get3A_583[%get3A_584, %get3A_585] {strides = array<i32>} : memref<104x64xf32, #tpu.memory_space<vmem>>, vector<16xf32>,
        %mul3A_587 = arith.mulf %get3A_586, %gather3A_564 : vector<16xf32>
        %add3A_588 = arith.addf %add3A_534, %mul3A_587 : vector<16xf32>
        %mul3A_589 = arith.mulf %mul3A_587, %mul3A_587 : vector<16xf32>
        %add3A_590 = arith.addf %add3A_536, %mul3A_589 : vector<16xf32>
        %get3A_591 = arith.constant 0 : i32
        %get3A_592 = arith.constant 0 : i32
        %get3A_593 = tpu.memref_slice %arg10[%scan3A_471, %get3A_591, %get3A_592] : memref<2x104x64xf32, #tpu.memory_space<vmem>> -> memref<1x104x64xf32, #tpu.memory_space<vmem>>
        %get3A_594 = tpu.memref_squeeze %get3A_593 : memref<1x104x64xf32, #tpu.memory_space<vmem>> -> memref<104x64xf32, #tpu.memory_space<vmem>>
        %get3A_595 = arith.index_cast %add3A_568 : i32 to index
        %get3A_596 = arith.constant 32 : index
        %get3A_597 = tpu.vector_load %get3A_594[%get3A_595, %get3A_596] {strides = array<i32>} : memref<104x64xf32, #tpu.memory_space<vmem>>, vector<16xf32>,
        %mul3A_598 = arith.mulf %get3A_597, %gather3A_564 : vector<16xf32>
        %add3A_599 = arith.addf %add3A_545, %mul3A_598 : vector<16xf32>
        %mul3A_600 = arith.mulf %mul3A_598, %mul3A_598 : vector<16xf32>
        %add3A_601 = arith.addf %add3A_547, %mul3A_600 : vector<16xf32>
        %get3A_602 = arith.constant 0 : i32
        %get3A_603 = arith.constant 0 : i32
        %get3A_604 = tpu.memref_slice %arg10[%scan3A_471, %get3A_602, %get3A_603] : memref<2x104x64xf32, #tpu.memory_space<vmem>> -> memref<1x104x64xf32, #tpu.memory_space<vmem>>
        %get3A_605 = tpu.memref_squeeze %get3A_604 : memref<1x104x64xf32, #tpu.memory_space<vmem>> -> memref<104x64xf32, #tpu.memory_space<vmem>>
        %get3A_606 = arith.index_cast %add3A_568 : i32 to index
        %get3A_607 = arith.constant 48 : index
        %get3A_608 = tpu.vector_load %get3A_605[%get3A_606, %get3A_607] {strides = array<i32>} : memref<104x64xf32, #tpu.memory_space<vmem>>, vector<16xf32>,
        %mul3A_609 = arith.mulf %get3A_608, %gather3A_564 : vector<16xf32>
        %add3A_610 = arith.addf %add3A_556, %mul3A_609 : vector<16xf32>
        %mul3A_611 = arith.mulf %mul3A_609, %mul3A_609 : vector<16xf32>
        %add3A_612 = arith.addf %add3A_558, %mul3A_611 : vector<16xf32>
        %mul3A_613 = arith.constant 26 : i32
        %mul3A_614 = arith.muli %add3A_491, %mul3A_613 : i32
        %add3A_615 = arith.constant 2 : i32
        %add3A_616 = arith.addi %mul3A_614, %add3A_615 : i32
        %broadcast_in_dim3A_617 = vector.broadcast %add3A_616 : i32 to vector<16xi32>
        %gather3A_618 = tpu.vector_load_idx %arg8[%broadcast_in_dim3A_617] : memref<3328xf32, #tpu.memory_space<vmem>>[vector<16xi32>], vector<16xf32>,
        %mul3A_619 = arith.constant 26 : i32
        %mul3A_620 = arith.muli %add3A_488, %mul3A_619 : i32
        %add3A_621 = arith.constant 2 : i32
        %add3A_622 = arith.addi %mul3A_620, %add3A_621 : i32
        %get3A_623 = arith.constant 0 : i32
        %get3A_624 = arith.constant 0 : i32
        %get3A_625 = tpu.memref_slice %arg10[%scan3A_471, %get3A_623, %get3A_624] : memref<2x104x64xf32, #tpu.memory_space<vmem>> -> memref<1x104x64xf32, #tpu.memory_space<vmem>>
        %get3A_626 = tpu.memref_squeeze %get3A_625 : memref<1x104x64xf32, #tpu.memory_space<vmem>> -> memref<104x64xf32, #tpu.memory_space<vmem>>
        %get3A_627 = arith.index_cast %add3A_622 : i32 to index
        %get3A_628 = arith.constant 0 : index
        %get3A_629 = tpu.vector_load %get3A_626[%get3A_627, %get3A_628] {strides = array<i32>} : memref<104x64xf32, #tpu.memory_space<vmem>>, vector<16xf32>,
        %mul3A_630 = arith.mulf %get3A_629, %gather3A_618 : vector<16xf32>
        %add3A_631 = arith.addf %add3A_577, %mul3A_630 : vector<16xf32>
        %mul3A_632 = arith.mulf %mul3A_630, %mul3A_630 : vector<16xf32>
        %add3A_633 = arith.addf %add3A_579, %mul3A_632 : vector<16xf32>
        %get3A_634 = arith.constant 0 : i32
        %get3A_635 = arith.constant 0 : i32
        %get3A_636 = tpu.memref_slice %arg10[%scan3A_471, %get3A_634, %get3A_635] : memref<2x104x64xf32, #tpu.memory_space<vmem>> -> memref<1x104x64xf32, #tpu.memory_space<vmem>>
        %get3A_637 = tpu.memref_squeeze %get3A_636 : memref<1x104x64xf32, #tpu.memory_space<vmem>> -> memref<104x64xf32, #tpu.memory_space<vmem>>
        %get3A_638 = arith.index_cast %add3A_622 : i32 to index
        %get3A_639 = arith.constant 16 : index
        %get3A_640 = tpu.vector_load %get3A_637[%get3A_638, %get3A_639] {strides = array<i32>} : memref<104x64xf32, #tpu.memory_space<vmem>>, vector<16xf32>,
        %mul3A_641 = arith.mulf %get3A_640, %gather3A_618 : vector<16xf32>
        %add3A_642 = arith.addf %add3A_588, %mul3A_641 : vector<16xf32>
        %mul3A_643 = arith.mulf %mul3A_641, %mul3A_641 : vector<16xf32>
        %add3A_644 = arith.addf %add3A_590, %mul3A_643 : vector<16xf32>
        %get3A_645 = arith.constant 0 : i32
        %get3A_646 = arith.constant 0 : i32
        %get3A_647 = tpu.memref_slice %arg10[%scan3A_471, %get3A_645, %get3A_646] : memref<2x104x64xf32, #tpu.memory_space<vmem>> -> memref<1x104x64xf32, #tpu.memory_space<vmem>>
        %get3A_648 = tpu.memref_squeeze %get3A_647 : memref<1x104x64xf32, #tpu.memory_space<vmem>> -> memref<104x64xf32, #tpu.memory_space<vmem>>
        %get3A_649 = arith.index_cast %add3A_622 : i32 to index
        %get3A_650 = arith.constant 32 : index
        %get3A_651 = tpu.vector_load %get3A_648[%get3A_649, %get3A_650] {strides = array<i32>} : memref<104x64xf32, #tpu.memory_space<vmem>>, vector<16xf32>,
        %mul3A_652 = arith.mulf %get3A_651, %gather3A_618 : vector<16xf32>
        %add3A_653 = arith.addf %add3A_599, %mul3A_652 : vector<16xf32>
        %mul3A_654 = arith.mulf %mul3A_652, %mul3A_652 : vector<16xf32>
        %add3A_655 = arith.addf %add3A_601, %mul3A_654 : vector<16xf32>
        %get3A_656 = arith.constant 0 : i32
        %get3A_657 = arith.constant 0 : i32
        %get3A_658 = tpu.memref_slice %arg10[%scan3A_471, %get3A_656, %get3A_657] : memref<2x104x64xf32, #tpu.memory_space<vmem>> -> memref<1x104x64xf32, #tpu.memory_space<vmem>>
        %get3A_659 = tpu.memref_squeeze %get3A_658 : memref<1x104x64xf32, #tpu.memory_space<vmem>> -> memref<104x64xf32, #tpu.memory_space<vmem>>
        %get3A_660 = arith.index_cast %add3A_622 : i32 to index
        %get3A_661 = arith.constant 48 : index
        %get3A_662 = tpu.vector_load %get3A_659[%get3A_660, %get3A_661] {strides = array<i32>} : memref<104x64xf32, #tpu.memory_space<vmem>>, vector<16xf32>,
        %mul3A_663 = arith.mulf %get3A_662, %gather3A_618 : vector<16xf32>
        %add3A_664 = arith.addf %add3A_610, %mul3A_663 : vector<16xf32>
        %mul3A_665 = arith.mulf %mul3A_663, %mul3A_663 : vector<16xf32>
        %add3A_666 = arith.addf %add3A_612, %mul3A_665 : vector<16xf32>
        %mul3A_667 = arith.constant 26 : i32
        %mul3A_668 = arith.muli %add3A_491, %mul3A_667 : i32
        %add3A_669 = arith.constant 3 : i32
        %add3A_670 = arith.addi %mul3A_668, %add3A_669 : i32
        %broadcast_in_dim3A_671 = vector.broadcast %add3A_670 : i32 to vector<16xi32>
        %gather3A_672 = tpu.vector_load_idx %arg8[%broadcast_in_dim3A_671] : memref<3328xf32, #tpu.memory_space<vmem>>[vector<16xi32>], vector<16xf32>,
        %mul3A_673 = arith.constant 26 : i32
        %mul3A_674 = arith.muli %add3A_488, %mul3A_673 : i32
        %add3A_675 = arith.constant 3 : i32
        %add3A_676 = arith.addi %mul3A_674, %add3A_675 : i32
        %get3A_677 = arith.constant 0 : i32
        %get3A_678 = arith.constant 0 : i32
        %get3A_679 = tpu.memref_slice %arg10[%scan3A_471, %get3A_677, %get3A_678] : memref<2x104x64xf32, #tpu.memory_space<vmem>> -> memref<1x104x64xf32, #tpu.memory_space<vmem>>
        %get3A_680 = tpu.memref_squeeze %get3A_679 : memref<1x104x64xf32, #tpu.memory_space<vmem>> -> memref<104x64xf32, #tpu.memory_space<vmem>>
        %get3A_681 = arith.index_cast %add3A_676 : i32 to index
        %get3A_682 = arith.constant 0 : index
        %get3A_683 = tpu.vector_load %get3A_680[%get3A_681, %get3A_682] {strides = array<i32>} : memref<104x64xf32, #tpu.memory_space<vmem>>, vector<16xf32>,
        %mul3A_684 = arith.mulf %get3A_683, %gather3A_672 : vector<16xf32>
        %add3A_685 = arith.addf %add3A_631, %mul3A_684 : vector<16xf32>
        %mul3A_686 = arith.mulf %mul3A_684, %mul3A_684 : vector<16xf32>
        %add3A_687 = arith.addf %add3A_633, %mul3A_686 : vector<16xf32>
        %get3A_688 = arith.constant 0 : i32
        %get3A_689 = arith.constant 0 : i32
        %get3A_690 = tpu.memref_slice %arg10[%scan3A_471, %get3A_688, %get3A_689] : memref<2x104x64xf32, #tpu.memory_space<vmem>> -> memref<1x104x64xf32, #tpu.memory_space<vmem>>
        %get3A_691 = tpu.memref_squeeze %get3A_690 : memref<1x104x64xf32, #tpu.memory_space<vmem>> -> memref<104x64xf32, #tpu.memory_space<vmem>>
        %get3A_692 = arith.index_cast %add3A_676 : i32 to index
        %get3A_693 = arith.constant 16 : index
        %get3A_694 = tpu.vector_load %get3A_691[%get3A_692, %get3A_693] {strides = array<i32>} : memref<104x64xf32, #tpu.memory_space<vmem>>, vector<16xf32>,
        %mul3A_695 = arith.mulf %get3A_694, %gather3A_672 : vector<16xf32>
        %add3A_696 = arith.addf %add3A_642, %mul3A_695 : vector<16xf32>
        %mul3A_697 = arith.mulf %mul3A_695, %mul3A_695 : vector<16xf32>
        %add3A_698 = arith.addf %add3A_644, %mul3A_697 : vector<16xf32>
        %get3A_699 = arith.constant 0 : i32
        %get3A_700 = arith.constant 0 : i32
        %get3A_701 = tpu.memref_slice %arg10[%scan3A_471, %get3A_699, %get3A_700] : memref<2x104x64xf32, #tpu.memory_space<vmem>> -> memref<1x104x64xf32, #tpu.memory_space<vmem>>
        %get3A_702 = tpu.memref_squeeze %get3A_701 : memref<1x104x64xf32, #tpu.memory_space<vmem>> -> memref<104x64xf32, #tpu.memory_space<vmem>>
        %get3A_703 = arith.index_cast %add3A_676 : i32 to index
        %get3A_704 = arith.constant 32 : index
        %get3A_705 = tpu.vector_load %get3A_702[%get3A_703, %get3A_704] {strides = array<i32>} : memref<104x64xf32, #tpu.memory_space<vmem>>, vector<16xf32>,
        %mul3A_706 = arith.mulf %get3A_705, %gather3A_672 : vector<16xf32>
        %add3A_707 = arith.addf %add3A_653, %mul3A_706 : vector<16xf32>
        %mul3A_708 = arith.mulf %mul3A_706, %mul3A_706 : vector<16xf32>
        %add3A_709 = arith.addf %add3A_655, %mul3A_708 : vector<16xf32>
        %get3A_710 = arith.constant 0 : i32
        %get3A_711 = arith.constant 0 : i32
        %get3A_712 = tpu.memref_slice %arg10[%scan3A_471, %get3A_710, %get3A_711] : memref<2x104x64xf32, #tpu.memory_space<vmem>> -> memref<1x104x64xf32, #tpu.memory_space<vmem>>
        %get3A_713 = tpu.memref_squeeze %get3A_712 : memref<1x104x64xf32, #tpu.memory_space<vmem>> -> memref<104x64xf32, #tpu.memory_space<vmem>>
        %get3A_714 = arith.index_cast %add3A_676 : i32 to index
        %get3A_715 = arith.constant 48 : index
        %get3A_716 = tpu.vector_load %get3A_713[%get3A_714, %get3A_715] {strides = array<i32>} : memref<104x64xf32, #tpu.memory_space<vmem>>, vector<16xf32>,
        %mul3A_717 = arith.mulf %get3A_716, %gather3A_672 : vector<16xf32>
        %add3A_718 = arith.addf %add3A_664, %mul3A_717 : vector<16xf32>
        %mul3A_719 = arith.mulf %mul3A_717, %mul3A_717 : vector<16xf32>
        %add3A_720 = arith.addf %add3A_666, %mul3A_719 : vector<16xf32>
        %mul3A_721 = arith.constant 26 : i32
        %mul3A_722 = arith.muli %add3A_491, %mul3A_721 : i32
        %add3A_723 = arith.constant 4 : i32
        %add3A_724 = arith.addi %mul3A_722, %add3A_723 : i32
        %broadcast_in_dim3A_725 = vector.broadcast %add3A_724 : i32 to vector<16xi32>
        %gather3A_726 = tpu.vector_load_idx %arg8[%broadcast_in_dim3A_725] : memref<3328xf32, #tpu.memory_space<vmem>>[vector<16xi32>], vector<16xf32>,
        %mul3A_727 = arith.constant 26 : i32
        %mul3A_728 = arith.muli %add3A_488, %mul3A_727 : i32
        %add3A_729 = arith.constant 4 : i32
        %add3A_730 = arith.addi %mul3A_728, %add3A_729 : i32
        %get3A_731 = arith.constant 0 : i32
        %get3A_732 = arith.constant 0 : i32
        %get3A_733 = tpu.memref_slice %arg10[%scan3A_471, %get3A_731, %get3A_732] : memref<2x104x64xf32, #tpu.memory_space<vmem>> -> memref<1x104x64xf32, #tpu.memory_space<vmem>>
        %get3A_734 = tpu.memref_squeeze %get3A_733 : memref<1x104x64xf32, #tpu.memory_space<vmem>> -> memref<104x64xf32, #tpu.memory_space<vmem>>
        %get3A_735 = arith.index_cast %add3A_730 : i32 to index
        %get3A_736 = arith.constant 0 : index
        %get3A_737 = tpu.vector_load %get3A_734[%get3A_735, %get3A_736] {strides = array<i32>} : memref<104x64xf32, #tpu.memory_space<vmem>>, vector<16xf32>,
        %mul3A_738 = arith.mulf %get3A_737, %gather3A_726 : vector<16xf32>
        %add3A_739 = arith.addf %add3A_685, %mul3A_738 : vector<16xf32>
        %mul3A_740 = arith.mulf %mul3A_738, %mul3A_738 : vector<16xf32>
        %add3A_741 = arith.addf %add3A_687, %mul3A_740 : vector<16xf32>
        %get3A_742 = arith.constant 0 : i32
        %get3A_743 = arith.constant 0 : i32
        %get3A_744 = tpu.memref_slice %arg10[%scan3A_471, %get3A_742, %get3A_743] : memref<2x104x64xf32, #tpu.memory_space<vmem>> -> memref<1x104x64xf32, #tpu.memory_space<vmem>>
        %get3A_745 = tpu.memref_squeeze %get3A_744 : memref<1x104x64xf32, #tpu.memory_space<vmem>> -> memref<104x64xf32, #tpu.memory_space<vmem>>
        %get3A_746 = arith.index_cast %add3A_730 : i32 to index
        %get3A_747 = arith.constant 16 : index
        %get3A_748 = tpu.vector_load %get3A_745[%get3A_746, %get3A_747] {strides = array<i32>} : memref<104x64xf32, #tpu.memory_space<vmem>>, vector<16xf32>,
        %mul3A_749 = arith.mulf %get3A_748, %gather3A_726 : vector<16xf32>
        %add3A_750 = arith.addf %add3A_696, %mul3A_749 : vector<16xf32>
        %mul3A_751 = arith.mulf %mul3A_749, %mul3A_749 : vector<16xf32>
        %add3A_752 = arith.addf %add3A_698, %mul3A_751 : vector<16xf32>
        %get3A_753 = arith.constant 0 : i32
        %get3A_754 = arith.constant 0 : i32
        %get3A_755 = tpu.memref_slice %arg10[%scan3A_471, %get3A_753, %get3A_754] : memref<2x104x64xf32, #tpu.memory_space<vmem>> -> memref<1x104x64xf32, #tpu.memory_space<vmem>>
        %get3A_756 = tpu.memref_squeeze %get3A_755 : memref<1x104x64xf32, #tpu.memory_space<vmem>> -> memref<104x64xf32, #tpu.memory_space<vmem>>
        %get3A_757 = arith.index_cast %add3A_730 : i32 to index
        %get3A_758 = arith.constant 32 : index
        %get3A_759 = tpu.vector_load %get3A_756[%get3A_757, %get3A_758] {strides = array<i32>} : memref<104x64xf32, #tpu.memory_space<vmem>>, vector<16xf32>,
        %mul3A_760 = arith.mulf %get3A_759, %gather3A_726 : vector<16xf32>
        %add3A_761 = arith.addf %add3A_707, %mul3A_760 : vector<16xf32>
        %mul3A_762 = arith.mulf %mul3A_760, %mul3A_760 : vector<16xf32>
        %add3A_763 = arith.addf %add3A_709, %mul3A_762 : vector<16xf32>
        %get3A_764 = arith.constant 0 : i32
        %get3A_765 = arith.constant 0 : i32
        %get3A_766 = tpu.memref_slice %arg10[%scan3A_471, %get3A_764, %get3A_765] : memref<2x104x64xf32, #tpu.memory_space<vmem>> -> memref<1x104x64xf32, #tpu.memory_space<vmem>>
        %get3A_767 = tpu.memref_squeeze %get3A_766 : memref<1x104x64xf32, #tpu.memory_space<vmem>> -> memref<104x64xf32, #tpu.memory_space<vmem>>
        %get3A_768 = arith.index_cast %add3A_730 : i32 to index
        %get3A_769 = arith.constant 48 : index
        %get3A_770 = tpu.vector_load %get3A_767[%get3A_768, %get3A_769] {strides = array<i32>} : memref<104x64xf32, #tpu.memory_space<vmem>>, vector<16xf32>,
        %mul3A_771 = arith.mulf %get3A_770, %gather3A_726 : vector<16xf32>
        %add3A_772 = arith.addf %add3A_718, %mul3A_771 : vector<16xf32>
        %mul3A_773 = arith.mulf %mul3A_771, %mul3A_771 : vector<16xf32>
        %add3A_774 = arith.addf %add3A_720, %mul3A_773 : vector<16xf32>
        %mul3A_775 = arith.constant 26 : i32
        %mul3A_776 = arith.muli %add3A_491, %mul3A_775 : i32
        %add3A_777 = arith.constant 5 : i32
        %add3A_778 = arith.addi %mul3A_776, %add3A_777 : i32
        %broadcast_in_dim3A_779 = vector.broadcast %add3A_778 : i32 to vector<16xi32>
        %gather3A_780 = tpu.vector_load_idx %arg8[%broadcast_in_dim3A_779] : memref<3328xf32, #tpu.memory_space<vmem>>[vector<16xi32>], vector<16xf32>,
        %mul3A_781 = arith.constant 26 : i32
        %mul3A_782 = arith.muli %add3A_488, %mul3A_781 : i32
        %add3A_783 = arith.constant 5 : i32
        %add3A_784 = arith.addi %mul3A_782, %add3A_783 : i32
        %get3A_785 = arith.constant 0 : i32
        %get3A_786 = arith.constant 0 : i32
        %get3A_787 = tpu.memref_slice %arg10[%scan3A_471, %get3A_785, %get3A_786] : memref<2x104x64xf32, #tpu.memory_space<vmem>> -> memref<1x104x64xf32, #tpu.memory_space<vmem>>
        %get3A_788 = tpu.memref_squeeze %get3A_787 : memref<1x104x64xf32, #tpu.memory_space<vmem>> -> memref<104x64xf32, #tpu.memory_space<vmem>>
        %get3A_789 = arith.index_cast %add3A_784 : i32 to index
        %get3A_790 = arith.constant 0 : index
        %get3A_791 = tpu.vector_load %get3A_788[%get3A_789, %get3A_790] {strides = array<i32>} : memref<104x64xf32, #tpu.memory_space<vmem>>, vector<16xf32>,
        %mul3A_792 = arith.mulf %get3A_791, %gather3A_780 : vector<16xf32>
        %add3A_793 = arith.addf %add3A_739, %mul3A_792 : vector<16xf32>
        %mul3A_794 = arith.mulf %mul3A_792, %mul3A_792 : vector<16xf32>
        %add3A_795 = arith.addf %add3A_741, %mul3A_794 : vector<16xf32>
        %get3A_796 = arith.constant 0 : i32
        %get3A_797 = arith.constant 0 : i32
        %get3A_798 = tpu.memref_slice %arg10[%scan3A_471, %get3A_796, %get3A_797] : memref<2x104x64xf32, #tpu.memory_space<vmem>> -> memref<1x104x64xf32, #tpu.memory_space<vmem>>
        %get3A_799 = tpu.memref_squeeze %get3A_798 : memref<1x104x64xf32, #tpu.memory_space<vmem>> -> memref<104x64xf32, #tpu.memory_space<vmem>>
        %get3A_800 = arith.index_cast %add3A_784 : i32 to index
        %get3A_801 = arith.constant 16 : index
        %get3A_802 = tpu.vector_load %get3A_799[%get3A_800, %get3A_801] {strides = array<i32>} : memref<104x64xf32, #tpu.memory_space<vmem>>, vector<16xf32>,
        %mul3A_803 = arith.mulf %get3A_802, %gather3A_780 : vector<16xf32>
        %add3A_804 = arith.addf %add3A_750, %mul3A_803 : vector<16xf32>
        %mul3A_805 = arith.mulf %mul3A_803, %mul3A_803 : vector<16xf32>
        %add3A_806 = arith.addf %add3A_752, %mul3A_805 : vector<16xf32>
        %get3A_807 = arith.constant 0 : i32
        %get3A_808 = arith.constant 0 : i32
        %get3A_809 = tpu.memref_slice %arg10[%scan3A_471, %get3A_807, %get3A_808] : memref<2x104x64xf32, #tpu.memory_space<vmem>> -> memref<1x104x64xf32, #tpu.memory_space<vmem>>
        %get3A_810 = tpu.memref_squeeze %get3A_809 : memref<1x104x64xf32, #tpu.memory_space<vmem>> -> memref<104x64xf32, #tpu.memory_space<vmem>>
        %get3A_811 = arith.index_cast %add3A_784 : i32 to index
        %get3A_812 = arith.constant 32 : index
        %get3A_813 = tpu.vector_load %get3A_810[%get3A_811, %get3A_812] {strides = array<i32>} : memref<104x64xf32, #tpu.memory_space<vmem>>, vector<16xf32>,
        %mul3A_814 = arith.mulf %get3A_813, %gather3A_780 : vector<16xf32>
        %add3A_815 = arith.addf %add3A_761, %mul3A_814 : vector<16xf32>
        %mul3A_816 = arith.mulf %mul3A_814, %mul3A_814 : vector<16xf32>
        %add3A_817 = arith.addf %add3A_763, %mul3A_816 : vector<16xf32>
        %get3A_818 = arith.constant 0 : i32
        %get3A_819 = arith.constant 0 : i32
        %get3A_820 = tpu.memref_slice %arg10[%scan3A_471, %get3A_818, %get3A_819] : memref<2x104x64xf32, #tpu.memory_space<vmem>> -> memref<1x104x64xf32, #tpu.memory_space<vmem>>
        %get3A_821 = tpu.memref_squeeze %get3A_820 : memref<1x104x64xf32, #tpu.memory_space<vmem>> -> memref<104x64xf32, #tpu.memory_space<vmem>>
        %get3A_822 = arith.index_cast %add3A_784 : i32 to index
        %get3A_823 = arith.constant 48 : index
        %get3A_824 = tpu.vector_load %get3A_821[%get3A_822, %get3A_823] {strides = array<i32>} : memref<104x64xf32, #tpu.memory_space<vmem>>, vector<16xf32>,
        %mul3A_825 = arith.mulf %get3A_824, %gather3A_780 : vector<16xf32>
        %add3A_826 = arith.addf %add3A_772, %mul3A_825 : vector<16xf32>
        %mul3A_827 = arith.mulf %mul3A_825, %mul3A_825 : vector<16xf32>
        %add3A_828 = arith.addf %add3A_774, %mul3A_827 : vector<16xf32>
        %mul3A_829 = arith.constant 26 : i32
        %mul3A_830 = arith.muli %add3A_491, %mul3A_829 : i32
        %add3A_831 = arith.constant 6 : i32
        %add3A_832 = arith.addi %mul3A_830, %add3A_831 : i32
        %broadcast_in_dim3A_833 = vector.broadcast %add3A_832 : i32 to vector<16xi32>
        %gather3A_834 = tpu.vector_load_idx %arg8[%broadcast_in_dim3A_833] : memref<3328xf32, #tpu.memory_space<vmem>>[vector<16xi32>], vector<16xf32>,
        %mul3A_835 = arith.constant 26 : i32
        %mul3A_836 = arith.muli %add3A_488, %mul3A_835 : i32
        %add3A_837 = arith.constant 6 : i32
        %add3A_838 = arith.addi %mul3A_836, %add3A_837 : i32
        %get3A_839 = arith.constant 0 : i32
        %get3A_840 = arith.constant 0 : i32
        %get3A_841 = tpu.memref_slice %arg10[%scan3A_471, %get3A_839, %get3A_840] : memref<2x104x64xf32, #tpu.memory_space<vmem>> -> memref<1x104x64xf32, #tpu.memory_space<vmem>>
        %get3A_842 = tpu.memref_squeeze %get3A_841 : memref<1x104x64xf32, #tpu.memory_space<vmem>> -> memref<104x64xf32, #tpu.memory_space<vmem>>
        %get3A_843 = arith.index_cast %add3A_838 : i32 to index
        %get3A_844 = arith.constant 0 : index
        %get3A_845 = tpu.vector_load %get3A_842[%get3A_843, %get3A_844] {strides = array<i32>} : memref<104x64xf32, #tpu.memory_space<vmem>>, vector<16xf32>,
        %mul3A_846 = arith.mulf %get3A_845, %gather3A_834 : vector<16xf32>
        %add3A_847 = arith.addf %add3A_793, %mul3A_846 : vector<16xf32>
        %mul3A_848 = arith.mulf %mul3A_846, %mul3A_846 : vector<16xf32>
        %add3A_849 = arith.addf %add3A_795, %mul3A_848 : vector<16xf32>
        %get3A_850 = arith.constant 0 : i32
        %get3A_851 = arith.constant 0 : i32
        %get3A_852 = tpu.memref_slice %arg10[%scan3A_471, %get3A_850, %get3A_851] : memref<2x104x64xf32, #tpu.memory_space<vmem>> -> memref<1x104x64xf32, #tpu.memory_space<vmem>>
        %get3A_853 = tpu.memref_squeeze %get3A_852 : memref<1x104x64xf32, #tpu.memory_space<vmem>> -> memref<104x64xf32, #tpu.memory_space<vmem>>
        %get3A_854 = arith.index_cast %add3A_838 : i32 to index
        %get3A_855 = arith.constant 16 : index
        %get3A_856 = tpu.vector_load %get3A_853[%get3A_854, %get3A_855] {strides = array<i32>} : memref<104x64xf32, #tpu.memory_space<vmem>>, vector<16xf32>,
        %mul3A_857 = arith.mulf %get3A_856, %gather3A_834 : vector<16xf32>
        %add3A_858 = arith.addf %add3A_804, %mul3A_857 : vector<16xf32>
        %mul3A_859 = arith.mulf %mul3A_857, %mul3A_857 : vector<16xf32>
        %add3A_860 = arith.addf %add3A_806, %mul3A_859 : vector<16xf32>
        %get3A_861 = arith.constant 0 : i32
        %get3A_862 = arith.constant 0 : i32
        %get3A_863 = tpu.memref_slice %arg10[%scan3A_471, %get3A_861, %get3A_862] : memref<2x104x64xf32, #tpu.memory_space<vmem>> -> memref<1x104x64xf32, #tpu.memory_space<vmem>>
        %get3A_864 = tpu.memref_squeeze %get3A_863 : memref<1x104x64xf32, #tpu.memory_space<vmem>> -> memref<104x64xf32, #tpu.memory_space<vmem>>
        %get3A_865 = arith.index_cast %add3A_838 : i32 to index
        %get3A_866 = arith.constant 32 : index
        %get3A_867 = tpu.vector_load %get3A_864[%get3A_865, %get3A_866] {strides = array<i32>} : memref<104x64xf32, #tpu.memory_space<vmem>>, vector<16xf32>,
        %mul3A_868 = arith.mulf %get3A_867, %gather3A_834 : vector<16xf32>
        %add3A_869 = arith.addf %add3A_815, %mul3A_868 : vector<16xf32>
        %mul3A_870 = arith.mulf %mul3A_868, %mul3A_868 : vector<16xf32>
        %add3A_871 = arith.addf %add3A_817, %mul3A_870 : vector<16xf32>
        %get3A_872 = arith.constant 0 : i32
        %get3A_873 = arith.constant 0 : i32
        %get3A_874 = tpu.memref_slice %arg10[%scan3A_471, %get3A_872, %get3A_873] : memref<2x104x64xf32, #tpu.memory_space<vmem>> -> memref<1x104x64xf32, #tpu.memory_space<vmem>>
        %get3A_875 = tpu.memref_squeeze %get3A_874 : memref<1x104x64xf32, #tpu.memory_space<vmem>> -> memref<104x64xf32, #tpu.memory_space<vmem>>
        %get3A_876 = arith.index_cast %add3A_838 : i32 to index
        %get3A_877 = arith.constant 48 : index
        %get3A_878 = tpu.vector_load %get3A_875[%get3A_876, %get3A_877] {strides = array<i32>} : memref<104x64xf32, #tpu.memory_space<vmem>>, vector<16xf32>,
        %mul3A_879 = arith.mulf %get3A_878, %gather3A_834 : vector<16xf32>
        %add3A_880 = arith.addf %add3A_826, %mul3A_879 : vector<16xf32>
        %mul3A_881 = arith.mulf %mul3A_879, %mul3A_879 : vector<16xf32>
        %add3A_882 = arith.addf %add3A_828, %mul3A_881 : vector<16xf32>
        %mul3A_883 = arith.constant 26 : i32
        %mul3A_884 = arith.muli %add3A_491, %mul3A_883 : i32
        %add3A_885 = arith.constant 7 : i32
        %add3A_886 = arith.addi %mul3A_884, %add3A_885 : i32
        %broadcast_in_dim3A_887 = vector.broadcast %add3A_886 : i32 to vector<16xi32>
        %gather3A_888 = tpu.vector_load_idx %arg8[%broadcast_in_dim3A_887] : memref<3328xf32, #tpu.memory_space<vmem>>[vector<16xi32>], vector<16xf32>,
        %mul3A_889 = arith.constant 26 : i32
        %mul3A_890 = arith.muli %add3A_488, %mul3A_889 : i32
        %add3A_891 = arith.constant 7 : i32
        %add3A_892 = arith.addi %mul3A_890, %add3A_891 : i32
        %get3A_893 = arith.constant 0 : i32
        %get3A_894 = arith.constant 0 : i32
        %get3A_895 = tpu.memref_slice %arg10[%scan3A_471, %get3A_893, %get3A_894] : memref<2x104x64xf32, #tpu.memory_space<vmem>> -> memref<1x104x64xf32, #tpu.memory_space<vmem>>
        %get3A_896 = tpu.memref_squeeze %get3A_895 : memref<1x104x64xf32, #tpu.memory_space<vmem>> -> memref<104x64xf32, #tpu.memory_space<vmem>>
        %get3A_897 = arith.index_cast %add3A_892 : i32 to index
        %get3A_898 = arith.constant 0 : index
        %get3A_899 = tpu.vector_load %get3A_896[%get3A_897, %get3A_898] {strides = array<i32>} : memref<104x64xf32, #tpu.memory_space<vmem>>, vector<16xf32>,
        %mul3A_900 = arith.mulf %get3A_899, %gather3A_888 : vector<16xf32>
        %add3A_901 = arith.addf %add3A_847, %mul3A_900 : vector<16xf32>
        %mul3A_902 = arith.mulf %mul3A_900, %mul3A_900 : vector<16xf32>
        %add3A_903 = arith.addf %add3A_849, %mul3A_902 : vector<16xf32>
        %get3A_904 = arith.constant 0 : i32
        %get3A_905 = arith.constant 0 : i32
        %get3A_906 = tpu.memref_slice %arg10[%scan3A_471, %get3A_904, %get3A_905] : memref<2x104x64xf32, #tpu.memory_space<vmem>> -> memref<1x104x64xf32, #tpu.memory_space<vmem>>
        %get3A_907 = tpu.memref_squeeze %get3A_906 : memref<1x104x64xf32, #tpu.memory_space<vmem>> -> memref<104x64xf32, #tpu.memory_space<vmem>>
        %get3A_908 = arith.index_cast %add3A_892 : i32 to index
        %get3A_909 = arith.constant 16 : index
        %get3A_910 = tpu.vector_load %get3A_907[%get3A_908, %get3A_909] {strides = array<i32>} : memref<104x64xf32, #tpu.memory_space<vmem>>, vector<16xf32>,
        %mul3A_911 = arith.mulf %get3A_910, %gather3A_888 : vector<16xf32>
        %add3A_912 = arith.addf %add3A_858, %mul3A_911 : vector<16xf32>
        %mul3A_913 = arith.mulf %mul3A_911, %mul3A_911 : vector<16xf32>
        %add3A_914 = arith.addf %add3A_860, %mul3A_913 : vector<16xf32>
        %get3A_915 = arith.constant 0 : i32
        %get3A_916 = arith.constant 0 : i32
        %get3A_917 = tpu.memref_slice %arg10[%scan3A_471, %get3A_915, %get3A_916] : memref<2x104x64xf32, #tpu.memory_space<vmem>> -> memref<1x104x64xf32, #tpu.memory_space<vmem>>
        %get3A_918 = tpu.memref_squeeze %get3A_917 : memref<1x104x64xf32, #tpu.memory_space<vmem>> -> memref<104x64xf32, #tpu.memory_space<vmem>>
        %get3A_919 = arith.index_cast %add3A_892 : i32 to index
        %get3A_920 = arith.constant 32 : index
        %get3A_921 = tpu.vector_load %get3A_918[%get3A_919, %get3A_920] {strides = array<i32>} : memref<104x64xf32, #tpu.memory_space<vmem>>, vector<16xf32>,
        %mul3A_922 = arith.mulf %get3A_921, %gather3A_888 : vector<16xf32>
        %add3A_923 = arith.addf %add3A_869, %mul3A_922 : vector<16xf32>
        %mul3A_924 = arith.mulf %mul3A_922, %mul3A_922 : vector<16xf32>
        %add3A_925 = arith.addf %add3A_871, %mul3A_924 : vector<16xf32>
        %get3A_926 = arith.constant 0 : i32
        %get3A_927 = arith.constant 0 : i32
        %get3A_928 = tpu.memref_slice %arg10[%scan3A_471, %get3A_926, %get3A_927] : memref<2x104x64xf32, #tpu.memory_space<vmem>> -> memref<1x104x64xf32, #tpu.memory_space<vmem>>
        %get3A_929 = tpu.memref_squeeze %get3A_928 : memref<1x104x64xf32, #tpu.memory_space<vmem>> -> memref<104x64xf32, #tpu.memory_space<vmem>>
        %get3A_930 = arith.index_cast %add3A_892 : i32 to index
        %get3A_931 = arith.constant 48 : index
        %get3A_932 = tpu.vector_load %get3A_929[%get3A_930, %get3A_931] {strides = array<i32>} : memref<104x64xf32, #tpu.memory_space<vmem>>, vector<16xf32>,
        %mul3A_933 = arith.mulf %get3A_932, %gather3A_888 : vector<16xf32>
        %add3A_934 = arith.addf %add3A_880, %mul3A_933 : vector<16xf32>
        %mul3A_935 = arith.mulf %mul3A_933, %mul3A_933 : vector<16xf32>
        %add3A_936 = arith.addf %add3A_882, %mul3A_935 : vector<16xf32>
        %mul3A_937 = arith.constant 26 : i32
        %mul3A_938 = arith.muli %add3A_491, %mul3A_937 : i32
        %add3A_939 = arith.constant 8 : i32
        %add3A_940 = arith.addi %mul3A_938, %add3A_939 : i32
        %broadcast_in_dim3A_941 = vector.broadcast %add3A_940 : i32 to vector<16xi32>
        %gather3A_942 = tpu.vector_load_idx %arg8[%broadcast_in_dim3A_941] : memref<3328xf32, #tpu.memory_space<vmem>>[vector<16xi32>], vector<16xf32>,
        %mul3A_943 = arith.constant 26 : i32
        %mul3A_944 = arith.muli %add3A_488, %mul3A_943 : i32
        %add3A_945 = arith.constant 8 : i32
        %add3A_946 = arith.addi %mul3A_944, %add3A_945 : i32
        %get3A_947 = arith.constant 0 : i32
        %get3A_948 = arith.constant 0 : i32
        %get3A_949 = tpu.memref_slice %arg10[%scan3A_471, %get3A_947, %get3A_948] : memref<2x104x64xf32, #tpu.memory_space<vmem>> -> memref<1x104x64xf32, #tpu.memory_space<vmem>>
        %get3A_950 = tpu.memref_squeeze %get3A_949 : memref<1x104x64xf32, #tpu.memory_space<vmem>> -> memref<104x64xf32, #tpu.memory_space<vmem>>
        %get3A_951 = arith.index_cast %add3A_946 : i32 to index
        %get3A_952 = arith.constant 0 : index
        %get3A_953 = tpu.vector_load %get3A_950[%get3A_951, %get3A_952] {strides = array<i32>} : memref<104x64xf32, #tpu.memory_space<vmem>>, vector<16xf32>,
        %mul3A_954 = arith.mulf %get3A_953, %gather3A_942 : vector<16xf32>
        %add3A_955 = arith.addf %add3A_901, %mul3A_954 : vector<16xf32>
        %mul3A_956 = arith.mulf %mul3A_954, %mul3A_954 : vector<16xf32>
        %add3A_957 = arith.addf %add3A_903, %mul3A_956 : vector<16xf32>
        %get3A_958 = arith.constant 0 : i32
        %get3A_959 = arith.constant 0 : i32
        %get3A_960 = tpu.memref_slice %arg10[%scan3A_471, %get3A_958, %get3A_959] : memref<2x104x64xf32, #tpu.memory_space<vmem>> -> memref<1x104x64xf32, #tpu.memory_space<vmem>>
        %get3A_961 = tpu.memref_squeeze %get3A_960 : memref<1x104x64xf32, #tpu.memory_space<vmem>> -> memref<104x64xf32, #tpu.memory_space<vmem>>
        %get3A_962 = arith.index_cast %add3A_946 : i32 to index
        %get3A_963 = arith.constant 16 : index
        %get3A_964 = tpu.vector_load %get3A_961[%get3A_962, %get3A_963] {strides = array<i32>} : memref<104x64xf32, #tpu.memory_space<vmem>>, vector<16xf32>,
        %mul3A_965 = arith.mulf %get3A_964, %gather3A_942 : vector<16xf32>
        %add3A_966 = arith.addf %add3A_912, %mul3A_965 : vector<16xf32>
        %mul3A_967 = arith.mulf %mul3A_965, %mul3A_965 : vector<16xf32>
        %add3A_968 = arith.addf %add3A_914, %mul3A_967 : vector<16xf32>
        %get3A_969 = arith.constant 0 : i32
        %get3A_970 = arith.constant 0 : i32
        %get3A_971 = tpu.memref_slice %arg10[%scan3A_471, %get3A_969, %get3A_970] : memref<2x104x64xf32, #tpu.memory_space<vmem>> -> memref<1x104x64xf32, #tpu.memory_space<vmem>>
        %get3A_972 = tpu.memref_squeeze %get3A_971 : memref<1x104x64xf32, #tpu.memory_space<vmem>> -> memref<104x64xf32, #tpu.memory_space<vmem>>
        %get3A_973 = arith.index_cast %add3A_946 : i32 to index
        %get3A_974 = arith.constant 32 : index
        %get3A_975 = tpu.vector_load %get3A_972[%get3A_973, %get3A_974] {strides = array<i32>} : memref<104x64xf32, #tpu.memory_space<vmem>>, vector<16xf32>,
        %mul3A_976 = arith.mulf %get3A_975, %gather3A_942 : vector<16xf32>
        %add3A_977 = arith.addf %add3A_923, %mul3A_976 : vector<16xf32>
        %mul3A_978 = arith.mulf %mul3A_976, %mul3A_976 : vector<16xf32>
        %add3A_979 = arith.addf %add3A_925, %mul3A_978 : vector<16xf32>
        %get3A_980 = arith.constant 0 : i32
        %get3A_981 = arith.constant 0 : i32
        %get3A_982 = tpu.memref_slice %arg10[%scan3A_471, %get3A_980, %get3A_981] : memref<2x104x64xf32, #tpu.memory_space<vmem>> -> memref<1x104x64xf32, #tpu.memory_space<vmem>>
        %get3A_983 = tpu.memref_squeeze %get3A_982 : memref<1x104x64xf32, #tpu.memory_space<vmem>> -> memref<104x64xf32, #tpu.memory_space<vmem>>
        %get3A_984 = arith.index_cast %add3A_946 : i32 to index
        %get3A_985 = arith.constant 48 : index
        %get3A_986 = tpu.vector_load %get3A_983[%get3A_984, %get3A_985] {strides = array<i32>} : memref<104x64xf32, #tpu.memory_space<vmem>>, vector<16xf32>,
        %mul3A_987 = arith.mulf %get3A_986, %gather3A_942 : vector<16xf32>
        %add3A_988 = arith.addf %add3A_934, %mul3A_987 : vector<16xf32>
        %mul3A_989 = arith.mulf %mul3A_987, %mul3A_987 : vector<16xf32>
        %add3A_990 = arith.addf %add3A_936, %mul3A_989 : vector<16xf32>
        %mul3A_991 = arith.constant 26 : i32
        %mul3A_992 = arith.muli %add3A_491, %mul3A_991 : i32
        %add3A_993 = arith.constant 9 : i32
        %add3A_994 = arith.addi %mul3A_992, %add3A_993 : i32
        %broadcast_in_dim3A_995 = vector.broadcast %add3A_994 : i32 to vector<16xi32>
        %gather3A_996 = tpu.vector_load_idx %arg8[%broadcast_in_dim3A_995] : memref<3328xf32, #tpu.memory_space<vmem>>[vector<16xi32>], vector<16xf32>,
        %mul3A_997 = arith.constant 26 : i32
        %mul3A_998 = arith.muli %add3A_488, %mul3A_997 : i32
        %add3A_999 = arith.constant 9 : i32
        %add3A_1000 = arith.addi %mul3A_998, %add3A_999 : i32
        %get3A_1001 = arith.constant 0 : i32
        %get3A_1002 = arith.constant 0 : i32
        %get3A_1003 = tpu.memref_slice %arg10[%scan3A_471, %get3A_1001, %get3A_1002] : memref<2x104x64xf32, #tpu.memory_space<vmem>> -> memref<1x104x64xf32, #tpu.memory_space<vmem>>
        %get3A_1004 = tpu.memref_squeeze %get3A_1003 : memref<1x104x64xf32, #tpu.memory_space<vmem>> -> memref<104x64xf32, #tpu.memory_space<vmem>>
        %get3A_1005 = arith.index_cast %add3A_1000 : i32 to index
        %get3A_1006 = arith.constant 0 : index
        %get3A_1007 = tpu.vector_load %get3A_1004[%get3A_1005, %get3A_1006] {strides = array<i32>} : memref<104x64xf32, #tpu.memory_space<vmem>>, vector<16xf32>,
        %mul3A_1008 = arith.mulf %get3A_1007, %gather3A_996 : vector<16xf32>
        %add3A_1009 = arith.addf %add3A_955, %mul3A_1008 : vector<16xf32>
        %mul3A_1010 = arith.mulf %mul3A_1008, %mul3A_1008 : vector<16xf32>
        %add3A_1011 = arith.addf %add3A_957, %mul3A_1010 : vector<16xf32>
        %get3A_1012 = arith.constant 0 : i32
        %get3A_1013 = arith.constant 0 : i32
        %get3A_1014 = tpu.memref_slice %arg10[%scan3A_471, %get3A_1012, %get3A_1013] : memref<2x104x64xf32, #tpu.memory_space<vmem>> -> memref<1x104x64xf32, #tpu.memory_space<vmem>>
        %get3A_1015 = tpu.memref_squeeze %get3A_1014 : memref<1x104x64xf32, #tpu.memory_space<vmem>> -> memref<104x64xf32, #tpu.memory_space<vmem>>
        %get3A_1016 = arith.index_cast %add3A_1000 : i32 to index
        %get3A_1017 = arith.constant 16 : index
        %get3A_1018 = tpu.vector_load %get3A_1015[%get3A_1016, %get3A_1017] {strides = array<i32>} : memref<104x64xf32, #tpu.memory_space<vmem>>, vector<16xf32>,
        %mul3A_1019 = arith.mulf %get3A_1018, %gather3A_996 : vector<16xf32>
        %add3A_1020 = arith.addf %add3A_966, %mul3A_1019 : vector<16xf32>
        %mul3A_1021 = arith.mulf %mul3A_1019, %mul3A_1019 : vector<16xf32>
        %add3A_1022 = arith.addf %add3A_968, %mul3A_1021 : vector<16xf32>
        %get3A_1023 = arith.constant 0 : i32
        %get3A_1024 = arith.constant 0 : i32
        %get3A_1025 = tpu.memref_slice %arg10[%scan3A_471, %get3A_1023, %get3A_1024] : memref<2x104x64xf32, #tpu.memory_space<vmem>> -> memref<1x104x64xf32, #tpu.memory_space<vmem>>
        %get3A_1026 = tpu.memref_squeeze %get3A_1025 : memref<1x104x64xf32, #tpu.memory_space<vmem>> -> memref<104x64xf32, #tpu.memory_space<vmem>>
        %get3A_1027 = arith.index_cast %add3A_1000 : i32 to index
        %get3A_1028 = arith.constant 32 : index
        %get3A_1029 = tpu.vector_load %get3A_1026[%get3A_1027, %get3A_1028] {strides = array<i32>} : memref<104x64xf32, #tpu.memory_space<vmem>>, vector<16xf32>,
        %mul3A_1030 = arith.mulf %get3A_1029, %gather3A_996 : vector<16xf32>
        %add3A_1031 = arith.addf %add3A_977, %mul3A_1030 : vector<16xf32>
        %mul3A_1032 = arith.mulf %mul3A_1030, %mul3A_1030 : vector<16xf32>
        %add3A_1033 = arith.addf %add3A_979, %mul3A_1032 : vector<16xf32>
        %get3A_1034 = arith.constant 0 : i32
        %get3A_1035 = arith.constant 0 : i32
        %get3A_1036 = tpu.memref_slice %arg10[%scan3A_471, %get3A_1034, %get3A_1035] : memref<2x104x64xf32, #tpu.memory_space<vmem>> -> memref<1x104x64xf32, #tpu.memory_space<vmem>>
        %get3A_1037 = tpu.memref_squeeze %get3A_1036 : memref<1x104x64xf32, #tpu.memory_space<vmem>> -> memref<104x64xf32, #tpu.memory_space<vmem>>
        %get3A_1038 = arith.index_cast %add3A_1000 : i32 to index
        %get3A_1039 = arith.constant 48 : index
        %get3A_1040 = tpu.vector_load %get3A_1037[%get3A_1038, %get3A_1039] {strides = array<i32>} : memref<104x64xf32, #tpu.memory_space<vmem>>, vector<16xf32>,
        %mul3A_1041 = arith.mulf %get3A_1040, %gather3A_996 : vector<16xf32>
        %add3A_1042 = arith.addf %add3A_988, %mul3A_1041 : vector<16xf32>
        %mul3A_1043 = arith.mulf %mul3A_1041, %mul3A_1041 : vector<16xf32>
        %add3A_1044 = arith.addf %add3A_990, %mul3A_1043 : vector<16xf32>
        %mul3A_1045 = arith.constant 26 : i32
        %mul3A_1046 = arith.muli %add3A_491, %mul3A_1045 : i32
        %add3A_1047 = arith.constant 10 : i32
        %add3A_1048 = arith.addi %mul3A_1046, %add3A_1047 : i32
        %broadcast_in_dim3A_1049 = vector.broadcast %add3A_1048 : i32 to vector<16xi32>
        %gather3A_1050 = tpu.vector_load_idx %arg8[%broadcast_in_dim3A_1049] : memref<3328xf32, #tpu.memory_space<vmem>>[vector<16xi32>], vector<16xf32>,
        %mul3A_1051 = arith.constant 26 : i32
        %mul3A_1052 = arith.muli %add3A_488, %mul3A_1051 : i32
        %add3A_1053 = arith.constant 10 : i32
        %add3A_1054 = arith.addi %mul3A_1052, %add3A_1053 : i32
        %get3A_1055 = arith.constant 0 : i32
        %get3A_1056 = arith.constant 0 : i32
        %get3A_1057 = tpu.memref_slice %arg10[%scan3A_471, %get3A_1055, %get3A_1056] : memref<2x104x64xf32, #tpu.memory_space<vmem>> -> memref<1x104x64xf32, #tpu.memory_space<vmem>>
        %get3A_1058 = tpu.memref_squeeze %get3A_1057 : memref<1x104x64xf32, #tpu.memory_space<vmem>> -> memref<104x64xf32, #tpu.memory_space<vmem>>
        %get3A_1059 = arith.index_cast %add3A_1054 : i32 to index
        %get3A_1060 = arith.constant 0 : index
        %get3A_1061 = tpu.vector_load %get3A_1058[%get3A_1059, %get3A_1060] {strides = array<i32>} : memref<104x64xf32, #tpu.memory_space<vmem>>, vector<16xf32>,
        %mul3A_1062 = arith.mulf %get3A_1061, %gather3A_1050 : vector<16xf32>
        %add3A_1063 = arith.addf %add3A_1009, %mul3A_1062 : vector<16xf32>
        %mul3A_1064 = arith.mulf %mul3A_1062, %mul3A_1062 : vector<16xf32>
        %add3A_1065 = arith.addf %add3A_1011, %mul3A_1064 : vector<16xf32>
        %get3A_1066 = arith.constant 0 : i32
        %get3A_1067 = arith.constant 0 : i32
        %get3A_1068 = tpu.memref_slice %arg10[%scan3A_471, %get3A_1066, %get3A_1067] : memref<2x104x64xf32, #tpu.memory_space<vmem>> -> memref<1x104x64xf32, #tpu.memory_space<vmem>>
        %get3A_1069 = tpu.memref_squeeze %get3A_1068 : memref<1x104x64xf32, #tpu.memory_space<vmem>> -> memref<104x64xf32, #tpu.memory_space<vmem>>
        %get3A_1070 = arith.index_cast %add3A_1054 : i32 to index
        %get3A_1071 = arith.constant 16 : index
        %get3A_1072 = tpu.vector_load %get3A_1069[%get3A_1070, %get3A_1071] {strides = array<i32>} : memref<104x64xf32, #tpu.memory_space<vmem>>, vector<16xf32>,
        %mul3A_1073 = arith.mulf %get3A_1072, %gather3A_1050 : vector<16xf32>
        %add3A_1074 = arith.addf %add3A_1020, %mul3A_1073 : vector<16xf32>
        %mul3A_1075 = arith.mulf %mul3A_1073, %mul3A_1073 : vector<16xf32>
        %add3A_1076 = arith.addf %add3A_1022, %mul3A_1075 : vector<16xf32>
        %get3A_1077 = arith.constant 0 : i32
        %get3A_1078 = arith.constant 0 : i32
        %get3A_1079 = tpu.memref_slice %arg10[%scan3A_471, %get3A_1077, %get3A_1078] : memref<2x104x64xf32, #tpu.memory_space<vmem>> -> memref<1x104x64xf32, #tpu.memory_space<vmem>>
        %get3A_1080 = tpu.memref_squeeze %get3A_1079 : memref<1x104x64xf32, #tpu.memory_space<vmem>> -> memref<104x64xf32, #tpu.memory_space<vmem>>
        %get3A_1081 = arith.index_cast %add3A_1054 : i32 to index
        %get3A_1082 = arith.constant 32 : index
        %get3A_1083 = tpu.vector_load %get3A_1080[%get3A_1081, %get3A_1082] {strides = array<i32>} : memref<104x64xf32, #tpu.memory_space<vmem>>, vector<16xf32>,
        %mul3A_1084 = arith.mulf %get3A_1083, %gather3A_1050 : vector<16xf32>
        %add3A_1085 = arith.addf %add3A_1031, %mul3A_1084 : vector<16xf32>
        %mul3A_1086 = arith.mulf %mul3A_1084, %mul3A_1084 : vector<16xf32>
        %add3A_1087 = arith.addf %add3A_1033, %mul3A_1086 : vector<16xf32>
        %get3A_1088 = arith.constant 0 : i32
        %get3A_1089 = arith.constant 0 : i32
        %get3A_1090 = tpu.memref_slice %arg10[%scan3A_471, %get3A_1088, %get3A_1089] : memref<2x104x64xf32, #tpu.memory_space<vmem>> -> memref<1x104x64xf32, #tpu.memory_space<vmem>>
        %get3A_1091 = tpu.memref_squeeze %get3A_1090 : memref<1x104x64xf32, #tpu.memory_space<vmem>> -> memref<104x64xf32, #tpu.memory_space<vmem>>
        %get3A_1092 = arith.index_cast %add3A_1054 : i32 to index
        %get3A_1093 = arith.constant 48 : index
        %get3A_1094 = tpu.vector_load %get3A_1091[%get3A_1092, %get3A_1093] {strides = array<i32>} : memref<104x64xf32, #tpu.memory_space<vmem>>, vector<16xf32>,
        %mul3A_1095 = arith.mulf %get3A_1094, %gather3A_1050 : vector<16xf32>
        %add3A_1096 = arith.addf %add3A_1042, %mul3A_1095 : vector<16xf32>
        %mul3A_1097 = arith.mulf %mul3A_1095, %mul3A_1095 : vector<16xf32>
        %add3A_1098 = arith.addf %add3A_1044, %mul3A_1097 : vector<16xf32>
        %mul3A_1099 = arith.constant 26 : i32
        %mul3A_1100 = arith.muli %add3A_491, %mul3A_1099 : i32
        %add3A_1101 = arith.constant 11 : i32
        %add3A_1102 = arith.addi %mul3A_1100, %add3A_1101 : i32
        %broadcast_in_dim3A_1103 = vector.broadcast %add3A_1102 : i32 to vector<16xi32>
        %gather3A_1104 = tpu.vector_load_idx %arg8[%broadcast_in_dim3A_1103] : memref<3328xf32, #tpu.memory_space<vmem>>[vector<16xi32>], vector<16xf32>,
        %mul3A_1105 = arith.constant 26 : i32
        %mul3A_1106 = arith.muli %add3A_488, %mul3A_1105 : i32
        %add3A_1107 = arith.constant 11 : i32
        %add3A_1108 = arith.addi %mul3A_1106, %add3A_1107 : i32
        %get3A_1109 = arith.constant 0 : i32
        %get3A_1110 = arith.constant 0 : i32
        %get3A_1111 = tpu.memref_slice %arg10[%scan3A_471, %get3A_1109, %get3A_1110] : memref<2x104x64xf32, #tpu.memory_space<vmem>> -> memref<1x104x64xf32, #tpu.memory_space<vmem>>
        %get3A_1112 = tpu.memref_squeeze %get3A_1111 : memref<1x104x64xf32, #tpu.memory_space<vmem>> -> memref<104x64xf32, #tpu.memory_space<vmem>>
        %get3A_1113 = arith.index_cast %add3A_1108 : i32 to index
        %get3A_1114 = arith.constant 0 : index
        %get3A_1115 = tpu.vector_load %get3A_1112[%get3A_1113, %get3A_1114] {strides = array<i32>} : memref<104x64xf32, #tpu.memory_space<vmem>>, vector<16xf32>,
        %mul3A_1116 = arith.mulf %get3A_1115, %gather3A_1104 : vector<16xf32>
        %add3A_1117 = arith.addf %add3A_1063, %mul3A_1116 : vector<16xf32>
        %mul3A_1118 = arith.mulf %mul3A_1116, %mul3A_1116 : vector<16xf32>
        %add3A_1119 = arith.addf %add3A_1065, %mul3A_1118 : vector<16xf32>
        %get3A_1120 = arith.constant 0 : i32
        %get3A_1121 = arith.constant 0 : i32
        %get3A_1122 = tpu.memref_slice %arg10[%scan3A_471, %get3A_1120, %get3A_1121] : memref<2x104x64xf32, #tpu.memory_space<vmem>> -> memref<1x104x64xf32, #tpu.memory_space<vmem>>
        %get3A_1123 = tpu.memref_squeeze %get3A_1122 : memref<1x104x64xf32, #tpu.memory_space<vmem>> -> memref<104x64xf32, #tpu.memory_space<vmem>>
        %get3A_1124 = arith.index_cast %add3A_1108 : i32 to index
        %get3A_1125 = arith.constant 16 : index
        %get3A_1126 = tpu.vector_load %get3A_1123[%get3A_1124, %get3A_1125] {strides = array<i32>} : memref<104x64xf32, #tpu.memory_space<vmem>>, vector<16xf32>,
        %mul3A_1127 = arith.mulf %get3A_1126, %gather3A_1104 : vector<16xf32>
        %add3A_1128 = arith.addf %add3A_1074, %mul3A_1127 : vector<16xf32>
        %mul3A_1129 = arith.mulf %mul3A_1127, %mul3A_1127 : vector<16xf32>
        %add3A_1130 = arith.addf %add3A_1076, %mul3A_1129 : vector<16xf32>
        %get3A_1131 = arith.constant 0 : i32
        %get3A_1132 = arith.constant 0 : i32
        %get3A_1133 = tpu.memref_slice %arg10[%scan3A_471, %get3A_1131, %get3A_1132] : memref<2x104x64xf32, #tpu.memory_space<vmem>> -> memref<1x104x64xf32, #tpu.memory_space<vmem>>
        %get3A_1134 = tpu.memref_squeeze %get3A_1133 : memref<1x104x64xf32, #tpu.memory_space<vmem>> -> memref<104x64xf32, #tpu.memory_space<vmem>>
        %get3A_1135 = arith.index_cast %add3A_1108 : i32 to index
        %get3A_1136 = arith.constant 32 : index
        %get3A_1137 = tpu.vector_load %get3A_1134[%get3A_1135, %get3A_1136] {strides = array<i32>} : memref<104x64xf32, #tpu.memory_space<vmem>>, vector<16xf32>,
        %mul3A_1138 = arith.mulf %get3A_1137, %gather3A_1104 : vector<16xf32>
        %add3A_1139 = arith.addf %add3A_1085, %mul3A_1138 : vector<16xf32>
        %mul3A_1140 = arith.mulf %mul3A_1138, %mul3A_1138 : vector<16xf32>
        %add3A_1141 = arith.addf %add3A_1087, %mul3A_1140 : vector<16xf32>
        %get3A_1142 = arith.constant 0 : i32
        %get3A_1143 = arith.constant 0 : i32
        %get3A_1144 = tpu.memref_slice %arg10[%scan3A_471, %get3A_1142, %get3A_1143] : memref<2x104x64xf32, #tpu.memory_space<vmem>> -> memref<1x104x64xf32, #tpu.memory_space<vmem>>
        %get3A_1145 = tpu.memref_squeeze %get3A_1144 : memref<1x104x64xf32, #tpu.memory_space<vmem>> -> memref<104x64xf32, #tpu.memory_space<vmem>>
        %get3A_1146 = arith.index_cast %add3A_1108 : i32 to index
        %get3A_1147 = arith.constant 48 : index
        %get3A_1148 = tpu.vector_load %get3A_1145[%get3A_1146, %get3A_1147] {strides = array<i32>} : memref<104x64xf32, #tpu.memory_space<vmem>>, vector<16xf32>,
        %mul3A_1149 = arith.mulf %get3A_1148, %gather3A_1104 : vector<16xf32>
        %add3A_1150 = arith.addf %add3A_1096, %mul3A_1149 : vector<16xf32>
        %mul3A_1151 = arith.mulf %mul3A_1149, %mul3A_1149 : vector<16xf32>
        %add3A_1152 = arith.addf %add3A_1098, %mul3A_1151 : vector<16xf32>
        %mul3A_1153 = arith.constant 26 : i32
        %mul3A_1154 = arith.muli %add3A_491, %mul3A_1153 : i32
        %add3A_1155 = arith.constant 12 : i32
        %add3A_1156 = arith.addi %mul3A_1154, %add3A_1155 : i32
        %broadcast_in_dim3A_1157 = vector.broadcast %add3A_1156 : i32 to vector<16xi32>
        %gather3A_1158 = tpu.vector_load_idx %arg8[%broadcast_in_dim3A_1157] : memref<3328xf32, #tpu.memory_space<vmem>>[vector<16xi32>], vector<16xf32>,
        %mul3A_1159 = arith.constant 26 : i32
        %mul3A_1160 = arith.muli %add3A_488, %mul3A_1159 : i32
        %add3A_1161 = arith.constant 12 : i32
        %add3A_1162 = arith.addi %mul3A_1160, %add3A_1161 : i32
        %get3A_1163 = arith.constant 0 : i32
        %get3A_1164 = arith.constant 0 : i32
        %get3A_1165 = tpu.memref_slice %arg10[%scan3A_471, %get3A_1163, %get3A_1164] : memref<2x104x64xf32, #tpu.memory_space<vmem>> -> memref<1x104x64xf32, #tpu.memory_space<vmem>>
        %get3A_1166 = tpu.memref_squeeze %get3A_1165 : memref<1x104x64xf32, #tpu.memory_space<vmem>> -> memref<104x64xf32, #tpu.memory_space<vmem>>
        %get3A_1167 = arith.index_cast %add3A_1162 : i32 to index
        %get3A_1168 = arith.constant 0 : index
        %get3A_1169 = tpu.vector_load %get3A_1166[%get3A_1167, %get3A_1168] {strides = array<i32>} : memref<104x64xf32, #tpu.memory_space<vmem>>, vector<16xf32>,
        %mul3A_1170 = arith.mulf %get3A_1169, %gather3A_1158 : vector<16xf32>
        %add3A_1171 = arith.addf %add3A_1117, %mul3A_1170 : vector<16xf32>
        %mul3A_1172 = arith.mulf %mul3A_1170, %mul3A_1170 : vector<16xf32>
        %add3A_1173 = arith.addf %add3A_1119, %mul3A_1172 : vector<16xf32>
        %get3A_1174 = arith.constant 0 : i32
        %get3A_1175 = arith.constant 0 : i32
        %get3A_1176 = tpu.memref_slice %arg10[%scan3A_471, %get3A_1174, %get3A_1175] : memref<2x104x64xf32, #tpu.memory_space<vmem>> -> memref<1x104x64xf32, #tpu.memory_space<vmem>>
        %get3A_1177 = tpu.memref_squeeze %get3A_1176 : memref<1x104x64xf32, #tpu.memory_space<vmem>> -> memref<104x64xf32, #tpu.memory_space<vmem>>
        %get3A_1178 = arith.index_cast %add3A_1162 : i32 to index
        %get3A_1179 = arith.constant 16 : index
        %get3A_1180 = tpu.vector_load %get3A_1177[%get3A_1178, %get3A_1179] {strides = array<i32>} : memref<104x64xf32, #tpu.memory_space<vmem>>, vector<16xf32>,
        %mul3A_1181 = arith.mulf %get3A_1180, %gather3A_1158 : vector<16xf32>
        %add3A_1182 = arith.addf %add3A_1128, %mul3A_1181 : vector<16xf32>
        %mul3A_1183 = arith.mulf %mul3A_1181, %mul3A_1181 : vector<16xf32>
        %add3A_1184 = arith.addf %add3A_1130, %mul3A_1183 : vector<16xf32>
        %get3A_1185 = arith.constant 0 : i32
        %get3A_1186 = arith.constant 0 : i32
        %get3A_1187 = tpu.memref_slice %arg10[%scan3A_471, %get3A_1185, %get3A_1186] : memref<2x104x64xf32, #tpu.memory_space<vmem>> -> memref<1x104x64xf32, #tpu.memory_space<vmem>>
        %get3A_1188 = tpu.memref_squeeze %get3A_1187 : memref<1x104x64xf32, #tpu.memory_space<vmem>> -> memref<104x64xf32, #tpu.memory_space<vmem>>
        %get3A_1189 = arith.index_cast %add3A_1162 : i32 to index
        %get3A_1190 = arith.constant 32 : index
        %get3A_1191 = tpu.vector_load %get3A_1188[%get3A_1189, %get3A_1190] {strides = array<i32>} : memref<104x64xf32, #tpu.memory_space<vmem>>, vector<16xf32>,
        %mul3A_1192 = arith.mulf %get3A_1191, %gather3A_1158 : vector<16xf32>
        %add3A_1193 = arith.addf %add3A_1139, %mul3A_1192 : vector<16xf32>
        %mul3A_1194 = arith.mulf %mul3A_1192, %mul3A_1192 : vector<16xf32>
        %add3A_1195 = arith.addf %add3A_1141, %mul3A_1194 : vector<16xf32>
        %get3A_1196 = arith.constant 0 : i32
        %get3A_1197 = arith.constant 0 : i32
        %get3A_1198 = tpu.memref_slice %arg10[%scan3A_471, %get3A_1196, %get3A_1197] : memref<2x104x64xf32, #tpu.memory_space<vmem>> -> memref<1x104x64xf32, #tpu.memory_space<vmem>>
        %get3A_1199 = tpu.memref_squeeze %get3A_1198 : memref<1x104x64xf32, #tpu.memory_space<vmem>> -> memref<104x64xf32, #tpu.memory_space<vmem>>
        %get3A_1200 = arith.index_cast %add3A_1162 : i32 to index
        %get3A_1201 = arith.constant 48 : index
        %get3A_1202 = tpu.vector_load %get3A_1199[%get3A_1200, %get3A_1201] {strides = array<i32>} : memref<104x64xf32, #tpu.memory_space<vmem>>, vector<16xf32>,
        %mul3A_1203 = arith.mulf %get3A_1202, %gather3A_1158 : vector<16xf32>
        %add3A_1204 = arith.addf %add3A_1150, %mul3A_1203 : vector<16xf32>
        %mul3A_1205 = arith.mulf %mul3A_1203, %mul3A_1203 : vector<16xf32>
        %add3A_1206 = arith.addf %add3A_1152, %mul3A_1205 : vector<16xf32>
        %mul3A_1207 = arith.constant 26 : i32
        %mul3A_1208 = arith.muli %add3A_491, %mul3A_1207 : i32
        %add3A_1209 = arith.constant 13 : i32
        %add3A_1210 = arith.addi %mul3A_1208, %add3A_1209 : i32
        %broadcast_in_dim3A_1211 = vector.broadcast %add3A_1210 : i32 to vector<16xi32>
        %gather3A_1212 = tpu.vector_load_idx %arg8[%broadcast_in_dim3A_1211] : memref<3328xf32, #tpu.memory_space<vmem>>[vector<16xi32>], vector<16xf32>,
        %mul3A_1213 = arith.constant 26 : i32
        %mul3A_1214 = arith.muli %add3A_488, %mul3A_1213 : i32
        %add3A_1215 = arith.constant 13 : i32
        %add3A_1216 = arith.addi %mul3A_1214, %add3A_1215 : i32
        %get3A_1217 = arith.constant 0 : i32
        %get3A_1218 = arith.constant 0 : i32
        %get3A_1219 = tpu.memref_slice %arg10[%scan3A_471, %get3A_1217, %get3A_1218] : memref<2x104x64xf32, #tpu.memory_space<vmem>> -> memref<1x104x64xf32, #tpu.memory_space<vmem>>
        %get3A_1220 = tpu.memref_squeeze %get3A_1219 : memref<1x104x64xf32, #tpu.memory_space<vmem>> -> memref<104x64xf32, #tpu.memory_space<vmem>>
        %get3A_1221 = arith.index_cast %add3A_1216 : i32 to index
        %get3A_1222 = arith.constant 0 : index
        %get3A_1223 = tpu.vector_load %get3A_1220[%get3A_1221, %get3A_1222] {strides = array<i32>} : memref<104x64xf32, #tpu.memory_space<vmem>>, vector<16xf32>,
        %mul3A_1224 = arith.mulf %get3A_1223, %gather3A_1212 : vector<16xf32>
        %add3A_1225 = arith.addf %add3A_1171, %mul3A_1224 : vector<16xf32>
        %mul3A_1226 = arith.mulf %mul3A_1224, %mul3A_1224 : vector<16xf32>
        %add3A_1227 = arith.addf %add3A_1173, %mul3A_1226 : vector<16xf32>
        %get3A_1228 = arith.constant 0 : i32
        %get3A_1229 = arith.constant 0 : i32
        %get3A_1230 = tpu.memref_slice %arg10[%scan3A_471, %get3A_1228, %get3A_1229] : memref<2x104x64xf32, #tpu.memory_space<vmem>> -> memref<1x104x64xf32, #tpu.memory_space<vmem>>
        %get3A_1231 = tpu.memref_squeeze %get3A_1230 : memref<1x104x64xf32, #tpu.memory_space<vmem>> -> memref<104x64xf32, #tpu.memory_space<vmem>>
        %get3A_1232 = arith.index_cast %add3A_1216 : i32 to index
        %get3A_1233 = arith.constant 16 : index
        %get3A_1234 = tpu.vector_load %get3A_1231[%get3A_1232, %get3A_1233] {strides = array<i32>} : memref<104x64xf32, #tpu.memory_space<vmem>>, vector<16xf32>,
        %mul3A_1235 = arith.mulf %get3A_1234, %gather3A_1212 : vector<16xf32>
        %add3A_1236 = arith.addf %add3A_1182, %mul3A_1235 : vector<16xf32>
        %mul3A_1237 = arith.mulf %mul3A_1235, %mul3A_1235 : vector<16xf32>
        %add3A_1238 = arith.addf %add3A_1184, %mul3A_1237 : vector<16xf32>
        %get3A_1239 = arith.constant 0 : i32
        %get3A_1240 = arith.constant 0 : i32
        %get3A_1241 = tpu.memref_slice %arg10[%scan3A_471, %get3A_1239, %get3A_1240] : memref<2x104x64xf32, #tpu.memory_space<vmem>> -> memref<1x104x64xf32, #tpu.memory_space<vmem>>
        %get3A_1242 = tpu.memref_squeeze %get3A_1241 : memref<1x104x64xf32, #tpu.memory_space<vmem>> -> memref<104x64xf32, #tpu.memory_space<vmem>>
        %get3A_1243 = arith.index_cast %add3A_1216 : i32 to index
        %get3A_1244 = arith.constant 32 : index
        %get3A_1245 = tpu.vector_load %get3A_1242[%get3A_1243, %get3A_1244] {strides = array<i32>} : memref<104x64xf32, #tpu.memory_space<vmem>>, vector<16xf32>,
        %mul3A_1246 = arith.mulf %get3A_1245, %gather3A_1212 : vector<16xf32>
        %add3A_1247 = arith.addf %add3A_1193, %mul3A_1246 : vector<16xf32>
        %mul3A_1248 = arith.mulf %mul3A_1246, %mul3A_1246 : vector<16xf32>
        %add3A_1249 = arith.addf %add3A_1195, %mul3A_1248 : vector<16xf32>
        %get3A_1250 = arith.constant 0 : i32
        %get3A_1251 = arith.constant 0 : i32
        %get3A_1252 = tpu.memref_slice %arg10[%scan3A_471, %get3A_1250, %get3A_1251] : memref<2x104x64xf32, #tpu.memory_space<vmem>> -> memref<1x104x64xf32, #tpu.memory_space<vmem>>
        %get3A_1253 = tpu.memref_squeeze %get3A_1252 : memref<1x104x64xf32, #tpu.memory_space<vmem>> -> memref<104x64xf32, #tpu.memory_space<vmem>>
        %get3A_1254 = arith.index_cast %add3A_1216 : i32 to index
        %get3A_1255 = arith.constant 48 : index
        %get3A_1256 = tpu.vector_load %get3A_1253[%get3A_1254, %get3A_1255] {strides = array<i32>} : memref<104x64xf32, #tpu.memory_space<vmem>>, vector<16xf32>,
        %mul3A_1257 = arith.mulf %get3A_1256, %gather3A_1212 : vector<16xf32>
        %add3A_1258 = arith.addf %add3A_1204, %mul3A_1257 : vector<16xf32>
        %mul3A_1259 = arith.mulf %mul3A_1257, %mul3A_1257 : vector<16xf32>
        %add3A_1260 = arith.addf %add3A_1206, %mul3A_1259 : vector<16xf32>
        %mul3A_1261 = arith.constant 26 : i32
        %mul3A_1262 = arith.muli %add3A_491, %mul3A_1261 : i32
        %add3A_1263 = arith.constant 14 : i32
        %add3A_1264 = arith.addi %mul3A_1262, %add3A_1263 : i32
        %broadcast_in_dim3A_1265 = vector.broadcast %add3A_1264 : i32 to vector<16xi32>
        %gather3A_1266 = tpu.vector_load_idx %arg8[%broadcast_in_dim3A_1265] : memref<3328xf32, #tpu.memory_space<vmem>>[vector<16xi32>], vector<16xf32>,
        %mul3A_1267 = arith.constant 26 : i32
        %mul3A_1268 = arith.muli %add3A_488, %mul3A_1267 : i32
        %add3A_1269 = arith.constant 14 : i32
        %add3A_1270 = arith.addi %mul3A_1268, %add3A_1269 : i32
        %get3A_1271 = arith.constant 0 : i32
        %get3A_1272 = arith.constant 0 : i32
        %get3A_1273 = tpu.memref_slice %arg10[%scan3A_471, %get3A_1271, %get3A_1272] : memref<2x104x64xf32, #tpu.memory_space<vmem>> -> memref<1x104x64xf32, #tpu.memory_space<vmem>>
        %get3A_1274 = tpu.memref_squeeze %get3A_1273 : memref<1x104x64xf32, #tpu.memory_space<vmem>> -> memref<104x64xf32, #tpu.memory_space<vmem>>
        %get3A_1275 = arith.index_cast %add3A_1270 : i32 to index
        %get3A_1276 = arith.constant 0 : index
        %get3A_1277 = tpu.vector_load %get3A_1274[%get3A_1275, %get3A_1276] {strides = array<i32>} : memref<104x64xf32, #tpu.memory_space<vmem>>, vector<16xf32>,
        %mul3A_1278 = arith.mulf %get3A_1277, %gather3A_1266 : vector<16xf32>
        %add3A_1279 = arith.addf %add3A_1225, %mul3A_1278 : vector<16xf32>
        %mul3A_1280 = arith.mulf %mul3A_1278, %mul3A_1278 : vector<16xf32>
        %add3A_1281 = arith.addf %add3A_1227, %mul3A_1280 : vector<16xf32>
        %get3A_1282 = arith.constant 0 : i32
        %get3A_1283 = arith.constant 0 : i32
        %get3A_1284 = tpu.memref_slice %arg10[%scan3A_471, %get3A_1282, %get3A_1283] : memref<2x104x64xf32, #tpu.memory_space<vmem>> -> memref<1x104x64xf32, #tpu.memory_space<vmem>>
        %get3A_1285 = tpu.memref_squeeze %get3A_1284 : memref<1x104x64xf32, #tpu.memory_space<vmem>> -> memref<104x64xf32, #tpu.memory_space<vmem>>
        %get3A_1286 = arith.index_cast %add3A_1270 : i32 to index
        %get3A_1287 = arith.constant 16 : index
        %get3A_1288 = tpu.vector_load %get3A_1285[%get3A_1286, %get3A_1287] {strides = array<i32>} : memref<104x64xf32, #tpu.memory_space<vmem>>, vector<16xf32>,
        %mul3A_1289 = arith.mulf %get3A_1288, %gather3A_1266 : vector<16xf32>
        %add3A_1290 = arith.addf %add3A_1236, %mul3A_1289 : vector<16xf32>
        %mul3A_1291 = arith.mulf %mul3A_1289, %mul3A_1289 : vector<16xf32>
        %add3A_1292 = arith.addf %add3A_1238, %mul3A_1291 : vector<16xf32>
        %get3A_1293 = arith.constant 0 : i32
        %get3A_1294 = arith.constant 0 : i32
        %get3A_1295 = tpu.memref_slice %arg10[%scan3A_471, %get3A_1293, %get3A_1294] : memref<2x104x64xf32, #tpu.memory_space<vmem>> -> memref<1x104x64xf32, #tpu.memory_space<vmem>>
        %get3A_1296 = tpu.memref_squeeze %get3A_1295 : memref<1x104x64xf32, #tpu.memory_space<vmem>> -> memref<104x64xf32, #tpu.memory_space<vmem>>
        %get3A_1297 = arith.index_cast %add3A_1270 : i32 to index
        %get3A_1298 = arith.constant 32 : index
        %get3A_1299 = tpu.vector_load %get3A_1296[%get3A_1297, %get3A_1298] {strides = array<i32>} : memref<104x64xf32, #tpu.memory_space<vmem>>, vector<16xf32>,
        %mul3A_1300 = arith.mulf %get3A_1299, %gather3A_1266 : vector<16xf32>
        %add3A_1301 = arith.addf %add3A_1247, %mul3A_1300 : vector<16xf32>
        %mul3A_1302 = arith.mulf %mul3A_1300, %mul3A_1300 : vector<16xf32>
        %add3A_1303 = arith.addf %add3A_1249, %mul3A_1302 : vector<16xf32>
        %get3A_1304 = arith.constant 0 : i32
        %get3A_1305 = arith.constant 0 : i32
        %get3A_1306 = tpu.memref_slice %arg10[%scan3A_471, %get3A_1304, %get3A_1305] : memref<2x104x64xf32, #tpu.memory_space<vmem>> -> memref<1x104x64xf32, #tpu.memory_space<vmem>>
        %get3A_1307 = tpu.memref_squeeze %get3A_1306 : memref<1x104x64xf32, #tpu.memory_space<vmem>> -> memref<104x64xf32, #tpu.memory_space<vmem>>
        %get3A_1308 = arith.index_cast %add3A_1270 : i32 to index
        %get3A_1309 = arith.constant 48 : index
        %get3A_1310 = tpu.vector_load %get3A_1307[%get3A_1308, %get3A_1309] {strides = array<i32>} : memref<104x64xf32, #tpu.memory_space<vmem>>, vector<16xf32>,
        %mul3A_1311 = arith.mulf %get3A_1310, %gather3A_1266 : vector<16xf32>
        %add3A_1312 = arith.addf %add3A_1258, %mul3A_1311 : vector<16xf32>
        %mul3A_1313 = arith.mulf %mul3A_1311, %mul3A_1311 : vector<16xf32>
        %add3A_1314 = arith.addf %add3A_1260, %mul3A_1313 : vector<16xf32>
        %mul3A_1315 = arith.constant 26 : i32
        %mul3A_1316 = arith.muli %add3A_491, %mul3A_1315 : i32
        %add3A_1317 = arith.constant 15 : i32
        %add3A_1318 = arith.addi %mul3A_1316, %add3A_1317 : i32
        %broadcast_in_dim3A_1319 = vector.broadcast %add3A_1318 : i32 to vector<16xi32>
        %gather3A_1320 = tpu.vector_load_idx %arg8[%broadcast_in_dim3A_1319] : memref<3328xf32, #tpu.memory_space<vmem>>[vector<16xi32>], vector<16xf32>,
        %mul3A_1321 = arith.constant 26 : i32
        %mul3A_1322 = arith.muli %add3A_488, %mul3A_1321 : i32
        %add3A_1323 = arith.constant 15 : i32
        %add3A_1324 = arith.addi %mul3A_1322, %add3A_1323 : i32
        %get3A_1325 = arith.constant 0 : i32
        %get3A_1326 = arith.constant 0 : i32
        %get3A_1327 = tpu.memref_slice %arg10[%scan3A_471, %get3A_1325, %get3A_1326] : memref<2x104x64xf32, #tpu.memory_space<vmem>> -> memref<1x104x64xf32, #tpu.memory_space<vmem>>
        %get3A_1328 = tpu.memref_squeeze %get3A_1327 : memref<1x104x64xf32, #tpu.memory_space<vmem>> -> memref<104x64xf32, #tpu.memory_space<vmem>>
        %get3A_1329 = arith.index_cast %add3A_1324 : i32 to index
        %get3A_1330 = arith.constant 0 : index
        %get3A_1331 = tpu.vector_load %get3A_1328[%get3A_1329, %get3A_1330] {strides = array<i32>} : memref<104x64xf32, #tpu.memory_space<vmem>>, vector<16xf32>,
        %mul3A_1332 = arith.mulf %get3A_1331, %gather3A_1320 : vector<16xf32>
        %add3A_1333 = arith.addf %add3A_1279, %mul3A_1332 : vector<16xf32>
        %mul3A_1334 = arith.mulf %mul3A_1332, %mul3A_1332 : vector<16xf32>
        %add3A_1335 = arith.addf %add3A_1281, %mul3A_1334 : vector<16xf32>
        %get3A_1336 = arith.constant 0 : i32
        %get3A_1337 = arith.constant 0 : i32
        %get3A_1338 = tpu.memref_slice %arg10[%scan3A_471, %get3A_1336, %get3A_1337] : memref<2x104x64xf32, #tpu.memory_space<vmem>> -> memref<1x104x64xf32, #tpu.memory_space<vmem>>
        %get3A_1339 = tpu.memref_squeeze %get3A_1338 : memref<1x104x64xf32, #tpu.memory_space<vmem>> -> memref<104x64xf32, #tpu.memory_space<vmem>>
        %get3A_1340 = arith.index_cast %add3A_1324 : i32 to index
        %get3A_1341 = arith.constant 16 : index
        %get3A_1342 = tpu.vector_load %get3A_1339[%get3A_1340, %get3A_1341] {strides = array<i32>} : memref<104x64xf32, #tpu.memory_space<vmem>>, vector<16xf32>,
        %mul3A_1343 = arith.mulf %get3A_1342, %gather3A_1320 : vector<16xf32>
        %add3A_1344 = arith.addf %add3A_1290, %mul3A_1343 : vector<16xf32>
        %mul3A_1345 = arith.mulf %mul3A_1343, %mul3A_1343 : vector<16xf32>
        %add3A_1346 = arith.addf %add3A_1292, %mul3A_1345 : vector<16xf32>
        %get3A_1347 = arith.constant 0 : i32
        %get3A_1348 = arith.constant 0 : i32
        %get3A_1349 = tpu.memref_slice %arg10[%scan3A_471, %get3A_1347, %get3A_1348] : memref<2x104x64xf32, #tpu.memory_space<vmem>> -> memref<1x104x64xf32, #tpu.memory_space<vmem>>
        %get3A_1350 = tpu.memref_squeeze %get3A_1349 : memref<1x104x64xf32, #tpu.memory_space<vmem>> -> memref<104x64xf32, #tpu.memory_space<vmem>>
        %get3A_1351 = arith.index_cast %add3A_1324 : i32 to index
        %get3A_1352 = arith.constant 32 : index
        %get3A_1353 = tpu.vector_load %get3A_1350[%get3A_1351, %get3A_1352] {strides = array<i32>} : memref<104x64xf32, #tpu.memory_space<vmem>>, vector<16xf32>,
        %mul3A_1354 = arith.mulf %get3A_1353, %gather3A_1320 : vector<16xf32>
        %add3A_1355 = arith.addf %add3A_1301, %mul3A_1354 : vector<16xf32>
        %mul3A_1356 = arith.mulf %mul3A_1354, %mul3A_1354 : vector<16xf32>
        %add3A_1357 = arith.addf %add3A_1303, %mul3A_1356 : vector<16xf32>
        %get3A_1358 = arith.constant 0 : i32
        %get3A_1359 = arith.constant 0 : i32
        %get3A_1360 = tpu.memref_slice %arg10[%scan3A_471, %get3A_1358, %get3A_1359] : memref<2x104x64xf32, #tpu.memory_space<vmem>> -> memref<1x104x64xf32, #tpu.memory_space<vmem>>
        %get3A_1361 = tpu.memref_squeeze %get3A_1360 : memref<1x104x64xf32, #tpu.memory_space<vmem>> -> memref<104x64xf32, #tpu.memory_space<vmem>>
        %get3A_1362 = arith.index_cast %add3A_1324 : i32 to index
        %get3A_1363 = arith.constant 48 : index
        %get3A_1364 = tpu.vector_load %get3A_1361[%get3A_1362, %get3A_1363] {strides = array<i32>} : memref<104x64xf32, #tpu.memory_space<vmem>>, vector<16xf32>,
        %mul3A_1365 = arith.mulf %get3A_1364, %gather3A_1320 : vector<16xf32>
        %add3A_1366 = arith.addf %add3A_1312, %mul3A_1365 : vector<16xf32>
        %mul3A_1367 = arith.mulf %mul3A_1365, %mul3A_1365 : vector<16xf32>
        %add3A_1368 = arith.addf %add3A_1314, %mul3A_1367 : vector<16xf32>
        %mul3A_1369 = arith.constant 26 : i32
        %mul3A_1370 = arith.muli %add3A_491, %mul3A_1369 : i32
        %add3A_1371 = arith.constant 16 : i32
        %add3A_1372 = arith.addi %mul3A_1370, %add3A_1371 : i32
        %broadcast_in_dim3A_1373 = vector.broadcast %add3A_1372 : i32 to vector<16xi32>
        %gather3A_1374 = tpu.vector_load_idx %arg8[%broadcast_in_dim3A_1373] : memref<3328xf32, #tpu.memory_space<vmem>>[vector<16xi32>], vector<16xf32>,
        %mul3A_1375 = arith.constant 26 : i32
        %mul3A_1376 = arith.muli %add3A_488, %mul3A_1375 : i32
        %add3A_1377 = arith.constant 16 : i32
        %add3A_1378 = arith.addi %mul3A_1376, %add3A_1377 : i32
        %get3A_1379 = arith.constant 0 : i32
        %get3A_1380 = arith.constant 0 : i32
        %get3A_1381 = tpu.memref_slice %arg10[%scan3A_471, %get3A_1379, %get3A_1380] : memref<2x104x64xf32, #tpu.memory_space<vmem>> -> memref<1x104x64xf32, #tpu.memory_space<vmem>>
        %get3A_1382 = tpu.memref_squeeze %get3A_1381 : memref<1x104x64xf32, #tpu.memory_space<vmem>> -> memref<104x64xf32, #tpu.memory_space<vmem>>
        %get3A_1383 = arith.index_cast %add3A_1378 : i32 to index
        %get3A_1384 = arith.constant 0 : index
        %get3A_1385 = tpu.vector_load %get3A_1382[%get3A_1383, %get3A_1384] {strides = array<i32>} : memref<104x64xf32, #tpu.memory_space<vmem>>, vector<16xf32>,
        %mul3A_1386 = arith.mulf %get3A_1385, %gather3A_1374 : vector<16xf32>
        %add3A_1387 = arith.addf %add3A_1333, %mul3A_1386 : vector<16xf32>
        %mul3A_1388 = arith.mulf %mul3A_1386, %mul3A_1386 : vector<16xf32>
        %add3A_1389 = arith.addf %add3A_1335, %mul3A_1388 : vector<16xf32>
        %get3A_1390 = arith.constant 0 : i32
        %get3A_1391 = arith.constant 0 : i32
        %get3A_1392 = tpu.memref_slice %arg10[%scan3A_471, %get3A_1390, %get3A_1391] : memref<2x104x64xf32, #tpu.memory_space<vmem>> -> memref<1x104x64xf32, #tpu.memory_space<vmem>>
        %get3A_1393 = tpu.memref_squeeze %get3A_1392 : memref<1x104x64xf32, #tpu.memory_space<vmem>> -> memref<104x64xf32, #tpu.memory_space<vmem>>
        %get3A_1394 = arith.index_cast %add3A_1378 : i32 to index
        %get3A_1395 = arith.constant 16 : index
        %get3A_1396 = tpu.vector_load %get3A_1393[%get3A_1394, %get3A_1395] {strides = array<i32>} : memref<104x64xf32, #tpu.memory_space<vmem>>, vector<16xf32>,
        %mul3A_1397 = arith.mulf %get3A_1396, %gather3A_1374 : vector<16xf32>
        %add3A_1398 = arith.addf %add3A_1344, %mul3A_1397 : vector<16xf32>
        %mul3A_1399 = arith.mulf %mul3A_1397, %mul3A_1397 : vector<16xf32>
        %add3A_1400 = arith.addf %add3A_1346, %mul3A_1399 : vector<16xf32>
        %get3A_1401 = arith.constant 0 : i32
        %get3A_1402 = arith.constant 0 : i32
        %get3A_1403 = tpu.memref_slice %arg10[%scan3A_471, %get3A_1401, %get3A_1402] : memref<2x104x64xf32, #tpu.memory_space<vmem>> -> memref<1x104x64xf32, #tpu.memory_space<vmem>>
        %get3A_1404 = tpu.memref_squeeze %get3A_1403 : memref<1x104x64xf32, #tpu.memory_space<vmem>> -> memref<104x64xf32, #tpu.memory_space<vmem>>
        %get3A_1405 = arith.index_cast %add3A_1378 : i32 to index
        %get3A_1406 = arith.constant 32 : index
        %get3A_1407 = tpu.vector_load %get3A_1404[%get3A_1405, %get3A_1406] {strides = array<i32>} : memref<104x64xf32, #tpu.memory_space<vmem>>, vector<16xf32>,
        %mul3A_1408 = arith.mulf %get3A_1407, %gather3A_1374 : vector<16xf32>
        %add3A_1409 = arith.addf %add3A_1355, %mul3A_1408 : vector<16xf32>
        %mul3A_1410 = arith.mulf %mul3A_1408, %mul3A_1408 : vector<16xf32>
        %add3A_1411 = arith.addf %add3A_1357, %mul3A_1410 : vector<16xf32>
        %get3A_1412 = arith.constant 0 : i32
        %get3A_1413 = arith.constant 0 : i32
        %get3A_1414 = tpu.memref_slice %arg10[%scan3A_471, %get3A_1412, %get3A_1413] : memref<2x104x64xf32, #tpu.memory_space<vmem>> -> memref<1x104x64xf32, #tpu.memory_space<vmem>>
        %get3A_1415 = tpu.memref_squeeze %get3A_1414 : memref<1x104x64xf32, #tpu.memory_space<vmem>> -> memref<104x64xf32, #tpu.memory_space<vmem>>
        %get3A_1416 = arith.index_cast %add3A_1378 : i32 to index
        %get3A_1417 = arith.constant 48 : index
        %get3A_1418 = tpu.vector_load %get3A_1415[%get3A_1416, %get3A_1417] {strides = array<i32>} : memref<104x64xf32, #tpu.memory_space<vmem>>, vector<16xf32>,
        %mul3A_1419 = arith.mulf %get3A_1418, %gather3A_1374 : vector<16xf32>
        %add3A_1420 = arith.addf %add3A_1366, %mul3A_1419 : vector<16xf32>
        %mul3A_1421 = arith.mulf %mul3A_1419, %mul3A_1419 : vector<16xf32>
        %add3A_1422 = arith.addf %add3A_1368, %mul3A_1421 : vector<16xf32>
        %mul3A_1423 = arith.constant 26 : i32
        %mul3A_1424 = arith.muli %add3A_491, %mul3A_1423 : i32
        %add3A_1425 = arith.constant 17 : i32
        %add3A_1426 = arith.addi %mul3A_1424, %add3A_1425 : i32
        %broadcast_in_dim3A_1427 = vector.broadcast %add3A_1426 : i32 to vector<16xi32>
        %gather3A_1428 = tpu.vector_load_idx %arg8[%broadcast_in_dim3A_1427] : memref<3328xf32, #tpu.memory_space<vmem>>[vector<16xi32>], vector<16xf32>,
        %mul3A_1429 = arith.constant 26 : i32
        %mul3A_1430 = arith.muli %add3A_488, %mul3A_1429 : i32
        %add3A_1431 = arith.constant 17 : i32
        %add3A_1432 = arith.addi %mul3A_1430, %add3A_1431 : i32
        %get3A_1433 = arith.constant 0 : i32
        %get3A_1434 = arith.constant 0 : i32
        %get3A_1435 = tpu.memref_slice %arg10[%scan3A_471, %get3A_1433, %get3A_1434] : memref<2x104x64xf32, #tpu.memory_space<vmem>> -> memref<1x104x64xf32, #tpu.memory_space<vmem>>
        %get3A_1436 = tpu.memref_squeeze %get3A_1435 : memref<1x104x64xf32, #tpu.memory_space<vmem>> -> memref<104x64xf32, #tpu.memory_space<vmem>>
        %get3A_1437 = arith.index_cast %add3A_1432 : i32 to index
        %get3A_1438 = arith.constant 0 : index
        %get3A_1439 = tpu.vector_load %get3A_1436[%get3A_1437, %get3A_1438] {strides = array<i32>} : memref<104x64xf32, #tpu.memory_space<vmem>>, vector<16xf32>,
        %mul3A_1440 = arith.mulf %get3A_1439, %gather3A_1428 : vector<16xf32>
        %add3A_1441 = arith.addf %add3A_1387, %mul3A_1440 : vector<16xf32>
        %mul3A_1442 = arith.mulf %mul3A_1440, %mul3A_1440 : vector<16xf32>
        %add3A_1443 = arith.addf %add3A_1389, %mul3A_1442 : vector<16xf32>
        %get3A_1444 = arith.constant 0 : i32
        %get3A_1445 = arith.constant 0 : i32
        %get3A_1446 = tpu.memref_slice %arg10[%scan3A_471, %get3A_1444, %get3A_1445] : memref<2x104x64xf32, #tpu.memory_space<vmem>> -> memref<1x104x64xf32, #tpu.memory_space<vmem>>
        %get3A_1447 = tpu.memref_squeeze %get3A_1446 : memref<1x104x64xf32, #tpu.memory_space<vmem>> -> memref<104x64xf32, #tpu.memory_space<vmem>>
        %get3A_1448 = arith.index_cast %add3A_1432 : i32 to index
        %get3A_1449 = arith.constant 16 : index
        %get3A_1450 = tpu.vector_load %get3A_1447[%get3A_1448, %get3A_1449] {strides = array<i32>} : memref<104x64xf32, #tpu.memory_space<vmem>>, vector<16xf32>,
        %mul3A_1451 = arith.mulf %get3A_1450, %gather3A_1428 : vector<16xf32>
        %add3A_1452 = arith.addf %add3A_1398, %mul3A_1451 : vector<16xf32>
        %mul3A_1453 = arith.mulf %mul3A_1451, %mul3A_1451 : vector<16xf32>
        %add3A_1454 = arith.addf %add3A_1400, %mul3A_1453 : vector<16xf32>
        %get3A_1455 = arith.constant 0 : i32
        %get3A_1456 = arith.constant 0 : i32
        %get3A_1457 = tpu.memref_slice %arg10[%scan3A_471, %get3A_1455, %get3A_1456] : memref<2x104x64xf32, #tpu.memory_space<vmem>> -> memref<1x104x64xf32, #tpu.memory_space<vmem>>
        %get3A_1458 = tpu.memref_squeeze %get3A_1457 : memref<1x104x64xf32, #tpu.memory_space<vmem>> -> memref<104x64xf32, #tpu.memory_space<vmem>>
        %get3A_1459 = arith.index_cast %add3A_1432 : i32 to index
        %get3A_1460 = arith.constant 32 : index
        %get3A_1461 = tpu.vector_load %get3A_1458[%get3A_1459, %get3A_1460] {strides = array<i32>} : memref<104x64xf32, #tpu.memory_space<vmem>>, vector<16xf32>,
        %mul3A_1462 = arith.mulf %get3A_1461, %gather3A_1428 : vector<16xf32>
        %add3A_1463 = arith.addf %add3A_1409, %mul3A_1462 : vector<16xf32>
        %mul3A_1464 = arith.mulf %mul3A_1462, %mul3A_1462 : vector<16xf32>
        %add3A_1465 = arith.addf %add3A_1411, %mul3A_1464 : vector<16xf32>
        %get3A_1466 = arith.constant 0 : i32
        %get3A_1467 = arith.constant 0 : i32
        %get3A_1468 = tpu.memref_slice %arg10[%scan3A_471, %get3A_1466, %get3A_1467] : memref<2x104x64xf32, #tpu.memory_space<vmem>> -> memref<1x104x64xf32, #tpu.memory_space<vmem>>
        %get3A_1469 = tpu.memref_squeeze %get3A_1468 : memref<1x104x64xf32, #tpu.memory_space<vmem>> -> memref<104x64xf32, #tpu.memory_space<vmem>>
        %get3A_1470 = arith.index_cast %add3A_1432 : i32 to index
        %get3A_1471 = arith.constant 48 : index
        %get3A_1472 = tpu.vector_load %get3A_1469[%get3A_1470, %get3A_1471] {strides = array<i32>} : memref<104x64xf32, #tpu.memory_space<vmem>>, vector<16xf32>,
        %mul3A_1473 = arith.mulf %get3A_1472, %gather3A_1428 : vector<16xf32>
        %add3A_1474 = arith.addf %add3A_1420, %mul3A_1473 : vector<16xf32>
        %mul3A_1475 = arith.mulf %mul3A_1473, %mul3A_1473 : vector<16xf32>
        %add3A_1476 = arith.addf %add3A_1422, %mul3A_1475 : vector<16xf32>
        %mul3A_1477 = arith.constant 26 : i32
        %mul3A_1478 = arith.muli %add3A_491, %mul3A_1477 : i32
        %add3A_1479 = arith.constant 18 : i32
        %add3A_1480 = arith.addi %mul3A_1478, %add3A_1479 : i32
        %broadcast_in_dim3A_1481 = vector.broadcast %add3A_1480 : i32 to vector<16xi32>
        %gather3A_1482 = tpu.vector_load_idx %arg8[%broadcast_in_dim3A_1481] : memref<3328xf32, #tpu.memory_space<vmem>>[vector<16xi32>], vector<16xf32>,
        %mul3A_1483 = arith.constant 26 : i32
        %mul3A_1484 = arith.muli %add3A_488, %mul3A_1483 : i32
        %add3A_1485 = arith.constant 18 : i32
        %add3A_1486 = arith.addi %mul3A_1484, %add3A_1485 : i32
        %get3A_1487 = arith.constant 0 : i32
        %get3A_1488 = arith.constant 0 : i32
        %get3A_1489 = tpu.memref_slice %arg10[%scan3A_471, %get3A_1487, %get3A_1488] : memref<2x104x64xf32, #tpu.memory_space<vmem>> -> memref<1x104x64xf32, #tpu.memory_space<vmem>>
        %get3A_1490 = tpu.memref_squeeze %get3A_1489 : memref<1x104x64xf32, #tpu.memory_space<vmem>> -> memref<104x64xf32, #tpu.memory_space<vmem>>
        %get3A_1491 = arith.index_cast %add3A_1486 : i32 to index
        %get3A_1492 = arith.constant 0 : index
        %get3A_1493 = tpu.vector_load %get3A_1490[%get3A_1491, %get3A_1492] {strides = array<i32>} : memref<104x64xf32, #tpu.memory_space<vmem>>, vector<16xf32>,
        %mul3A_1494 = arith.mulf %get3A_1493, %gather3A_1482 : vector<16xf32>
        %add3A_1495 = arith.addf %add3A_1441, %mul3A_1494 : vector<16xf32>
        %mul3A_1496 = arith.mulf %mul3A_1494, %mul3A_1494 : vector<16xf32>
        %add3A_1497 = arith.addf %add3A_1443, %mul3A_1496 : vector<16xf32>
        %get3A_1498 = arith.constant 0 : i32
        %get3A_1499 = arith.constant 0 : i32
        %get3A_1500 = tpu.memref_slice %arg10[%scan3A_471, %get3A_1498, %get3A_1499] : memref<2x104x64xf32, #tpu.memory_space<vmem>> -> memref<1x104x64xf32, #tpu.memory_space<vmem>>
        %get3A_1501 = tpu.memref_squeeze %get3A_1500 : memref<1x104x64xf32, #tpu.memory_space<vmem>> -> memref<104x64xf32, #tpu.memory_space<vmem>>
        %get3A_1502 = arith.index_cast %add3A_1486 : i32 to index
        %get3A_1503 = arith.constant 16 : index
        %get3A_1504 = tpu.vector_load %get3A_1501[%get3A_1502, %get3A_1503] {strides = array<i32>} : memref<104x64xf32, #tpu.memory_space<vmem>>, vector<16xf32>,
        %mul3A_1505 = arith.mulf %get3A_1504, %gather3A_1482 : vector<16xf32>
        %add3A_1506 = arith.addf %add3A_1452, %mul3A_1505 : vector<16xf32>
        %mul3A_1507 = arith.mulf %mul3A_1505, %mul3A_1505 : vector<16xf32>
        %add3A_1508 = arith.addf %add3A_1454, %mul3A_1507 : vector<16xf32>
        %get3A_1509 = arith.constant 0 : i32
        %get3A_1510 = arith.constant 0 : i32
        %get3A_1511 = tpu.memref_slice %arg10[%scan3A_471, %get3A_1509, %get3A_1510] : memref<2x104x64xf32, #tpu.memory_space<vmem>> -> memref<1x104x64xf32, #tpu.memory_space<vmem>>
        %get3A_1512 = tpu.memref_squeeze %get3A_1511 : memref<1x104x64xf32, #tpu.memory_space<vmem>> -> memref<104x64xf32, #tpu.memory_space<vmem>>
        %get3A_1513 = arith.index_cast %add3A_1486 : i32 to index
        %get3A_1514 = arith.constant 32 : index
        %get3A_1515 = tpu.vector_load %get3A_1512[%get3A_1513, %get3A_1514] {strides = array<i32>} : memref<104x64xf32, #tpu.memory_space<vmem>>, vector<16xf32>,
        %mul3A_1516 = arith.mulf %get3A_1515, %gather3A_1482 : vector<16xf32>
        %add3A_1517 = arith.addf %add3A_1463, %mul3A_1516 : vector<16xf32>
        %mul3A_1518 = arith.mulf %mul3A_1516, %mul3A_1516 : vector<16xf32>
        %add3A_1519 = arith.addf %add3A_1465, %mul3A_1518 : vector<16xf32>
        %get3A_1520 = arith.constant 0 : i32
        %get3A_1521 = arith.constant 0 : i32
        %get3A_1522 = tpu.memref_slice %arg10[%scan3A_471, %get3A_1520, %get3A_1521] : memref<2x104x64xf32, #tpu.memory_space<vmem>> -> memref<1x104x64xf32, #tpu.memory_space<vmem>>
        %get3A_1523 = tpu.memref_squeeze %get3A_1522 : memref<1x104x64xf32, #tpu.memory_space<vmem>> -> memref<104x64xf32, #tpu.memory_space<vmem>>
        %get3A_1524 = arith.index_cast %add3A_1486 : i32 to index
        %get3A_1525 = arith.constant 48 : index
        %get3A_1526 = tpu.vector_load %get3A_1523[%get3A_1524, %get3A_1525] {strides = array<i32>} : memref<104x64xf32, #tpu.memory_space<vmem>>, vector<16xf32>,
        %mul3A_1527 = arith.mulf %get3A_1526, %gather3A_1482 : vector<16xf32>
        %add3A_1528 = arith.addf %add3A_1474, %mul3A_1527 : vector<16xf32>
        %mul3A_1529 = arith.mulf %mul3A_1527, %mul3A_1527 : vector<16xf32>
        %add3A_1530 = arith.addf %add3A_1476, %mul3A_1529 : vector<16xf32>
        %mul3A_1531 = arith.constant 26 : i32
        %mul3A_1532 = arith.muli %add3A_491, %mul3A_1531 : i32
        %add3A_1533 = arith.constant 19 : i32
        %add3A_1534 = arith.addi %mul3A_1532, %add3A_1533 : i32
        %broadcast_in_dim3A_1535 = vector.broadcast %add3A_1534 : i32 to vector<16xi32>
        %gather3A_1536 = tpu.vector_load_idx %arg8[%broadcast_in_dim3A_1535] : memref<3328xf32, #tpu.memory_space<vmem>>[vector<16xi32>], vector<16xf32>,
        %mul3A_1537 = arith.constant 26 : i32
        %mul3A_1538 = arith.muli %add3A_488, %mul3A_1537 : i32
        %add3A_1539 = arith.constant 19 : i32
        %add3A_1540 = arith.addi %mul3A_1538, %add3A_1539 : i32
        %get3A_1541 = arith.constant 0 : i32
        %get3A_1542 = arith.constant 0 : i32
        %get3A_1543 = tpu.memref_slice %arg10[%scan3A_471, %get3A_1541, %get3A_1542] : memref<2x104x64xf32, #tpu.memory_space<vmem>> -> memref<1x104x64xf32, #tpu.memory_space<vmem>>
        %get3A_1544 = tpu.memref_squeeze %get3A_1543 : memref<1x104x64xf32, #tpu.memory_space<vmem>> -> memref<104x64xf32, #tpu.memory_space<vmem>>
        %get3A_1545 = arith.index_cast %add3A_1540 : i32 to index
        %get3A_1546 = arith.constant 0 : index
        %get3A_1547 = tpu.vector_load %get3A_1544[%get3A_1545, %get3A_1546] {strides = array<i32>} : memref<104x64xf32, #tpu.memory_space<vmem>>, vector<16xf32>,
        %mul3A_1548 = arith.mulf %get3A_1547, %gather3A_1536 : vector<16xf32>
        %add3A_1549 = arith.addf %add3A_1495, %mul3A_1548 : vector<16xf32>
        %mul3A_1550 = arith.mulf %mul3A_1548, %mul3A_1548 : vector<16xf32>
        %add3A_1551 = arith.addf %add3A_1497, %mul3A_1550 : vector<16xf32>
        %get3A_1552 = arith.constant 0 : i32
        %get3A_1553 = arith.constant 0 : i32
        %get3A_1554 = tpu.memref_slice %arg10[%scan3A_471, %get3A_1552, %get3A_1553] : memref<2x104x64xf32, #tpu.memory_space<vmem>> -> memref<1x104x64xf32, #tpu.memory_space<vmem>>
        %get3A_1555 = tpu.memref_squeeze %get3A_1554 : memref<1x104x64xf32, #tpu.memory_space<vmem>> -> memref<104x64xf32, #tpu.memory_space<vmem>>
        %get3A_1556 = arith.index_cast %add3A_1540 : i32 to index
        %get3A_1557 = arith.constant 16 : index
        %get3A_1558 = tpu.vector_load %get3A_1555[%get3A_1556, %get3A_1557] {strides = array<i32>} : memref<104x64xf32, #tpu.memory_space<vmem>>, vector<16xf32>,
        %mul3A_1559 = arith.mulf %get3A_1558, %gather3A_1536 : vector<16xf32>
        %add3A_1560 = arith.addf %add3A_1506, %mul3A_1559 : vector<16xf32>
        %mul3A_1561 = arith.mulf %mul3A_1559, %mul3A_1559 : vector<16xf32>
        %add3A_1562 = arith.addf %add3A_1508, %mul3A_1561 : vector<16xf32>
        %get3A_1563 = arith.constant 0 : i32
        %get3A_1564 = arith.constant 0 : i32
        %get3A_1565 = tpu.memref_slice %arg10[%scan3A_471, %get3A_1563, %get3A_1564] : memref<2x104x64xf32, #tpu.memory_space<vmem>> -> memref<1x104x64xf32, #tpu.memory_space<vmem>>
        %get3A_1566 = tpu.memref_squeeze %get3A_1565 : memref<1x104x64xf32, #tpu.memory_space<vmem>> -> memref<104x64xf32, #tpu.memory_space<vmem>>
        %get3A_1567 = arith.index_cast %add3A_1540 : i32 to index
        %get3A_1568 = arith.constant 32 : index
        %get3A_1569 = tpu.vector_load %get3A_1566[%get3A_1567, %get3A_1568] {strides = array<i32>} : memref<104x64xf32, #tpu.memory_space<vmem>>, vector<16xf32>,
        %mul3A_1570 = arith.mulf %get3A_1569, %gather3A_1536 : vector<16xf32>
        %add3A_1571 = arith.addf %add3A_1517, %mul3A_1570 : vector<16xf32>
        %mul3A_1572 = arith.mulf %mul3A_1570, %mul3A_1570 : vector<16xf32>
        %add3A_1573 = arith.addf %add3A_1519, %mul3A_1572 : vector<16xf32>
        %get3A_1574 = arith.constant 0 : i32
        %get3A_1575 = arith.constant 0 : i32
        %get3A_1576 = tpu.memref_slice %arg10[%scan3A_471, %get3A_1574, %get3A_1575] : memref<2x104x64xf32, #tpu.memory_space<vmem>> -> memref<1x104x64xf32, #tpu.memory_space<vmem>>
        %get3A_1577 = tpu.memref_squeeze %get3A_1576 : memref<1x104x64xf32, #tpu.memory_space<vmem>> -> memref<104x64xf32, #tpu.memory_space<vmem>>
        %get3A_1578 = arith.index_cast %add3A_1540 : i32 to index
        %get3A_1579 = arith.constant 48 : index
        %get3A_1580 = tpu.vector_load %get3A_1577[%get3A_1578, %get3A_1579] {strides = array<i32>} : memref<104x64xf32, #tpu.memory_space<vmem>>, vector<16xf32>,
        %mul3A_1581 = arith.mulf %get3A_1580, %gather3A_1536 : vector<16xf32>
        %add3A_1582 = arith.addf %add3A_1528, %mul3A_1581 : vector<16xf32>
        %mul3A_1583 = arith.mulf %mul3A_1581, %mul3A_1581 : vector<16xf32>
        %add3A_1584 = arith.addf %add3A_1530, %mul3A_1583 : vector<16xf32>
        %mul3A_1585 = arith.constant 26 : i32
        %mul3A_1586 = arith.muli %add3A_491, %mul3A_1585 : i32
        %add3A_1587 = arith.constant 20 : i32
        %add3A_1588 = arith.addi %mul3A_1586, %add3A_1587 : i32
        %broadcast_in_dim3A_1589 = vector.broadcast %add3A_1588 : i32 to vector<16xi32>
        %gather3A_1590 = tpu.vector_load_idx %arg8[%broadcast_in_dim3A_1589] : memref<3328xf32, #tpu.memory_space<vmem>>[vector<16xi32>], vector<16xf32>,
        %mul3A_1591 = arith.constant 26 : i32
        %mul3A_1592 = arith.muli %add3A_488, %mul3A_1591 : i32
        %add3A_1593 = arith.constant 20 : i32
        %add3A_1594 = arith.addi %mul3A_1592, %add3A_1593 : i32
        %get3A_1595 = arith.constant 0 : i32
        %get3A_1596 = arith.constant 0 : i32
        %get3A_1597 = tpu.memref_slice %arg10[%scan3A_471, %get3A_1595, %get3A_1596] : memref<2x104x64xf32, #tpu.memory_space<vmem>> -> memref<1x104x64xf32, #tpu.memory_space<vmem>>
        %get3A_1598 = tpu.memref_squeeze %get3A_1597 : memref<1x104x64xf32, #tpu.memory_space<vmem>> -> memref<104x64xf32, #tpu.memory_space<vmem>>
        %get3A_1599 = arith.index_cast %add3A_1594 : i32 to index
        %get3A_1600 = arith.constant 0 : index
        %get3A_1601 = tpu.vector_load %get3A_1598[%get3A_1599, %get3A_1600] {strides = array<i32>} : memref<104x64xf32, #tpu.memory_space<vmem>>, vector<16xf32>,
        %mul3A_1602 = arith.mulf %get3A_1601, %gather3A_1590 : vector<16xf32>
        %add3A_1603 = arith.addf %add3A_1549, %mul3A_1602 : vector<16xf32>
        %mul3A_1604 = arith.mulf %mul3A_1602, %mul3A_1602 : vector<16xf32>
        %add3A_1605 = arith.addf %add3A_1551, %mul3A_1604 : vector<16xf32>
        %get3A_1606 = arith.constant 0 : i32
        %get3A_1607 = arith.constant 0 : i32
        %get3A_1608 = tpu.memref_slice %arg10[%scan3A_471, %get3A_1606, %get3A_1607] : memref<2x104x64xf32, #tpu.memory_space<vmem>> -> memref<1x104x64xf32, #tpu.memory_space<vmem>>
        %get3A_1609 = tpu.memref_squeeze %get3A_1608 : memref<1x104x64xf32, #tpu.memory_space<vmem>> -> memref<104x64xf32, #tpu.memory_space<vmem>>
        %get3A_1610 = arith.index_cast %add3A_1594 : i32 to index
        %get3A_1611 = arith.constant 16 : index
        %get3A_1612 = tpu.vector_load %get3A_1609[%get3A_1610, %get3A_1611] {strides = array<i32>} : memref<104x64xf32, #tpu.memory_space<vmem>>, vector<16xf32>,
        %mul3A_1613 = arith.mulf %get3A_1612, %gather3A_1590 : vector<16xf32>
        %add3A_1614 = arith.addf %add3A_1560, %mul3A_1613 : vector<16xf32>
        %mul3A_1615 = arith.mulf %mul3A_1613, %mul3A_1613 : vector<16xf32>
        %add3A_1616 = arith.addf %add3A_1562, %mul3A_1615 : vector<16xf32>
        %get3A_1617 = arith.constant 0 : i32
        %get3A_1618 = arith.constant 0 : i32
        %get3A_1619 = tpu.memref_slice %arg10[%scan3A_471, %get3A_1617, %get3A_1618] : memref<2x104x64xf32, #tpu.memory_space<vmem>> -> memref<1x104x64xf32, #tpu.memory_space<vmem>>
        %get3A_1620 = tpu.memref_squeeze %get3A_1619 : memref<1x104x64xf32, #tpu.memory_space<vmem>> -> memref<104x64xf32, #tpu.memory_space<vmem>>
        %get3A_1621 = arith.index_cast %add3A_1594 : i32 to index
        %get3A_1622 = arith.constant 32 : index
        %get3A_1623 = tpu.vector_load %get3A_1620[%get3A_1621, %get3A_1622] {strides = array<i32>} : memref<104x64xf32, #tpu.memory_space<vmem>>, vector<16xf32>,
        %mul3A_1624 = arith.mulf %get3A_1623, %gather3A_1590 : vector<16xf32>
        %add3A_1625 = arith.addf %add3A_1571, %mul3A_1624 : vector<16xf32>
        %mul3A_1626 = arith.mulf %mul3A_1624, %mul3A_1624 : vector<16xf32>
        %add3A_1627 = arith.addf %add3A_1573, %mul3A_1626 : vector<16xf32>
        %get3A_1628 = arith.constant 0 : i32
        %get3A_1629 = arith.constant 0 : i32
        %get3A_1630 = tpu.memref_slice %arg10[%scan3A_471, %get3A_1628, %get3A_1629] : memref<2x104x64xf32, #tpu.memory_space<vmem>> -> memref<1x104x64xf32, #tpu.memory_space<vmem>>
        %get3A_1631 = tpu.memref_squeeze %get3A_1630 : memref<1x104x64xf32, #tpu.memory_space<vmem>> -> memref<104x64xf32, #tpu.memory_space<vmem>>
        %get3A_1632 = arith.index_cast %add3A_1594 : i32 to index
        %get3A_1633 = arith.constant 48 : index
        %get3A_1634 = tpu.vector_load %get3A_1631[%get3A_1632, %get3A_1633] {strides = array<i32>} : memref<104x64xf32, #tpu.memory_space<vmem>>, vector<16xf32>,
        %mul3A_1635 = arith.mulf %get3A_1634, %gather3A_1590 : vector<16xf32>
        %add3A_1636 = arith.addf %add3A_1582, %mul3A_1635 : vector<16xf32>
        %mul3A_1637 = arith.mulf %mul3A_1635, %mul3A_1635 : vector<16xf32>
        %add3A_1638 = arith.addf %add3A_1584, %mul3A_1637 : vector<16xf32>
        %mul3A_1639 = arith.constant 26 : i32
        %mul3A_1640 = arith.muli %add3A_491, %mul3A_1639 : i32
        %add3A_1641 = arith.constant 21 : i32
        %add3A_1642 = arith.addi %mul3A_1640, %add3A_1641 : i32
        %broadcast_in_dim3A_1643 = vector.broadcast %add3A_1642 : i32 to vector<16xi32>
        %gather3A_1644 = tpu.vector_load_idx %arg8[%broadcast_in_dim3A_1643] : memref<3328xf32, #tpu.memory_space<vmem>>[vector<16xi32>], vector<16xf32>,
        %mul3A_1645 = arith.constant 26 : i32
        %mul3A_1646 = arith.muli %add3A_488, %mul3A_1645 : i32
        %add3A_1647 = arith.constant 21 : i32
        %add3A_1648 = arith.addi %mul3A_1646, %add3A_1647 : i32
        %get3A_1649 = arith.constant 0 : i32
        %get3A_1650 = arith.constant 0 : i32
        %get3A_1651 = tpu.memref_slice %arg10[%scan3A_471, %get3A_1649, %get3A_1650] : memref<2x104x64xf32, #tpu.memory_space<vmem>> -> memref<1x104x64xf32, #tpu.memory_space<vmem>>
        %get3A_1652 = tpu.memref_squeeze %get3A_1651 : memref<1x104x64xf32, #tpu.memory_space<vmem>> -> memref<104x64xf32, #tpu.memory_space<vmem>>
        %get3A_1653 = arith.index_cast %add3A_1648 : i32 to index
        %get3A_1654 = arith.constant 0 : index
        %get3A_1655 = tpu.vector_load %get3A_1652[%get3A_1653, %get3A_1654] {strides = array<i32>} : memref<104x64xf32, #tpu.memory_space<vmem>>, vector<16xf32>,
        %mul3A_1656 = arith.mulf %get3A_1655, %gather3A_1644 : vector<16xf32>
        %add3A_1657 = arith.addf %add3A_1603, %mul3A_1656 : vector<16xf32>
        %mul3A_1658 = arith.mulf %mul3A_1656, %mul3A_1656 : vector<16xf32>
        %add3A_1659 = arith.addf %add3A_1605, %mul3A_1658 : vector<16xf32>
        %get3A_1660 = arith.constant 0 : i32
        %get3A_1661 = arith.constant 0 : i32
        %get3A_1662 = tpu.memref_slice %arg10[%scan3A_471, %get3A_1660, %get3A_1661] : memref<2x104x64xf32, #tpu.memory_space<vmem>> -> memref<1x104x64xf32, #tpu.memory_space<vmem>>
        %get3A_1663 = tpu.memref_squeeze %get3A_1662 : memref<1x104x64xf32, #tpu.memory_space<vmem>> -> memref<104x64xf32, #tpu.memory_space<vmem>>
        %get3A_1664 = arith.index_cast %add3A_1648 : i32 to index
        %get3A_1665 = arith.constant 16 : index
        %get3A_1666 = tpu.vector_load %get3A_1663[%get3A_1664, %get3A_1665] {strides = array<i32>} : memref<104x64xf32, #tpu.memory_space<vmem>>, vector<16xf32>,
        %mul3A_1667 = arith.mulf %get3A_1666, %gather3A_1644 : vector<16xf32>
        %add3A_1668 = arith.addf %add3A_1614, %mul3A_1667 : vector<16xf32>
        %mul3A_1669 = arith.mulf %mul3A_1667, %mul3A_1667 : vector<16xf32>
        %add3A_1670 = arith.addf %add3A_1616, %mul3A_1669 : vector<16xf32>
        %get3A_1671 = arith.constant 0 : i32
        %get3A_1672 = arith.constant 0 : i32
        %get3A_1673 = tpu.memref_slice %arg10[%scan3A_471, %get3A_1671, %get3A_1672] : memref<2x104x64xf32, #tpu.memory_space<vmem>> -> memref<1x104x64xf32, #tpu.memory_space<vmem>>
        %get3A_1674 = tpu.memref_squeeze %get3A_1673 : memref<1x104x64xf32, #tpu.memory_space<vmem>> -> memref<104x64xf32, #tpu.memory_space<vmem>>
        %get3A_1675 = arith.index_cast %add3A_1648 : i32 to index
        %get3A_1676 = arith.constant 32 : index
        %get3A_1677 = tpu.vector_load %get3A_1674[%get3A_1675, %get3A_1676] {strides = array<i32>} : memref<104x64xf32, #tpu.memory_space<vmem>>, vector<16xf32>,
        %mul3A_1678 = arith.mulf %get3A_1677, %gather3A_1644 : vector<16xf32>
        %add3A_1679 = arith.addf %add3A_1625, %mul3A_1678 : vector<16xf32>
        %mul3A_1680 = arith.mulf %mul3A_1678, %mul3A_1678 : vector<16xf32>
        %add3A_1681 = arith.addf %add3A_1627, %mul3A_1680 : vector<16xf32>
        %get3A_1682 = arith.constant 0 : i32
        %get3A_1683 = arith.constant 0 : i32
        %get3A_1684 = tpu.memref_slice %arg10[%scan3A_471, %get3A_1682, %get3A_1683] : memref<2x104x64xf32, #tpu.memory_space<vmem>> -> memref<1x104x64xf32, #tpu.memory_space<vmem>>
        %get3A_1685 = tpu.memref_squeeze %get3A_1684 : memref<1x104x64xf32, #tpu.memory_space<vmem>> -> memref<104x64xf32, #tpu.memory_space<vmem>>
        %get3A_1686 = arith.index_cast %add3A_1648 : i32 to index
        %get3A_1687 = arith.constant 48 : index
        %get3A_1688 = tpu.vector_load %get3A_1685[%get3A_1686, %get3A_1687] {strides = array<i32>} : memref<104x64xf32, #tpu.memory_space<vmem>>, vector<16xf32>,
        %mul3A_1689 = arith.mulf %get3A_1688, %gather3A_1644 : vector<16xf32>
        %add3A_1690 = arith.addf %add3A_1636, %mul3A_1689 : vector<16xf32>
        %mul3A_1691 = arith.mulf %mul3A_1689, %mul3A_1689 : vector<16xf32>
        %add3A_1692 = arith.addf %add3A_1638, %mul3A_1691 : vector<16xf32>
        %mul3A_1693 = arith.constant 26 : i32
        %mul3A_1694 = arith.muli %add3A_491, %mul3A_1693 : i32
        %add3A_1695 = arith.constant 22 : i32
        %add3A_1696 = arith.addi %mul3A_1694, %add3A_1695 : i32
        %broadcast_in_dim3A_1697 = vector.broadcast %add3A_1696 : i32 to vector<16xi32>
        %gather3A_1698 = tpu.vector_load_idx %arg8[%broadcast_in_dim3A_1697] : memref<3328xf32, #tpu.memory_space<vmem>>[vector<16xi32>], vector<16xf32>,
        %mul3A_1699 = arith.constant 26 : i32
        %mul3A_1700 = arith.muli %add3A_488, %mul3A_1699 : i32
        %add3A_1701 = arith.constant 22 : i32
        %add3A_1702 = arith.addi %mul3A_1700, %add3A_1701 : i32
        %get3A_1703 = arith.constant 0 : i32
        %get3A_1704 = arith.constant 0 : i32
        %get3A_1705 = tpu.memref_slice %arg10[%scan3A_471, %get3A_1703, %get3A_1704] : memref<2x104x64xf32, #tpu.memory_space<vmem>> -> memref<1x104x64xf32, #tpu.memory_space<vmem>>
        %get3A_1706 = tpu.memref_squeeze %get3A_1705 : memref<1x104x64xf32, #tpu.memory_space<vmem>> -> memref<104x64xf32, #tpu.memory_space<vmem>>
        %get3A_1707 = arith.index_cast %add3A_1702 : i32 to index
        %get3A_1708 = arith.constant 0 : index
        %get3A_1709 = tpu.vector_load %get3A_1706[%get3A_1707, %get3A_1708] {strides = array<i32>} : memref<104x64xf32, #tpu.memory_space<vmem>>, vector<16xf32>,
        %mul3A_1710 = arith.mulf %get3A_1709, %gather3A_1698 : vector<16xf32>
        %add3A_1711 = arith.addf %add3A_1657, %mul3A_1710 : vector<16xf32>
        %mul3A_1712 = arith.mulf %mul3A_1710, %mul3A_1710 : vector<16xf32>
        %add3A_1713 = arith.addf %add3A_1659, %mul3A_1712 : vector<16xf32>
        %get3A_1714 = arith.constant 0 : i32
        %get3A_1715 = arith.constant 0 : i32
        %get3A_1716 = tpu.memref_slice %arg10[%scan3A_471, %get3A_1714, %get3A_1715] : memref<2x104x64xf32, #tpu.memory_space<vmem>> -> memref<1x104x64xf32, #tpu.memory_space<vmem>>
        %get3A_1717 = tpu.memref_squeeze %get3A_1716 : memref<1x104x64xf32, #tpu.memory_space<vmem>> -> memref<104x64xf32, #tpu.memory_space<vmem>>
        %get3A_1718 = arith.index_cast %add3A_1702 : i32 to index
        %get3A_1719 = arith.constant 16 : index
        %get3A_1720 = tpu.vector_load %get3A_1717[%get3A_1718, %get3A_1719] {strides = array<i32>} : memref<104x64xf32, #tpu.memory_space<vmem>>, vector<16xf32>,
        %mul3A_1721 = arith.mulf %get3A_1720, %gather3A_1698 : vector<16xf32>
        %add3A_1722 = arith.addf %add3A_1668, %mul3A_1721 : vector<16xf32>
        %mul3A_1723 = arith.mulf %mul3A_1721, %mul3A_1721 : vector<16xf32>
        %add3A_1724 = arith.addf %add3A_1670, %mul3A_1723 : vector<16xf32>
        %get3A_1725 = arith.constant 0 : i32
        %get3A_1726 = arith.constant 0 : i32
        %get3A_1727 = tpu.memref_slice %arg10[%scan3A_471, %get3A_1725, %get3A_1726] : memref<2x104x64xf32, #tpu.memory_space<vmem>> -> memref<1x104x64xf32, #tpu.memory_space<vmem>>
        %get3A_1728 = tpu.memref_squeeze %get3A_1727 : memref<1x104x64xf32, #tpu.memory_space<vmem>> -> memref<104x64xf32, #tpu.memory_space<vmem>>
        %get3A_1729 = arith.index_cast %add3A_1702 : i32 to index
        %get3A_1730 = arith.constant 32 : index
        %get3A_1731 = tpu.vector_load %get3A_1728[%get3A_1729, %get3A_1730] {strides = array<i32>} : memref<104x64xf32, #tpu.memory_space<vmem>>, vector<16xf32>,
        %mul3A_1732 = arith.mulf %get3A_1731, %gather3A_1698 : vector<16xf32>
        %add3A_1733 = arith.addf %add3A_1679, %mul3A_1732 : vector<16xf32>
        %mul3A_1734 = arith.mulf %mul3A_1732, %mul3A_1732 : vector<16xf32>
        %add3A_1735 = arith.addf %add3A_1681, %mul3A_1734 : vector<16xf32>
        %get3A_1736 = arith.constant 0 : i32
        %get3A_1737 = arith.constant 0 : i32
        %get3A_1738 = tpu.memref_slice %arg10[%scan3A_471, %get3A_1736, %get3A_1737] : memref<2x104x64xf32, #tpu.memory_space<vmem>> -> memref<1x104x64xf32, #tpu.memory_space<vmem>>
        %get3A_1739 = tpu.memref_squeeze %get3A_1738 : memref<1x104x64xf32, #tpu.memory_space<vmem>> -> memref<104x64xf32, #tpu.memory_space<vmem>>
        %get3A_1740 = arith.index_cast %add3A_1702 : i32 to index
        %get3A_1741 = arith.constant 48 : index
        %get3A_1742 = tpu.vector_load %get3A_1739[%get3A_1740, %get3A_1741] {strides = array<i32>} : memref<104x64xf32, #tpu.memory_space<vmem>>, vector<16xf32>,
        %mul3A_1743 = arith.mulf %get3A_1742, %gather3A_1698 : vector<16xf32>
        %add3A_1744 = arith.addf %add3A_1690, %mul3A_1743 : vector<16xf32>
        %mul3A_1745 = arith.mulf %mul3A_1743, %mul3A_1743 : vector<16xf32>
        %add3A_1746 = arith.addf %add3A_1692, %mul3A_1745 : vector<16xf32>
        %mul3A_1747 = arith.constant 26 : i32
        %mul3A_1748 = arith.muli %add3A_491, %mul3A_1747 : i32
        %add3A_1749 = arith.constant 23 : i32
        %add3A_1750 = arith.addi %mul3A_1748, %add3A_1749 : i32
        %broadcast_in_dim3A_1751 = vector.broadcast %add3A_1750 : i32 to vector<16xi32>
        %gather3A_1752 = tpu.vector_load_idx %arg8[%broadcast_in_dim3A_1751] : memref<3328xf32, #tpu.memory_space<vmem>>[vector<16xi32>], vector<16xf32>,
        %mul3A_1753 = arith.constant 26 : i32
        %mul3A_1754 = arith.muli %add3A_488, %mul3A_1753 : i32
        %add3A_1755 = arith.constant 23 : i32
        %add3A_1756 = arith.addi %mul3A_1754, %add3A_1755 : i32
        %get3A_1757 = arith.constant 0 : i32
        %get3A_1758 = arith.constant 0 : i32
        %get3A_1759 = tpu.memref_slice %arg10[%scan3A_471, %get3A_1757, %get3A_1758] : memref<2x104x64xf32, #tpu.memory_space<vmem>> -> memref<1x104x64xf32, #tpu.memory_space<vmem>>
        %get3A_1760 = tpu.memref_squeeze %get3A_1759 : memref<1x104x64xf32, #tpu.memory_space<vmem>> -> memref<104x64xf32, #tpu.memory_space<vmem>>
        %get3A_1761 = arith.index_cast %add3A_1756 : i32 to index
        %get3A_1762 = arith.constant 0 : index
        %get3A_1763 = tpu.vector_load %get3A_1760[%get3A_1761, %get3A_1762] {strides = array<i32>} : memref<104x64xf32, #tpu.memory_space<vmem>>, vector<16xf32>,
        %mul3A_1764 = arith.mulf %get3A_1763, %gather3A_1752 : vector<16xf32>
        %add3A_1765 = arith.addf %add3A_1711, %mul3A_1764 : vector<16xf32>
        %mul3A_1766 = arith.mulf %mul3A_1764, %mul3A_1764 : vector<16xf32>
        %add3A_1767 = arith.addf %add3A_1713, %mul3A_1766 : vector<16xf32>
        %get3A_1768 = arith.constant 0 : i32
        %get3A_1769 = arith.constant 0 : i32
        %get3A_1770 = tpu.memref_slice %arg10[%scan3A_471, %get3A_1768, %get3A_1769] : memref<2x104x64xf32, #tpu.memory_space<vmem>> -> memref<1x104x64xf32, #tpu.memory_space<vmem>>
        %get3A_1771 = tpu.memref_squeeze %get3A_1770 : memref<1x104x64xf32, #tpu.memory_space<vmem>> -> memref<104x64xf32, #tpu.memory_space<vmem>>
        %get3A_1772 = arith.index_cast %add3A_1756 : i32 to index
        %get3A_1773 = arith.constant 16 : index
        %get3A_1774 = tpu.vector_load %get3A_1771[%get3A_1772, %get3A_1773] {strides = array<i32>} : memref<104x64xf32, #tpu.memory_space<vmem>>, vector<16xf32>,
        %mul3A_1775 = arith.mulf %get3A_1774, %gather3A_1752 : vector<16xf32>
        %add3A_1776 = arith.addf %add3A_1722, %mul3A_1775 : vector<16xf32>
        %mul3A_1777 = arith.mulf %mul3A_1775, %mul3A_1775 : vector<16xf32>
        %add3A_1778 = arith.addf %add3A_1724, %mul3A_1777 : vector<16xf32>
        %get3A_1779 = arith.constant 0 : i32
        %get3A_1780 = arith.constant 0 : i32
        %get3A_1781 = tpu.memref_slice %arg10[%scan3A_471, %get3A_1779, %get3A_1780] : memref<2x104x64xf32, #tpu.memory_space<vmem>> -> memref<1x104x64xf32, #tpu.memory_space<vmem>>
        %get3A_1782 = tpu.memref_squeeze %get3A_1781 : memref<1x104x64xf32, #tpu.memory_space<vmem>> -> memref<104x64xf32, #tpu.memory_space<vmem>>
        %get3A_1783 = arith.index_cast %add3A_1756 : i32 to index
        %get3A_1784 = arith.constant 32 : index
        %get3A_1785 = tpu.vector_load %get3A_1782[%get3A_1783, %get3A_1784] {strides = array<i32>} : memref<104x64xf32, #tpu.memory_space<vmem>>, vector<16xf32>,
        %mul3A_1786 = arith.mulf %get3A_1785, %gather3A_1752 : vector<16xf32>
        %add3A_1787 = arith.addf %add3A_1733, %mul3A_1786 : vector<16xf32>
        %mul3A_1788 = arith.mulf %mul3A_1786, %mul3A_1786 : vector<16xf32>
        %add3A_1789 = arith.addf %add3A_1735, %mul3A_1788 : vector<16xf32>
        %get3A_1790 = arith.constant 0 : i32
        %get3A_1791 = arith.constant 0 : i32
        %get3A_1792 = tpu.memref_slice %arg10[%scan3A_471, %get3A_1790, %get3A_1791] : memref<2x104x64xf32, #tpu.memory_space<vmem>> -> memref<1x104x64xf32, #tpu.memory_space<vmem>>
        %get3A_1793 = tpu.memref_squeeze %get3A_1792 : memref<1x104x64xf32, #tpu.memory_space<vmem>> -> memref<104x64xf32, #tpu.memory_space<vmem>>
        %get3A_1794 = arith.index_cast %add3A_1756 : i32 to index
        %get3A_1795 = arith.constant 48 : index
        %get3A_1796 = tpu.vector_load %get3A_1793[%get3A_1794, %get3A_1795] {strides = array<i32>} : memref<104x64xf32, #tpu.memory_space<vmem>>, vector<16xf32>,
        %mul3A_1797 = arith.mulf %get3A_1796, %gather3A_1752 : vector<16xf32>
        %add3A_1798 = arith.addf %add3A_1744, %mul3A_1797 : vector<16xf32>
        %mul3A_1799 = arith.mulf %mul3A_1797, %mul3A_1797 : vector<16xf32>
        %add3A_1800 = arith.addf %add3A_1746, %mul3A_1799 : vector<16xf32>
        %mul3A_1801 = arith.constant 26 : i32
        %mul3A_1802 = arith.muli %add3A_491, %mul3A_1801 : i32
        %add3A_1803 = arith.constant 24 : i32
        %add3A_1804 = arith.addi %mul3A_1802, %add3A_1803 : i32
        %broadcast_in_dim3A_1805 = vector.broadcast %add3A_1804 : i32 to vector<16xi32>
        %gather3A_1806 = tpu.vector_load_idx %arg8[%broadcast_in_dim3A_1805] : memref<3328xf32, #tpu.memory_space<vmem>>[vector<16xi32>], vector<16xf32>,
        %mul3A_1807 = arith.constant 26 : i32
        %mul3A_1808 = arith.muli %add3A_488, %mul3A_1807 : i32
        %add3A_1809 = arith.constant 24 : i32
        %add3A_1810 = arith.addi %mul3A_1808, %add3A_1809 : i32
        %get3A_1811 = arith.constant 0 : i32
        %get3A_1812 = arith.constant 0 : i32
        %get3A_1813 = tpu.memref_slice %arg10[%scan3A_471, %get3A_1811, %get3A_1812] : memref<2x104x64xf32, #tpu.memory_space<vmem>> -> memref<1x104x64xf32, #tpu.memory_space<vmem>>
        %get3A_1814 = tpu.memref_squeeze %get3A_1813 : memref<1x104x64xf32, #tpu.memory_space<vmem>> -> memref<104x64xf32, #tpu.memory_space<vmem>>
        %get3A_1815 = arith.index_cast %add3A_1810 : i32 to index
        %get3A_1816 = arith.constant 0 : index
        %get3A_1817 = tpu.vector_load %get3A_1814[%get3A_1815, %get3A_1816] {strides = array<i32>} : memref<104x64xf32, #tpu.memory_space<vmem>>, vector<16xf32>,
        %mul3A_1818 = arith.mulf %get3A_1817, %gather3A_1806 : vector<16xf32>
        %add3A_1819 = arith.addf %add3A_1765, %mul3A_1818 : vector<16xf32>
        %mul3A_1820 = arith.mulf %mul3A_1818, %mul3A_1818 : vector<16xf32>
        %add3A_1821 = arith.addf %add3A_1767, %mul3A_1820 : vector<16xf32>
        %get3A_1822 = arith.constant 0 : i32
        %get3A_1823 = arith.constant 0 : i32
        %get3A_1824 = tpu.memref_slice %arg10[%scan3A_471, %get3A_1822, %get3A_1823] : memref<2x104x64xf32, #tpu.memory_space<vmem>> -> memref<1x104x64xf32, #tpu.memory_space<vmem>>
        %get3A_1825 = tpu.memref_squeeze %get3A_1824 : memref<1x104x64xf32, #tpu.memory_space<vmem>> -> memref<104x64xf32, #tpu.memory_space<vmem>>
        %get3A_1826 = arith.index_cast %add3A_1810 : i32 to index
        %get3A_1827 = arith.constant 16 : index
        %get3A_1828 = tpu.vector_load %get3A_1825[%get3A_1826, %get3A_1827] {strides = array<i32>} : memref<104x64xf32, #tpu.memory_space<vmem>>, vector<16xf32>,
        %mul3A_1829 = arith.mulf %get3A_1828, %gather3A_1806 : vector<16xf32>
        %add3A_1830 = arith.addf %add3A_1776, %mul3A_1829 : vector<16xf32>
        %mul3A_1831 = arith.mulf %mul3A_1829, %mul3A_1829 : vector<16xf32>
        %add3A_1832 = arith.addf %add3A_1778, %mul3A_1831 : vector<16xf32>
        %get3A_1833 = arith.constant 0 : i32
        %get3A_1834 = arith.constant 0 : i32
        %get3A_1835 = tpu.memref_slice %arg10[%scan3A_471, %get3A_1833, %get3A_1834] : memref<2x104x64xf32, #tpu.memory_space<vmem>> -> memref<1x104x64xf32, #tpu.memory_space<vmem>>
        %get3A_1836 = tpu.memref_squeeze %get3A_1835 : memref<1x104x64xf32, #tpu.memory_space<vmem>> -> memref<104x64xf32, #tpu.memory_space<vmem>>
        %get3A_1837 = arith.index_cast %add3A_1810 : i32 to index
        %get3A_1838 = arith.constant 32 : index
        %get3A_1839 = tpu.vector_load %get3A_1836[%get3A_1837, %get3A_1838] {strides = array<i32>} : memref<104x64xf32, #tpu.memory_space<vmem>>, vector<16xf32>,
        %mul3A_1840 = arith.mulf %get3A_1839, %gather3A_1806 : vector<16xf32>
        %add3A_1841 = arith.addf %add3A_1787, %mul3A_1840 : vector<16xf32>
        %mul3A_1842 = arith.mulf %mul3A_1840, %mul3A_1840 : vector<16xf32>
        %add3A_1843 = arith.addf %add3A_1789, %mul3A_1842 : vector<16xf32>
        %get3A_1844 = arith.constant 0 : i32
        %get3A_1845 = arith.constant 0 : i32
        %get3A_1846 = tpu.memref_slice %arg10[%scan3A_471, %get3A_1844, %get3A_1845] : memref<2x104x64xf32, #tpu.memory_space<vmem>> -> memref<1x104x64xf32, #tpu.memory_space<vmem>>
        %get3A_1847 = tpu.memref_squeeze %get3A_1846 : memref<1x104x64xf32, #tpu.memory_space<vmem>> -> memref<104x64xf32, #tpu.memory_space<vmem>>
        %get3A_1848 = arith.index_cast %add3A_1810 : i32 to index
        %get3A_1849 = arith.constant 48 : index
        %get3A_1850 = tpu.vector_load %get3A_1847[%get3A_1848, %get3A_1849] {strides = array<i32>} : memref<104x64xf32, #tpu.memory_space<vmem>>, vector<16xf32>,
        %mul3A_1851 = arith.mulf %get3A_1850, %gather3A_1806 : vector<16xf32>
        %add3A_1852 = arith.addf %add3A_1798, %mul3A_1851 : vector<16xf32>
        %mul3A_1853 = arith.mulf %mul3A_1851, %mul3A_1851 : vector<16xf32>
        %add3A_1854 = arith.addf %add3A_1800, %mul3A_1853 : vector<16xf32>
        %mul3A_1855 = arith.constant 26 : i32
        %mul3A_1856 = arith.muli %add3A_491, %mul3A_1855 : i32
        %add3A_1857 = arith.constant 25 : i32
        %add3A_1858 = arith.addi %mul3A_1856, %add3A_1857 : i32
        %broadcast_in_dim3A_1859 = vector.broadcast %add3A_1858 : i32 to vector<16xi32>
        %gather3A_1860 = tpu.vector_load_idx %arg8[%broadcast_in_dim3A_1859] : memref<3328xf32, #tpu.memory_space<vmem>>[vector<16xi32>], vector<16xf32>,
        %mul3A_1861 = arith.constant 26 : i32
        %mul3A_1862 = arith.muli %add3A_488, %mul3A_1861 : i32
        %add3A_1863 = arith.constant 25 : i32
        %add3A_1864 = arith.addi %mul3A_1862, %add3A_1863 : i32
        %get3A_1865 = arith.constant 0 : i32
        %get3A_1866 = arith.constant 0 : i32
        %get3A_1867 = tpu.memref_slice %arg10[%scan3A_471, %get3A_1865, %get3A_1866] : memref<2x104x64xf32, #tpu.memory_space<vmem>> -> memref<1x104x64xf32, #tpu.memory_space<vmem>>
        %get3A_1868 = tpu.memref_squeeze %get3A_1867 : memref<1x104x64xf32, #tpu.memory_space<vmem>> -> memref<104x64xf32, #tpu.memory_space<vmem>>
        %get3A_1869 = arith.index_cast %add3A_1864 : i32 to index
        %get3A_1870 = arith.constant 0 : index
        %get3A_1871 = tpu.vector_load %get3A_1868[%get3A_1869, %get3A_1870] {strides = array<i32>} : memref<104x64xf32, #tpu.memory_space<vmem>>, vector<16xf32>,
        %mul3A_1872 = arith.mulf %get3A_1871, %gather3A_1860 : vector<16xf32>
        %add3A_1873 = arith.addf %add3A_1819, %mul3A_1872 : vector<16xf32>
        %mul3A_1874 = arith.mulf %mul3A_1872, %mul3A_1872 : vector<16xf32>
        %add3A_1875 = arith.addf %add3A_1821, %mul3A_1874 : vector<16xf32>
        %get3A_1876 = arith.constant 0 : i32
        %get3A_1877 = arith.constant 0 : i32
        %get3A_1878 = tpu.memref_slice %arg10[%scan3A_471, %get3A_1876, %get3A_1877] : memref<2x104x64xf32, #tpu.memory_space<vmem>> -> memref<1x104x64xf32, #tpu.memory_space<vmem>>
        %get3A_1879 = tpu.memref_squeeze %get3A_1878 : memref<1x104x64xf32, #tpu.memory_space<vmem>> -> memref<104x64xf32, #tpu.memory_space<vmem>>
        %get3A_1880 = arith.index_cast %add3A_1864 : i32 to index
        %get3A_1881 = arith.constant 16 : index
        %get3A_1882 = tpu.vector_load %get3A_1879[%get3A_1880, %get3A_1881] {strides = array<i32>} : memref<104x64xf32, #tpu.memory_space<vmem>>, vector<16xf32>,
        %mul3A_1883 = arith.mulf %get3A_1882, %gather3A_1860 : vector<16xf32>
        %add3A_1884 = arith.addf %add3A_1830, %mul3A_1883 : vector<16xf32>
        %mul3A_1885 = arith.mulf %mul3A_1883, %mul3A_1883 : vector<16xf32>
        %add3A_1886 = arith.addf %add3A_1832, %mul3A_1885 : vector<16xf32>
        %get3A_1887 = arith.constant 0 : i32
        %get3A_1888 = arith.constant 0 : i32
        %get3A_1889 = tpu.memref_slice %arg10[%scan3A_471, %get3A_1887, %get3A_1888] : memref<2x104x64xf32, #tpu.memory_space<vmem>> -> memref<1x104x64xf32, #tpu.memory_space<vmem>>
        %get3A_1890 = tpu.memref_squeeze %get3A_1889 : memref<1x104x64xf32, #tpu.memory_space<vmem>> -> memref<104x64xf32, #tpu.memory_space<vmem>>
        %get3A_1891 = arith.index_cast %add3A_1864 : i32 to index
        %get3A_1892 = arith.constant 32 : index
        %get3A_1893 = tpu.vector_load %get3A_1890[%get3A_1891, %get3A_1892] {strides = array<i32>} : memref<104x64xf32, #tpu.memory_space<vmem>>, vector<16xf32>,
        %mul3A_1894 = arith.mulf %get3A_1893, %gather3A_1860 : vector<16xf32>
        %add3A_1895 = arith.addf %add3A_1841, %mul3A_1894 : vector<16xf32>
        %mul3A_1896 = arith.mulf %mul3A_1894, %mul3A_1894 : vector<16xf32>
        %add3A_1897 = arith.addf %add3A_1843, %mul3A_1896 : vector<16xf32>
        %get3A_1898 = arith.constant 0 : i32
        %get3A_1899 = arith.constant 0 : i32
        %get3A_1900 = tpu.memref_slice %arg10[%scan3A_471, %get3A_1898, %get3A_1899] : memref<2x104x64xf32, #tpu.memory_space<vmem>> -> memref<1x104x64xf32, #tpu.memory_space<vmem>>
        %get3A_1901 = tpu.memref_squeeze %get3A_1900 : memref<1x104x64xf32, #tpu.memory_space<vmem>> -> memref<104x64xf32, #tpu.memory_space<vmem>>
        %get3A_1902 = arith.index_cast %add3A_1864 : i32 to index
        %get3A_1903 = arith.constant 48 : index
        %get3A_1904 = tpu.vector_load %get3A_1901[%get3A_1902, %get3A_1903] {strides = array<i32>} : memref<104x64xf32, #tpu.memory_space<vmem>>, vector<16xf32>,
        %mul3A_1905 = arith.mulf %get3A_1904, %gather3A_1860 : vector<16xf32>
        %add3A_1906 = arith.addf %add3A_1852, %mul3A_1905 : vector<16xf32>
        %mul3A_1907 = arith.mulf %mul3A_1905, %mul3A_1905 : vector<16xf32>
        %add3A_1908 = arith.addf %add3A_1854, %mul3A_1907 : vector<16xf32>
        %mul3A_1909 = arith.mulf %add3A_1873, %add3A_1873 : vector<16xf32>
        %sub3A = arith.subf %mul3A_1909, %add3A_1875 : vector<16xf32>
        %mul3A_1910 = arith.constant 5.000000e-01 : f32
        %mul3A_1911 = vector.broadcast %mul3A_1910 : f32 to vector<16xf32>
        %mul3A_1912 = arith.mulf %mul3A_1911, %sub3A : vector<16xf32>
        %swap3A = arith.index_cast %add3A_491 : i32 to index
        %swap3A_1913 = arith.constant 0 : index
        %swap3A_1914 = tpu.vector_load %arg11[%swap3A, %swap3A_1913] {strides = array<i32>} : memref<128x128xf32, #tpu.memory_space<vmem>>, vector<16xf32>,
        tpu.vector_store %arg11[%swap3A, %swap3A_1913], %mul3A_1912 {strides = array<i32>} : memref<128x128xf32, #tpu.memory_space<vmem>>, vector<16xf32>,
        %mul3A_1915 = arith.mulf %add3A_1884, %add3A_1884 : vector<16xf32>
        %sub3A_1916 = arith.subf %mul3A_1915, %add3A_1886 : vector<16xf32>
        %mul3A_1917 = arith.constant 5.000000e-01 : f32
        %mul3A_1918 = vector.broadcast %mul3A_1917 : f32 to vector<16xf32>
        %mul3A_1919 = arith.mulf %mul3A_1918, %sub3A_1916 : vector<16xf32>
        %swap3A_1920 = arith.index_cast %add3A_491 : i32 to index
        %swap3A_1921 = arith.constant 16 : index
        %swap3A_1922 = tpu.vector_load %arg11[%swap3A_1920, %swap3A_1921] {strides = array<i32>} : memref<128x128xf32, #tpu.memory_space<vmem>>, vector<16xf32>,
        tpu.vector_store %arg11[%swap3A_1920, %swap3A_1921], %mul3A_1919 {strides = array<i32>} : memref<128x128xf32, #tpu.memory_space<vmem>>, vector<16xf32>,
        %mul3A_1923 = arith.mulf %add3A_1895, %add3A_1895 : vector<16xf32>
        %sub3A_1924 = arith.subf %mul3A_1923, %add3A_1897 : vector<16xf32>
        %mul3A_1925 = arith.constant 5.000000e-01 : f32
        %mul3A_1926 = vector.broadcast %mul3A_1925 : f32 to vector<16xf32>
        %mul3A_1927 = arith.mulf %mul3A_1926, %sub3A_1924 : vector<16xf32>
        %swap3A_1928 = arith.index_cast %add3A_491 : i32 to index
        %swap3A_1929 = arith.constant 32 : index
        %swap3A_1930 = tpu.vector_load %arg11[%swap3A_1928, %swap3A_1929] {strides = array<i32>} : memref<128x128xf32, #tpu.memory_space<vmem>>, vector<16xf32>,
        tpu.vector_store %arg11[%swap3A_1928, %swap3A_1929], %mul3A_1927 {strides = array<i32>} : memref<128x128xf32, #tpu.memory_space<vmem>>, vector<16xf32>,
        %mul3A_1931 = arith.mulf %add3A_1906, %add3A_1906 : vector<16xf32>
        %sub3A_1932 = arith.subf %mul3A_1931, %add3A_1908 : vector<16xf32>
        %mul3A_1933 = arith.constant 5.000000e-01 : f32
        %mul3A_1934 = vector.broadcast %mul3A_1933 : f32 to vector<16xf32>
        %mul3A_1935 = arith.mulf %mul3A_1934, %sub3A_1932 : vector<16xf32>
        %swap3A_1936 = arith.index_cast %add3A_491 : i32 to index
        %swap3A_1937 = arith.constant 48 : index
        %swap3A_1938 = tpu.vector_load %arg11[%swap3A_1936, %swap3A_1937] {strides = array<i32>} : memref<128x128xf32, #tpu.memory_space<vmem>>, vector<16xf32>,
        tpu.vector_store %arg11[%swap3A_1936, %swap3A_1937], %mul3A_1935 {strides = array<i32>} : memref<128x128xf32, #tpu.memory_space<vmem>>, vector<16xf32>,
      }
      %scan3A_476 = arith.constant 4 : i32
      %add3A_477 = arith.constant 3 : i32
      %add3A_478 = arith.addi %add3A_430, %add3A_477 : i32
      %lt3A_479 = arith.constant 32 : i32
      %lt3A_480 = arith.cmpi slt, %add3A_478, %lt3A_479 : i32
      %convert_element_type3A_481 = arith.extui %lt3A_480 : i1 to i32
      %cond3A_482 = arith.constant 0 : i32
      %cond3A_483 = arith.cmpi ne, %convert_element_type3A_481, %cond3A_482 : i32
      scf.if %cond3A_483 {
        %add3A_484 = arith.constant 3 : i32
        %add3A_485 = arith.addi %add3A_430, %add3A_484 : i32
        %mul3A_486 = arith.constant 104 : i32
        %mul3A_487 = arith.muli %add3A_485, %mul3A_486 : i32
        %multiple_of3A_488 = tpu.assume_multiple %mul3A_487, 8 : i32
        %dma_start3A_489 = arith.constant 1 : i32
        %dma_start3A_490 = arith.constant 0 : i32
        %dma_start3A_491 = arith.constant 0 : i32
        %dma_start3A_492 = tpu.memref_slice %arg10[%dma_start3A_489, %dma_start3A_490, %dma_start3A_491] : memref<2x104x64xf32, #tpu.memory_space<vmem>> -> memref<1x104x64xf32, #tpu.memory_space<vmem>>
        %dma_start3A_493 = tpu.memref_squeeze %dma_start3A_492 : memref<1x104x64xf32, #tpu.memory_space<vmem>> -> memref<104x64xf32, #tpu.memory_space<vmem>>
        %dma_start3A_494 = tpu.memref_slice %arg7[%multiple_of3A_488] : memref<3328xi32, #tpu.memory_space<vmem>> -> memref<104xi32, #tpu.memory_space<vmem>>
        %dma_start3A_495 = arith.constant 0 : i32
        %dma_start3A_496 = arith.constant 0 : i32
        %dma_start3A_497 = tpu.memref_slice %arg4[%dma_start3A_495, %dma_start3A_496] : memref<100000x64xf32, #tpu.memory_space<hbm>> -> memref<100000x64xf32, #tpu.memory_space<hbm>>
        tpu.enqueue_indirect_dma source(%dma_start3A_497 : memref<100000x64xf32, #tpu.memory_space<hbm>>) target(%dma_start3A_493 : memref<104x64xf32, #tpu.memory_space<vmem>>) offsets(%dma_start3A_494 : memref<104xi32, #tpu.memory_space<vmem>>) semaphore(%arg14 : memref<!tpu.dma_semaphore, #tpu.memory_space<semaphore_mem>>)
      } else {
      }
    }
    %scan3A_37 = arith.constant 16 : i32
    %multiple_of3A_38 = arith.constant 0 : i32
    %multiple_of3A_39 = tpu.assume_multiple %multiple_of3A_38, 8 : i32
    %dma_start3A_40 = tpu.memref_slice %arg9[%multiple_of3A_39] : memref<3328xf32, #tpu.memory_space<vmem>> -> memref<104xf32, #tpu.memory_space<vmem>>
    %dma_start3A_41 = tpu.memref_slice %arg7[%multiple_of3A_39] : memref<3328xi32, #tpu.memory_space<vmem>> -> memref<104xi32, #tpu.memory_space<vmem>>
    %dma_start3A_42 = arith.constant 0 : i32
    %dma_start3A_43 = tpu.memref_slice %arg12[%dma_start3A_42] : memref<100000xf32, #tpu.memory_space<vmem_shared>> -> memref<100000xf32, #tpu.memory_space<vmem_shared>>
    tpu.enqueue_indirect_dma source(%dma_start3A_43 : memref<100000xf32, #tpu.memory_space<vmem_shared>>) target(%dma_start3A_40 : memref<104xf32, #tpu.memory_space<vmem>>) offsets(%dma_start3A_41 : memref<104xi32, #tpu.memory_space<vmem>>) semaphore(%arg15 : memref<!tpu.dma_semaphore, #tpu.memory_space<semaphore_mem>>)
    %multiple_of3A_44 = arith.constant 104 : i32
    %multiple_of3A_45 = tpu.assume_multiple %multiple_of3A_44, 8 : i32
    %dma_start3A_46 = tpu.memref_slice %arg9[%multiple_of3A_45] : memref<3328xf32, #tpu.memory_space<vmem>> -> memref<104xf32, #tpu.memory_space<vmem>>
    %dma_start3A_47 = tpu.memref_slice %arg7[%multiple_of3A_45] : memref<3328xi32, #tpu.memory_space<vmem>> -> memref<104xi32, #tpu.memory_space<vmem>>
    %dma_start3A_48 = arith.constant 0 : i32
    %dma_start3A_49 = tpu.memref_slice %arg12[%dma_start3A_48] : memref<100000xf32, #tpu.memory_space<vmem_shared>> -> memref<100000xf32, #tpu.memory_space<vmem_shared>>
    tpu.enqueue_indirect_dma source(%dma_start3A_49 : memref<100000xf32, #tpu.memory_space<vmem_shared>>) target(%dma_start3A_46 : memref<104xf32, #tpu.memory_space<vmem>>) offsets(%dma_start3A_47 : memref<104xi32, #tpu.memory_space<vmem>>) semaphore(%arg15 : memref<!tpu.dma_semaphore, #tpu.memory_space<semaphore_mem>>)
    %multiple_of3A_50 = arith.constant 208 : i32
    %multiple_of3A_51 = tpu.assume_multiple %multiple_of3A_50, 8 : i32
    %dma_start3A_52 = tpu.memref_slice %arg9[%multiple_of3A_51] : memref<3328xf32, #tpu.memory_space<vmem>> -> memref<104xf32, #tpu.memory_space<vmem>>
    %dma_start3A_53 = tpu.memref_slice %arg7[%multiple_of3A_51] : memref<3328xi32, #tpu.memory_space<vmem>> -> memref<104xi32, #tpu.memory_space<vmem>>
    %dma_start3A_54 = arith.constant 0 : i32
    %dma_start3A_55 = tpu.memref_slice %arg12[%dma_start3A_54] : memref<100000xf32, #tpu.memory_space<vmem_shared>> -> memref<100000xf32, #tpu.memory_space<vmem_shared>>
    tpu.enqueue_indirect_dma source(%dma_start3A_55 : memref<100000xf32, #tpu.memory_space<vmem_shared>>) target(%dma_start3A_52 : memref<104xf32, #tpu.memory_space<vmem>>) offsets(%dma_start3A_53 : memref<104xi32, #tpu.memory_space<vmem>>) semaphore(%arg15 : memref<!tpu.dma_semaphore, #tpu.memory_space<semaphore_mem>>)
    %multiple_of3A_56 = arith.constant 312 : i32
    %multiple_of3A_57 = tpu.assume_multiple %multiple_of3A_56, 8 : i32
    %dma_start3A_58 = tpu.memref_slice %arg9[%multiple_of3A_57] : memref<3328xf32, #tpu.memory_space<vmem>> -> memref<104xf32, #tpu.memory_space<vmem>>
    %dma_start3A_59 = tpu.memref_slice %arg7[%multiple_of3A_57] : memref<3328xi32, #tpu.memory_space<vmem>> -> memref<104xi32, #tpu.memory_space<vmem>>
    %dma_start3A_60 = arith.constant 0 : i32
    %dma_start3A_61 = tpu.memref_slice %arg12[%dma_start3A_60] : memref<100000xf32, #tpu.memory_space<vmem_shared>> -> memref<100000xf32, #tpu.memory_space<vmem_shared>>
    tpu.enqueue_indirect_dma source(%dma_start3A_61 : memref<100000xf32, #tpu.memory_space<vmem_shared>>) target(%dma_start3A_58 : memref<104xf32, #tpu.memory_space<vmem>>) offsets(%dma_start3A_59 : memref<104xi32, #tpu.memory_space<vmem>>) semaphore(%arg15 : memref<!tpu.dma_semaphore, #tpu.memory_space<semaphore_mem>>)
    %multiple_of3A_62 = arith.constant 416 : i32
    %multiple_of3A_63 = tpu.assume_multiple %multiple_of3A_62, 8 : i32
    %dma_start3A_64 = tpu.memref_slice %arg9[%multiple_of3A_63] : memref<3328xf32, #tpu.memory_space<vmem>> -> memref<104xf32, #tpu.memory_space<vmem>>
    %dma_start3A_65 = tpu.memref_slice %arg7[%multiple_of3A_63] : memref<3328xi32, #tpu.memory_space<vmem>> -> memref<104xi32, #tpu.memory_space<vmem>>
    %dma_start3A_66 = arith.constant 0 : i32
    %dma_start3A_67 = tpu.memref_slice %arg12[%dma_start3A_66] : memref<100000xf32, #tpu.memory_space<vmem_shared>> -> memref<100000xf32, #tpu.memory_space<vmem_shared>>
    tpu.enqueue_indirect_dma source(%dma_start3A_67 : memref<100000xf32, #tpu.memory_space<vmem_shared>>) target(%dma_start3A_64 : memref<104xf32, #tpu.memory_space<vmem>>) offsets(%dma_start3A_65 : memref<104xi32, #tpu.memory_space<vmem>>) semaphore(%arg15 : memref<!tpu.dma_semaphore, #tpu.memory_space<semaphore_mem>>)
    %multiple_of3A_68 = arith.constant 520 : i32
    %multiple_of3A_69 = tpu.assume_multiple %multiple_of3A_68, 8 : i32
    %dma_start3A_70 = tpu.memref_slice %arg9[%multiple_of3A_69] : memref<3328xf32, #tpu.memory_space<vmem>> -> memref<104xf32, #tpu.memory_space<vmem>>
    %dma_start3A_71 = tpu.memref_slice %arg7[%multiple_of3A_69] : memref<3328xi32, #tpu.memory_space<vmem>> -> memref<104xi32, #tpu.memory_space<vmem>>
    %dma_start3A_72 = arith.constant 0 : i32
    %dma_start3A_73 = tpu.memref_slice %arg12[%dma_start3A_72] : memref<100000xf32, #tpu.memory_space<vmem_shared>> -> memref<100000xf32, #tpu.memory_space<vmem_shared>>
    tpu.enqueue_indirect_dma source(%dma_start3A_73 : memref<100000xf32, #tpu.memory_space<vmem_shared>>) target(%dma_start3A_70 : memref<104xf32, #tpu.memory_space<vmem>>) offsets(%dma_start3A_71 : memref<104xi32, #tpu.memory_space<vmem>>) semaphore(%arg15 : memref<!tpu.dma_semaphore, #tpu.memory_space<semaphore_mem>>)
    %multiple_of3A_74 = arith.constant 624 : i32
    %multiple_of3A_75 = tpu.assume_multiple %multiple_of3A_74, 8 : i32
    %dma_start3A_76 = tpu.memref_slice %arg9[%multiple_of3A_75] : memref<3328xf32, #tpu.memory_space<vmem>> -> memref<104xf32, #tpu.memory_space<vmem>>
    %dma_start3A_77 = tpu.memref_slice %arg7[%multiple_of3A_75] : memref<3328xi32, #tpu.memory_space<vmem>> -> memref<104xi32, #tpu.memory_space<vmem>>
    %dma_start3A_78 = arith.constant 0 : i32
    %dma_start3A_79 = tpu.memref_slice %arg12[%dma_start3A_78] : memref<100000xf32, #tpu.memory_space<vmem_shared>> -> memref<100000xf32, #tpu.memory_space<vmem_shared>>
    tpu.enqueue_indirect_dma source(%dma_start3A_79 : memref<100000xf32, #tpu.memory_space<vmem_shared>>) target(%dma_start3A_76 : memref<104xf32, #tpu.memory_space<vmem>>) offsets(%dma_start3A_77 : memref<104xi32, #tpu.memory_space<vmem>>) semaphore(%arg15 : memref<!tpu.dma_semaphore, #tpu.memory_space<semaphore_mem>>)
    %multiple_of3A_80 = arith.constant 728 : i32
    %multiple_of3A_81 = tpu.assume_multiple %multiple_of3A_80, 8 : i32
    %dma_start3A_82 = tpu.memref_slice %arg9[%multiple_of3A_81] : memref<3328xf32, #tpu.memory_space<vmem>> -> memref<104xf32, #tpu.memory_space<vmem>>
    %dma_start3A_83 = tpu.memref_slice %arg7[%multiple_of3A_81] : memref<3328xi32, #tpu.memory_space<vmem>> -> memref<104xi32, #tpu.memory_space<vmem>>
    %dma_start3A_84 = arith.constant 0 : i32
    %dma_start3A_85 = tpu.memref_slice %arg12[%dma_start3A_84] : memref<100000xf32, #tpu.memory_space<vmem_shared>> -> memref<100000xf32, #tpu.memory_space<vmem_shared>>
    tpu.enqueue_indirect_dma source(%dma_start3A_85 : memref<100000xf32, #tpu.memory_space<vmem_shared>>) target(%dma_start3A_82 : memref<104xf32, #tpu.memory_space<vmem>>) offsets(%dma_start3A_83 : memref<104xi32, #tpu.memory_space<vmem>>) semaphore(%arg15 : memref<!tpu.dma_semaphore, #tpu.memory_space<semaphore_mem>>)
    %multiple_of3A_86 = arith.constant 832 : i32
    %multiple_of3A_87 = tpu.assume_multiple %multiple_of3A_86, 8 : i32
    %dma_start3A_88 = tpu.memref_slice %arg9[%multiple_of3A_87] : memref<3328xf32, #tpu.memory_space<vmem>> -> memref<104xf32, #tpu.memory_space<vmem>>
    %dma_start3A_89 = tpu.memref_slice %arg7[%multiple_of3A_87] : memref<3328xi32, #tpu.memory_space<vmem>> -> memref<104xi32, #tpu.memory_space<vmem>>
    %dma_start3A_90 = arith.constant 0 : i32
    %dma_start3A_91 = tpu.memref_slice %arg12[%dma_start3A_90] : memref<100000xf32, #tpu.memory_space<vmem_shared>> -> memref<100000xf32, #tpu.memory_space<vmem_shared>>
    tpu.enqueue_indirect_dma source(%dma_start3A_91 : memref<100000xf32, #tpu.memory_space<vmem_shared>>) target(%dma_start3A_88 : memref<104xf32, #tpu.memory_space<vmem>>) offsets(%dma_start3A_89 : memref<104xi32, #tpu.memory_space<vmem>>) semaphore(%arg15 : memref<!tpu.dma_semaphore, #tpu.memory_space<semaphore_mem>>)
    %multiple_of3A_92 = arith.constant 936 : i32
    %multiple_of3A_93 = tpu.assume_multiple %multiple_of3A_92, 8 : i32
    %dma_start3A_94 = tpu.memref_slice %arg9[%multiple_of3A_93] : memref<3328xf32, #tpu.memory_space<vmem>> -> memref<104xf32, #tpu.memory_space<vmem>>
    %dma_start3A_95 = tpu.memref_slice %arg7[%multiple_of3A_93] : memref<3328xi32, #tpu.memory_space<vmem>> -> memref<104xi32, #tpu.memory_space<vmem>>
    %dma_start3A_96 = arith.constant 0 : i32
    %dma_start3A_97 = tpu.memref_slice %arg12[%dma_start3A_96] : memref<100000xf32, #tpu.memory_space<vmem_shared>> -> memref<100000xf32, #tpu.memory_space<vmem_shared>>
    tpu.enqueue_indirect_dma source(%dma_start3A_97 : memref<100000xf32, #tpu.memory_space<vmem_shared>>) target(%dma_start3A_94 : memref<104xf32, #tpu.memory_space<vmem>>) offsets(%dma_start3A_95 : memref<104xi32, #tpu.memory_space<vmem>>) semaphore(%arg15 : memref<!tpu.dma_semaphore, #tpu.memory_space<semaphore_mem>>)
    %multiple_of3A_98 = arith.constant 1040 : i32
    %multiple_of3A_99 = tpu.assume_multiple %multiple_of3A_98, 8 : i32
    %dma_start3A_100 = tpu.memref_slice %arg9[%multiple_of3A_99] : memref<3328xf32, #tpu.memory_space<vmem>> -> memref<104xf32, #tpu.memory_space<vmem>>
    %dma_start3A_101 = tpu.memref_slice %arg7[%multiple_of3A_99] : memref<3328xi32, #tpu.memory_space<vmem>> -> memref<104xi32, #tpu.memory_space<vmem>>
    %dma_start3A_102 = arith.constant 0 : i32
    %dma_start3A_103 = tpu.memref_slice %arg12[%dma_start3A_102] : memref<100000xf32, #tpu.memory_space<vmem_shared>> -> memref<100000xf32, #tpu.memory_space<vmem_shared>>
    tpu.enqueue_indirect_dma source(%dma_start3A_103 : memref<100000xf32, #tpu.memory_space<vmem_shared>>) target(%dma_start3A_100 : memref<104xf32, #tpu.memory_space<vmem>>) offsets(%dma_start3A_101 : memref<104xi32, #tpu.memory_space<vmem>>) semaphore(%arg15 : memref<!tpu.dma_semaphore, #tpu.memory_space<semaphore_mem>>)
    %multiple_of3A_104 = arith.constant 1144 : i32
    %multiple_of3A_105 = tpu.assume_multiple %multiple_of3A_104, 8 : i32
    %dma_start3A_106 = tpu.memref_slice %arg9[%multiple_of3A_105] : memref<3328xf32, #tpu.memory_space<vmem>> -> memref<104xf32, #tpu.memory_space<vmem>>
    %dma_start3A_107 = tpu.memref_slice %arg7[%multiple_of3A_105] : memref<3328xi32, #tpu.memory_space<vmem>> -> memref<104xi32, #tpu.memory_space<vmem>>
    %dma_start3A_108 = arith.constant 0 : i32
    %dma_start3A_109 = tpu.memref_slice %arg12[%dma_start3A_108] : memref<100000xf32, #tpu.memory_space<vmem_shared>> -> memref<100000xf32, #tpu.memory_space<vmem_shared>>
    tpu.enqueue_indirect_dma source(%dma_start3A_109 : memref<100000xf32, #tpu.memory_space<vmem_shared>>) target(%dma_start3A_106 : memref<104xf32, #tpu.memory_space<vmem>>) offsets(%dma_start3A_107 : memref<104xi32, #tpu.memory_space<vmem>>) semaphore(%arg15 : memref<!tpu.dma_semaphore, #tpu.memory_space<semaphore_mem>>)
    %multiple_of3A_110 = arith.constant 1248 : i32
    %multiple_of3A_111 = tpu.assume_multiple %multiple_of3A_110, 8 : i32
    %dma_start3A_112 = tpu.memref_slice %arg9[%multiple_of3A_111] : memref<3328xf32, #tpu.memory_space<vmem>> -> memref<104xf32, #tpu.memory_space<vmem>>
    %dma_start3A_113 = tpu.memref_slice %arg7[%multiple_of3A_111] : memref<3328xi32, #tpu.memory_space<vmem>> -> memref<104xi32, #tpu.memory_space<vmem>>
    %dma_start3A_114 = arith.constant 0 : i32
    %dma_start3A_115 = tpu.memref_slice %arg12[%dma_start3A_114] : memref<100000xf32, #tpu.memory_space<vmem_shared>> -> memref<100000xf32, #tpu.memory_space<vmem_shared>>
    tpu.enqueue_indirect_dma source(%dma_start3A_115 : memref<100000xf32, #tpu.memory_space<vmem_shared>>) target(%dma_start3A_112 : memref<104xf32, #tpu.memory_space<vmem>>) offsets(%dma_start3A_113 : memref<104xi32, #tpu.memory_space<vmem>>) semaphore(%arg15 : memref<!tpu.dma_semaphore, #tpu.memory_space<semaphore_mem>>)
    %multiple_of3A_116 = arith.constant 1352 : i32
    %multiple_of3A_117 = tpu.assume_multiple %multiple_of3A_116, 8 : i32
    %dma_start3A_118 = tpu.memref_slice %arg9[%multiple_of3A_117] : memref<3328xf32, #tpu.memory_space<vmem>> -> memref<104xf32, #tpu.memory_space<vmem>>
    %dma_start3A_119 = tpu.memref_slice %arg7[%multiple_of3A_117] : memref<3328xi32, #tpu.memory_space<vmem>> -> memref<104xi32, #tpu.memory_space<vmem>>
    %dma_start3A_120 = arith.constant 0 : i32
    %dma_start3A_121 = tpu.memref_slice %arg12[%dma_start3A_120] : memref<100000xf32, #tpu.memory_space<vmem_shared>> -> memref<100000xf32, #tpu.memory_space<vmem_shared>>
    tpu.enqueue_indirect_dma source(%dma_start3A_121 : memref<100000xf32, #tpu.memory_space<vmem_shared>>) target(%dma_start3A_118 : memref<104xf32, #tpu.memory_space<vmem>>) offsets(%dma_start3A_119 : memref<104xi32, #tpu.memory_space<vmem>>) semaphore(%arg15 : memref<!tpu.dma_semaphore, #tpu.memory_space<semaphore_mem>>)
    %multiple_of3A_122 = arith.constant 1456 : i32
    %multiple_of3A_123 = tpu.assume_multiple %multiple_of3A_122, 8 : i32
    %dma_start3A_124 = tpu.memref_slice %arg9[%multiple_of3A_123] : memref<3328xf32, #tpu.memory_space<vmem>> -> memref<104xf32, #tpu.memory_space<vmem>>
    %dma_start3A_125 = tpu.memref_slice %arg7[%multiple_of3A_123] : memref<3328xi32, #tpu.memory_space<vmem>> -> memref<104xi32, #tpu.memory_space<vmem>>
    %dma_start3A_126 = arith.constant 0 : i32
    %dma_start3A_127 = tpu.memref_slice %arg12[%dma_start3A_126] : memref<100000xf32, #tpu.memory_space<vmem_shared>> -> memref<100000xf32, #tpu.memory_space<vmem_shared>>
    tpu.enqueue_indirect_dma source(%dma_start3A_127 : memref<100000xf32, #tpu.memory_space<vmem_shared>>) target(%dma_start3A_124 : memref<104xf32, #tpu.memory_space<vmem>>) offsets(%dma_start3A_125 : memref<104xi32, #tpu.memory_space<vmem>>) semaphore(%arg15 : memref<!tpu.dma_semaphore, #tpu.memory_space<semaphore_mem>>)
    %multiple_of3A_128 = arith.constant 1560 : i32
    %multiple_of3A_129 = tpu.assume_multiple %multiple_of3A_128, 8 : i32
    %dma_start3A_130 = tpu.memref_slice %arg9[%multiple_of3A_129] : memref<3328xf32, #tpu.memory_space<vmem>> -> memref<104xf32, #tpu.memory_space<vmem>>
    %dma_start3A_131 = tpu.memref_slice %arg7[%multiple_of3A_129] : memref<3328xi32, #tpu.memory_space<vmem>> -> memref<104xi32, #tpu.memory_space<vmem>>
    %dma_start3A_132 = arith.constant 0 : i32
    %dma_start3A_133 = tpu.memref_slice %arg12[%dma_start3A_132] : memref<100000xf32, #tpu.memory_space<vmem_shared>> -> memref<100000xf32, #tpu.memory_space<vmem_shared>>
    tpu.enqueue_indirect_dma source(%dma_start3A_133 : memref<100000xf32, #tpu.memory_space<vmem_shared>>) target(%dma_start3A_130 : memref<104xf32, #tpu.memory_space<vmem>>) offsets(%dma_start3A_131 : memref<104xi32, #tpu.memory_space<vmem>>) semaphore(%arg15 : memref<!tpu.dma_semaphore, #tpu.memory_space<semaphore_mem>>)
    %multiple_of3A_134 = arith.constant 1664 : i32
    %multiple_of3A_135 = tpu.assume_multiple %multiple_of3A_134, 8 : i32
    %dma_start3A_136 = tpu.memref_slice %arg9[%multiple_of3A_135] : memref<3328xf32, #tpu.memory_space<vmem>> -> memref<104xf32, #tpu.memory_space<vmem>>
    %dma_start3A_137 = tpu.memref_slice %arg7[%multiple_of3A_135] : memref<3328xi32, #tpu.memory_space<vmem>> -> memref<104xi32, #tpu.memory_space<vmem>>
    %dma_start3A_138 = arith.constant 0 : i32
    %dma_start3A_139 = tpu.memref_slice %arg12[%dma_start3A_138] : memref<100000xf32, #tpu.memory_space<vmem_shared>> -> memref<100000xf32, #tpu.memory_space<vmem_shared>>
    tpu.enqueue_indirect_dma source(%dma_start3A_139 : memref<100000xf32, #tpu.memory_space<vmem_shared>>) target(%dma_start3A_136 : memref<104xf32, #tpu.memory_space<vmem>>) offsets(%dma_start3A_137 : memref<104xi32, #tpu.memory_space<vmem>>) semaphore(%arg15 : memref<!tpu.dma_semaphore, #tpu.memory_space<semaphore_mem>>)
    %multiple_of3A_140 = arith.constant 1768 : i32
    %multiple_of3A_141 = tpu.assume_multiple %multiple_of3A_140, 8 : i32
    %dma_start3A_142 = tpu.memref_slice %arg9[%multiple_of3A_141] : memref<3328xf32, #tpu.memory_space<vmem>> -> memref<104xf32, #tpu.memory_space<vmem>>
    %dma_start3A_143 = tpu.memref_slice %arg7[%multiple_of3A_141] : memref<3328xi32, #tpu.memory_space<vmem>> -> memref<104xi32, #tpu.memory_space<vmem>>
    %dma_start3A_144 = arith.constant 0 : i32
    %dma_start3A_145 = tpu.memref_slice %arg12[%dma_start3A_144] : memref<100000xf32, #tpu.memory_space<vmem_shared>> -> memref<100000xf32, #tpu.memory_space<vmem_shared>>
    tpu.enqueue_indirect_dma source(%dma_start3A_145 : memref<100000xf32, #tpu.memory_space<vmem_shared>>) target(%dma_start3A_142 : memref<104xf32, #tpu.memory_space<vmem>>) offsets(%dma_start3A_143 : memref<104xi32, #tpu.memory_space<vmem>>) semaphore(%arg15 : memref<!tpu.dma_semaphore, #tpu.memory_space<semaphore_mem>>)
    %multiple_of3A_146 = arith.constant 1872 : i32
    %multiple_of3A_147 = tpu.assume_multiple %multiple_of3A_146, 8 : i32
    %dma_start3A_148 = tpu.memref_slice %arg9[%multiple_of3A_147] : memref<3328xf32, #tpu.memory_space<vmem>> -> memref<104xf32, #tpu.memory_space<vmem>>
    %dma_start3A_149 = tpu.memref_slice %arg7[%multiple_of3A_147] : memref<3328xi32, #tpu.memory_space<vmem>> -> memref<104xi32, #tpu.memory_space<vmem>>
    %dma_start3A_150 = arith.constant 0 : i32
    %dma_start3A_151 = tpu.memref_slice %arg12[%dma_start3A_150] : memref<100000xf32, #tpu.memory_space<vmem_shared>> -> memref<100000xf32, #tpu.memory_space<vmem_shared>>
    tpu.enqueue_indirect_dma source(%dma_start3A_151 : memref<100000xf32, #tpu.memory_space<vmem_shared>>) target(%dma_start3A_148 : memref<104xf32, #tpu.memory_space<vmem>>) offsets(%dma_start3A_149 : memref<104xi32, #tpu.memory_space<vmem>>) semaphore(%arg15 : memref<!tpu.dma_semaphore, #tpu.memory_space<semaphore_mem>>)
    %multiple_of3A_152 = arith.constant 1976 : i32
    %multiple_of3A_153 = tpu.assume_multiple %multiple_of3A_152, 8 : i32
    %dma_start3A_154 = tpu.memref_slice %arg9[%multiple_of3A_153] : memref<3328xf32, #tpu.memory_space<vmem>> -> memref<104xf32, #tpu.memory_space<vmem>>
    %dma_start3A_155 = tpu.memref_slice %arg7[%multiple_of3A_153] : memref<3328xi32, #tpu.memory_space<vmem>> -> memref<104xi32, #tpu.memory_space<vmem>>
    %dma_start3A_156 = arith.constant 0 : i32
    %dma_start3A_157 = tpu.memref_slice %arg12[%dma_start3A_156] : memref<100000xf32, #tpu.memory_space<vmem_shared>> -> memref<100000xf32, #tpu.memory_space<vmem_shared>>
    tpu.enqueue_indirect_dma source(%dma_start3A_157 : memref<100000xf32, #tpu.memory_space<vmem_shared>>) target(%dma_start3A_154 : memref<104xf32, #tpu.memory_space<vmem>>) offsets(%dma_start3A_155 : memref<104xi32, #tpu.memory_space<vmem>>) semaphore(%arg15 : memref<!tpu.dma_semaphore, #tpu.memory_space<semaphore_mem>>)
    %multiple_of3A_158 = arith.constant 2080 : i32
    %multiple_of3A_159 = tpu.assume_multiple %multiple_of3A_158, 8 : i32
    %dma_start3A_160 = tpu.memref_slice %arg9[%multiple_of3A_159] : memref<3328xf32, #tpu.memory_space<vmem>> -> memref<104xf32, #tpu.memory_space<vmem>>
    %dma_start3A_161 = tpu.memref_slice %arg7[%multiple_of3A_159] : memref<3328xi32, #tpu.memory_space<vmem>> -> memref<104xi32, #tpu.memory_space<vmem>>
    %dma_start3A_162 = arith.constant 0 : i32
    %dma_start3A_163 = tpu.memref_slice %arg12[%dma_start3A_162] : memref<100000xf32, #tpu.memory_space<vmem_shared>> -> memref<100000xf32, #tpu.memory_space<vmem_shared>>
    tpu.enqueue_indirect_dma source(%dma_start3A_163 : memref<100000xf32, #tpu.memory_space<vmem_shared>>) target(%dma_start3A_160 : memref<104xf32, #tpu.memory_space<vmem>>) offsets(%dma_start3A_161 : memref<104xi32, #tpu.memory_space<vmem>>) semaphore(%arg15 : memref<!tpu.dma_semaphore, #tpu.memory_space<semaphore_mem>>)
    %multiple_of3A_164 = arith.constant 2184 : i32
    %multiple_of3A_165 = tpu.assume_multiple %multiple_of3A_164, 8 : i32
    %dma_start3A_166 = tpu.memref_slice %arg9[%multiple_of3A_165] : memref<3328xf32, #tpu.memory_space<vmem>> -> memref<104xf32, #tpu.memory_space<vmem>>
    %dma_start3A_167 = tpu.memref_slice %arg7[%multiple_of3A_165] : memref<3328xi32, #tpu.memory_space<vmem>> -> memref<104xi32, #tpu.memory_space<vmem>>
    %dma_start3A_168 = arith.constant 0 : i32
    %dma_start3A_169 = tpu.memref_slice %arg12[%dma_start3A_168] : memref<100000xf32, #tpu.memory_space<vmem_shared>> -> memref<100000xf32, #tpu.memory_space<vmem_shared>>
    tpu.enqueue_indirect_dma source(%dma_start3A_169 : memref<100000xf32, #tpu.memory_space<vmem_shared>>) target(%dma_start3A_166 : memref<104xf32, #tpu.memory_space<vmem>>) offsets(%dma_start3A_167 : memref<104xi32, #tpu.memory_space<vmem>>) semaphore(%arg15 : memref<!tpu.dma_semaphore, #tpu.memory_space<semaphore_mem>>)
    %multiple_of3A_170 = arith.constant 2288 : i32
    %multiple_of3A_171 = tpu.assume_multiple %multiple_of3A_170, 8 : i32
    %dma_start3A_172 = tpu.memref_slice %arg9[%multiple_of3A_171] : memref<3328xf32, #tpu.memory_space<vmem>> -> memref<104xf32, #tpu.memory_space<vmem>>
    %dma_start3A_173 = tpu.memref_slice %arg7[%multiple_of3A_171] : memref<3328xi32, #tpu.memory_space<vmem>> -> memref<104xi32, #tpu.memory_space<vmem>>
    %dma_start3A_174 = arith.constant 0 : i32
    %dma_start3A_175 = tpu.memref_slice %arg12[%dma_start3A_174] : memref<100000xf32, #tpu.memory_space<vmem_shared>> -> memref<100000xf32, #tpu.memory_space<vmem_shared>>
    tpu.enqueue_indirect_dma source(%dma_start3A_175 : memref<100000xf32, #tpu.memory_space<vmem_shared>>) target(%dma_start3A_172 : memref<104xf32, #tpu.memory_space<vmem>>) offsets(%dma_start3A_173 : memref<104xi32, #tpu.memory_space<vmem>>) semaphore(%arg15 : memref<!tpu.dma_semaphore, #tpu.memory_space<semaphore_mem>>)
    %multiple_of3A_176 = arith.constant 2392 : i32
    %multiple_of3A_177 = tpu.assume_multiple %multiple_of3A_176, 8 : i32
    %dma_start3A_178 = tpu.memref_slice %arg9[%multiple_of3A_177] : memref<3328xf32, #tpu.memory_space<vmem>> -> memref<104xf32, #tpu.memory_space<vmem>>
    %dma_start3A_179 = tpu.memref_slice %arg7[%multiple_of3A_177] : memref<3328xi32, #tpu.memory_space<vmem>> -> memref<104xi32, #tpu.memory_space<vmem>>
    %dma_start3A_180 = arith.constant 0 : i32
    %dma_start3A_181 = tpu.memref_slice %arg12[%dma_start3A_180] : memref<100000xf32, #tpu.memory_space<vmem_shared>> -> memref<100000xf32, #tpu.memory_space<vmem_shared>>
    tpu.enqueue_indirect_dma source(%dma_start3A_181 : memref<100000xf32, #tpu.memory_space<vmem_shared>>) target(%dma_start3A_178 : memref<104xf32, #tpu.memory_space<vmem>>) offsets(%dma_start3A_179 : memref<104xi32, #tpu.memory_space<vmem>>) semaphore(%arg15 : memref<!tpu.dma_semaphore, #tpu.memory_space<semaphore_mem>>)
    %multiple_of3A_182 = arith.constant 2496 : i32
    %multiple_of3A_183 = tpu.assume_multiple %multiple_of3A_182, 8 : i32
    %dma_start3A_184 = tpu.memref_slice %arg9[%multiple_of3A_183] : memref<3328xf32, #tpu.memory_space<vmem>> -> memref<104xf32, #tpu.memory_space<vmem>>
    %dma_start3A_185 = tpu.memref_slice %arg7[%multiple_of3A_183] : memref<3328xi32, #tpu.memory_space<vmem>> -> memref<104xi32, #tpu.memory_space<vmem>>
    %dma_start3A_186 = arith.constant 0 : i32
    %dma_start3A_187 = tpu.memref_slice %arg12[%dma_start3A_186] : memref<100000xf32, #tpu.memory_space<vmem_shared>> -> memref<100000xf32, #tpu.memory_space<vmem_shared>>
    tpu.enqueue_indirect_dma source(%dma_start3A_187 : memref<100000xf32, #tpu.memory_space<vmem_shared>>) target(%dma_start3A_184 : memref<104xf32, #tpu.memory_space<vmem>>) offsets(%dma_start3A_185 : memref<104xi32, #tpu.memory_space<vmem>>) semaphore(%arg15 : memref<!tpu.dma_semaphore, #tpu.memory_space<semaphore_mem>>)
    %multiple_of3A_188 = arith.constant 2600 : i32
    %multiple_of3A_189 = tpu.assume_multiple %multiple_of3A_188, 8 : i32
    %dma_start3A_190 = tpu.memref_slice %arg9[%multiple_of3A_189] : memref<3328xf32, #tpu.memory_space<vmem>> -> memref<104xf32, #tpu.memory_space<vmem>>
    %dma_start3A_191 = tpu.memref_slice %arg7[%multiple_of3A_189] : memref<3328xi32, #tpu.memory_space<vmem>> -> memref<104xi32, #tpu.memory_space<vmem>>
    %dma_start3A_192 = arith.constant 0 : i32
    %dma_start3A_193 = tpu.memref_slice %arg12[%dma_start3A_192] : memref<100000xf32, #tpu.memory_space<vmem_shared>> -> memref<100000xf32, #tpu.memory_space<vmem_shared>>
    tpu.enqueue_indirect_dma source(%dma_start3A_193 : memref<100000xf32, #tpu.memory_space<vmem_shared>>) target(%dma_start3A_190 : memref<104xf32, #tpu.memory_space<vmem>>) offsets(%dma_start3A_191 : memref<104xi32, #tpu.memory_space<vmem>>) semaphore(%arg15 : memref<!tpu.dma_semaphore, #tpu.memory_space<semaphore_mem>>)
    %multiple_of3A_194 = arith.constant 2704 : i32
    %multiple_of3A_195 = tpu.assume_multiple %multiple_of3A_194, 8 : i32
    %dma_start3A_196 = tpu.memref_slice %arg9[%multiple_of3A_195] : memref<3328xf32, #tpu.memory_space<vmem>> -> memref<104xf32, #tpu.memory_space<vmem>>
    %dma_start3A_197 = tpu.memref_slice %arg7[%multiple_of3A_195] : memref<3328xi32, #tpu.memory_space<vmem>> -> memref<104xi32, #tpu.memory_space<vmem>>
    %dma_start3A_198 = arith.constant 0 : i32
    %dma_start3A_199 = tpu.memref_slice %arg12[%dma_start3A_198] : memref<100000xf32, #tpu.memory_space<vmem_shared>> -> memref<100000xf32, #tpu.memory_space<vmem_shared>>
    tpu.enqueue_indirect_dma source(%dma_start3A_199 : memref<100000xf32, #tpu.memory_space<vmem_shared>>) target(%dma_start3A_196 : memref<104xf32, #tpu.memory_space<vmem>>) offsets(%dma_start3A_197 : memref<104xi32, #tpu.memory_space<vmem>>) semaphore(%arg15 : memref<!tpu.dma_semaphore, #tpu.memory_space<semaphore_mem>>)
    %multiple_of3A_200 = arith.constant 2808 : i32
    %multiple_of3A_201 = tpu.assume_multiple %multiple_of3A_200, 8 : i32
    %dma_start3A_202 = tpu.memref_slice %arg9[%multiple_of3A_201] : memref<3328xf32, #tpu.memory_space<vmem>> -> memref<104xf32, #tpu.memory_space<vmem>>
    %dma_start3A_203 = tpu.memref_slice %arg7[%multiple_of3A_201] : memref<3328xi32, #tpu.memory_space<vmem>> -> memref<104xi32, #tpu.memory_space<vmem>>
    %dma_start3A_204 = arith.constant 0 : i32
    %dma_start3A_205 = tpu.memref_slice %arg12[%dma_start3A_204] : memref<100000xf32, #tpu.memory_space<vmem_shared>> -> memref<100000xf32, #tpu.memory_space<vmem_shared>>
    tpu.enqueue_indirect_dma source(%dma_start3A_205 : memref<100000xf32, #tpu.memory_space<vmem_shared>>) target(%dma_start3A_202 : memref<104xf32, #tpu.memory_space<vmem>>) offsets(%dma_start3A_203 : memref<104xi32, #tpu.memory_space<vmem>>) semaphore(%arg15 : memref<!tpu.dma_semaphore, #tpu.memory_space<semaphore_mem>>)
    %multiple_of3A_206 = arith.constant 2912 : i32
    %multiple_of3A_207 = tpu.assume_multiple %multiple_of3A_206, 8 : i32
    %dma_start3A_208 = tpu.memref_slice %arg9[%multiple_of3A_207] : memref<3328xf32, #tpu.memory_space<vmem>> -> memref<104xf32, #tpu.memory_space<vmem>>
    %dma_start3A_209 = tpu.memref_slice %arg7[%multiple_of3A_207] : memref<3328xi32, #tpu.memory_space<vmem>> -> memref<104xi32, #tpu.memory_space<vmem>>
    %dma_start3A_210 = arith.constant 0 : i32
    %dma_start3A_211 = tpu.memref_slice %arg12[%dma_start3A_210] : memref<100000xf32, #tpu.memory_space<vmem_shared>> -> memref<100000xf32, #tpu.memory_space<vmem_shared>>
    tpu.enqueue_indirect_dma source(%dma_start3A_211 : memref<100000xf32, #tpu.memory_space<vmem_shared>>) target(%dma_start3A_208 : memref<104xf32, #tpu.memory_space<vmem>>) offsets(%dma_start3A_209 : memref<104xi32, #tpu.memory_space<vmem>>) semaphore(%arg15 : memref<!tpu.dma_semaphore, #tpu.memory_space<semaphore_mem>>)
    %multiple_of3A_212 = arith.constant 3016 : i32
    %multiple_of3A_213 = tpu.assume_multiple %multiple_of3A_212, 8 : i32
    %dma_start3A_214 = tpu.memref_slice %arg9[%multiple_of3A_213] : memref<3328xf32, #tpu.memory_space<vmem>> -> memref<104xf32, #tpu.memory_space<vmem>>
    %dma_start3A_215 = tpu.memref_slice %arg7[%multiple_of3A_213] : memref<3328xi32, #tpu.memory_space<vmem>> -> memref<104xi32, #tpu.memory_space<vmem>>
    %dma_start3A_216 = arith.constant 0 : i32
    %dma_start3A_217 = tpu.memref_slice %arg12[%dma_start3A_216] : memref<100000xf32, #tpu.memory_space<vmem_shared>> -> memref<100000xf32, #tpu.memory_space<vmem_shared>>
    tpu.enqueue_indirect_dma source(%dma_start3A_217 : memref<100000xf32, #tpu.memory_space<vmem_shared>>) target(%dma_start3A_214 : memref<104xf32, #tpu.memory_space<vmem>>) offsets(%dma_start3A_215 : memref<104xi32, #tpu.memory_space<vmem>>) semaphore(%arg15 : memref<!tpu.dma_semaphore, #tpu.memory_space<semaphore_mem>>)
    %multiple_of3A_218 = arith.constant 3120 : i32
    %multiple_of3A_219 = tpu.assume_multiple %multiple_of3A_218, 8 : i32
    %dma_start3A_220 = tpu.memref_slice %arg9[%multiple_of3A_219] : memref<3328xf32, #tpu.memory_space<vmem>> -> memref<104xf32, #tpu.memory_space<vmem>>
    %dma_start3A_221 = tpu.memref_slice %arg7[%multiple_of3A_219] : memref<3328xi32, #tpu.memory_space<vmem>> -> memref<104xi32, #tpu.memory_space<vmem>>
    %dma_start3A_222 = arith.constant 0 : i32
    %dma_start3A_223 = tpu.memref_slice %arg12[%dma_start3A_222] : memref<100000xf32, #tpu.memory_space<vmem_shared>> -> memref<100000xf32, #tpu.memory_space<vmem_shared>>
    tpu.enqueue_indirect_dma source(%dma_start3A_223 : memref<100000xf32, #tpu.memory_space<vmem_shared>>) target(%dma_start3A_220 : memref<104xf32, #tpu.memory_space<vmem>>) offsets(%dma_start3A_221 : memref<104xi32, #tpu.memory_space<vmem>>) semaphore(%arg15 : memref<!tpu.dma_semaphore, #tpu.memory_space<semaphore_mem>>)
    %multiple_of3A_224 = arith.constant 3224 : i32
    %multiple_of3A_225 = tpu.assume_multiple %multiple_of3A_224, 8 : i32
    %dma_start3A_226 = tpu.memref_slice %arg9[%multiple_of3A_225] : memref<3328xf32, #tpu.memory_space<vmem>> -> memref<104xf32, #tpu.memory_space<vmem>>
    %dma_start3A_227 = tpu.memref_slice %arg7[%multiple_of3A_225] : memref<3328xi32, #tpu.memory_space<vmem>> -> memref<104xi32, #tpu.memory_space<vmem>>
    %dma_start3A_228 = arith.constant 0 : i32
    %dma_start3A_229 = tpu.memref_slice %arg12[%dma_start3A_228] : memref<100000xf32, #tpu.memory_space<vmem_shared>> -> memref<100000xf32, #tpu.memory_space<vmem_shared>>
    tpu.enqueue_indirect_dma source(%dma_start3A_229 : memref<100000xf32, #tpu.memory_space<vmem_shared>>) target(%dma_start3A_226 : memref<104xf32, #tpu.memory_space<vmem>>) offsets(%dma_start3A_227 : memref<104xi32, #tpu.memory_space<vmem>>) semaphore(%arg15 : memref<!tpu.dma_semaphore, #tpu.memory_space<semaphore_mem>>)
    %multiple_of3A_230 = arith.constant 0 : i32
    %multiple_of3A_231 = tpu.assume_multiple %multiple_of3A_230, 8 : i32
    %dma_wait3A = tpu.memref_slice %arg9[%multiple_of3A_231] : memref<3328xf32, #tpu.memory_space<vmem>> -> memref<104xf32, #tpu.memory_space<vmem>>
    %dma_wait3A_232 = tpu.memref_slice %arg7[%multiple_of3A_231] : memref<3328xi32, #tpu.memory_space<vmem>> -> memref<104xi32, #tpu.memory_space<vmem>>
    %dma_wait3A_233 = arith.constant 0 : i32
    %dma_wait3A_234 = tpu.memref_slice %arg12[%dma_wait3A_233] : memref<100000xf32, #tpu.memory_space<vmem_shared>> -> memref<100000xf32, #tpu.memory_space<vmem_shared>>
    tpu.wait_indirect_dma semaphore(%arg15 : memref<!tpu.dma_semaphore, #tpu.memory_space<semaphore_mem>>) src(%dma_wait3A_234 : memref<100000xf32, #tpu.memory_space<vmem_shared>>) dst(%dma_wait3A : memref<104xf32, #tpu.memory_space<vmem>>)
    %multiple_of3A_235 = arith.constant 104 : i32
    %multiple_of3A_236 = tpu.assume_multiple %multiple_of3A_235, 8 : i32
    %dma_wait3A_237 = tpu.memref_slice %arg9[%multiple_of3A_236] : memref<3328xf32, #tpu.memory_space<vmem>> -> memref<104xf32, #tpu.memory_space<vmem>>
    %dma_wait3A_238 = tpu.memref_slice %arg7[%multiple_of3A_236] : memref<3328xi32, #tpu.memory_space<vmem>> -> memref<104xi32, #tpu.memory_space<vmem>>
    %dma_wait3A_239 = arith.constant 0 : i32
    %dma_wait3A_240 = tpu.memref_slice %arg12[%dma_wait3A_239] : memref<100000xf32, #tpu.memory_space<vmem_shared>> -> memref<100000xf32, #tpu.memory_space<vmem_shared>>
    tpu.wait_indirect_dma semaphore(%arg15 : memref<!tpu.dma_semaphore, #tpu.memory_space<semaphore_mem>>) src(%dma_wait3A_240 : memref<100000xf32, #tpu.memory_space<vmem_shared>>) dst(%dma_wait3A_237 : memref<104xf32, #tpu.memory_space<vmem>>)
    %multiple_of3A_241 = arith.constant 208 : i32
    %multiple_of3A_242 = tpu.assume_multiple %multiple_of3A_241, 8 : i32
    %dma_wait3A_243 = tpu.memref_slice %arg9[%multiple_of3A_242] : memref<3328xf32, #tpu.memory_space<vmem>> -> memref<104xf32, #tpu.memory_space<vmem>>
    %dma_wait3A_244 = tpu.memref_slice %arg7[%multiple_of3A_242] : memref<3328xi32, #tpu.memory_space<vmem>> -> memref<104xi32, #tpu.memory_space<vmem>>
    %dma_wait3A_245 = arith.constant 0 : i32
    %dma_wait3A_246 = tpu.memref_slice %arg12[%dma_wait3A_245] : memref<100000xf32, #tpu.memory_space<vmem_shared>> -> memref<100000xf32, #tpu.memory_space<vmem_shared>>
    tpu.wait_indirect_dma semaphore(%arg15 : memref<!tpu.dma_semaphore, #tpu.memory_space<semaphore_mem>>) src(%dma_wait3A_246 : memref<100000xf32, #tpu.memory_space<vmem_shared>>) dst(%dma_wait3A_243 : memref<104xf32, #tpu.memory_space<vmem>>)
    %multiple_of3A_247 = arith.constant 312 : i32
    %multiple_of3A_248 = tpu.assume_multiple %multiple_of3A_247, 8 : i32
    %dma_wait3A_249 = tpu.memref_slice %arg9[%multiple_of3A_248] : memref<3328xf32, #tpu.memory_space<vmem>> -> memref<104xf32, #tpu.memory_space<vmem>>
    %dma_wait3A_250 = tpu.memref_slice %arg7[%multiple_of3A_248] : memref<3328xi32, #tpu.memory_space<vmem>> -> memref<104xi32, #tpu.memory_space<vmem>>
    %dma_wait3A_251 = arith.constant 0 : i32
    %dma_wait3A_252 = tpu.memref_slice %arg12[%dma_wait3A_251] : memref<100000xf32, #tpu.memory_space<vmem_shared>> -> memref<100000xf32, #tpu.memory_space<vmem_shared>>
    tpu.wait_indirect_dma semaphore(%arg15 : memref<!tpu.dma_semaphore, #tpu.memory_space<semaphore_mem>>) src(%dma_wait3A_252 : memref<100000xf32, #tpu.memory_space<vmem_shared>>) dst(%dma_wait3A_249 : memref<104xf32, #tpu.memory_space<vmem>>)
    %multiple_of3A_253 = arith.constant 416 : i32
    %multiple_of3A_254 = tpu.assume_multiple %multiple_of3A_253, 8 : i32
    %dma_wait3A_255 = tpu.memref_slice %arg9[%multiple_of3A_254] : memref<3328xf32, #tpu.memory_space<vmem>> -> memref<104xf32, #tpu.memory_space<vmem>>
    %dma_wait3A_256 = tpu.memref_slice %arg7[%multiple_of3A_254] : memref<3328xi32, #tpu.memory_space<vmem>> -> memref<104xi32, #tpu.memory_space<vmem>>
    %dma_wait3A_257 = arith.constant 0 : i32
    %dma_wait3A_258 = tpu.memref_slice %arg12[%dma_wait3A_257] : memref<100000xf32, #tpu.memory_space<vmem_shared>> -> memref<100000xf32, #tpu.memory_space<vmem_shared>>
    tpu.wait_indirect_dma semaphore(%arg15 : memref<!tpu.dma_semaphore, #tpu.memory_space<semaphore_mem>>) src(%dma_wait3A_258 : memref<100000xf32, #tpu.memory_space<vmem_shared>>) dst(%dma_wait3A_255 : memref<104xf32, #tpu.memory_space<vmem>>)
    %multiple_of3A_259 = arith.constant 520 : i32
    %multiple_of3A_260 = tpu.assume_multiple %multiple_of3A_259, 8 : i32
    %dma_wait3A_261 = tpu.memref_slice %arg9[%multiple_of3A_260] : memref<3328xf32, #tpu.memory_space<vmem>> -> memref<104xf32, #tpu.memory_space<vmem>>
    %dma_wait3A_262 = tpu.memref_slice %arg7[%multiple_of3A_260] : memref<3328xi32, #tpu.memory_space<vmem>> -> memref<104xi32, #tpu.memory_space<vmem>>
    %dma_wait3A_263 = arith.constant 0 : i32
    %dma_wait3A_264 = tpu.memref_slice %arg12[%dma_wait3A_263] : memref<100000xf32, #tpu.memory_space<vmem_shared>> -> memref<100000xf32, #tpu.memory_space<vmem_shared>>
    tpu.wait_indirect_dma semaphore(%arg15 : memref<!tpu.dma_semaphore, #tpu.memory_space<semaphore_mem>>) src(%dma_wait3A_264 : memref<100000xf32, #tpu.memory_space<vmem_shared>>) dst(%dma_wait3A_261 : memref<104xf32, #tpu.memory_space<vmem>>)
    %multiple_of3A_265 = arith.constant 624 : i32
    %multiple_of3A_266 = tpu.assume_multiple %multiple_of3A_265, 8 : i32
    %dma_wait3A_267 = tpu.memref_slice %arg9[%multiple_of3A_266] : memref<3328xf32, #tpu.memory_space<vmem>> -> memref<104xf32, #tpu.memory_space<vmem>>
    %dma_wait3A_268 = tpu.memref_slice %arg7[%multiple_of3A_266] : memref<3328xi32, #tpu.memory_space<vmem>> -> memref<104xi32, #tpu.memory_space<vmem>>
    %dma_wait3A_269 = arith.constant 0 : i32
    %dma_wait3A_270 = tpu.memref_slice %arg12[%dma_wait3A_269] : memref<100000xf32, #tpu.memory_space<vmem_shared>> -> memref<100000xf32, #tpu.memory_space<vmem_shared>>
    tpu.wait_indirect_dma semaphore(%arg15 : memref<!tpu.dma_semaphore, #tpu.memory_space<semaphore_mem>>) src(%dma_wait3A_270 : memref<100000xf32, #tpu.memory_space<vmem_shared>>) dst(%dma_wait3A_267 : memref<104xf32, #tpu.memory_space<vmem>>)
    %multiple_of3A_271 = arith.constant 728 : i32
    %multiple_of3A_272 = tpu.assume_multiple %multiple_of3A_271, 8 : i32
    %dma_wait3A_273 = tpu.memref_slice %arg9[%multiple_of3A_272] : memref<3328xf32, #tpu.memory_space<vmem>> -> memref<104xf32, #tpu.memory_space<vmem>>
    %dma_wait3A_274 = tpu.memref_slice %arg7[%multiple_of3A_272] : memref<3328xi32, #tpu.memory_space<vmem>> -> memref<104xi32, #tpu.memory_space<vmem>>
    %dma_wait3A_275 = arith.constant 0 : i32
    %dma_wait3A_276 = tpu.memref_slice %arg12[%dma_wait3A_275] : memref<100000xf32, #tpu.memory_space<vmem_shared>> -> memref<100000xf32, #tpu.memory_space<vmem_shared>>
    tpu.wait_indirect_dma semaphore(%arg15 : memref<!tpu.dma_semaphore, #tpu.memory_space<semaphore_mem>>) src(%dma_wait3A_276 : memref<100000xf32, #tpu.memory_space<vmem_shared>>) dst(%dma_wait3A_273 : memref<104xf32, #tpu.memory_space<vmem>>)
    %multiple_of3A_277 = arith.constant 832 : i32
    %multiple_of3A_278 = tpu.assume_multiple %multiple_of3A_277, 8 : i32
    %dma_wait3A_279 = tpu.memref_slice %arg9[%multiple_of3A_278] : memref<3328xf32, #tpu.memory_space<vmem>> -> memref<104xf32, #tpu.memory_space<vmem>>
    %dma_wait3A_280 = tpu.memref_slice %arg7[%multiple_of3A_278] : memref<3328xi32, #tpu.memory_space<vmem>> -> memref<104xi32, #tpu.memory_space<vmem>>
    %dma_wait3A_281 = arith.constant 0 : i32
    %dma_wait3A_282 = tpu.memref_slice %arg12[%dma_wait3A_281] : memref<100000xf32, #tpu.memory_space<vmem_shared>> -> memref<100000xf32, #tpu.memory_space<vmem_shared>>
    tpu.wait_indirect_dma semaphore(%arg15 : memref<!tpu.dma_semaphore, #tpu.memory_space<semaphore_mem>>) src(%dma_wait3A_282 : memref<100000xf32, #tpu.memory_space<vmem_shared>>) dst(%dma_wait3A_279 : memref<104xf32, #tpu.memory_space<vmem>>)
    %multiple_of3A_283 = arith.constant 936 : i32
    %multiple_of3A_284 = tpu.assume_multiple %multiple_of3A_283, 8 : i32
    %dma_wait3A_285 = tpu.memref_slice %arg9[%multiple_of3A_284] : memref<3328xf32, #tpu.memory_space<vmem>> -> memref<104xf32, #tpu.memory_space<vmem>>
    %dma_wait3A_286 = tpu.memref_slice %arg7[%multiple_of3A_284] : memref<3328xi32, #tpu.memory_space<vmem>> -> memref<104xi32, #tpu.memory_space<vmem>>
    %dma_wait3A_287 = arith.constant 0 : i32
    %dma_wait3A_288 = tpu.memref_slice %arg12[%dma_wait3A_287] : memref<100000xf32, #tpu.memory_space<vmem_shared>> -> memref<100000xf32, #tpu.memory_space<vmem_shared>>
    tpu.wait_indirect_dma semaphore(%arg15 : memref<!tpu.dma_semaphore, #tpu.memory_space<semaphore_mem>>) src(%dma_wait3A_288 : memref<100000xf32, #tpu.memory_space<vmem_shared>>) dst(%dma_wait3A_285 : memref<104xf32, #tpu.memory_space<vmem>>)
    %multiple_of3A_289 = arith.constant 1040 : i32
    %multiple_of3A_290 = tpu.assume_multiple %multiple_of3A_289, 8 : i32
    %dma_wait3A_291 = tpu.memref_slice %arg9[%multiple_of3A_290] : memref<3328xf32, #tpu.memory_space<vmem>> -> memref<104xf32, #tpu.memory_space<vmem>>
    %dma_wait3A_292 = tpu.memref_slice %arg7[%multiple_of3A_290] : memref<3328xi32, #tpu.memory_space<vmem>> -> memref<104xi32, #tpu.memory_space<vmem>>
    %dma_wait3A_293 = arith.constant 0 : i32
    %dma_wait3A_294 = tpu.memref_slice %arg12[%dma_wait3A_293] : memref<100000xf32, #tpu.memory_space<vmem_shared>> -> memref<100000xf32, #tpu.memory_space<vmem_shared>>
    tpu.wait_indirect_dma semaphore(%arg15 : memref<!tpu.dma_semaphore, #tpu.memory_space<semaphore_mem>>) src(%dma_wait3A_294 : memref<100000xf32, #tpu.memory_space<vmem_shared>>) dst(%dma_wait3A_291 : memref<104xf32, #tpu.memory_space<vmem>>)
    %multiple_of3A_295 = arith.constant 1144 : i32
    %multiple_of3A_296 = tpu.assume_multiple %multiple_of3A_295, 8 : i32
    %dma_wait3A_297 = tpu.memref_slice %arg9[%multiple_of3A_296] : memref<3328xf32, #tpu.memory_space<vmem>> -> memref<104xf32, #tpu.memory_space<vmem>>
    %dma_wait3A_298 = tpu.memref_slice %arg7[%multiple_of3A_296] : memref<3328xi32, #tpu.memory_space<vmem>> -> memref<104xi32, #tpu.memory_space<vmem>>
    %dma_wait3A_299 = arith.constant 0 : i32
    %dma_wait3A_300 = tpu.memref_slice %arg12[%dma_wait3A_299] : memref<100000xf32, #tpu.memory_space<vmem_shared>> -> memref<100000xf32, #tpu.memory_space<vmem_shared>>
    tpu.wait_indirect_dma semaphore(%arg15 : memref<!tpu.dma_semaphore, #tpu.memory_space<semaphore_mem>>) src(%dma_wait3A_300 : memref<100000xf32, #tpu.memory_space<vmem_shared>>) dst(%dma_wait3A_297 : memref<104xf32, #tpu.memory_space<vmem>>)
    %multiple_of3A_301 = arith.constant 1248 : i32
    %multiple_of3A_302 = tpu.assume_multiple %multiple_of3A_301, 8 : i32
    %dma_wait3A_303 = tpu.memref_slice %arg9[%multiple_of3A_302] : memref<3328xf32, #tpu.memory_space<vmem>> -> memref<104xf32, #tpu.memory_space<vmem>>
    %dma_wait3A_304 = tpu.memref_slice %arg7[%multiple_of3A_302] : memref<3328xi32, #tpu.memory_space<vmem>> -> memref<104xi32, #tpu.memory_space<vmem>>
    %dma_wait3A_305 = arith.constant 0 : i32
    %dma_wait3A_306 = tpu.memref_slice %arg12[%dma_wait3A_305] : memref<100000xf32, #tpu.memory_space<vmem_shared>> -> memref<100000xf32, #tpu.memory_space<vmem_shared>>
    tpu.wait_indirect_dma semaphore(%arg15 : memref<!tpu.dma_semaphore, #tpu.memory_space<semaphore_mem>>) src(%dma_wait3A_306 : memref<100000xf32, #tpu.memory_space<vmem_shared>>) dst(%dma_wait3A_303 : memref<104xf32, #tpu.memory_space<vmem>>)
    %multiple_of3A_307 = arith.constant 1352 : i32
    %multiple_of3A_308 = tpu.assume_multiple %multiple_of3A_307, 8 : i32
    %dma_wait3A_309 = tpu.memref_slice %arg9[%multiple_of3A_308] : memref<3328xf32, #tpu.memory_space<vmem>> -> memref<104xf32, #tpu.memory_space<vmem>>
    %dma_wait3A_310 = tpu.memref_slice %arg7[%multiple_of3A_308] : memref<3328xi32, #tpu.memory_space<vmem>> -> memref<104xi32, #tpu.memory_space<vmem>>
    %dma_wait3A_311 = arith.constant 0 : i32
    %dma_wait3A_312 = tpu.memref_slice %arg12[%dma_wait3A_311] : memref<100000xf32, #tpu.memory_space<vmem_shared>> -> memref<100000xf32, #tpu.memory_space<vmem_shared>>
    tpu.wait_indirect_dma semaphore(%arg15 : memref<!tpu.dma_semaphore, #tpu.memory_space<semaphore_mem>>) src(%dma_wait3A_312 : memref<100000xf32, #tpu.memory_space<vmem_shared>>) dst(%dma_wait3A_309 : memref<104xf32, #tpu.memory_space<vmem>>)
    %multiple_of3A_313 = arith.constant 1456 : i32
    %multiple_of3A_314 = tpu.assume_multiple %multiple_of3A_313, 8 : i32
    %dma_wait3A_315 = tpu.memref_slice %arg9[%multiple_of3A_314] : memref<3328xf32, #tpu.memory_space<vmem>> -> memref<104xf32, #tpu.memory_space<vmem>>
    %dma_wait3A_316 = tpu.memref_slice %arg7[%multiple_of3A_314] : memref<3328xi32, #tpu.memory_space<vmem>> -> memref<104xi32, #tpu.memory_space<vmem>>
    %dma_wait3A_317 = arith.constant 0 : i32
    %dma_wait3A_318 = tpu.memref_slice %arg12[%dma_wait3A_317] : memref<100000xf32, #tpu.memory_space<vmem_shared>> -> memref<100000xf32, #tpu.memory_space<vmem_shared>>
    tpu.wait_indirect_dma semaphore(%arg15 : memref<!tpu.dma_semaphore, #tpu.memory_space<semaphore_mem>>) src(%dma_wait3A_318 : memref<100000xf32, #tpu.memory_space<vmem_shared>>) dst(%dma_wait3A_315 : memref<104xf32, #tpu.memory_space<vmem>>)
    %multiple_of3A_319 = arith.constant 1560 : i32
    %multiple_of3A_320 = tpu.assume_multiple %multiple_of3A_319, 8 : i32
    %dma_wait3A_321 = tpu.memref_slice %arg9[%multiple_of3A_320] : memref<3328xf32, #tpu.memory_space<vmem>> -> memref<104xf32, #tpu.memory_space<vmem>>
    %dma_wait3A_322 = tpu.memref_slice %arg7[%multiple_of3A_320] : memref<3328xi32, #tpu.memory_space<vmem>> -> memref<104xi32, #tpu.memory_space<vmem>>
    %dma_wait3A_323 = arith.constant 0 : i32
    %dma_wait3A_324 = tpu.memref_slice %arg12[%dma_wait3A_323] : memref<100000xf32, #tpu.memory_space<vmem_shared>> -> memref<100000xf32, #tpu.memory_space<vmem_shared>>
    tpu.wait_indirect_dma semaphore(%arg15 : memref<!tpu.dma_semaphore, #tpu.memory_space<semaphore_mem>>) src(%dma_wait3A_324 : memref<100000xf32, #tpu.memory_space<vmem_shared>>) dst(%dma_wait3A_321 : memref<104xf32, #tpu.memory_space<vmem>>)
    %multiple_of3A_325 = arith.constant 1664 : i32
    %multiple_of3A_326 = tpu.assume_multiple %multiple_of3A_325, 8 : i32
    %dma_wait3A_327 = tpu.memref_slice %arg9[%multiple_of3A_326] : memref<3328xf32, #tpu.memory_space<vmem>> -> memref<104xf32, #tpu.memory_space<vmem>>
    %dma_wait3A_328 = tpu.memref_slice %arg7[%multiple_of3A_326] : memref<3328xi32, #tpu.memory_space<vmem>> -> memref<104xi32, #tpu.memory_space<vmem>>
    %dma_wait3A_329 = arith.constant 0 : i32
    %dma_wait3A_330 = tpu.memref_slice %arg12[%dma_wait3A_329] : memref<100000xf32, #tpu.memory_space<vmem_shared>> -> memref<100000xf32, #tpu.memory_space<vmem_shared>>
    tpu.wait_indirect_dma semaphore(%arg15 : memref<!tpu.dma_semaphore, #tpu.memory_space<semaphore_mem>>) src(%dma_wait3A_330 : memref<100000xf32, #tpu.memory_space<vmem_shared>>) dst(%dma_wait3A_327 : memref<104xf32, #tpu.memory_space<vmem>>)
    %multiple_of3A_331 = arith.constant 1768 : i32
    %multiple_of3A_332 = tpu.assume_multiple %multiple_of3A_331, 8 : i32
    %dma_wait3A_333 = tpu.memref_slice %arg9[%multiple_of3A_332] : memref<3328xf32, #tpu.memory_space<vmem>> -> memref<104xf32, #tpu.memory_space<vmem>>
    %dma_wait3A_334 = tpu.memref_slice %arg7[%multiple_of3A_332] : memref<3328xi32, #tpu.memory_space<vmem>> -> memref<104xi32, #tpu.memory_space<vmem>>
    %dma_wait3A_335 = arith.constant 0 : i32
    %dma_wait3A_336 = tpu.memref_slice %arg12[%dma_wait3A_335] : memref<100000xf32, #tpu.memory_space<vmem_shared>> -> memref<100000xf32, #tpu.memory_space<vmem_shared>>
    tpu.wait_indirect_dma semaphore(%arg15 : memref<!tpu.dma_semaphore, #tpu.memory_space<semaphore_mem>>) src(%dma_wait3A_336 : memref<100000xf32, #tpu.memory_space<vmem_shared>>) dst(%dma_wait3A_333 : memref<104xf32, #tpu.memory_space<vmem>>)
    %multiple_of3A_337 = arith.constant 1872 : i32
    %multiple_of3A_338 = tpu.assume_multiple %multiple_of3A_337, 8 : i32
    %dma_wait3A_339 = tpu.memref_slice %arg9[%multiple_of3A_338] : memref<3328xf32, #tpu.memory_space<vmem>> -> memref<104xf32, #tpu.memory_space<vmem>>
    %dma_wait3A_340 = tpu.memref_slice %arg7[%multiple_of3A_338] : memref<3328xi32, #tpu.memory_space<vmem>> -> memref<104xi32, #tpu.memory_space<vmem>>
    %dma_wait3A_341 = arith.constant 0 : i32
    %dma_wait3A_342 = tpu.memref_slice %arg12[%dma_wait3A_341] : memref<100000xf32, #tpu.memory_space<vmem_shared>> -> memref<100000xf32, #tpu.memory_space<vmem_shared>>
    tpu.wait_indirect_dma semaphore(%arg15 : memref<!tpu.dma_semaphore, #tpu.memory_space<semaphore_mem>>) src(%dma_wait3A_342 : memref<100000xf32, #tpu.memory_space<vmem_shared>>) dst(%dma_wait3A_339 : memref<104xf32, #tpu.memory_space<vmem>>)
    %multiple_of3A_343 = arith.constant 1976 : i32
    %multiple_of3A_344 = tpu.assume_multiple %multiple_of3A_343, 8 : i32
    %dma_wait3A_345 = tpu.memref_slice %arg9[%multiple_of3A_344] : memref<3328xf32, #tpu.memory_space<vmem>> -> memref<104xf32, #tpu.memory_space<vmem>>
    %dma_wait3A_346 = tpu.memref_slice %arg7[%multiple_of3A_344] : memref<3328xi32, #tpu.memory_space<vmem>> -> memref<104xi32, #tpu.memory_space<vmem>>
    %dma_wait3A_347 = arith.constant 0 : i32
    %dma_wait3A_348 = tpu.memref_slice %arg12[%dma_wait3A_347] : memref<100000xf32, #tpu.memory_space<vmem_shared>> -> memref<100000xf32, #tpu.memory_space<vmem_shared>>
    tpu.wait_indirect_dma semaphore(%arg15 : memref<!tpu.dma_semaphore, #tpu.memory_space<semaphore_mem>>) src(%dma_wait3A_348 : memref<100000xf32, #tpu.memory_space<vmem_shared>>) dst(%dma_wait3A_345 : memref<104xf32, #tpu.memory_space<vmem>>)
    %multiple_of3A_349 = arith.constant 2080 : i32
    %multiple_of3A_350 = tpu.assume_multiple %multiple_of3A_349, 8 : i32
    %dma_wait3A_351 = tpu.memref_slice %arg9[%multiple_of3A_350] : memref<3328xf32, #tpu.memory_space<vmem>> -> memref<104xf32, #tpu.memory_space<vmem>>
    %dma_wait3A_352 = tpu.memref_slice %arg7[%multiple_of3A_350] : memref<3328xi32, #tpu.memory_space<vmem>> -> memref<104xi32, #tpu.memory_space<vmem>>
    %dma_wait3A_353 = arith.constant 0 : i32
    %dma_wait3A_354 = tpu.memref_slice %arg12[%dma_wait3A_353] : memref<100000xf32, #tpu.memory_space<vmem_shared>> -> memref<100000xf32, #tpu.memory_space<vmem_shared>>
    tpu.wait_indirect_dma semaphore(%arg15 : memref<!tpu.dma_semaphore, #tpu.memory_space<semaphore_mem>>) src(%dma_wait3A_354 : memref<100000xf32, #tpu.memory_space<vmem_shared>>) dst(%dma_wait3A_351 : memref<104xf32, #tpu.memory_space<vmem>>)
    %multiple_of3A_355 = arith.constant 2184 : i32
    %multiple_of3A_356 = tpu.assume_multiple %multiple_of3A_355, 8 : i32
    %dma_wait3A_357 = tpu.memref_slice %arg9[%multiple_of3A_356] : memref<3328xf32, #tpu.memory_space<vmem>> -> memref<104xf32, #tpu.memory_space<vmem>>
    %dma_wait3A_358 = tpu.memref_slice %arg7[%multiple_of3A_356] : memref<3328xi32, #tpu.memory_space<vmem>> -> memref<104xi32, #tpu.memory_space<vmem>>
    %dma_wait3A_359 = arith.constant 0 : i32
    %dma_wait3A_360 = tpu.memref_slice %arg12[%dma_wait3A_359] : memref<100000xf32, #tpu.memory_space<vmem_shared>> -> memref<100000xf32, #tpu.memory_space<vmem_shared>>
    tpu.wait_indirect_dma semaphore(%arg15 : memref<!tpu.dma_semaphore, #tpu.memory_space<semaphore_mem>>) src(%dma_wait3A_360 : memref<100000xf32, #tpu.memory_space<vmem_shared>>) dst(%dma_wait3A_357 : memref<104xf32, #tpu.memory_space<vmem>>)
    %multiple_of3A_361 = arith.constant 2288 : i32
    %multiple_of3A_362 = tpu.assume_multiple %multiple_of3A_361, 8 : i32
    %dma_wait3A_363 = tpu.memref_slice %arg9[%multiple_of3A_362] : memref<3328xf32, #tpu.memory_space<vmem>> -> memref<104xf32, #tpu.memory_space<vmem>>
    %dma_wait3A_364 = tpu.memref_slice %arg7[%multiple_of3A_362] : memref<3328xi32, #tpu.memory_space<vmem>> -> memref<104xi32, #tpu.memory_space<vmem>>
    %dma_wait3A_365 = arith.constant 0 : i32
    %dma_wait3A_366 = tpu.memref_slice %arg12[%dma_wait3A_365] : memref<100000xf32, #tpu.memory_space<vmem_shared>> -> memref<100000xf32, #tpu.memory_space<vmem_shared>>
    tpu.wait_indirect_dma semaphore(%arg15 : memref<!tpu.dma_semaphore, #tpu.memory_space<semaphore_mem>>) src(%dma_wait3A_366 : memref<100000xf32, #tpu.memory_space<vmem_shared>>) dst(%dma_wait3A_363 : memref<104xf32, #tpu.memory_space<vmem>>)
    %multiple_of3A_367 = arith.constant 2392 : i32
    %multiple_of3A_368 = tpu.assume_multiple %multiple_of3A_367, 8 : i32
    %dma_wait3A_369 = tpu.memref_slice %arg9[%multiple_of3A_368] : memref<3328xf32, #tpu.memory_space<vmem>> -> memref<104xf32, #tpu.memory_space<vmem>>
    %dma_wait3A_370 = tpu.memref_slice %arg7[%multiple_of3A_368] : memref<3328xi32, #tpu.memory_space<vmem>> -> memref<104xi32, #tpu.memory_space<vmem>>
    %dma_wait3A_371 = arith.constant 0 : i32
    %dma_wait3A_372 = tpu.memref_slice %arg12[%dma_wait3A_371] : memref<100000xf32, #tpu.memory_space<vmem_shared>> -> memref<100000xf32, #tpu.memory_space<vmem_shared>>
    tpu.wait_indirect_dma semaphore(%arg15 : memref<!tpu.dma_semaphore, #tpu.memory_space<semaphore_mem>>) src(%dma_wait3A_372 : memref<100000xf32, #tpu.memory_space<vmem_shared>>) dst(%dma_wait3A_369 : memref<104xf32, #tpu.memory_space<vmem>>)
    %multiple_of3A_373 = arith.constant 2496 : i32
    %multiple_of3A_374 = tpu.assume_multiple %multiple_of3A_373, 8 : i32
    %dma_wait3A_375 = tpu.memref_slice %arg9[%multiple_of3A_374] : memref<3328xf32, #tpu.memory_space<vmem>> -> memref<104xf32, #tpu.memory_space<vmem>>
    %dma_wait3A_376 = tpu.memref_slice %arg7[%multiple_of3A_374] : memref<3328xi32, #tpu.memory_space<vmem>> -> memref<104xi32, #tpu.memory_space<vmem>>
    %dma_wait3A_377 = arith.constant 0 : i32
    %dma_wait3A_378 = tpu.memref_slice %arg12[%dma_wait3A_377] : memref<100000xf32, #tpu.memory_space<vmem_shared>> -> memref<100000xf32, #tpu.memory_space<vmem_shared>>
    tpu.wait_indirect_dma semaphore(%arg15 : memref<!tpu.dma_semaphore, #tpu.memory_space<semaphore_mem>>) src(%dma_wait3A_378 : memref<100000xf32, #tpu.memory_space<vmem_shared>>) dst(%dma_wait3A_375 : memref<104xf32, #tpu.memory_space<vmem>>)
    %multiple_of3A_379 = arith.constant 2600 : i32
    %multiple_of3A_380 = tpu.assume_multiple %multiple_of3A_379, 8 : i32
    %dma_wait3A_381 = tpu.memref_slice %arg9[%multiple_of3A_380] : memref<3328xf32, #tpu.memory_space<vmem>> -> memref<104xf32, #tpu.memory_space<vmem>>
    %dma_wait3A_382 = tpu.memref_slice %arg7[%multiple_of3A_380] : memref<3328xi32, #tpu.memory_space<vmem>> -> memref<104xi32, #tpu.memory_space<vmem>>
    %dma_wait3A_383 = arith.constant 0 : i32
    %dma_wait3A_384 = tpu.memref_slice %arg12[%dma_wait3A_383] : memref<100000xf32, #tpu.memory_space<vmem_shared>> -> memref<100000xf32, #tpu.memory_space<vmem_shared>>
    tpu.wait_indirect_dma semaphore(%arg15 : memref<!tpu.dma_semaphore, #tpu.memory_space<semaphore_mem>>) src(%dma_wait3A_384 : memref<100000xf32, #tpu.memory_space<vmem_shared>>) dst(%dma_wait3A_381 : memref<104xf32, #tpu.memory_space<vmem>>)
    %multiple_of3A_385 = arith.constant 2704 : i32
    %multiple_of3A_386 = tpu.assume_multiple %multiple_of3A_385, 8 : i32
    %dma_wait3A_387 = tpu.memref_slice %arg9[%multiple_of3A_386] : memref<3328xf32, #tpu.memory_space<vmem>> -> memref<104xf32, #tpu.memory_space<vmem>>
    %dma_wait3A_388 = tpu.memref_slice %arg7[%multiple_of3A_386] : memref<3328xi32, #tpu.memory_space<vmem>> -> memref<104xi32, #tpu.memory_space<vmem>>
    %dma_wait3A_389 = arith.constant 0 : i32
    %dma_wait3A_390 = tpu.memref_slice %arg12[%dma_wait3A_389] : memref<100000xf32, #tpu.memory_space<vmem_shared>> -> memref<100000xf32, #tpu.memory_space<vmem_shared>>
    tpu.wait_indirect_dma semaphore(%arg15 : memref<!tpu.dma_semaphore, #tpu.memory_space<semaphore_mem>>) src(%dma_wait3A_390 : memref<100000xf32, #tpu.memory_space<vmem_shared>>) dst(%dma_wait3A_387 : memref<104xf32, #tpu.memory_space<vmem>>)
    %multiple_of3A_391 = arith.constant 2808 : i32
    %multiple_of3A_392 = tpu.assume_multiple %multiple_of3A_391, 8 : i32
    %dma_wait3A_393 = tpu.memref_slice %arg9[%multiple_of3A_392] : memref<3328xf32, #tpu.memory_space<vmem>> -> memref<104xf32, #tpu.memory_space<vmem>>
    %dma_wait3A_394 = tpu.memref_slice %arg7[%multiple_of3A_392] : memref<3328xi32, #tpu.memory_space<vmem>> -> memref<104xi32, #tpu.memory_space<vmem>>
    %dma_wait3A_395 = arith.constant 0 : i32
    %dma_wait3A_396 = tpu.memref_slice %arg12[%dma_wait3A_395] : memref<100000xf32, #tpu.memory_space<vmem_shared>> -> memref<100000xf32, #tpu.memory_space<vmem_shared>>
    tpu.wait_indirect_dma semaphore(%arg15 : memref<!tpu.dma_semaphore, #tpu.memory_space<semaphore_mem>>) src(%dma_wait3A_396 : memref<100000xf32, #tpu.memory_space<vmem_shared>>) dst(%dma_wait3A_393 : memref<104xf32, #tpu.memory_space<vmem>>)
    %multiple_of3A_397 = arith.constant 2912 : i32
    %multiple_of3A_398 = tpu.assume_multiple %multiple_of3A_397, 8 : i32
    %dma_wait3A_399 = tpu.memref_slice %arg9[%multiple_of3A_398] : memref<3328xf32, #tpu.memory_space<vmem>> -> memref<104xf32, #tpu.memory_space<vmem>>
    %dma_wait3A_400 = tpu.memref_slice %arg7[%multiple_of3A_398] : memref<3328xi32, #tpu.memory_space<vmem>> -> memref<104xi32, #tpu.memory_space<vmem>>
    %dma_wait3A_401 = arith.constant 0 : i32
    %dma_wait3A_402 = tpu.memref_slice %arg12[%dma_wait3A_401] : memref<100000xf32, #tpu.memory_space<vmem_shared>> -> memref<100000xf32, #tpu.memory_space<vmem_shared>>
    tpu.wait_indirect_dma semaphore(%arg15 : memref<!tpu.dma_semaphore, #tpu.memory_space<semaphore_mem>>) src(%dma_wait3A_402 : memref<100000xf32, #tpu.memory_space<vmem_shared>>) dst(%dma_wait3A_399 : memref<104xf32, #tpu.memory_space<vmem>>)
    %multiple_of3A_403 = arith.constant 3016 : i32
    %multiple_of3A_404 = tpu.assume_multiple %multiple_of3A_403, 8 : i32
    %dma_wait3A_405 = tpu.memref_slice %arg9[%multiple_of3A_404] : memref<3328xf32, #tpu.memory_space<vmem>> -> memref<104xf32, #tpu.memory_space<vmem>>
    %dma_wait3A_406 = tpu.memref_slice %arg7[%multiple_of3A_404] : memref<3328xi32, #tpu.memory_space<vmem>> -> memref<104xi32, #tpu.memory_space<vmem>>
    %dma_wait3A_407 = arith.constant 0 : i32
    %dma_wait3A_408 = tpu.memref_slice %arg12[%dma_wait3A_407] : memref<100000xf32, #tpu.memory_space<vmem_shared>> -> memref<100000xf32, #tpu.memory_space<vmem_shared>>
    tpu.wait_indirect_dma semaphore(%arg15 : memref<!tpu.dma_semaphore, #tpu.memory_space<semaphore_mem>>) src(%dma_wait3A_408 : memref<100000xf32, #tpu.memory_space<vmem_shared>>) dst(%dma_wait3A_405 : memref<104xf32, #tpu.memory_space<vmem>>)
    %multiple_of3A_409 = arith.constant 3120 : i32
    %multiple_of3A_410 = tpu.assume_multiple %multiple_of3A_409, 8 : i32
    %dma_wait3A_411 = tpu.memref_slice %arg9[%multiple_of3A_410] : memref<3328xf32, #tpu.memory_space<vmem>> -> memref<104xf32, #tpu.memory_space<vmem>>
    %dma_wait3A_412 = tpu.memref_slice %arg7[%multiple_of3A_410] : memref<3328xi32, #tpu.memory_space<vmem>> -> memref<104xi32, #tpu.memory_space<vmem>>
    %dma_wait3A_413 = arith.constant 0 : i32
    %dma_wait3A_414 = tpu.memref_slice %arg12[%dma_wait3A_413] : memref<100000xf32, #tpu.memory_space<vmem_shared>> -> memref<100000xf32, #tpu.memory_space<vmem_shared>>
    tpu.wait_indirect_dma semaphore(%arg15 : memref<!tpu.dma_semaphore, #tpu.memory_space<semaphore_mem>>) src(%dma_wait3A_414 : memref<100000xf32, #tpu.memory_space<vmem_shared>>) dst(%dma_wait3A_411 : memref<104xf32, #tpu.memory_space<vmem>>)
    %multiple_of3A_415 = arith.constant 3224 : i32
    %multiple_of3A_416 = tpu.assume_multiple %multiple_of3A_415, 8 : i32
    %dma_wait3A_417 = tpu.memref_slice %arg9[%multiple_of3A_416] : memref<3328xf32, #tpu.memory_space<vmem>> -> memref<104xf32, #tpu.memory_space<vmem>>
    %dma_wait3A_418 = tpu.memref_slice %arg7[%multiple_of3A_416] : memref<3328xi32, #tpu.memory_space<vmem>> -> memref<104xi32, #tpu.memory_space<vmem>>
    %dma_wait3A_419 = arith.constant 0 : i32
    %dma_wait3A_420 = tpu.memref_slice %arg12[%dma_wait3A_419] : memref<100000xf32, #tpu.memory_space<vmem_shared>> -> memref<100000xf32, #tpu.memory_space<vmem_shared>>
    tpu.wait_indirect_dma semaphore(%arg15 : memref<!tpu.dma_semaphore, #tpu.memory_space<semaphore_mem>>) src(%dma_wait3A_420 : memref<100000xf32, #tpu.memory_space<vmem_shared>>) dst(%dma_wait3A_417 : memref<104xf32, #tpu.memory_space<vmem>>)
    %iota3A = tpu.iota {dimensions = array<i32: 0>} : vector<16xi32>
    %scan3A_421 = arith.constant 0 : i32
    %scan3A_422 = arith.constant 8 : i32
    %scan3A_423 = arith.addi %scan3A_421, %scan3A_422 : i32
    %scan3A_424 = arith.constant 1 : i32
    scf.for %scan3A_426 = %scan3A_421 to %scan3A_423 step %scan3A_424  : i32 {
      %mul3A_427 = arith.constant 1 : i32
      %mul3A_428 = arith.muli %scan3A_426, %mul3A_427 : i32
      %add3A_429 = arith.constant 0 : i32
      %add3A_430 = arith.addi %add3A_429, %mul3A_428 : i32
      %broadcast_in_dim3A = arith.constant 0.000000e+00 : f32
      %broadcast_in_dim3A_431 = vector.broadcast %broadcast_in_dim3A : f32 to vector<16xf32>
      %mul3A_432 = arith.constant 16 : i32
      %mul3A_433 = arith.muli %add3A_430, %mul3A_432 : i32
      %add3A_434 = vector.broadcast %mul3A_433 : i32 to vector<16xi32>
      %add3A_435 = arith.addi %add3A_434, %iota3A : vector<16xi32>
      %mul3A_436 = arith.constant 26 : i32
      %mul3A_437 = vector.broadcast %mul3A_436 : i32 to vector<16xi32>
      %mul3A_438 = arith.muli %add3A_435, %mul3A_437 : vector<16xi32>
      %add3A_439 = arith.constant 0 : i32
      %add3A_440 = vector.broadcast %add3A_439 : i32 to vector<16xi32>
      %add3A_441 = arith.addi %mul3A_438, %add3A_440 : vector<16xi32>
      %gather3A = tpu.vector_load_idx %arg9[%add3A_441] : memref<3328xf32, #tpu.memory_space<vmem>>[vector<16xi32>], vector<16xf32>,
      %gather3A_442 = tpu.vector_load_idx %arg8[%add3A_441] : memref<3328xf32, #tpu.memory_space<vmem>>[vector<16xi32>], vector<16xf32>,
      %mul3A_443 = arith.mulf %gather3A, %gather3A_442 : vector<16xf32>
      %add3A_444 = arith.addf %broadcast_in_dim3A_431, %mul3A_443 : vector<16xf32>
      %mul3A_445 = arith.constant 16 : i32
      %mul3A_446 = arith.muli %add3A_430, %mul3A_445 : i32
      %add3A_447 = vector.broadcast %mul3A_446 : i32 to vector<16xi32>
      %add3A_448 = arith.addi %add3A_447, %iota3A : vector<16xi32>
      %mul3A_449 = arith.constant 26 : i32
      %mul3A_450 = vector.broadcast %mul3A_449 : i32 to vector<16xi32>
      %mul3A_451 = arith.muli %add3A_448, %mul3A_450 : vector<16xi32>
      %add3A_452 = arith.constant 1 : i32
      %add3A_453 = vector.broadcast %add3A_452 : i32 to vector<16xi32>
      %add3A_454 = arith.addi %mul3A_451, %add3A_453 : vector<16xi32>
      %gather3A_455 = tpu.vector_load_idx %arg9[%add3A_454] : memref<3328xf32, #tpu.memory_space<vmem>>[vector<16xi32>], vector<16xf32>,
      %gather3A_456 = tpu.vector_load_idx %arg8[%add3A_454] : memref<3328xf32, #tpu.memory_space<vmem>>[vector<16xi32>], vector<16xf32>,
      %mul3A_457 = arith.mulf %gather3A_455, %gather3A_456 : vector<16xf32>
      %add3A_458 = arith.addf %add3A_444, %mul3A_457 : vector<16xf32>
      %mul3A_459 = arith.constant 16 : i32
      %mul3A_460 = arith.muli %add3A_430, %mul3A_459 : i32
      %add3A_461 = vector.broadcast %mul3A_460 : i32 to vector<16xi32>
      %add3A_462 = arith.addi %add3A_461, %iota3A : vector<16xi32>
      %mul3A_463 = arith.constant 26 : i32
      %mul3A_464 = vector.broadcast %mul3A_463 : i32 to vector<16xi32>
      %mul3A_465 = arith.muli %add3A_462, %mul3A_464 : vector<16xi32>
      %add3A_466 = arith.constant 2 : i32
      %add3A_467 = vector.broadcast %add3A_466 : i32 to vector<16xi32>
      %add3A_468 = arith.addi %mul3A_465, %add3A_467 : vector<16xi32>
      %gather3A_469 = tpu.vector_load_idx %arg9[%add3A_468] : memref<3328xf32, #tpu.memory_space<vmem>>[vector<16xi32>], vector<16xf32>,
      %gather3A_470 = tpu.vector_load_idx %arg8[%add3A_468] : memref<3328xf32, #tpu.memory_space<vmem>>[vector<16xi32>], vector<16xf32>,
      %mul3A_471 = arith.mulf %gather3A_469, %gather3A_470 : vector<16xf32>
      %add3A_472 = arith.addf %add3A_458, %mul3A_471 : vector<16xf32>
      %mul3A_473 = arith.constant 16 : i32
      %mul3A_474 = arith.muli %add3A_430, %mul3A_473 : i32
      %add3A_475 = vector.broadcast %mul3A_474 : i32 to vector<16xi32>
      %add3A_476 = arith.addi %add3A_475, %iota3A : vector<16xi32>
      %mul3A_477 = arith.constant 26 : i32
      %mul3A_478 = vector.broadcast %mul3A_477 : i32 to vector<16xi32>
      %mul3A_479 = arith.muli %add3A_476, %mul3A_478 : vector<16xi32>
      %add3A_480 = arith.constant 3 : i32
      %add3A_481 = vector.broadcast %add3A_480 : i32 to vector<16xi32>
      %add3A_482 = arith.addi %mul3A_479, %add3A_481 : vector<16xi32>
      %gather3A_483 = tpu.vector_load_idx %arg9[%add3A_482] : memref<3328xf32, #tpu.memory_space<vmem>>[vector<16xi32>], vector<16xf32>,
      %gather3A_484 = tpu.vector_load_idx %arg8[%add3A_482] : memref<3328xf32, #tpu.memory_space<vmem>>[vector<16xi32>], vector<16xf32>,
      %mul3A_485 = arith.mulf %gather3A_483, %gather3A_484 : vector<16xf32>
      %add3A_486 = arith.addf %add3A_472, %mul3A_485 : vector<16xf32>
      %mul3A_487 = arith.constant 16 : i32
      %mul3A_488 = arith.muli %add3A_430, %mul3A_487 : i32
      %add3A_489 = vector.broadcast %mul3A_488 : i32 to vector<16xi32>
      %add3A_490 = arith.addi %add3A_489, %iota3A : vector<16xi32>
      %mul3A_491 = arith.constant 26 : i32
      %mul3A_492 = vector.broadcast %mul3A_491 : i32 to vector<16xi32>
      %mul3A_493 = arith.muli %add3A_490, %mul3A_492 : vector<16xi32>
      %add3A_494 = arith.constant 4 : i32
      %add3A_495 = vector.broadcast %add3A_494 : i32 to vector<16xi32>
      %add3A_496 = arith.addi %mul3A_493, %add3A_495 : vector<16xi32>
      %gather3A_497 = tpu.vector_load_idx %arg9[%add3A_496] : memref<3328xf32, #tpu.memory_space<vmem>>[vector<16xi32>], vector<16xf32>,
      %gather3A_498 = tpu.vector_load_idx %arg8[%add3A_496] : memref<3328xf32, #tpu.memory_space<vmem>>[vector<16xi32>], vector<16xf32>,
      %mul3A_499 = arith.mulf %gather3A_497, %gather3A_498 : vector<16xf32>
      %add3A_500 = arith.addf %add3A_486, %mul3A_499 : vector<16xf32>
      %mul3A_501 = arith.constant 16 : i32
      %mul3A_502 = arith.muli %add3A_430, %mul3A_501 : i32
      %add3A_503 = vector.broadcast %mul3A_502 : i32 to vector<16xi32>
      %add3A_504 = arith.addi %add3A_503, %iota3A : vector<16xi32>
      %mul3A_505 = arith.constant 26 : i32
      %mul3A_506 = vector.broadcast %mul3A_505 : i32 to vector<16xi32>
      %mul3A_507 = arith.muli %add3A_504, %mul3A_506 : vector<16xi32>
      %add3A_508 = arith.constant 5 : i32
      %add3A_509 = vector.broadcast %add3A_508 : i32 to vector<16xi32>
      %add3A_510 = arith.addi %mul3A_507, %add3A_509 : vector<16xi32>
      %gather3A_511 = tpu.vector_load_idx %arg9[%add3A_510] : memref<3328xf32, #tpu.memory_space<vmem>>[vector<16xi32>], vector<16xf32>,
      %gather3A_512 = tpu.vector_load_idx %arg8[%add3A_510] : memref<3328xf32, #tpu.memory_space<vmem>>[vector<16xi32>], vector<16xf32>,
      %mul3A_513 = arith.mulf %gather3A_511, %gather3A_512 : vector<16xf32>
      %add3A_514 = arith.addf %add3A_500, %mul3A_513 : vector<16xf32>
      %mul3A_515 = arith.constant 16 : i32
      %mul3A_516 = arith.muli %add3A_430, %mul3A_515 : i32
      %add3A_517 = vector.broadcast %mul3A_516 : i32 to vector<16xi32>
      %add3A_518 = arith.addi %add3A_517, %iota3A : vector<16xi32>
      %mul3A_519 = arith.constant 26 : i32
      %mul3A_520 = vector.broadcast %mul3A_519 : i32 to vector<16xi32>
      %mul3A_521 = arith.muli %add3A_518, %mul3A_520 : vector<16xi32>
      %add3A_522 = arith.constant 6 : i32
      %add3A_523 = vector.broadcast %add3A_522 : i32 to vector<16xi32>
      %add3A_524 = arith.addi %mul3A_521, %add3A_523 : vector<16xi32>
      %gather3A_525 = tpu.vector_load_idx %arg9[%add3A_524] : memref<3328xf32, #tpu.memory_space<vmem>>[vector<16xi32>], vector<16xf32>,
      %gather3A_526 = tpu.vector_load_idx %arg8[%add3A_524] : memref<3328xf32, #tpu.memory_space<vmem>>[vector<16xi32>], vector<16xf32>,
      %mul3A_527 = arith.mulf %gather3A_525, %gather3A_526 : vector<16xf32>
      %add3A_528 = arith.addf %add3A_514, %mul3A_527 : vector<16xf32>
      %mul3A_529 = arith.constant 16 : i32
      %mul3A_530 = arith.muli %add3A_430, %mul3A_529 : i32
      %add3A_531 = vector.broadcast %mul3A_530 : i32 to vector<16xi32>
      %add3A_532 = arith.addi %add3A_531, %iota3A : vector<16xi32>
      %mul3A_533 = arith.constant 26 : i32
      %mul3A_534 = vector.broadcast %mul3A_533 : i32 to vector<16xi32>
      %mul3A_535 = arith.muli %add3A_532, %mul3A_534 : vector<16xi32>
      %add3A_536 = arith.constant 7 : i32
      %add3A_537 = vector.broadcast %add3A_536 : i32 to vector<16xi32>
      %add3A_538 = arith.addi %mul3A_535, %add3A_537 : vector<16xi32>
      %gather3A_539 = tpu.vector_load_idx %arg9[%add3A_538] : memref<3328xf32, #tpu.memory_space<vmem>>[vector<16xi32>], vector<16xf32>,
      %gather3A_540 = tpu.vector_load_idx %arg8[%add3A_538] : memref<3328xf32, #tpu.memory_space<vmem>>[vector<16xi32>], vector<16xf32>,
      %mul3A_541 = arith.mulf %gather3A_539, %gather3A_540 : vector<16xf32>
      %add3A_542 = arith.addf %add3A_528, %mul3A_541 : vector<16xf32>
      %mul3A_543 = arith.constant 16 : i32
      %mul3A_544 = arith.muli %add3A_430, %mul3A_543 : i32
      %add3A_545 = vector.broadcast %mul3A_544 : i32 to vector<16xi32>
      %add3A_546 = arith.addi %add3A_545, %iota3A : vector<16xi32>
      %mul3A_547 = arith.constant 26 : i32
      %mul3A_548 = vector.broadcast %mul3A_547 : i32 to vector<16xi32>
      %mul3A_549 = arith.muli %add3A_546, %mul3A_548 : vector<16xi32>
      %add3A_550 = arith.constant 8 : i32
      %add3A_551 = vector.broadcast %add3A_550 : i32 to vector<16xi32>
      %add3A_552 = arith.addi %mul3A_549, %add3A_551 : vector<16xi32>
      %gather3A_553 = tpu.vector_load_idx %arg9[%add3A_552] : memref<3328xf32, #tpu.memory_space<vmem>>[vector<16xi32>], vector<16xf32>,
      %gather3A_554 = tpu.vector_load_idx %arg8[%add3A_552] : memref<3328xf32, #tpu.memory_space<vmem>>[vector<16xi32>], vector<16xf32>,
      %mul3A_555 = arith.mulf %gather3A_553, %gather3A_554 : vector<16xf32>
      %add3A_556 = arith.addf %add3A_542, %mul3A_555 : vector<16xf32>
      %mul3A_557 = arith.constant 16 : i32
      %mul3A_558 = arith.muli %add3A_430, %mul3A_557 : i32
      %add3A_559 = vector.broadcast %mul3A_558 : i32 to vector<16xi32>
      %add3A_560 = arith.addi %add3A_559, %iota3A : vector<16xi32>
      %mul3A_561 = arith.constant 26 : i32
      %mul3A_562 = vector.broadcast %mul3A_561 : i32 to vector<16xi32>
      %mul3A_563 = arith.muli %add3A_560, %mul3A_562 : vector<16xi32>
      %add3A_564 = arith.constant 9 : i32
      %add3A_565 = vector.broadcast %add3A_564 : i32 to vector<16xi32>
      %add3A_566 = arith.addi %mul3A_563, %add3A_565 : vector<16xi32>
      %gather3A_567 = tpu.vector_load_idx %arg9[%add3A_566] : memref<3328xf32, #tpu.memory_space<vmem>>[vector<16xi32>], vector<16xf32>,
      %gather3A_568 = tpu.vector_load_idx %arg8[%add3A_566] : memref<3328xf32, #tpu.memory_space<vmem>>[vector<16xi32>], vector<16xf32>,
      %mul3A_569 = arith.mulf %gather3A_567, %gather3A_568 : vector<16xf32>
      %add3A_570 = arith.addf %add3A_556, %mul3A_569 : vector<16xf32>
      %mul3A_571 = arith.constant 16 : i32
      %mul3A_572 = arith.muli %add3A_430, %mul3A_571 : i32
      %add3A_573 = vector.broadcast %mul3A_572 : i32 to vector<16xi32>
      %add3A_574 = arith.addi %add3A_573, %iota3A : vector<16xi32>
      %mul3A_575 = arith.constant 26 : i32
      %mul3A_576 = vector.broadcast %mul3A_575 : i32 to vector<16xi32>
      %mul3A_577 = arith.muli %add3A_574, %mul3A_576 : vector<16xi32>
      %add3A_578 = arith.constant 10 : i32
      %add3A_579 = vector.broadcast %add3A_578 : i32 to vector<16xi32>
      %add3A_580 = arith.addi %mul3A_577, %add3A_579 : vector<16xi32>
      %gather3A_581 = tpu.vector_load_idx %arg9[%add3A_580] : memref<3328xf32, #tpu.memory_space<vmem>>[vector<16xi32>], vector<16xf32>,
      %gather3A_582 = tpu.vector_load_idx %arg8[%add3A_580] : memref<3328xf32, #tpu.memory_space<vmem>>[vector<16xi32>], vector<16xf32>,
      %mul3A_583 = arith.mulf %gather3A_581, %gather3A_582 : vector<16xf32>
      %add3A_584 = arith.addf %add3A_570, %mul3A_583 : vector<16xf32>
      %mul3A_585 = arith.constant 16 : i32
      %mul3A_586 = arith.muli %add3A_430, %mul3A_585 : i32
      %add3A_587 = vector.broadcast %mul3A_586 : i32 to vector<16xi32>
      %add3A_588 = arith.addi %add3A_587, %iota3A : vector<16xi32>
      %mul3A_589 = arith.constant 26 : i32
      %mul3A_590 = vector.broadcast %mul3A_589 : i32 to vector<16xi32>
      %mul3A_591 = arith.muli %add3A_588, %mul3A_590 : vector<16xi32>
      %add3A_592 = arith.constant 11 : i32
      %add3A_593 = vector.broadcast %add3A_592 : i32 to vector<16xi32>
      %add3A_594 = arith.addi %mul3A_591, %add3A_593 : vector<16xi32>
      %gather3A_595 = tpu.vector_load_idx %arg9[%add3A_594] : memref<3328xf32, #tpu.memory_space<vmem>>[vector<16xi32>], vector<16xf32>,
      %gather3A_596 = tpu.vector_load_idx %arg8[%add3A_594] : memref<3328xf32, #tpu.memory_space<vmem>>[vector<16xi32>], vector<16xf32>,
      %mul3A_597 = arith.mulf %gather3A_595, %gather3A_596 : vector<16xf32>
      %add3A_598 = arith.addf %add3A_584, %mul3A_597 : vector<16xf32>
      %mul3A_599 = arith.constant 16 : i32
      %mul3A_600 = arith.muli %add3A_430, %mul3A_599 : i32
      %add3A_601 = vector.broadcast %mul3A_600 : i32 to vector<16xi32>
      %add3A_602 = arith.addi %add3A_601, %iota3A : vector<16xi32>
      %mul3A_603 = arith.constant 26 : i32
      %mul3A_604 = vector.broadcast %mul3A_603 : i32 to vector<16xi32>
      %mul3A_605 = arith.muli %add3A_602, %mul3A_604 : vector<16xi32>
      %add3A_606 = arith.constant 12 : i32
      %add3A_607 = vector.broadcast %add3A_606 : i32 to vector<16xi32>
      %add3A_608 = arith.addi %mul3A_605, %add3A_607 : vector<16xi32>
      %gather3A_609 = tpu.vector_load_idx %arg9[%add3A_608] : memref<3328xf32, #tpu.memory_space<vmem>>[vector<16xi32>], vector<16xf32>,
      %gather3A_610 = tpu.vector_load_idx %arg8[%add3A_608] : memref<3328xf32, #tpu.memory_space<vmem>>[vector<16xi32>], vector<16xf32>,
      %mul3A_611 = arith.mulf %gather3A_609, %gather3A_610 : vector<16xf32>
      %add3A_612 = arith.addf %add3A_598, %mul3A_611 : vector<16xf32>
      %mul3A_613 = arith.constant 16 : i32
      %mul3A_614 = arith.muli %add3A_430, %mul3A_613 : i32
      %add3A_615 = vector.broadcast %mul3A_614 : i32 to vector<16xi32>
      %add3A_616 = arith.addi %add3A_615, %iota3A : vector<16xi32>
      %mul3A_617 = arith.constant 26 : i32
      %mul3A_618 = vector.broadcast %mul3A_617 : i32 to vector<16xi32>
      %mul3A_619 = arith.muli %add3A_616, %mul3A_618 : vector<16xi32>
      %add3A_620 = arith.constant 13 : i32
      %add3A_621 = vector.broadcast %add3A_620 : i32 to vector<16xi32>
      %add3A_622 = arith.addi %mul3A_619, %add3A_621 : vector<16xi32>
      %gather3A_623 = tpu.vector_load_idx %arg9[%add3A_622] : memref<3328xf32, #tpu.memory_space<vmem>>[vector<16xi32>], vector<16xf32>,
      %gather3A_624 = tpu.vector_load_idx %arg8[%add3A_622] : memref<3328xf32, #tpu.memory_space<vmem>>[vector<16xi32>], vector<16xf32>,
      %mul3A_625 = arith.mulf %gather3A_623, %gather3A_624 : vector<16xf32>
      %add3A_626 = arith.addf %add3A_612, %mul3A_625 : vector<16xf32>
      %mul3A_627 = arith.constant 16 : i32
      %mul3A_628 = arith.muli %add3A_430, %mul3A_627 : i32
      %add3A_629 = vector.broadcast %mul3A_628 : i32 to vector<16xi32>
      %add3A_630 = arith.addi %add3A_629, %iota3A : vector<16xi32>
      %mul3A_631 = arith.constant 26 : i32
      %mul3A_632 = vector.broadcast %mul3A_631 : i32 to vector<16xi32>
      %mul3A_633 = arith.muli %add3A_630, %mul3A_632 : vector<16xi32>
      %add3A_634 = arith.constant 14 : i32
      %add3A_635 = vector.broadcast %add3A_634 : i32 to vector<16xi32>
      %add3A_636 = arith.addi %mul3A_633, %add3A_635 : vector<16xi32>
      %gather3A_637 = tpu.vector_load_idx %arg9[%add3A_636] : memref<3328xf32, #tpu.memory_space<vmem>>[vector<16xi32>], vector<16xf32>,
      %gather3A_638 = tpu.vector_load_idx %arg8[%add3A_636] : memref<3328xf32, #tpu.memory_space<vmem>>[vector<16xi32>], vector<16xf32>,
      %mul3A_639 = arith.mulf %gather3A_637, %gather3A_638 : vector<16xf32>
      %add3A_640 = arith.addf %add3A_626, %mul3A_639 : vector<16xf32>
      %mul3A_641 = arith.constant 16 : i32
      %mul3A_642 = arith.muli %add3A_430, %mul3A_641 : i32
      %add3A_643 = vector.broadcast %mul3A_642 : i32 to vector<16xi32>
      %add3A_644 = arith.addi %add3A_643, %iota3A : vector<16xi32>
      %mul3A_645 = arith.constant 26 : i32
      %mul3A_646 = vector.broadcast %mul3A_645 : i32 to vector<16xi32>
      %mul3A_647 = arith.muli %add3A_644, %mul3A_646 : vector<16xi32>
      %add3A_648 = arith.constant 15 : i32
      %add3A_649 = vector.broadcast %add3A_648 : i32 to vector<16xi32>
      %add3A_650 = arith.addi %mul3A_647, %add3A_649 : vector<16xi32>
      %gather3A_651 = tpu.vector_load_idx %arg9[%add3A_650] : memref<3328xf32, #tpu.memory_space<vmem>>[vector<16xi32>], vector<16xf32>,
      %gather3A_652 = tpu.vector_load_idx %arg8[%add3A_650] : memref<3328xf32, #tpu.memory_space<vmem>>[vector<16xi32>], vector<16xf32>,
      %mul3A_653 = arith.mulf %gather3A_651, %gather3A_652 : vector<16xf32>
      %add3A_654 = arith.addf %add3A_640, %mul3A_653 : vector<16xf32>
      %mul3A_655 = arith.constant 16 : i32
      %mul3A_656 = arith.muli %add3A_430, %mul3A_655 : i32
      %add3A_657 = vector.broadcast %mul3A_656 : i32 to vector<16xi32>
      %add3A_658 = arith.addi %add3A_657, %iota3A : vector<16xi32>
      %mul3A_659 = arith.constant 26 : i32
      %mul3A_660 = vector.broadcast %mul3A_659 : i32 to vector<16xi32>
      %mul3A_661 = arith.muli %add3A_658, %mul3A_660 : vector<16xi32>
      %add3A_662 = arith.constant 16 : i32
      %add3A_663 = vector.broadcast %add3A_662 : i32 to vector<16xi32>
      %add3A_664 = arith.addi %mul3A_661, %add3A_663 : vector<16xi32>
      %gather3A_665 = tpu.vector_load_idx %arg9[%add3A_664] : memref<3328xf32, #tpu.memory_space<vmem>>[vector<16xi32>], vector<16xf32>,
      %gather3A_666 = tpu.vector_load_idx %arg8[%add3A_664] : memref<3328xf32, #tpu.memory_space<vmem>>[vector<16xi32>], vector<16xf32>,
      %mul3A_667 = arith.mulf %gather3A_665, %gather3A_666 : vector<16xf32>
      %add3A_668 = arith.addf %add3A_654, %mul3A_667 : vector<16xf32>
      %mul3A_669 = arith.constant 16 : i32
      %mul3A_670 = arith.muli %add3A_430, %mul3A_669 : i32
      %add3A_671 = vector.broadcast %mul3A_670 : i32 to vector<16xi32>
      %add3A_672 = arith.addi %add3A_671, %iota3A : vector<16xi32>
      %mul3A_673 = arith.constant 26 : i32
      %mul3A_674 = vector.broadcast %mul3A_673 : i32 to vector<16xi32>
      %mul3A_675 = arith.muli %add3A_672, %mul3A_674 : vector<16xi32>
      %add3A_676 = arith.constant 17 : i32
      %add3A_677 = vector.broadcast %add3A_676 : i32 to vector<16xi32>
      %add3A_678 = arith.addi %mul3A_675, %add3A_677 : vector<16xi32>
      %gather3A_679 = tpu.vector_load_idx %arg9[%add3A_678] : memref<3328xf32, #tpu.memory_space<vmem>>[vector<16xi32>], vector<16xf32>,
      %gather3A_680 = tpu.vector_load_idx %arg8[%add3A_678] : memref<3328xf32, #tpu.memory_space<vmem>>[vector<16xi32>], vector<16xf32>,
      %mul3A_681 = arith.mulf %gather3A_679, %gather3A_680 : vector<16xf32>
      %add3A_682 = arith.addf %add3A_668, %mul3A_681 : vector<16xf32>
      %mul3A_683 = arith.constant 16 : i32
      %mul3A_684 = arith.muli %add3A_430, %mul3A_683 : i32
      %add3A_685 = vector.broadcast %mul3A_684 : i32 to vector<16xi32>
      %add3A_686 = arith.addi %add3A_685, %iota3A : vector<16xi32>
      %mul3A_687 = arith.constant 26 : i32
      %mul3A_688 = vector.broadcast %mul3A_687 : i32 to vector<16xi32>
      %mul3A_689 = arith.muli %add3A_686, %mul3A_688 : vector<16xi32>
      %add3A_690 = arith.constant 18 : i32
      %add3A_691 = vector.broadcast %add3A_690 : i32 to vector<16xi32>
      %add3A_692 = arith.addi %mul3A_689, %add3A_691 : vector<16xi32>
      %gather3A_693 = tpu.vector_load_idx %arg9[%add3A_692] : memref<3328xf32, #tpu.memory_space<vmem>>[vector<16xi32>], vector<16xf32>,
      %gather3A_694 = tpu.vector_load_idx %arg8[%add3A_692] : memref<3328xf32, #tpu.memory_space<vmem>>[vector<16xi32>], vector<16xf32>,
      %mul3A_695 = arith.mulf %gather3A_693, %gather3A_694 : vector<16xf32>
      %add3A_696 = arith.addf %add3A_682, %mul3A_695 : vector<16xf32>
      %mul3A_697 = arith.constant 16 : i32
      %mul3A_698 = arith.muli %add3A_430, %mul3A_697 : i32
      %add3A_699 = vector.broadcast %mul3A_698 : i32 to vector<16xi32>
      %add3A_700 = arith.addi %add3A_699, %iota3A : vector<16xi32>
      %mul3A_701 = arith.constant 26 : i32
      %mul3A_702 = vector.broadcast %mul3A_701 : i32 to vector<16xi32>
      %mul3A_703 = arith.muli %add3A_700, %mul3A_702 : vector<16xi32>
      %add3A_704 = arith.constant 19 : i32
      %add3A_705 = vector.broadcast %add3A_704 : i32 to vector<16xi32>
      %add3A_706 = arith.addi %mul3A_703, %add3A_705 : vector<16xi32>
      %gather3A_707 = tpu.vector_load_idx %arg9[%add3A_706] : memref<3328xf32, #tpu.memory_space<vmem>>[vector<16xi32>], vector<16xf32>,
      %gather3A_708 = tpu.vector_load_idx %arg8[%add3A_706] : memref<3328xf32, #tpu.memory_space<vmem>>[vector<16xi32>], vector<16xf32>,
      %mul3A_709 = arith.mulf %gather3A_707, %gather3A_708 : vector<16xf32>
      %add3A_710 = arith.addf %add3A_696, %mul3A_709 : vector<16xf32>
      %mul3A_711 = arith.constant 16 : i32
      %mul3A_712 = arith.muli %add3A_430, %mul3A_711 : i32
      %add3A_713 = vector.broadcast %mul3A_712 : i32 to vector<16xi32>
      %add3A_714 = arith.addi %add3A_713, %iota3A : vector<16xi32>
      %mul3A_715 = arith.constant 26 : i32
      %mul3A_716 = vector.broadcast %mul3A_715 : i32 to vector<16xi32>
      %mul3A_717 = arith.muli %add3A_714, %mul3A_716 : vector<16xi32>
      %add3A_718 = arith.constant 20 : i32
      %add3A_719 = vector.broadcast %add3A_718 : i32 to vector<16xi32>
      %add3A_720 = arith.addi %mul3A_717, %add3A_719 : vector<16xi32>
      %gather3A_721 = tpu.vector_load_idx %arg9[%add3A_720] : memref<3328xf32, #tpu.memory_space<vmem>>[vector<16xi32>], vector<16xf32>,
      %gather3A_722 = tpu.vector_load_idx %arg8[%add3A_720] : memref<3328xf32, #tpu.memory_space<vmem>>[vector<16xi32>], vector<16xf32>,
      %mul3A_723 = arith.mulf %gather3A_721, %gather3A_722 : vector<16xf32>
      %add3A_724 = arith.addf %add3A_710, %mul3A_723 : vector<16xf32>
      %mul3A_725 = arith.constant 16 : i32
      %mul3A_726 = arith.muli %add3A_430, %mul3A_725 : i32
      %add3A_727 = vector.broadcast %mul3A_726 : i32 to vector<16xi32>
      %add3A_728 = arith.addi %add3A_727, %iota3A : vector<16xi32>
      %mul3A_729 = arith.constant 26 : i32
      %mul3A_730 = vector.broadcast %mul3A_729 : i32 to vector<16xi32>
      %mul3A_731 = arith.muli %add3A_728, %mul3A_730 : vector<16xi32>
      %add3A_732 = arith.constant 21 : i32
      %add3A_733 = vector.broadcast %add3A_732 : i32 to vector<16xi32>
      %add3A_734 = arith.addi %mul3A_731, %add3A_733 : vector<16xi32>
      %gather3A_735 = tpu.vector_load_idx %arg9[%add3A_734] : memref<3328xf32, #tpu.memory_space<vmem>>[vector<16xi32>], vector<16xf32>,
      %gather3A_736 = tpu.vector_load_idx %arg8[%add3A_734] : memref<3328xf32, #tpu.memory_space<vmem>>[vector<16xi32>], vector<16xf32>,
      %mul3A_737 = arith.mulf %gather3A_735, %gather3A_736 : vector<16xf32>
      %add3A_738 = arith.addf %add3A_724, %mul3A_737 : vector<16xf32>
      %mul3A_739 = arith.constant 16 : i32
      %mul3A_740 = arith.muli %add3A_430, %mul3A_739 : i32
      %add3A_741 = vector.broadcast %mul3A_740 : i32 to vector<16xi32>
      %add3A_742 = arith.addi %add3A_741, %iota3A : vector<16xi32>
      %mul3A_743 = arith.constant 26 : i32
      %mul3A_744 = vector.broadcast %mul3A_743 : i32 to vector<16xi32>
      %mul3A_745 = arith.muli %add3A_742, %mul3A_744 : vector<16xi32>
      %add3A_746 = arith.constant 22 : i32
      %add3A_747 = vector.broadcast %add3A_746 : i32 to vector<16xi32>
      %add3A_748 = arith.addi %mul3A_745, %add3A_747 : vector<16xi32>
      %gather3A_749 = tpu.vector_load_idx %arg9[%add3A_748] : memref<3328xf32, #tpu.memory_space<vmem>>[vector<16xi32>], vector<16xf32>,
      %gather3A_750 = tpu.vector_load_idx %arg8[%add3A_748] : memref<3328xf32, #tpu.memory_space<vmem>>[vector<16xi32>], vector<16xf32>,
      %mul3A_751 = arith.mulf %gather3A_749, %gather3A_750 : vector<16xf32>
      %add3A_752 = arith.addf %add3A_738, %mul3A_751 : vector<16xf32>
      %mul3A_753 = arith.constant 16 : i32
      %mul3A_754 = arith.muli %add3A_430, %mul3A_753 : i32
      %add3A_755 = vector.broadcast %mul3A_754 : i32 to vector<16xi32>
      %add3A_756 = arith.addi %add3A_755, %iota3A : vector<16xi32>
      %mul3A_757 = arith.constant 26 : i32
      %mul3A_758 = vector.broadcast %mul3A_757 : i32 to vector<16xi32>
      %mul3A_759 = arith.muli %add3A_756, %mul3A_758 : vector<16xi32>
      %add3A_760 = arith.constant 23 : i32
      %add3A_761 = vector.broadcast %add3A_760 : i32 to vector<16xi32>
      %add3A_762 = arith.addi %mul3A_759, %add3A_761 : vector<16xi32>
      %gather3A_763 = tpu.vector_load_idx %arg9[%add3A_762] : memref<3328xf32, #tpu.memory_space<vmem>>[vector<16xi32>], vector<16xf32>,
      %gather3A_764 = tpu.vector_load_idx %arg8[%add3A_762] : memref<3328xf32, #tpu.memory_space<vmem>>[vector<16xi32>], vector<16xf32>,
      %mul3A_765 = arith.mulf %gather3A_763, %gather3A_764 : vector<16xf32>
      %add3A_766 = arith.addf %add3A_752, %mul3A_765 : vector<16xf32>
      %mul3A_767 = arith.constant 16 : i32
      %mul3A_768 = arith.muli %add3A_430, %mul3A_767 : i32
      %add3A_769 = vector.broadcast %mul3A_768 : i32 to vector<16xi32>
      %add3A_770 = arith.addi %add3A_769, %iota3A : vector<16xi32>
      %mul3A_771 = arith.constant 26 : i32
      %mul3A_772 = vector.broadcast %mul3A_771 : i32 to vector<16xi32>
      %mul3A_773 = arith.muli %add3A_770, %mul3A_772 : vector<16xi32>
      %add3A_774 = arith.constant 24 : i32
      %add3A_775 = vector.broadcast %add3A_774 : i32 to vector<16xi32>
      %add3A_776 = arith.addi %mul3A_773, %add3A_775 : vector<16xi32>
      %gather3A_777 = tpu.vector_load_idx %arg9[%add3A_776] : memref<3328xf32, #tpu.memory_space<vmem>>[vector<16xi32>], vector<16xf32>,
      %gather3A_778 = tpu.vector_load_idx %arg8[%add3A_776] : memref<3328xf32, #tpu.memory_space<vmem>>[vector<16xi32>], vector<16xf32>,
      %mul3A_779 = arith.mulf %gather3A_777, %gather3A_778 : vector<16xf32>
      %add3A_780 = arith.addf %add3A_766, %mul3A_779 : vector<16xf32>
      %mul3A_781 = arith.constant 16 : i32
      %mul3A_782 = arith.muli %add3A_430, %mul3A_781 : i32
      %add3A_783 = vector.broadcast %mul3A_782 : i32 to vector<16xi32>
      %add3A_784 = arith.addi %add3A_783, %iota3A : vector<16xi32>
      %mul3A_785 = arith.constant 26 : i32
      %mul3A_786 = vector.broadcast %mul3A_785 : i32 to vector<16xi32>
      %mul3A_787 = arith.muli %add3A_784, %mul3A_786 : vector<16xi32>
      %add3A_788 = arith.constant 25 : i32
      %add3A_789 = vector.broadcast %add3A_788 : i32 to vector<16xi32>
      %add3A_790 = arith.addi %mul3A_787, %add3A_789 : vector<16xi32>
      %gather3A_791 = tpu.vector_load_idx %arg9[%add3A_790] : memref<3328xf32, #tpu.memory_space<vmem>>[vector<16xi32>], vector<16xf32>,
      %gather3A_792 = tpu.vector_load_idx %arg8[%add3A_790] : memref<3328xf32, #tpu.memory_space<vmem>>[vector<16xi32>], vector<16xf32>,
      %mul3A_793 = arith.mulf %gather3A_791, %gather3A_792 : vector<16xf32>
      %add3A_794 = arith.addf %add3A_780, %mul3A_793 : vector<16xf32>
      %mul3A_795 = arith.constant 16 : i32
      %mul3A_796 = arith.muli %add3A_430, %mul3A_795 : i32
      %add3A_797 = vector.broadcast %mul3A_796 : i32 to vector<16xi32>
      %add3A_798 = arith.addi %add3A_797, %iota3A : vector<16xi32>
      %broadcast_in_dim3A_799 = arith.constant 64 : i32
      %broadcast_in_dim3A_800 = vector.broadcast %broadcast_in_dim3A_799 : i32 to vector<16xi32>
      tpu.vector_store_idx %arg11[%add3A_798, %broadcast_in_dim3A_800], %add3A_794 : memref<128x128xf32, #tpu.memory_space<vmem>>[vector<16xi32>, vector<16xi32>], vector<16xf32>,
    }
    %scan3A_425 = arith.constant 8 : i32
    "tpu.region"() ({
      %run_scoped3A = tpu.sem_alloc : memref<!tpu.dma_semaphore, #tpu.memory_space<semaphore_mem>>
      %dma_start3A_426 = arith.constant 0 : i32
      %dma_start3A_427 = tpu.memref_slice %arg6[%multiple_of3A_7, %dma_start3A_426] : memref<4096x128xf32, #tpu.memory_space<hbm>> -> memref<128x128xf32, #tpu.memory_space<hbm>>
      %dma_start3A_428 = arith.constant 0 : i32
      %dma_start3A_429 = tpu.memref_slice %arg6[%multiple_of3A_7, %dma_start3A_428] : memref<4096x128xf32, #tpu.memory_space<hbm>> -> memref<128x128xf32, #tpu.memory_space<hbm>>
      tpu.enqueue_dma source(%arg11 : memref<128x128xf32, #tpu.memory_space<vmem>>) target(%dma_start3A_429 : memref<128x128xf32, #tpu.memory_space<hbm>>) target_semaphore(%run_scoped3A : memref<!tpu.dma_semaphore, #tpu.memory_space<semaphore_mem>>)
      %dma_wait3A_430 = arith.constant 0 : i32
      %dma_wait3A_431 = tpu.memref_slice %arg6[%multiple_of3A_7, %dma_wait3A_430] : memref<4096x128xf32, #tpu.memory_space<hbm>> -> memref<128x128xf32, #tpu.memory_space<hbm>>
      %dma_wait3A_432 = arith.constant 0 : i32
      %dma_wait3A_433 = tpu.memref_slice %arg6[%multiple_of3A_7, %dma_wait3A_432] : memref<4096x128xf32, #tpu.memory_space<hbm>> -> memref<128x128xf32, #tpu.memory_space<hbm>>
      tpu.wait_dma2 semaphore(%run_scoped3A : memref<!tpu.dma_semaphore, #tpu.memory_space<semaphore_mem>>) src(%arg11 : memref<128x128xf32, #tpu.memory_space<vmem>>) dst(%dma_wait3A_433 : memref<128x128xf32, #tpu.memory_space<hbm>>)
      tpu.yield
    }) : () -> ()
    return
  }
}

module attributes {stable_mosaic.version = 14 : i64} {
  func.func @_mlp_body(%arg0: i32, %arg1: memref<1024x128xf32, #tpu.memory_space<vmem>>, %arg2: memref<64x200xf32, #tpu.memory_space<vmem>>, %arg3: memref<1x200xf32, #tpu.memory_space<vmem>>, %arg4: memref<200x100xf32, #tpu.memory_space<vmem>>, %arg5: memref<1x100xf32, #tpu.memory_space<vmem>>, %arg6: memref<1x100xf32, #tpu.memory_space<vmem>>, %arg7: memref<1x1xf32, #tpu.memory_space<vmem>>, %arg8: memref<1024x1xf32, #tpu.memory_space<vmem>>) attributes {dimension_semantics = [#tpu.dimension_semantics<arbitrary>], iteration_bounds = array<i64: 4>, scalar_prefetch = 0 : i64, scratch_operands = 0 : i64, tpu.core_type = #tpu.core_type<tc>, window_params = [{transform_indices = @transform_0, window_bounds = array<i64: 1024, 128>}, {pipeline_mode = #tpu.pipeline_mode<synchronous>, transform_indices = @transform_1, window_bounds = array<i64: 64, 200>}, {pipeline_mode = #tpu.pipeline_mode<synchronous>, transform_indices = @transform_2, window_bounds = array<i64: 1, 200>}, {pipeline_mode = #tpu.pipeline_mode<synchronous>, transform_indices = @transform_3, window_bounds = array<i64: 200, 100>}, {pipeline_mode = #tpu.pipeline_mode<synchronous>, transform_indices = @transform_4, window_bounds = array<i64: 1, 100>}, {pipeline_mode = #tpu.pipeline_mode<synchronous>, transform_indices = @transform_5, window_bounds = array<i64: 1, 100>}, {pipeline_mode = #tpu.pipeline_mode<synchronous>, transform_indices = @transform_6, window_bounds = array<i64: 1, 1>}, {transform_indices = @transform_7, window_bounds = array<i64: 1024, 1>}]} {
    %get3A = arith.constant 0 : index
    %get3A_0 = arith.constant 0 : index
    %get3A_1 = vector.load %arg1[%get3A, %get3A_0] : memref<1024x128xf32, #tpu.memory_space<vmem>>, vector<1024x128xf32>
    %slice3A = vector.extract_strided_slice %get3A_1 {offsets = [0, 0], sizes = [1024, 64], strides = [1, 1]} : vector<1024x128xf32> to vector<1024x64xf32>
    %slice3A_2 = vector.extract_strided_slice %get3A_1 {offsets = [0, 64], sizes = [1024, 1], strides = [1, 1]} : vector<1024x128xf32> to vector<1024x1xf32>
    %get3A_3 = arith.constant 0 : index
    %get3A_4 = arith.constant 0 : index
    %get3A_5 = vector.load %arg2[%get3A_3, %get3A_4] : memref<64x200xf32, #tpu.memory_space<vmem>>, vector<64x200xf32>
    %dot_general3A = arith.constant dense<0.000000e+00> : vector<1024x200xf32>
    %dot_general3A_6 = tpu.matmul %slice3A, %get3A_5, %dot_general3A {dimension_numbers = #tpu.dot_dimension_numbers<[1], [0], [0], [1], [0, 0, 1, 1], [], []>, transpose_lhs_hint = false} : vector<1024x64xf32>, vector<64x200xf32>, vector<1024x200xf32> -> vector<1024x200xf32>
    %get3A_7 = arith.constant 0 : index
    %get3A_8 = arith.constant 0 : index
    %get3A_9 = vector.load %arg3[%get3A_7, %get3A_8] : memref<1x200xf32, #tpu.memory_space<vmem>>, vector<1x200xf32>
    %add3A = vector.broadcast %get3A_9 : vector<1x200xf32> to vector<1024x200xf32>
    %add3A_10 = arith.addf %dot_general3A_6, %add3A : vector<1024x200xf32>
    %max3A = arith.constant 0.000000e+00 : f32
    %max3A_11 = vector.broadcast %max3A : f32 to vector<1024x200xf32>
    %max3A_12 = arith.maximumf %add3A_10, %max3A_11 : vector<1024x200xf32>
    %get3A_13 = arith.constant 0 : index
    %get3A_14 = arith.constant 0 : index
    %get3A_15 = vector.load %arg4[%get3A_13, %get3A_14] : memref<200x100xf32, #tpu.memory_space<vmem>>, vector<200x100xf32>
    %dot_general3A_16 = arith.constant dense<0.000000e+00> : vector<1024x100xf32>
    %dot_general3A_17 = tpu.matmul %max3A_12, %get3A_15, %dot_general3A_16 {dimension_numbers = #tpu.dot_dimension_numbers<[1], [0], [0], [1], [0, 0, 1, 1], [], []>, transpose_lhs_hint = false} : vector<1024x200xf32>, vector<200x100xf32>, vector<1024x100xf32> -> vector<1024x100xf32>
    %get3A_18 = arith.constant 0 : index
    %get3A_19 = arith.constant 0 : index
    %get3A_20 = vector.load %arg5[%get3A_18, %get3A_19] : memref<1x100xf32, #tpu.memory_space<vmem>>, vector<1x100xf32>
    %add3A_21 = vector.broadcast %get3A_20 : vector<1x100xf32> to vector<1024x100xf32>
    %add3A_22 = arith.addf %dot_general3A_17, %add3A_21 : vector<1024x100xf32>
    %max3A_23 = arith.constant 0.000000e+00 : f32
    %max3A_24 = vector.broadcast %max3A_23 : f32 to vector<1024x100xf32>
    %max3A_25 = arith.maximumf %add3A_22, %max3A_24 : vector<1024x100xf32>
    %get3A_26 = arith.constant 0 : index
    %get3A_27 = arith.constant 0 : index
    %get3A_28 = vector.load %arg6[%get3A_26, %get3A_27] : memref<1x100xf32, #tpu.memory_space<vmem>>, vector<1x100xf32>
    %mul3A = vector.broadcast %get3A_28 : vector<1x100xf32> to vector<1024x100xf32>
    %mul3A_29 = arith.mulf %max3A_25, %mul3A : vector<1024x100xf32>
    %reduce_sum3A = arith.constant dense<0.000000e+00> : vector<1024xf32>
    %reduce_sum3A_30 = vector.multi_reduction <add>, %mul3A_29, %reduce_sum3A [1] : vector<1024x100xf32> to vector<1024xf32>
    %broadcast_in_dim3A = vector.shape_cast %reduce_sum3A_30 : vector<1024xf32> to vector<1024x1xf32>
    %add3A_31 = arith.addf %broadcast_in_dim3A, %slice3A_2 : vector<1024x1xf32>
    %get3A_32 = arith.constant 0 : index
    %get3A_33 = arith.constant 0 : index
    %get3A_34 = vector.load %arg7[%get3A_32, %get3A_33] : memref<1x1xf32, #tpu.memory_space<vmem>>, vector<1x1xf32>
    %add3A_35 = vector.broadcast %get3A_34 : vector<1x1xf32> to vector<1024x1xf32>
    %add3A_36 = arith.addf %add3A_31, %add3A_35 : vector<1024x1xf32>
    %logistic3A = arith.negf %add3A_36 : vector<1024x1xf32>
    %logistic3A_37 = math.exp %logistic3A : vector<1024x1xf32>
    %logistic3A_38 = arith.constant 1.000000e+00 : f32
    %logistic3A_39 = vector.broadcast %logistic3A_38 : f32 to vector<1024x1xf32>
    %logistic3A_40 = arith.addf %logistic3A_39, %logistic3A_37 : vector<1024x1xf32>
    %logistic3A_41 = arith.divf %logistic3A_39, %logistic3A_40 : vector<1024x1xf32>
    %swap3A = arith.constant 0 : index
    %swap3A_42 = arith.constant 0 : index
    %swap3A_43 = vector.load %arg8[%swap3A, %swap3A_42] : memref<1024x1xf32, #tpu.memory_space<vmem>>, vector<1024x1xf32>
    tpu.vector_store %arg8[%swap3A, %swap3A_42], %logistic3A_41 {strides = array<i32>} : memref<1024x1xf32, #tpu.memory_space<vmem>>, vector<1024x1xf32>,
    return
  }
  func.func @transform_0(%arg0: i32) -> (i32, i32) {
    %c0_i32 = arith.constant 0 : i32
    %c0_i32_0 = arith.constant 0 : i32
    return %arg0, %c0_i32 : i32, i32
  }
  func.func @transform_1(%arg0: i32) -> (i32, i32) {
    %c0_i32 = arith.constant 0 : i32
    %c0_i32_0 = arith.constant 0 : i32
    %c0_i32_1 = arith.constant 0 : i32
    return %c0_i32, %c0_i32_0 : i32, i32
  }
  func.func @transform_2(%arg0: i32) -> (i32, i32) {
    %c0_i32 = arith.constant 0 : i32
    %c0_i32_0 = arith.constant 0 : i32
    %c0_i32_1 = arith.constant 0 : i32
    return %c0_i32, %c0_i32_0 : i32, i32
  }
  func.func @transform_3(%arg0: i32) -> (i32, i32) {
    %c0_i32 = arith.constant 0 : i32
    %c0_i32_0 = arith.constant 0 : i32
    %c0_i32_1 = arith.constant 0 : i32
    return %c0_i32, %c0_i32_0 : i32, i32
  }
  func.func @transform_4(%arg0: i32) -> (i32, i32) {
    %c0_i32 = arith.constant 0 : i32
    %c0_i32_0 = arith.constant 0 : i32
    %c0_i32_1 = arith.constant 0 : i32
    return %c0_i32, %c0_i32_0 : i32, i32
  }
  func.func @transform_5(%arg0: i32) -> (i32, i32) {
    %c0_i32 = arith.constant 0 : i32
    %c0_i32_0 = arith.constant 0 : i32
    %c0_i32_1 = arith.constant 0 : i32
    return %c0_i32, %c0_i32_0 : i32, i32
  }
  func.func @transform_6(%arg0: i32) -> (i32, i32) {
    %c0_i32 = arith.constant 0 : i32
    %c0_i32_0 = arith.constant 0 : i32
    %c0_i32_1 = arith.constant 0 : i32
    return %c0_i32, %c0_i32_0 : i32, i32
  }
  func.func @transform_7(%arg0: i32) -> (i32, i32) {
    %c0_i32 = arith.constant 0 : i32
    %c0_i32_0 = arith.constant 0 : i32
    return %arg0, %c0_i32 : i32, i32
  }
}

</mosaic_0001>

<sc_bundles>
// kernel: kernel.4.cloned.1.call-start
scs
__scs_entry_jumppad:
0x0: {  	(pc) =	sbr.rel $0x88, $3  }
0x1: {  	(tag) =	ssettag $0x0;
	lr =	simm.s32 $0x1  }
0x2: {  	[smem:$0x3F96] =	sst lr;
	_ =	strace $0xD0000000  }
0x3: {  	_ = 	snop  }
0x4: {  	_ = 	snop  }
0x5: {  	_ = 	snop  }
0x6: {  	_ = 	snop  }
0x7: {  	_ = 	snop  }
__scs_overlays_trampoline_lowered:
0x8: {  	[smem:$0x3FA5] =	sst s0  }
0x9: {  	[smem:$0x3FA6] =	sst s1  }
0xa: {  	[smem:$0x3FA7] =	sst s2  }
0xb: {  	[smem:$0x3FA8] =	sst s3  }
0xc: {  	[smem:$0x3FA9] =	sst s4  }
0xd: {  	[smem:$0x3FAA] =	sst s5  }
0xe: {  	[smem:$0x3FAB] =	sst s6  }
0xf: {  	[smem:$0x3FAC] =	sst s7  }
0x10: {  	[smem:$0x3FAD] =	sst s8  }
0x11: {  	[smem:$0x3FAE] =	sst s9;
	s0 =	simm.s32 @!p0 $0x0  }
0x12: {  	s1 =	sld [smem:$0x3F94];
	s0 =	simm.s32 @p0 $0x1  }
0x13: {  	[smem:$0x3FAF] =	sst s0;
	s0 =	simm.s32 @!p1 $0x0  }
0x14: {  	s2 =	sld [smem:$0x3F93];
	s0 =	simm.s32 @p1 $0x1  }
0x15: {  	[smem:$0x3FB0] =	sst s0;
	s0 =	simm.s32 @!p2 $0x0  }
0x16: {  	s3 =	sld [smem:$0x3FDB];
	s0 =	simm.s32 @p2 $0x1  }
0x17: {  	s4 =	simm.s32 $0x1BF5;
	[smem:$0x3FB2] =	sst s0  }
0x18: {  	s0 =	sld [smem:$0x3F95];
	_ =	swait.ge [sflag:s4], $0x0  }
0x19: {  	s7 =	sld [smem:$0x3F96]  }
0x1a: {  	s8 =	sadd.s32 $0xFFFFE003, lr  }
0x1b: {  	s9 =	sadd.s32 $0xFFFFFEF7, lr;
	s5 =	simm.s32 $0xFFFFFFFF;
	p2 =	slt.u32 s8, $0xFFFFF086  }
0x1c: {  	p1 =	slt.u32 s9, $0xF7A;
	s5 =	simm.s32 @!p2 $0x0  }
0x1d: {  	s5 =	simm.s32 @p1 $0x1;
	p0 =	seq.s32 s7, s2  }
0x1e: {  	s7 =	smul.u32 @!p0 $0xF7A, s2;
	p2 =	seq.s32 @!p0 s5, $0x0  }
0x1f: {  	s9 =	smul.u32 $0xF7A, s1;
	s8 =	simm.s32 @!p0 $0x1BF5;
	p2 =	por !p2, p0  }
0x20: {  	[sflag:s8] =	ssyncset.s32 @!p0 $0xFFFFF086;
	s6 =	sadd.s32 @!p0 s3, s7;
	s7 =	simm.s32 @!p0 $0x108  }
0x21: {  	s3 =	sadd.s32 s3, s9;
	s6 =	sadd.s32 @!p0 $0x88, s6;
	s7 =	simm.s32 @p2 $0x1082  }
0x22: {  	[simem:s7], [sflag:s8] =	dma.local @!p0 [hbm:s6], $0xF7A  }
0x23: {  	s9 =	sor.u32 $0xD0000000, s2;
	s6 =	simm.s32 $0x108;
	_ =	swait.ge @!p0 [sflag:s8], $0x0  }
0x24: {  	s3 =	sadd.s32 $0x88, s3;
	s6 =	simm.s32 @!p1 $0x1082;
	[sflag:s4] =	ssyncset.s32 $0xFFFFF086  }
0x25: {  	[simem:s6], [sflag:s4] =	dma.local [hbm:s3], $0xF7A  }
0x26: {  	[smem:$0x3F96] =	sst s1;
	(tag) =	ssettag s2;
	_ =	strace s9  }
0x27: {  	s1 =	sld [smem:$0x3FA6]  }
0x28: {  	s2 =	sld [smem:$0x3FA7]  }
0x29: {  	s4 =	sld [smem:$0x3FA9]  }
0x2a: {  	p0 =	seq.s32 s5, $0x0;
	s5 =	sld [smem:$0x3FAA]  }
0x2b: {  	s6 =	sld [smem:$0x3FAB]  }
0x2c: {  	s7 =	sld [smem:$0x3FAC]  }
0x2d: {  	s3 =	simm.s32 $0x108;
	s8 =	sld [smem:$0x3FAD]  }
0x2e: {  	s3 =	simm.s32 @!p0 $0x1082;
	s9 =	sld [smem:$0x3FAE]  }
0x2f: {  	lr =	sadd.s32 s0, s3;
	s0 =	sld [smem:$0x3FA5]  }
0x30: {  	s3 =	sld [smem:$0x3FA8]  }
0x31: {  	[smem:$0x3FB1] =	sst s10  }
0x32: {  	s10 =	sld [smem:$0x3FAF];
	_ =	sdelay $0x3  }
0x33: {  	p0 =	seq.s32 s10, $0x1;
	s10 =	sld [smem:$0x3FB1];
	_ =	sdelay $0x3  }
0x34: {  	[smem:$0x3FB1] =	sst s10  }
0x35: {  	s10 =	sld [smem:$0x3FB0];
	_ =	sdelay $0x3  }
0x36: {  	p1 =	seq.s32 s10, $0x1;
	s10 =	sld [smem:$0x3FB1];
	_ =	sdelay $0x3  }
0x37: {  	[smem:$0x3FB1] =	sst s10  }
0x38: {  	s10 =	sld [smem:$0x3FB2]  }
0x39: {  	_ = 	snop;
	(pc) =	sbr.ind lr, $3  }
0x3a: {  	_ = 	snop  }
0x3b: {  	_ = 	snop  }
0x3c: {  	p2 =	seq.s32 s10, $0x1;
	s10 =	sld [smem:$0x3FB1]  }
0x3d: {  	_ =	shalt  }
0x3e: {  	_ =	shalt  }
0x3f: {  	_ =	shalt  }
0x40: {  	_ =	shalt  }
0x41: {  	_ =	shalt  }
0x42: {  	_ =	shalt  }
0x43: {  	_ =	shalt  }
0x44: {  	_ =	shalt  }
0x45: {  	_ =	shalt  }
0x46: {  	_ =	shalt  }
0x47: {  	_ =	shalt  }
0x48: {  	_ =	shalt  }
0x49: {  	_ =	shalt  }
0x4a: {  	_ =	shalt  }
0x4b: {  	_ =	shalt  }
0x4c: {  	_ =	shalt  }
0x4d: {  	_ =	shalt  }
0x4e: {  	_ =	shalt  }
0x4f: {  	_ =	shalt  }
0x50: {  	_ =	shalt  }
0x51: {  	_ =	shalt  }
0x52: {  	_ =	shalt  }
0x53: {  	_ =	shalt  }
0x54: {  	_ =	shalt  }
0x55: {  	_ =	shalt  }
0x56: {  	_ =	shalt  }
0x57: {  	_ =	shalt  }
0x58: {  	_ =	shalt  }
0x59: {  	_ =	shalt  }
0x5a: {  	_ =	shalt  }
0x5b: {  	_ =	shalt  }
0x5c: {  	_ =	shalt  }
0x5d: {  	_ =	shalt  }
0x5e: {  	_ =	shalt  }
0x5f: {  	_ =	shalt  }
0x60: {  	_ =	shalt  }
0x61: {  	_ =	shalt  }
0x62: {  	_ =	shalt  }
0x63: {  	_ =	shalt  }
0x64: {  	_ =	shalt  }
0x65: {  	_ =	shalt  }
0x66: {  	_ =	shalt  }
0x67: {  	_ =	shalt  }
0x68: {  	_ =	shalt  }
0x69: {  	_ =	shalt  }
0x6a: {  	_ =	shalt  }
0x6b: {  	_ =	shalt  }
0x6c: {  	_ =	shalt  }
0x6d: {  	_ =	shalt  }
0x6e: {  	_ =	shalt  }
0x6f: {  	_ =	shalt  }
0x70: {  	_ =	shalt  }
0x71: {  	_ =	shalt  }
0x72: {  	_ =	shalt  }
0x73: {  	_ =	shalt  }
0x74: {  	_ =	shalt  }
0x75: {  	_ =	shalt  }
0x76: {  	_ =	shalt  }
0x77: {  	_ =	shalt  }
0x78: {  	_ =	shalt  }
0x79: {  	_ =	shalt  }
0x7a: {  	_ =	shalt  }
0x7b: {  	_ =	shalt  }
0x7c: {  	_ =	shalt  }
0x7d: {  	_ =	shalt  }
0x7e: {  	_ =	shalt  }
0x7f: {  	_ =	shalt  }
0x80: {  	_ =	shalt  }
0x81: {  	_ =	shalt  }
0x82: {  	_ =	shalt  }
0x83: {  	_ =	shalt  }
0x84: {  	_ =	shalt  }
0x85: {  	_ =	shalt  }
0x86: {  	_ =	shalt  }
0x87: {  	_ =	shalt  }
.Lfunc_end0:
.L_simem_size_0:
called_computation_lowered:
.L_overlay_start_0:
0x88: {  	s2 =	sld [smem:$0x3FD9]  }
0x89: {  	s3 =	sld [smem:$0x3FFE];
	_ =	sdelay $0x1  }
0x8a: {  	s1 =	srdreg.scid  }
0x8b: {  	s0 =	sand.u32 $0x1, s1  }
0x8c: {  	s16 =	sshll.u32 s0, $0xA;
	s2 =	sadd.s32 s3, s2  }
0x8d: {  	s2 =	sadd.s32 s2, s16  }
0x8e: {  	[smem:$0x3FBD] =	sst s2  }
0x8f: {  	_ = 	snop  }
0x90: {  	(tm) =	ssettm $0x1  }
0x91: {  	s17 =	sld [smem:$0x3FFB];
	_ =	sdelay $0x3  }
0x92: {  	_ =	strace s17  }
0x93: {  	s2 =	sld [smem:$0x3FFC];
	_ =	sdelay $0x3  }
0x94: {  	_ =	strace s2  }
0x95: {  	s2 =	sld [smem:$0x3FFD];
	_ =	sdelay $0x3  }
0x96: {  	_ =	strace s2  }
0x97: {  	_ =	strace $0x8FFFFFFF  }
0x98: {  	s18 =	sld [smem:$0x3FDB];
	_ =	sdelay $0x1  }
0x99: {  	s19 =	simm.s32 $_scs_section_size  }
0x9a: {  	s4 =	simm.s32 $_size__tile_overlayer_lowered;
	s5 =	simm.s32 $_tile_overlayer_lowered  }
0x9b: {  	s22 =	simm.s32 $0x1BFF;
	s21 =	sshll.u32 s5, $0x1;
	s2 =	sadd.s32 s19, s18  }
0x9c: {  	s6 =	simm.s32 $0x0;
	s20 =	sshll.u32 s4, $0x1;
	s4 =	sadd.s32 s21, s2  }
0x9d: {  	[timem:s6], [sflag:s22] =	dma.local [hbm:s4], s20  }
0x9e: {  	_ =	swait.ge [sflag:s22], s20  }
0x9f: {  	s3 =	ssub.s32 $0x0, s20;
	[sflag:s22] =	ssyncset.done $0x0  }
0xa0: {  	[sflag:s22] =	ssyncadd.s32 s3;
	_ =	sdelay $0x1  }
0xa1: {  	s23 =	simm.s32 $0x1B8B  }
0xa2: {  	_ =	swait.ge [sflag:s23], $0x1  }
0xa3: {  	[sflag:s23] =	ssyncset.done $0x0  }
0xa4: {  	s25 =	simm.s32 $0x1B8E;
	s24 =	sld [smem:$0x3FFE];
	[sflag:s23] =	ssyncadd.s32 $0xFFFFFFFF  }
0xa5: {  	s26 =	simm.s32 $execute0_lowered;
	[smem:$0x3FD2] =	sst s25  }
0xa6: {  	s4 =	sshll.u32 s26, $0x1;
	_ =	strace $0x80000046;
	[dreg:$0x1] =	wrdreg $0xFFFFFFFF  }
0xa7: {  	s28 =	simm.s32 $_size_execute0_lowered;
	s2 =	sadd.s32 s2, s4;
	[dreg:$0x0] =	wrdreg $0x0  }
0xa8: {  	s4 =	sshll.u32 s28, $0x1;
	[dreg:$0x2] =	wrdreg s2  }
0xa9: {  	[dreg:$0x3] =	wrdreg s4  }
0xaa: {  	[dreg:$0x4] =	wrdreg $0xC0  }
0xab: {  	_ =	task [dreg:s6], $0x5FFFF  }
0xac: {  	[dreg:$0x1] =	wrdreg $0xFFFFFFFF  }
0xad: {  	[dreg:$0x0] =	wrdreg $0x60  }
0xae: {  	[dreg:$0x2] =	wrdreg s24  }
0xaf: {  	[dreg:$0x3] =	wrdreg $0x9B000  }
0xb0: {  	[dreg:$0x4] =	wrdreg $0x9  }
0xb1: {  	_ =	task.clear_ibuf [dreg:s6], $0x5FFFF;
	_ =	strace $0x90000046  }
0xb2: {  	s29 =	simm.s32 $0x9;
	_ =	strace $0x80000048  }
0xb3: {  	_ =	swait.ge [sflag:s29], $0x1  }
0xb4: {  	[sflag:s29] =	ssyncadd.s32 $0xFFFFFFFF  }
0xb5: {  	_ =	strace $0x90000048  }
0xb6: {  	_ =	sfence  }
0xb7: {  	s30 =	sld [smem:$0x0];
	_ =	sdelay $0x2  }
0xb8: {  	s31 =	sshll.u32 s1, $0xD;
	s1 =	sshrl.u32 s1, $0x2  }
0xb9: {  	s3 =	sand.u32 $0x4000, s31;
	s1 =	sadd.s32 s1, s30  }
0xba: {  	s0 =	sor.u32 s3, s0;
	s1 =	sshll.u32 s1, $0x11  }
0xbb: {  	s0 =	sor.u32 s1, s0  }
0xbc: {  	s0 =	sadd.s32 $0x8F2B, s0  }
0xbd: {  	[sflag:s0] =	ssyncadd.remote.s32 $0x1  }
0xbe: {  	_ =	sfence.sel $0xFFFF  }
0xbf: {  	[dreg:$0x0] =	wrdreg $0xFFFFFFFF;
	(pc) =	sbr.abs _section_cstart, $3  }
0xc0: {  	[dreg:$0x1] =	wrdreg $0xFFFFFFFF  }
0xc1: {  	_ =	task.clear_ibuf [dreg:s6], $0x2FFFF;
	_ =	strace $0x9FFFFFFF  }
0xc2: {  	(tm) =	ssettm $0x7FFFFFFF  }
0xc3: {  	_ =	shalt  }
tec
execute0_lowered:
.L_overlay_start_1:
0x0: {  	(tag) =	ssettag $0x1  }
0x1: {  	s0 =	srdreg.scid;
	s5 =	rddreg [dreg:$0x0]  }
0x2: {  	s7 =	stileid.u32;
	s1 =	rddreg [dreg:$0x1];
	s10 =	simm.s32 $0x5  }
0x3: {  	s11 =	simm.s32 $0xD00;
	s12 =	simm.s32 $0x68;
	s14 =	simm.s32 $0x4100  }
0x4: {  	s15 =	simm.s32 $0x1;
	s16 =	simm.s32 $0x2;
	s17 =	simm.s32 $0x1A00  }
0x5: {  	s13 =	simm.s32 $0xC98;
	s18 =	simm.s32 $0x2698;
	s19 =	simm.s32 $0x3  }
0x6: {  	s20 =	simm.s32 $0x5B00;
	s0 =	sand.u32 $0x1, s0;
	s2 =	sshll.u32 s7, $0x1  }
0x7: {  	s21 =	simm.s32 $0x0;
	p0 =	sne.s32 s7, $0x0;
	s4 =	sor.u32 s0, s2  }
0x8: {  	s2 =	simm.s32 $0x0;
	s0 =	ssub.s32 $0x2, s0;
	s3 =	smul.u32 $0x1A0, s4  }
0x9: {  	[smem:$0x7FF] =	sst s2;
	s8 =	sshll.u32 s4, $0xB;
	s9 =	sshrl.u32 s0, $0x1  }
0xa: {  	s4 =	sadd.s32 $0x7400, s5;
	_ =	strace $0x80000047;
	s8 =	sadd.s32 s8, s5  }
0xb: {  	s0 =	ssub.s32 s0, s9;
	s9 =	sshrl.u32 @!p0 s1, $0x3;
	s6 =	sadd.s32 s3, s5  }
0xc: {  	s3 =	sadd.s32 $0x187600, s5;
	s7 =	sadd.s32 $0xA600, s8;
	s8 =	smax.u32 s0, $0x1  }
0xd: {  	v0 =	vlaneseq.u32;
	s0 =	simm.s32 $0x2630;
	s5 =	sadd.s32 $0x4000, s6;
	s6 =	sadd.s32 $0xC00, s6  }
.LBB2_1:
0xe: {  	s22 =	simm.s32 @!p0 $0x1C04  }
0xf: {  	[spmem:s9], [sflag:s22] =	dma.local @!p0 [hbm:s4], $0x30D4  }
0x10: {  	[tilespmem:s2], [sflag:$0x5] =	stream.linear.gather [hbm4b:s5+s2], $0xD00, $0x38;
	[tilespmem:$0xB370] =	vst v63  }
0x11: {  	_ =	swait.ge [sflag:s10], $0xD00  }
0x12: {  	[sflag:s10] =	ssyncset.done $0x0  }
0x13: {  	[sflag:s10] =	ssyncadd.s32 $0xFFFFF300  }
0x14: {  	[tilespmem:s11], [sflag:$0x5] =	stream.linear.gather [hbm4b:s6+s2], $0xD00, $0x38;
	[tilespmem:$0xB370] =	vst v63  }
0x15: {  	_ =	swait.ge [sflag:s10], $0xD00  }
0x16: {  	[sflag:s10] =	ssyncset.done $0x0  }
0x17: {  	s31 =	simm.s32 $0x2700;
	[sflag:s10] =	ssyncadd.s32 $0xFFFFF300  }
0x18: {  	[tilespmem:s31], [sflag:$0x1] =	stream.indirect.gather [hbm4b:s3+s12], $0x40, s2, s12, $0xb8;
	[tilespmem:$0xB370] =	vst v63  }
0x19: {  	s22 =	simm.s32 @!p0 $0x4  }
0x1a: {  	[tilespmem:s14], [sflag:$0x2] =	stream.indirect.gather [hbm4b:s3+s12], $0x40, s12, s12, $0xb8;
	[tilespmem:$0xB370] =	vst v63  }
0x1b: {  	_ =	swait.ge @!p0 [sflag:s22], $0x30D4  }
0x1c: {  	[sflag:s22] =	ssyncset.done @!p0 $0x0  }
0x1d: {  	s29 =	simm.s32 $0x5D30;
	s24 =	simm.s32 $0x0;
	[sflag:s22] =	ssyncadd.s32 @!p0 $0xFFFFCF2C  }
0x1e: {  	s25 =	simm.s32 $0x0;
	s22 =	simm.s32 $0x5B20;
	[bflag:$0x0] =	sbarrier.arrive $0xFFFF  }
.LBB2_2:
0x1f: {  	_ =	swait.ge [sflag:s15], $0x1A00  }
0x20: {  	s26 =	simm.s32 $0x0;
	[sflag:s15] =	ssyncset.done $0x0  }
0x21: {  	s28 =	simm.s32 $0x2A40;
	s23 =	smov.u32 s22;
	[sflag:s15] =	ssyncadd.s32 $0xFFFFE600  }
.LBB2_3:
0x22: {  	s30 =	sadd.s32 s26, s24;
	v3 =	vld [tilespmem:s28+$0xFFFFFCC0]  }
0x23: {  	v4 =	vld [tilespmem:s28+$0xFFFFFCD0];
	v1 =	vmov s30;
	s31 =	sadd.s32 $0x1, s30  }
0x24: {  	v5 =	vld [tilespmem:s28+$0xFFFFFCE0];
	v1 =	vand.u32 $0xFFFFFFFE, v1;
	v2 =	vmov s31  }
0x25: {  	v6 =	vld [tilespmem:s28+$0xFFFFFCF0];
	v1 =	vbroadcast v1, $0x0  }
0x26: {  	v8 =	vld [tilespmem:s28+$0xFFFFFD00]  }
0x27: {  	v9 =	vld [tilespmem:s28+$0xFFFFFD10]  }
0x28: {  	v10 =	vld [tilespmem:s28+$0xFFFFFD20];
	s31 =	sadd.s32 $0x2, s30  }
0x29: {  	v7 =	vmov s31;
	s31 =	sadd.s32 $0x3, s30;
	v2 =	vld.idx.msk [tilespmem:v2+s11+$0x0], $0xffff  }
0x2a: {  	v12 =	vld [tilespmem:s28+$0xFFFFFD30];
	v14 =	vmov s31  }
0x2b: {  	s31 =	sadd.s32 $0x4, s30;
	v1 =	vld.idx.msk [tilespmem:v1+s11+$0x0], $0xffff  }
0x2c: {  	v17 =	vld [tilespmem:s28+$0xFFFFFD40];
	v7 =	vand.u32 $0xFFFFFFFE, v7;
	v18 =	vmov s31  }
0x2d: {  	v22 =	vld [tilespmem:s28+$0xFFFFFD80];
	v7 =	vbroadcast v7, $0x0;
	v18 =	vand.u32 $0xFFFFFFFE, v18  }
0x2e: {  	v25 =	vld [tilespmem:s28+$0xFFFFFD90];
	v18 =	vbroadcast v18, $0x0;
	v59 =	vmul.f32 v8, v2  }
0x2f: {  	v14 =	vld.idx.msk [tilespmem:v14+s11+$0x0], $0xffff;
	v9 =	vmul.f32 v9, v2;
	v10 =	vmul.f32 v10, v2  }
0x30: {  	v27 =	vld [tilespmem:s28+$0xFFFFFDA0];
	v2 =	vmul.f32 v12, v2;
	v3 =	vmul.f32 v3, v1  }
0x31: {  	v61 =	vld [tilespmem:s28+$0xFFFFFD50];
	s31 =	sadd.s32 $0x5, s30;
	v4 =	vmul.f32 v4, v1;
	v5 =	vmul.f32 v5, v1  }
0x32: {  	v62 =	vld [tilespmem:s28+$0xFFFFFD60];
	v33 =	vmov s31;
	s31 =	sadd.s32 $0x6, s30;
	v1 =	vmul.f32 v6, v1;
	v16 =	vmul.f32 v59, v59  }
0x33: {  	v41 =	vmov s31;
	v7 =	vld.idx.msk [tilespmem:v7+s11+$0x0], $0xffff;
	v19 =	vmul.f32 v10, v10;
	v20 =	vmul.f32 v2, v2  }
0x34: {  	v32 =	vld.idx.msk [tilespmem:v18+s11+$0x0], $0xffff;
	v18 =	vand.u32 $0xFFFFFFFE, v41;
	v30 =	vmul.f32 v22, v14;
	v36 =	vmul.f32 v25, v14  }
0x35: {  	v63 =	vld [tilespmem:s28+$0xFFFFFD70];
	v38 =	vmul.f32 v27, v14;
	v18 =	vbroadcast v18, $0x0  }
0x36: {  	v11 =	vadd.f32 $0.0e+00, v3;
	v3 =	vmul.f32 v3, v3;
	v13 =	vadd.f32 $0.0e+00, v4  }
0x37: {  	v28 =	vld [tilespmem:s28+$0xFFFFFDB0];
	v4 =	vmul.f32 v4, v4;
	v60 =	vadd.f32 $0.0e+00, v5;
	v5 =	vmul.f32 v5, v5  }
0x38: {  	v37 =	vld [tilespmem:s28+$0xFFFFFDD0];
	s31 =	sadd.s32 $0x7, s30;
	v15 =	vadd.f32 $0.0e+00, v1;
	v1 =	vmul.f32 v1, v1;
	v21 =	vmul.f32 v17, v7  }
0x39: {  	v39 =	vld [tilespmem:s28+$0xFFFFFDE0];
	v54 =	vmov s31;
	s31 =	sadd.s32 $0x8, s30;
	v23 =	vmul.f32 v61, v7;
	v12 =	vmul.f32 v62, v7  }
0x3a: {  	v40 =	vld [tilespmem:s28+$0xFFFFFDF0];
	v7 =	vmul.f32 v63, v7;
	v34 =	vmul.f32 v30, v30;
	v62 =	vmov s31;
	s31 =	sadd.s32 $0x9, s30  }
0x3b: {  	v17 =	vld.idx.msk [tilespmem:v33+s11+$0x0], $0xffff;
	v33 =	vmov s31;
	v6 =	vadd.f32 v59, v11;
	v3 =	vadd.f32 v16, v3  }
0x3c: {  	v13 =	vadd.f32 v9, v13;
	v9 =	vmul.f32 v9, v9;
	v24 =	vmul.f32 v21, v21  }
0x3d: {  	v8 =	vadd.f32 v10, v60;
	v26 =	vmul.f32 v23, v23;
	v29 =	vmul.f32 v12, v12  }
0x3e: {  	v5 =	vadd.f32 v19, v5;
	v31 =	vmul.f32 v7, v7;
	v11 =	vmul.f32 v28, v14  }
0x3f: {  	v35 =	vld [tilespmem:s28+$0xFFFFFDC0];
	v2 =	vadd.f32 v2, v15;
	v19 =	vmul.f32 v38, v38;
	v44 =	vmul.f32 v37, v32  }
0x40: {  	s31 =	sadd.s32 $0xA, s30;
	v1 =	vadd.f32 v20, v1;
	v14 =	vmul.f32 v39, v32;
	v49 =	vmul.f32 v40, v32  }
0x41: {  	v46 =	vld [tilespmem:s28+$0xFFFFFE10];
	v41 =	vmov s31;
	s31 =	sadd.s32 $0xB, s30;
	v4 =	vadd.f32 v9, v4;
	v6 =	vadd.f32 v21, v6  }
0x42: {  	v16 =	vld.idx.msk [tilespmem:v54+s11+$0x0], $0xffff;
	v54 =	vmov s31;
	v3 =	vadd.f32 v24, v3;
	v10 =	vadd.f32 v23, v13  }
0x43: {  	v48 =	vld [tilespmem:s28+$0xFFFFFE20];
	v8 =	vadd.f32 v12, v8;
	v5 =	vadd.f32 v29, v5;
	v12 =	vmul.f32 v36, v36  }
0x44: {  	v43 =	vld [tilespmem:s28+$0xFFFFFE00];
	v2 =	vadd.f32 v7, v2;
	v42 =	vmul.f32 v11, v11;
	v9 =	vmul.f32 v35, v32  }
0x45: {  	v50 =	vld [tilespmem:s28+$0xFFFFFE30];
	s31 =	sadd.s32 $0xC, s30;
	v1 =	vadd.f32 v31, v1;
	v47 =	vmul.f32 v44, v44;
	v51 =	vmul.f32 v14, v14  }
0x46: {  	v52 =	vmul.f32 v49, v49;
	v53 =	vld.idx.msk [tilespmem:v18+s11+$0x0], $0xffff;
	v18 =	vand.u32 $0xFFFFFFFE, v62;
	v62 =	vmov s31  }
0x47: {  	v25 =	vld [tilespmem:s28+$0xFFFFFE90];
	v57 =	vmul.f32 v46, v17;
	v4 =	vadd.f32 v26, v4;
	v6 =	vadd.f32 v30, v6  }
0x48: {  	v27 =	vld [tilespmem:s28+$0xFFFFFEA0];
	v59 =	vmul.f32 v48, v17;
	v3 =	vadd.f32 v34, v3;
	v10 =	vadd.f32 v36, v10  }
0x49: {  	v56 =	vld [tilespmem:s28+$0xFFFFFE40];
	v18 =	vbroadcast v18, $0x0;
	v7 =	vadd.f32 v38, v8;
	v5 =	vadd.f32 v19, v5  }
0x4a: {  	v58 =	vld [tilespmem:s28+$0xFFFFFE50];
	v2 =	vadd.f32 v11, v2;
	v1 =	vadd.f32 v42, v1;
	v45 =	vmul.f32 v9, v9  }
0x4b: {  	v60 =	vld [tilespmem:s28+$0xFFFFFE60];
	v11 =	vmul.f32 v50, v17;
	v19 =	vmul.f32 v59, v59;
	v4 =	vadd.f32 v12, v4  }
0x4c: {  	v61 =	vld [tilespmem:s28+$0xFFFFFE70];
	v36 =	vmul.f32 v25, v16;
	v6 =	vadd.f32 v9, v6;
	v3 =	vadd.f32 v45, v3  }
0x4d: {  	v38 =	vmul.f32 v27, v16;
	v8 =	vadd.f32 v44, v10;
	v7 =	vadd.f32 v14, v7  }
0x4e: {  	v29 =	vld [tilespmem:s28+$0xFFFFFEB0];
	v12 =	vmul.f32 v43, v17;
	v5 =	vadd.f32 v51, v5;
	v2 =	vadd.f32 v49, v2  }
0x4f: {  	s31 =	sadd.s32 $0xD, s30;
	v1 =	vadd.f32 v52, v1;
	v63 =	vmul.f32 v11, v11;
	v10 =	vmul.f32 v56, v53  }
0x50: {  	v17 =	vld.idx.msk [tilespmem:v33+s11+$0x0], $0xffff;
	v33 =	vmov s31;
	v23 =	vmul.f32 v58, v53;
	v14 =	vmul.f32 v60, v53  }
0x51: {  	v22 =	vld [tilespmem:s28+$0xFFFFFE80];
	v28 =	vmul.f32 v61, v53;
	v4 =	vadd.f32 v47, v4;
	v55 =	vmul.f32 v12, v12  }
0x52: {  	v37 =	vld [tilespmem:s28+$0xFFFFFED0];
	v6 =	vadd.f32 v12, v6;
	v8 =	vadd.f32 v57, v8;
	v12 =	vmul.f32 v57, v57  }
0x53: {  	v39 =	vld [tilespmem:s28+$0xFFFFFEE0];
	v7 =	vadd.f32 v59, v7;
	v2 =	vadd.f32 v11, v2;
	v11 =	vmul.f32 v29, v16  }
0x54: {  	v46 =	vld [tilespmem:s28+$0xFFFFFF10];
	v5 =	vadd.f32 v19, v5;
	v19 =	vmul.f32 v38, v38;
	v24 =	vmul.f32 v10, v10  }
0x55: {  	v48 =	vld [tilespmem:s28+$0xFFFFFF20];
	v1 =	vadd.f32 v63, v1;
	v26 =	vmul.f32 v23, v23;
	v30 =	vmul.f32 v14, v14  }
0x56: {  	s31 =	sadd.s32 $0xE, s30;
	v31 =	vmul.f32 v28, v28;
	v32 =	vld.idx.msk [tilespmem:v18+s11+$0x0], $0xffff;
	v18 =	vand.u32 $0xFFFFFFFE, v41;
	v3 =	vadd.f32 v55, v3  }
0x57: {  	v40 =	vld [tilespmem:s28+$0xFFFFFEF0];
	v41 =	vmov s31;
	v4 =	vadd.f32 v12, v4;
	v6 =	vadd.f32 v10, v6  }
0x58: {  	v35 =	vld [tilespmem:s28+$0xFFFFFEC0];
	v8 =	vadd.f32 v23, v8;
	v12 =	vmul.f32 v22, v16;
	v7 =	vadd.f32 v14, v7  }
0x59: {  	v50 =	vld [tilespmem:s28+$0xFFFFFF30];
	s31 =	sadd.s32 $0xF, s30;
	v2 =	vadd.f32 v28, v2;
	v42 =	vmul.f32 v11, v11;
	v18 =	vbroadcast v18, $0x0  }
0x5a: {  	v16 =	vld.idx.msk [tilespmem:v54+s11+$0x0], $0xffff;
	v54 =	vmov s31;
	v5 =	vadd.f32 v30, v5;
	v1 =	vadd.f32 v31, v1  }
0x5b: {  	v25 =	vld [tilespmem:s28+$0xFFFFFF90];
	v57 =	vmul.f32 v46, v17;
	v59 =	vmul.f32 v48, v17;
	v3 =	vadd.f32 v24, v3  }
0x5c: {  	v43 =	vld [tilespmem:s28+$0xFFFFFF00];
	v4 =	vadd.f32 v26, v4;
	v34 =	vmul.f32 v12, v12;
	v6 =	vadd.f32 v12, v6  }
0x5d: {  	v27 =	vld [tilespmem:s28+$0xFFFFFFA0];
	v8 =	vadd.f32 v36, v8;
	v12 =	vmul.f32 v36, v36;
	v2 =	vadd.f32 v11, v2  }
0x5e: {  	v11 =	vmul.f32 v50, v17;
	v5 =	vadd.f32 v19, v5;
	v19 =	vmul.f32 v59, v59  }
0x5f: {  	v7 =	vadd.f32 v38, v7;
	v10 =	vmul.f32 v35, v32;
	v44 =	vmul.f32 v37, v32  }
0x60: {  	v56 =	vld [tilespmem:s28+$0xFFFFFF40];
	v1 =	vadd.f32 v42, v1;
	v14 =	vmul.f32 v39, v32;
	v49 =	vmul.f32 v40, v32  }
0x61: {  	v29 =	vld [tilespmem:s28+$0xFFFFFFB0];
	v4 =	vadd.f32 v12, v4;
	v12 =	vmul.f32 v43, v17;
	v63 =	vmul.f32 v11, v11  }
0x62: {  	v22 =	vld [tilespmem:s28+$0xFFFFFF80];
	v3 =	vadd.f32 v34, v3;
	v36 =	vmul.f32 v25, v16;
	v38 =	vmul.f32 v27, v16  }
0x63: {  	v46 =	vld [tilespmem:s28+$0x10];
	v45 =	vmul.f32 v10, v10;
	v6 =	vadd.f32 v10, v6;
	v47 =	vmul.f32 v44, v44  }
0x64: {  	v48 =	vld [tilespmem:s28+$0x20];
	v8 =	vadd.f32 v44, v8;
	v51 =	vmul.f32 v14, v14;
	v7 =	vadd.f32 v14, v7  }
0x65: {  	s31 =	sadd.s32 $0x10, s30;
	v17 =	vld.idx.msk [tilespmem:v33+s11+$0x0], $0xffff;
	v52 =	vmul.f32 v49, v49;
	v2 =	vadd.f32 v49, v2;
	v55 =	vmul.f32 v12, v12  }
0x66: {  	v53 =	vld.idx.msk [tilespmem:v18+s11+$0x0], $0xffff;
	v18 =	vand.u32 $0xFFFFFFFE, v62;
	v62 =	vmov s31;
	v3 =	vadd.f32 v45, v3  }
0x67: {  	v58 =	vld [tilespmem:s28+$0xFFFFFF50];
	s31 =	sadd.s32 $0x11, s30;
	v18 =	vbroadcast v18, $0x0;
	v4 =	vadd.f32 v47, v4;
	v5 =	vadd.f32 v51, v5  }
0x68: {  	v60 =	vld [tilespmem:s28+$0xFFFFFF60];
	v33 =	vmov s31;
	v1 =	vadd.f32 v52, v1;
	v6 =	vadd.f32 v12, v6  }
0x69: {  	v61 =	vld [tilespmem:s28+$0xFFFFFF70];
	v8 =	vadd.f32 v57, v8;
	v12 =	vmul.f32 v57, v57;
	v7 =	vadd.f32 v59, v7  }
0x6a: {  	v2 =	vadd.f32 v11, v2;
	v11 =	vmul.f32 v29, v16;
	v57 =	vmul.f32 v46, v17  }
0x6b: {  	v59 =	vmul.f32 v48, v17;
	v4 =	vadd.f32 v12, v4;
	v12 =	vmul.f32 v22, v16  }
0x6c: {  	v50 =	vld [tilespmem:s28+$0x30];
	v5 =	vadd.f32 v19, v5;
	v19 =	vmul.f32 v38, v38;
	v42 =	vmul.f32 v11, v11  }
0x6d: {  	v35 =	vld [tilespmem:s28+$0xFFFFFFC0];
	v3 =	vadd.f32 v55, v3;
	v10 =	vmul.f32 v56, v53;
	v23 =	vmul.f32 v58, v53  }
0x6e: {  	v43 =	vld [tilespmem:s28+$0x0];
	v1 =	vadd.f32 v63, v1;
	v14 =	vmul.f32 v60, v53;
	v28 =	vmul.f32 v61, v53  }
0x6f: {  	v25 =	vld [tilespmem:s28+$0x90];
	v34 =	vmul.f32 v12, v12;
	v24 =	vmul.f32 v10, v10;
	v6 =	vadd.f32 v10, v6  }
0x70: {  	v27 =	vld [tilespmem:s28+$0xA0];
	v26 =	vmul.f32 v23, v23;
	v8 =	vadd.f32 v23, v8;
	v30 =	vmul.f32 v14, v14  }
0x71: {  	s31 =	sadd.s32 $0x12, s30;
	v16 =	vld.idx.msk [tilespmem:v54+s11+$0x0], $0xffff;
	v7 =	vadd.f32 v14, v7;
	v31 =	vmul.f32 v28, v28;
	v2 =	vadd.f32 v28, v2  }
0x72: {  	v32 =	vld.idx.msk [tilespmem:v18+s11+$0x0], $0xffff;
	v18 =	vand.u32 $0xFFFFFFFE, v41;
	v41 =	vmov s31;
	v3 =	vadd.f32 v24, v3  }
0x73: {  	v37 =	vld [tilespmem:s28+$0xFFFFFFD0];
	s31 =	sadd.s32 $0x13, s30;
	v18 =	vbroadcast v18, $0x0;
	v4 =	vadd.f32 v26, v4;
	v5 =	vadd.f32 v30, v5  }
0x74: {  	v39 =	vld [tilespmem:s28+$0xFFFFFFE0];
	v54 =	vmov s31;
	v1 =	vadd.f32 v31, v1;
	v6 =	vadd.f32 v12, v6  }
0x75: {  	v40 =	vld [tilespmem:s28+$0xFFFFFFF0];
	v8 =	vadd.f32 v36, v8;
	v12 =	vmul.f32 v36, v36;
	v7 =	vadd.f32 v38, v7  }
0x76: {  	v2 =	vadd.f32 v11, v2;
	v11 =	vmul.f32 v50, v17;
	v36 =	vmul.f32 v25, v16  }
0x77: {  	v38 =	vmul.f32 v27, v16;
	v4 =	vadd.f32 v12, v4;
	v12 =	vmul.f32 v43, v17  }
0x78: {  	v29 =	vld [tilespmem:s28+$0xB0];
	v5 =	vadd.f32 v19, v5;
	v19 =	vmul.f32 v59, v59;
	v63 =	vmul.f32 v11, v11  }
0x79: {  	v46 =	vld [tilespmem:s28+$0x110];
	v3 =	vadd.f32 v34, v3;
	v10 =	vmul.f32 v35, v32;
	v44 =	vmul.f32 v37, v32  }
0x7a: {  	v48 =	vld [tilespmem:s28+$0x120];
	v1 =	vadd.f32 v42, v1;
	v14 =	vmul.f32 v39, v32;
	v49 =	vmul.f32 v40, v32  }
0x7b: {  	v22 =	vld [tilespmem:s28+$0x80];
	v55 =	vmul.f32 v12, v12;
	v45 =	vmul.f32 v10, v10;
	v6 =	vadd.f32 v10, v6  }
0x7c: {  	v56 =	vld [tilespmem:s28+$0x40];
	v47 =	vmul.f32 v44, v44;
	v8 =	vadd.f32 v44, v8;
	v51 =	vmul.f32 v14, v14  }
0x7d: {  	s31 =	sadd.s32 $0x14, s30;
	v17 =	vld.idx.msk [tilespmem:v33+s11+$0x0], $0xffff;
	v7 =	vadd.f32 v14, v7;
	v52 =	vmul.f32 v49, v49;
	v2 =	vadd.f32 v49, v2  }
0x7e: {  	v53 =	vld.idx.msk [tilespmem:v18+s11+$0x0], $0xffff;
	v18 =	vand.u32 $0xFFFFFFFE, v62;
	v62 =	vmov s31;
	v3 =	vadd.f32 v45, v3  }
0x7f: {  	v58 =	vld [tilespmem:s28+$0x50];
	v18 =	vbroadcast v18, $0x0;
	v4 =	vadd.f32 v47, v4;
	v5 =	vadd.f32 v51, v5  }
0x80: {  	v60 =	vld [tilespmem:s28+$0x60];
	v6 =	vadd.f32 v12, v6;
	v8 =	vadd.f32 v57, v8;
	v12 =	vmul.f32 v57, v57  }
0x81: {  	v61 =	vld [tilespmem:s28+$0x70];
	v7 =	vadd.f32 v59, v7;
	v2 =	vadd.f32 v11, v2;
	v11 =	vmul.f32 v29, v16  }
0x82: {  	v57 =	vmul.f32 v46, v17;
	v59 =	vmul.f32 v48, v17;
	v4 =	vadd.f32 v12, v4  }
0x83: {  	v5 =	vadd.f32 v19, v5;
	v12 =	vmul.f32 v22, v16;
	v19 =	vmul.f32 v38, v38  }
0x84: {  	v50 =	vld [tilespmem:s28+$0x130];
	v1 =	vadd.f32 v52, v1;
	v42 =	vmul.f32 v11, v11;
	v10 =	vmul.f32 v56, v53  }
0x85: {  	v25 =	vld [tilespmem:s28+$0x190];
	v3 =	vadd.f32 v55, v3;
	v23 =	vmul.f32 v58, v53;
	v14 =	vmul.f32 v60, v53  }
0x86: {  	v43 =	vld [tilespmem:s28+$0x100];
	v1 =	vadd.f32 v63, v1;
	v28 =	vmul.f32 v61, v53;
	v34 =	vmul.f32 v12, v12  }
0x87: {  	v35 =	vld [tilespmem:s28+$0xC0];
	v24 =	vmul.f32 v10, v10;
	v6 =	vadd.f32 v10, v6;
	v26 =	vmul.f32 v23, v23  }
0x88: {  	v16 =	vld.idx.msk [tilespmem:v54+s11+$0x0], $0xffff;
	v8 =	vadd.f32 v23, v8;
	v30 =	vmul.f32 v14, v14;
	v7 =	vadd.f32 v14, v7  }
0x89: {  	v37 =	vld [tilespmem:s28+$0xD0];
	v31 =	vmul.f32 v28, v28;
	v2 =	vadd.f32 v28, v2;
	v3 =	vadd.f32 v24, v3  }
0x8a: {  	v32 =	vld.idx.msk [tilespmem:v18+s11+$0x0], $0xffff;
	v18 =	vand.u32 $0xFFFFFFFE, v41;
	v4 =	vadd.f32 v26, v4;
	v5 =	vadd.f32 v30, v5  }
0x8b: {  	v39 =	vld [tilespmem:s28+$0xE0];
	v18 =	vbroadcast v18, $0x0;
	v1 =	vadd.f32 v31, v1;
	v6 =	vadd.f32 v12, v6  }
0x8c: {  	v40 =	vld [tilespmem:s28+$0xF0];
	v8 =	vadd.f32 v36, v8;
	v12 =	vmul.f32 v36, v36;
	v7 =	vadd.f32 v38, v7  }
0x8d: {  	s31 =	sadd.s32 $0x15, s30;
	v29 =	vld [tilespmem:s28+$0x1A0];
	v2 =	vadd.f32 v11, v2;
	v11 =	vmul.f32 v50, v17;
	v13 =	vmul.f32 v25, v16  }
0x8e: {  	v36 =	vmov s31;
	v4 =	vadd.f32 v12, v4;
	v12 =	vmul.f32 v43, v17  }
0x8f: {  	s31 =	sadd.s32 $0x16, s30;
	v5 =	vadd.f32 v19, v5;
	v19 =	vmul.f32 v59, v59;
	v63 =	vmul.f32 v11, v11  }
0x90: {  	v41 =	vmov s31;
	v10 =	vmul.f32 v35, v32;
	v44 =	vmul.f32 v37, v32  }
0x91: {  	v48 =	vld [tilespmem:s28+$0x200];
	v3 =	vadd.f32 v34, v3;
	v14 =	vmul.f32 v39, v32;
	v49 =	vmul.f32 v40, v32  }
0x92: {  	v56 =	vld [tilespmem:s28+$0x140];
	v9 =	vand.u32 $0xFFFFFFFE, v41;
	v37 =	vmul.f32 v13, v13;
	v39 =	vmul.f32 v29, v16  }
0x93: {  	v31 =	vld [tilespmem:s28+$0x1B0];
	v1 =	vadd.f32 v42, v1;
	v9 =	vbroadcast v9, $0x0;
	v55 =	vmul.f32 v12, v12  }
0x94: {  	v58 =	vld [tilespmem:s28+$0x150];
	v45 =	vmul.f32 v10, v10;
	v6 =	vadd.f32 v10, v6;
	v47 =	vmul.f32 v44, v44  }
0x95: {  	v60 =	vld [tilespmem:s28+$0x160];
	v8 =	vadd.f32 v44, v8;
	v51 =	vmul.f32 v14, v14;
	v7 =	vadd.f32 v14, v7  }
0x96: {  	v52 =	vmul.f32 v49, v49;
	v53 =	vld.idx.msk [tilespmem:v18+s11+$0x0], $0xffff;
	v2 =	vadd.f32 v49, v2;
	v18 =	vand.u32 $0xFFFFFFFE, v62  }
0x97: {  	v23 =	vld [tilespmem:s28+$0x180];
	v42 =	vmul.f32 v39, v39;
	v3 =	vadd.f32 v45, v3;
	v4 =	vadd.f32 v47, v4  }
0x98: {  	v61 =	vld [tilespmem:s28+$0x170];
	v43 =	vmul.f32 v31, v16;
	v5 =	vadd.f32 v51, v5;
	v1 =	vadd.f32 v52, v1  }
0x99: {  	v46 =	vld.idx.msk [tilespmem:v36+s11+$0x0], $0xffff;
	v6 =	vadd.f32 v12, v6;
	v8 =	vadd.f32 v57, v8;
	v12 =	vmul.f32 v57, v57  }
0x9a: {  	v50 =	vld [tilespmem:s28+$0x210];
	v18 =	vbroadcast v18, $0x0;
	v7 =	vadd.f32 v59, v7;
	v2 =	vadd.f32 v11, v2  }
0x9b: {  	v21 =	vld [tilespmem:s28+$0x260];
	v47 =	vmul.f32 v43, v43;
	v3 =	vadd.f32 v55, v3;
	v4 =	vadd.f32 v12, v4  }
0x9c: {  	v54 =	vld [tilespmem:s28+$0x230];
	v5 =	vadd.f32 v19, v5;
	v12 =	vmul.f32 v23, v16;
	v10 =	vmul.f32 v56, v53  }
0x9d: {  	v38 =	vld [tilespmem:s28+$0x1D0];
	s31 =	sadd.s32 $0x17, s30;
	v1 =	vadd.f32 v63, v1;
	v24 =	vmul.f32 v58, v53;
	v14 =	vmul.f32 v60, v53  }
0x9e: {  	v52 =	vld [tilespmem:s28+$0x220];
	v28 =	vmul.f32 v61, v53;
	v56 =	vmul.f32 v48, v46;
	v58 =	vmov s31;
	s31 =	sadd.s32 $0x18, s30  }
0x9f: {  	v57 =	vld [tilespmem:s28+$0x240];
	v59 =	vmul.f32 v50, v46;
	v34 =	vmul.f32 v12, v12;
	v61 =	vmov s31  }
0xa0: {  	v9 =	vld.idx.msk [tilespmem:v9+s11+$0x0], $0xffff;
	v26 =	vmul.f32 v10, v10;
	v6 =	vadd.f32 v10, v6;
	v27 =	vmul.f32 v24, v24  }
0xa1: {  	v63 =	vld [tilespmem:s28+$0x270];
	v8 =	vadd.f32 v24, v8;
	v30 =	vmul.f32 v14, v14;
	v7 =	vadd.f32 v14, v7  }
0xa2: {  	v60 =	vld [tilespmem:s28+$0x250];
	v32 =	vmul.f32 v28, v28;
	v2 =	vadd.f32 v28, v2;
	v19 =	vmul.f32 v59, v59  }
0xa3: {  	v33 =	vld.idx.msk [tilespmem:v18+s11+$0x0], $0xffff;
	v18 =	vand.u32 $0xFFFFFFFE, v61;
	v10 =	vmul.f32 v54, v46;
	v3 =	vadd.f32 v26, v3  }
0xa4: {  	v35 =	vld [tilespmem:s28+$0x1C0];
	v22 =	vbroadcast v18, $0x0;
	v4 =	vadd.f32 v27, v4;
	v5 =	vadd.f32 v30, v5  }
0xa5: {  	v40 =	vld [tilespmem:s28+$0x1E0];
	v1 =	vadd.f32 v32, v1;
	v6 =	vadd.f32 v12, v6;
	v12 =	vmul.f32 v52, v46  }
0xa6: {  	v44 =	vld [tilespmem:s28+$0x1F0];
	v8 =	vadd.f32 v13, v8;
	v13 =	vmul.f32 v56, v56;
	v23 =	vmul.f32 v57, v9  }
0xa7: {  	v7 =	vadd.f32 v39, v7;
	v25 =	vmul.f32 v10, v10;
	v29 =	vmul.f32 v21, v9  }
0xa8: {  	v2 =	vadd.f32 v43, v2;
	v17 =	vmul.f32 v60, v9;
	v9 =	vmul.f32 v63, v9  }
0xa9: {  	v3 =	vadd.f32 v34, v3;
	v62 =	vmul.f32 v12, v12;
	v27 =	vmul.f32 v23, v23  }
0xaa: {  	v4 =	vadd.f32 v37, v4;
	v45 =	vmul.f32 v35, v33;
	v14 =	vmul.f32 v38, v33  }
0xab: {  	v26 =	vld [tilespmem:s28+$0x280];
	v5 =	vadd.f32 v42, v5;
	v11 =	vmul.f32 v40, v33;
	v15 =	vmul.f32 v44, v33  }
0xac: {  	s30 =	sadd.s32 $0x19, s30;
	v24 =	vld.idx.msk [tilespmem:v58+s11+$0x0], $0xffff;
	v1 =	vadd.f32 v47, v1;
	v31 =	vmul.f32 v17, v17;
	v33 =	vmul.f32 v29, v29  }
0xad: {  	v28 =	vld [tilespmem:s28+$0x290];
	v35 =	vmov s30;
	v49 =	vmul.f32 v45, v45;
	v6 =	vadd.f32 v45, v6  }
0xae: {  	v32 =	vld [tilespmem:s28+$0x2B0];
	v51 =	vmul.f32 v14, v14;
	v53 =	vmul.f32 v11, v11;
	v8 =	vadd.f32 v14, v8  }
0xaf: {  	v30 =	vld [tilespmem:s28+$0x2A0];
	v7 =	vadd.f32 v11, v7;
	v55 =	vmul.f32 v15, v15;
	v2 =	vadd.f32 v15, v2  }
0xb0: {  	v38 =	vmul.f32 v9, v9;
	v3 =	vadd.f32 v49, v3;
	v4 =	vadd.f32 v51, v4  }
0xb1: {  	v36 =	vmul.f32 v26, v24;
	v5 =	vadd.f32 v53, v5;
	v1 =	vadd.f32 v55, v1  }
0xb2: {  	v37 =	vld [tilespmem:s28+$0x2C0];
	v18 =	vmul.f32 v28, v24;
	v6 =	vadd.f32 v56, v6;
	v8 =	vadd.f32 v59, v8  }
0xb3: {  	v34 =	vld.idx.msk [tilespmem:v22+s11+$0x0], $0xffff;
	v44 =	vmul.f32 v32, v24;
	v7 =	vadd.f32 v12, v7;
	v2 =	vadd.f32 v10, v2  }
0xb4: {  	v39 =	vld [tilespmem:s28+$0x2D0];
	v12 =	vmul.f32 v30, v24;
	v3 =	vadd.f32 v13, v3;
	v4 =	vadd.f32 v19, v4  }
0xb5: {  	v41 =	vld [tilespmem:s28+$0x2E0];
	v40 =	vmul.f32 v36, v36;
	v5 =	vadd.f32 v62, v5;
	v1 =	vadd.f32 v25, v1  }
0xb6: {  	v43 =	vld [tilespmem:s28+$0x2F0];
	v42 =	vmul.f32 v18, v18;
	v6 =	vadd.f32 v23, v6;
	v8 =	vadd.f32 v17, v8  }
0xb7: {  	v48 =	vmul.f32 v44, v44;
	v7 =	vadd.f32 v29, v7;
	v2 =	vadd.f32 v9, v2  }
0xb8: {  	v57 =	vld [tilespmem:s28+$0x330];
	v45 =	vmul.f32 v12, v12;
	v46 =	vmul.f32 v37, v34;
	v3 =	vadd.f32 v27, v3  }
0xb9: {  	v47 =	vld [tilespmem:s28+$0x300];
	v51 =	vmul.f32 v39, v34;
	v4 =	vadd.f32 v31, v4;
	v5 =	vadd.f32 v33, v5  }
0xba: {  	v16 =	vld.idx.msk [tilespmem:v35+s11+$0x0], $0xffff;
	v52 =	vmul.f32 v41, v34;
	v1 =	vadd.f32 v38, v1;
	v6 =	vadd.f32 v36, v6  }
0xbb: {  	v49 =	vld [tilespmem:s28+$0x310];
	v54 =	vmul.f32 v43, v34;
	v8 =	vadd.f32 v18, v8;
	v7 =	vadd.f32 v12, v7  }
0xbc: {  	v55 =	vld [tilespmem:s28+$0x320];
	v2 =	vadd.f32 v44, v2;
	v50 =	vmul.f32 v46, v46;
	v53 =	vmul.f32 v51, v51  }
0xbd: {  	v56 =	vmul.f32 v52, v52;
	v3 =	vadd.f32 v40, v3;
	v4 =	vadd.f32 v42, v4  }
0xbe: {  	v58 =	vmul.f32 v54, v54;
	v5 =	vadd.f32 v45, v5;
	v1 =	vadd.f32 v48, v1  }
0xbf: {  	v6 =	vadd.f32 v46, v6;
	v8 =	vadd.f32 v51, v8;
	v11 =	vmul.f32 v47, v16  }
0xc0: {  	v14 =	vmul.f32 v49, v16;
	v7 =	vadd.f32 v52, v7;
	v2 =	vadd.f32 v54, v2  }
0xc1: {  	v61 =	vmul.f32 v55, v16;
	v62 =	vmul.f32 v57, v16;
	v3 =	vadd.f32 v50, v3  }
0xc2: {  	v4 =	vadd.f32 v53, v4;
	v5 =	vadd.f32 v56, v5;
	v59 =	vmul.f32 v11, v11  }
0xc3: {  	v1 =	vadd.f32 v58, v1;
	v60 =	vmul.f32 v14, v14;
	v6 =	vadd.f32 v11, v6  }
0xc4: {  	v8 =	vadd.f32 v14, v8;
	v7 =	vadd.f32 v61, v7;
	v10 =	vmul.f32 v61, v61  }
0xc5: {  	v2 =	vadd.f32 v62, v2;
	v3 =	vadd.f32 v59, v3;
	v6 =	vmul.f32 v6, v6  }
0xc6: {  	v9 =	vmul.f32 v62, v62;
	v4 =	vadd.f32 v60, v4;
	v8 =	vmul.f32 v8, v8  }
0xc7: {  	v5 =	vadd.f32 v10, v5;
	v63 =	vmul.f32 v7, v7;
	v3 =	vsub.f32 v6, v3  }
0xc8: {  	v1 =	vadd.f32 v9, v1;
	v2 =	vmul.f32 v2, v2;
	v4 =	vsub.f32 v8, v4  }
0xc9: {  	p1 =	sne.s32 s26, $0x4E;
	v5 =	vsub.f32 v63, v5;
	v3 =	vmul.f32 $5.000000000e-01, v3  }
.Ltmp0:
0xca: {  	v1 =	vsub.f32 v2, v1;
	v4 =	vmul.f32 $5.000000000e-01, v4;
	(pc) =	sbr.rel @p1 .LBB2_3-.Ltmp0, $4  }
0xcb: {  	v2 =	vmul.f32 $5.000000000e-01, v5;
	[tilespmem:s23+$0xFFFFFFE0] =	vst v3  }
0xcc: {  	v1 =	vmul.f32 $5.000000000e-01, v1;
	[tilespmem:s23+$0xFFFFFFF0] =	vst v4  }
0xcd: {  	[tilespmem:s23+$0x0] =	vst v2  }
0xce: {  	s26 =	sadd.s32 $0x1A, s26;
	s28 =	sadd.s32 $0x680, s28;
	[tilespmem:s23+$0x10] =	vst v1;
	s23 =	sadd.s32 $0x80, s23  }
0xcf: {  	p1 =	seq.s32 s25, $0xF  }
0xd0: {  	s23 =	smul.u32 @!p1 $0x340, s25;
	_ =	sdelay $0x1  }
0xd1: {  	s23 =	sshra.s32 @!p1 s23, $0x2  }
0xd2: {  	s26 =	simm.s32 @!p1 $0x68;
	s28 =	simm.s32 @!p1 $0x2700;
	s23 =	sadd.s32 @!p1 $0xD0, s23  }
0xd3: {  	[tilespmem:s28], [sflag:$0x1] =	stream.indirect.gather @!p1 [hbm4b:s3+s26], $0x40, s23, s26, $0xb8;
	[tilespmem:$0xB370] =	vst v63  }
0xd4: {  	_ =	swait.ge [sflag:s16], $0x1A00  }
0xd5: {  	s26 =	simm.s32 $0x0;
	[sflag:s16] =	ssyncset.done $0x0  }
0xd6: {  	s28 =	simm.s32 $0x4770;
	s23 =	smov.u32 s29;
	[sflag:s16] =	ssyncadd.s32 $0xFFFFE600  }
.LBB2_5:
0xd7: {  	s30 =	sadd.s32 s26, s24  }
0xd8: {  	v3 =	vld [tilespmem:s28+$0xFFFFF990];
	s31 =	sadd.s32 $0x68, s30  }
0xd9: {  	v4 =	vld [tilespmem:s28+$0xFFFFF9A0];
	v1 =	vmov s31;
	s31 =	sadd.s32 $0x69, s30  }
0xda: {  	v5 =	vld [tilespmem:s28+$0xFFFFF9B0];
	v1 =	vand.u32 $0xFFFFFFFE, v1;
	v2 =	vmov s31  }
0xdb: {  	v6 =	vld [tilespmem:s28+$0xFFFFF9C0];
	v1 =	vbroadcast v1, $0x0  }
0xdc: {  	v8 =	vld [tilespmem:s28+$0xFFFFF9D0]  }
0xdd: {  	v9 =	vld [tilespmem:s28+$0xFFFFF9E0]  }
0xde: {  	v10 =	vld [tilespmem:s28+$0xFFFFF9F0];
	s31 =	sadd.s32 $0x6A, s30  }
0xdf: {  	v7 =	vmov s31;
	s31 =	sadd.s32 $0x6B, s30;
	v2 =	vld.idx.msk [tilespmem:v2+s11+$0x0], $0xffff  }
0xe0: {  	v12 =	vld [tilespmem:s28+$0xFFFFFA00];
	v14 =	vmov s31  }
0xe1: {  	s31 =	sadd.s32 $0x6C, s30;
	v1 =	vld.idx.msk [tilespmem:v1+s11+$0x0], $0xffff  }
0xe2: {  	v17 =	vld [tilespmem:s28+$0xFFFFFA10];
	v7 =	vand.u32 $0xFFFFFFFE, v7;
	v18 =	vmov s31  }
0xe3: {  	v22 =	vld [tilespmem:s28+$0xFFFFFA50];
	v7 =	vbroadcast v7, $0x0;
	v18 =	vand.u32 $0xFFFFFFFE, v18  }
0xe4: {  	v25 =	vld [tilespmem:s28+$0xFFFFFA60];
	v18 =	vbroadcast v18, $0x0;
	v59 =	vmul.f32 v8, v2  }
0xe5: {  	v14 =	vld.idx.msk [tilespmem:v14+s11+$0x0], $0xffff;
	v9 =	vmul.f32 v9, v2;
	v10 =	vmul.f32 v10, v2  }
0xe6: {  	v27 =	vld [tilespmem:s28+$0xFFFFFA70];
	v2 =	vmul.f32 v12, v2;
	v3 =	vmul.f32 v3, v1  }
0xe7: {  	v61 =	vld [tilespmem:s28+$0xFFFFFA20];
	s31 =	sadd.s32 $0x6D, s30;
	v4 =	vmul.f32 v4, v1;
	v5 =	vmul.f32 v5, v1  }
0xe8: {  	v62 =	vld [tilespmem:s28+$0xFFFFFA30];
	v33 =	vmov s31;
	s31 =	sadd.s32 $0x6E, s30;
	v1 =	vmul.f32 v6, v1;
	v16 =	vmul.f32 v59, v59  }
0xe9: {  	v41 =	vmov s31;
	v7 =	vld.idx.msk [tilespmem:v7+s11+$0x0], $0xffff;
	v19 =	vmul.f32 v10, v10;
	v20 =	vmul.f32 v2, v2  }
0xea: {  	v32 =	vld.idx.msk [tilespmem:v18+s11+$0x0], $0xffff;
	v18 =	vand.u32 $0xFFFFFFFE, v41;
	v30 =	vmul.f32 v22, v14;
	v36 =	vmul.f32 v25, v14  }
0xeb: {  	v63 =	vld [tilespmem:s28+$0xFFFFFA40];
	v38 =	vmul.f32 v27, v14;
	v18 =	vbroadcast v18, $0x0  }
0xec: {  	v11 =	vadd.f32 $0.0e+00, v3;
	v3 =	vmul.f32 v3, v3;
	v13 =	vadd.f32 $0.0e+00, v4  }
0xed: {  	v28 =	vld [tilespmem:s28+$0xFFFFFA80];
	v4 =	vmul.f32 v4, v4;
	v60 =	vadd.f32 $0.0e+00, v5;
	v5 =	vmul.f32 v5, v5  }
0xee: {  	v37 =	vld [tilespmem:s28+$0xFFFFFAA0];
	s31 =	sadd.s32 $0x6F, s30;
	v15 =	vadd.f32 $0.0e+00, v1;
	v1 =	vmul.f32 v1, v1;
	v21 =	vmul.f32 v17, v7  }
0xef: {  	v39 =	vld [tilespmem:s28+$0xFFFFFAB0];
	v54 =	vmov s31;
	s31 =	sadd.s32 $0x70, s30;
	v23 =	vmul.f32 v61, v7;
	v12 =	vmul.f32 v62, v7  }
0xf0: {  	v40 =	vld [tilespmem:s28+$0xFFFFFAC0];
	v7 =	vmul.f32 v63, v7;
	v34 =	vmul.f32 v30, v30;
	v62 =	vmov s31;
	s31 =	sadd.s32 $0x71, s30  }
0xf1: {  	v17 =	vld.idx.msk [tilespmem:v33+s11+$0x0], $0xffff;
	v33 =	vmov s31;
	v6 =	vadd.f32 v59, v11;
	v3 =	vadd.f32 v16, v3  }
0xf2: {  	v13 =	vadd.f32 v9, v13;
	v9 =	vmul.f32 v9, v9;
	v24 =	vmul.f32 v21, v21  }
0xf3: {  	v8 =	vadd.f32 v10, v60;
	v26 =	vmul.f32 v23, v23;
	v29 =	vmul.f32 v12, v12  }
0xf4: {  	v5 =	vadd.f32 v19, v5;
	v31 =	vmul.f32 v7, v7;
	v11 =	vmul.f32 v28, v14  }
0xf5: {  	v35 =	vld [tilespmem:s28+$0xFFFFFA90];
	v2 =	vadd.f32 v2, v15;
	v19 =	vmul.f32 v38, v38;
	v44 =	vmul.f32 v37, v32  }
0xf6: {  	s31 =	sadd.s32 $0x72, s30;
	v1 =	vadd.f32 v20, v1;
	v14 =	vmul.f32 v39, v32;
	v49 =	vmul.f32 v40, v32  }
0xf7: {  	v46 =	vld [tilespmem:s28+$0xFFFFFAE0];
	v41 =	vmov s31;
	s31 =	sadd.s32 $0x73, s30;
	v4 =	vadd.f32 v9, v4;
	v6 =	vadd.f32 v21, v6  }
0xf8: {  	v16 =	vld.idx.msk [tilespmem:v54+s11+$0x0], $0xffff;
	v54 =	vmov s31;
	v3 =	vadd.f32 v24, v3;
	v10 =	vadd.f32 v23, v13  }
0xf9: {  	v48 =	vld [tilespmem:s28+$0xFFFFFAF0];
	v8 =	vadd.f32 v12, v8;
	v5 =	vadd.f32 v29, v5;
	v12 =	vmul.f32 v36, v36  }
0xfa: {  	v43 =	vld [tilespmem:s28+$0xFFFFFAD0];
	v2 =	vadd.f32 v7, v2;
	v42 =	vmul.f32 v11, v11;
	v9 =	vmul.f32 v35, v32  }
0xfb: {  	v50 =	vld [tilespmem:s28+$0xFFFFFB00];
	s31 =	sadd.s32 $0x74, s30;
	v1 =	vadd.f32 v31, v1;
	v47 =	vmul.f32 v44, v44;
	v51 =	vmul.f32 v14, v14  }
0xfc: {  	v52 =	vmul.f32 v49, v49;
	v53 =	vld.idx.msk [tilespmem:v18+s11+$0x0], $0xffff;
	v18 =	vand.u32 $0xFFFFFFFE, v62;
	v62 =	vmov s31  }
0xfd: {  	v25 =	vld [tilespmem:s28+$0xFFFFFB60];
	v57 =	vmul.f32 v46, v17;
	v4 =	vadd.f32 v26, v4;
	v6 =	vadd.f32 v30, v6  }
0xfe: {  	v27 =	vld [tilespmem:s28+$0xFFFFFB70];
	v59 =	vmul.f32 v48, v17;
	v3 =	vadd.f32 v34, v3;
	v10 =	vadd.f32 v36, v10  }
0xff: {  	v56 =	vld [tilespmem:s28+$0xFFFFFB10];
	v18 =	vbroadcast v18, $0x0;
	v7 =	vadd.f32 v38, v8;
	v5 =	vadd.f32 v19, v5  }
0x100: {  	v58 =	vld [tilespmem:s28+$0xFFFFFB20];
	v2 =	vadd.f32 v11, v2;
	v1 =	vadd.f32 v42, v1;
	v45 =	vmul.f32 v9, v9  }
0x101: {  	v60 =	vld [tilespmem:s28+$0xFFFFFB30];
	v11 =	vmul.f32 v50, v17;
	v19 =	vmul.f32 v59, v59;
	v4 =	vadd.f32 v12, v4  }
0x102: {  	v61 =	vld [tilespmem:s28+$0xFFFFFB40];
	v36 =	vmul.f32 v25, v16;
	v6 =	vadd.f32 v9, v6;
	v3 =	vadd.f32 v45, v3  }
0x103: {  	v38 =	vmul.f32 v27, v16;
	v8 =	vadd.f32 v44, v10;
	v7 =	vadd.f32 v14, v7  }
0x104: {  	v29 =	vld [tilespmem:s28+$0xFFFFFB80];
	v12 =	vmul.f32 v43, v17;
	v5 =	vadd.f32 v51, v5;
	v2 =	vadd.f32 v49, v2  }
0x105: {  	s31 =	sadd.s32 $0x75, s30;
	v1 =	vadd.f32 v52, v1;
	v63 =	vmul.f32 v11, v11;
	v10 =	vmul.f32 v56, v53  }
0x106: {  	v17 =	vld.idx.msk [tilespmem:v33+s11+$0x0], $0xffff;
	v33 =	vmov s31;
	v23 =	vmul.f32 v58, v53;
	v14 =	vmul.f32 v60, v53  }
0x107: {  	v22 =	vld [tilespmem:s28+$0xFFFFFB50];
	v28 =	vmul.f32 v61, v53;
	v4 =	vadd.f32 v47, v4;
	v55 =	vmul.f32 v12, v12  }
0x108: {  	v37 =	vld [tilespmem:s28+$0xFFFFFBA0];
	v6 =	vadd.f32 v12, v6;
	v8 =	vadd.f32 v57, v8;
	v12 =	vmul.f32 v57, v57  }
0x109: {  	v39 =	vld [tilespmem:s28+$0xFFFFFBB0];
	v7 =	vadd.f32 v59, v7;
	v2 =	vadd.f32 v11, v2;
	v11 =	vmul.f32 v29, v16  }
0x10a: {  	v46 =	vld [tilespmem:s28+$0xFFFFFBE0];
	v5 =	vadd.f32 v19, v5;
	v19 =	vmul.f32 v38, v38;
	v24 =	vmul.f32 v10, v10  }
0x10b: {  	v48 =	vld [tilespmem:s28+$0xFFFFFBF0];
	v1 =	vadd.f32 v63, v1;
	v26 =	vmul.f32 v23, v23;
	v30 =	vmul.f32 v14, v14  }
0x10c: {  	s31 =	sadd.s32 $0x76, s30;
	v31 =	vmul.f32 v28, v28;
	v32 =	vld.idx.msk [tilespmem:v18+s11+$0x0], $0xffff;
	v18 =	vand.u32 $0xFFFFFFFE, v41;
	v3 =	vadd.f32 v55, v3  }
0x10d: {  	v40 =	vld [tilespmem:s28+$0xFFFFFBC0];
	v41 =	vmov s31;
	v4 =	vadd.f32 v12, v4;
	v6 =	vadd.f32 v10, v6  }
0x10e: {  	v35 =	vld [tilespmem:s28+$0xFFFFFB90];
	v8 =	vadd.f32 v23, v8;
	v12 =	vmul.f32 v22, v16;
	v7 =	vadd.f32 v14, v7  }
0x10f: {  	v50 =	vld [tilespmem:s28+$0xFFFFFC00];
	s31 =	sadd.s32 $0x77, s30;
	v2 =	vadd.f32 v28, v2;
	v42 =	vmul.f32 v11, v11;
	v18 =	vbroadcast v18, $0x0  }
0x110: {  	v16 =	vld.idx.msk [tilespmem:v54+s11+$0x0], $0xffff;
	v54 =	vmov s31;
	v5 =	vadd.f32 v30, v5;
	v1 =	vadd.f32 v31, v1  }
0x111: {  	v25 =	vld [tilespmem:s28+$0xFFFFFC60];
	v57 =	vmul.f32 v46, v17;
	v59 =	vmul.f32 v48, v17;
	v3 =	vadd.f32 v24, v3  }
0x112: {  	v43 =	vld [tilespmem:s28+$0xFFFFFBD0];
	v4 =	vadd.f32 v26, v4;
	v34 =	vmul.f32 v12, v12;
	v6 =	vadd.f32 v12, v6  }
0x113: {  	v27 =	vld [tilespmem:s28+$0xFFFFFC70];
	v8 =	vadd.f32 v36, v8;
	v12 =	vmul.f32 v36, v36;
	v2 =	vadd.f32 v11, v2  }
0x114: {  	v11 =	vmul.f32 v50, v17;
	v5 =	vadd.f32 v19, v5;
	v19 =	vmul.f32 v59, v59  }
0x115: {  	v7 =	vadd.f32 v38, v7;
	v10 =	vmul.f32 v35, v32;
	v44 =	vmul.f32 v37, v32  }
0x116: {  	v56 =	vld [tilespmem:s28+$0xFFFFFC10];
	v1 =	vadd.f32 v42, v1;
	v14 =	vmul.f32 v39, v32;
	v49 =	vmul.f32 v40, v32  }
0x117: {  	v29 =	vld [tilespmem:s28+$0xFFFFFC80];
	v4 =	vadd.f32 v12, v4;
	v12 =	vmul.f32 v43, v17;
	v63 =	vmul.f32 v11, v11  }
0x118: {  	v22 =	vld [tilespmem:s28+$0xFFFFFC50];
	v3 =	vadd.f32 v34, v3;
	v36 =	vmul.f32 v25, v16;
	v38 =	vmul.f32 v27, v16  }
0x119: {  	v46 =	vld [tilespmem:s28+$0xFFFFFCE0];
	v45 =	vmul.f32 v10, v10;
	v6 =	vadd.f32 v10, v6;
	v47 =	vmul.f32 v44, v44  }
0x11a: {  	v48 =	vld [tilespmem:s28+$0xFFFFFCF0];
	v8 =	vadd.f32 v44, v8;
	v51 =	vmul.f32 v14, v14;
	v7 =	vadd.f32 v14, v7  }
0x11b: {  	s31 =	sadd.s32 $0x78, s30;
	v17 =	vld.idx.msk [tilespmem:v33+s11+$0x0], $0xffff;
	v52 =	vmul.f32 v49, v49;
	v2 =	vadd.f32 v49, v2;
	v55 =	vmul.f32 v12, v12  }
0x11c: {  	v53 =	vld.idx.msk [tilespmem:v18+s11+$0x0], $0xffff;
	v18 =	vand.u32 $0xFFFFFFFE, v62;
	v62 =	vmov s31;
	v3 =	vadd.f32 v45, v3  }
0x11d: {  	v58 =	vld [tilespmem:s28+$0xFFFFFC20];
	s31 =	sadd.s32 $0x79, s30;
	v18 =	vbroadcast v18, $0x0;
	v4 =	vadd.f32 v47, v4;
	v5 =	vadd.f32 v51, v5  }
0x11e: {  	v60 =	vld [tilespmem:s28+$0xFFFFFC30];
	v33 =	vmov s31;
	v1 =	vadd.f32 v52, v1;
	v6 =	vadd.f32 v12, v6  }
0x11f: {  	v61 =	vld [tilespmem:s28+$0xFFFFFC40];
	v8 =	vadd.f32 v57, v8;
	v12 =	vmul.f32 v57, v57;
	v7 =	vadd.f32 v59, v7  }
0x120: {  	v2 =	vadd.f32 v11, v2;
	v11 =	vmul.f32 v29, v16;
	v57 =	vmul.f32 v46, v17  }
0x121: {  	v59 =	vmul.f32 v48, v17;
	v4 =	vadd.f32 v12, v4;
	v12 =	vmul.f32 v22, v16  }
0x122: {  	v50 =	vld [tilespmem:s28+$0xFFFFFD00];
	v5 =	vadd.f32 v19, v5;
	v19 =	vmul.f32 v38, v38;
	v42 =	vmul.f32 v11, v11  }
0x123: {  	v35 =	vld [tilespmem:s28+$0xFFFFFC90];
	v3 =	vadd.f32 v55, v3;
	v10 =	vmul.f32 v56, v53;
	v23 =	vmul.f32 v58, v53  }
0x124: {  	v43 =	vld [tilespmem:s28+$0xFFFFFCD0];
	v1 =	vadd.f32 v63, v1;
	v14 =	vmul.f32 v60, v53;
	v28 =	vmul.f32 v61, v53  }
0x125: {  	v25 =	vld [tilespmem:s28+$0xFFFFFD60];
	v34 =	vmul.f32 v12, v12;
	v24 =	vmul.f32 v10, v10;
	v6 =	vadd.f32 v10, v6  }
0x126: {  	v27 =	vld [tilespmem:s28+$0xFFFFFD70];
	v26 =	vmul.f32 v23, v23;
	v8 =	vadd.f32 v23, v8;
	v30 =	vmul.f32 v14, v14  }
0x127: {  	s31 =	sadd.s32 $0x7A, s30;
	v16 =	vld.idx.msk [tilespmem:v54+s11+$0x0], $0xffff;
	v7 =	vadd.f32 v14, v7;
	v31 =	vmul.f32 v28, v28;
	v2 =	vadd.f32 v28, v2  }
0x128: {  	v32 =	vld.idx.msk [tilespmem:v18+s11+$0x0], $0xffff;
	v18 =	vand.u32 $0xFFFFFFFE, v41;
	v41 =	vmov s31;
	v3 =	vadd.f32 v24, v3  }
0x129: {  	v37 =	vld [tilespmem:s28+$0xFFFFFCA0];
	s31 =	sadd.s32 $0x7B, s30;
	v18 =	vbroadcast v18, $0x0;
	v4 =	vadd.f32 v26, v4;
	v5 =	vadd.f32 v30, v5  }
0x12a: {  	v39 =	vld [tilespmem:s28+$0xFFFFFCB0];
	v54 =	vmov s31;
	v1 =	vadd.f32 v31, v1;
	v6 =	vadd.f32 v12, v6  }
0x12b: {  	v40 =	vld [tilespmem:s28+$0xFFFFFCC0];
	v8 =	vadd.f32 v36, v8;
	v12 =	vmul.f32 v36, v36;
	v7 =	vadd.f32 v38, v7  }
0x12c: {  	v2 =	vadd.f32 v11, v2;
	v11 =	vmul.f32 v50, v17;
	v36 =	vmul.f32 v25, v16  }
0x12d: {  	v38 =	vmul.f32 v27, v16;
	v4 =	vadd.f32 v12, v4;
	v12 =	vmul.f32 v43, v17  }
0x12e: {  	v29 =	vld [tilespmem:s28+$0xFFFFFD80];
	v5 =	vadd.f32 v19, v5;
	v19 =	vmul.f32 v59, v59;
	v63 =	vmul.f32 v11, v11  }
0x12f: {  	v46 =	vld [tilespmem:s28+$0xFFFFFDE0];
	v3 =	vadd.f32 v34, v3;
	v10 =	vmul.f32 v35, v32;
	v44 =	vmul.f32 v37, v32  }
0x130: {  	v48 =	vld [tilespmem:s28+$0xFFFFFDF0];
	v1 =	vadd.f32 v42, v1;
	v14 =	vmul.f32 v39, v32;
	v49 =	vmul.f32 v40, v32  }
0x131: {  	v22 =	vld [tilespmem:s28+$0xFFFFFD50];
	v55 =	vmul.f32 v12, v12;
	v45 =	vmul.f32 v10, v10;
	v6 =	vadd.f32 v10, v6  }
0x132: {  	v56 =	vld [tilespmem:s28+$0xFFFFFD10];
	v47 =	vmul.f32 v44, v44;
	v8 =	vadd.f32 v44, v8;
	v51 =	vmul.f32 v14, v14  }
0x133: {  	s31 =	sadd.s32 $0x7C, s30;
	v17 =	vld.idx.msk [tilespmem:v33+s11+$0x0], $0xffff;
	v7 =	vadd.f32 v14, v7;
	v52 =	vmul.f32 v49, v49;
	v2 =	vadd.f32 v49, v2  }
0x134: {  	v53 =	vld.idx.msk [tilespmem:v18+s11+$0x0], $0xffff;
	v18 =	vand.u32 $0xFFFFFFFE, v62;
	v62 =	vmov s31;
	v3 =	vadd.f32 v45, v3  }
0x135: {  	v58 =	vld [tilespmem:s28+$0xFFFFFD20];
	v18 =	vbroadcast v18, $0x0;
	v4 =	vadd.f32 v47, v4;
	v5 =	vadd.f32 v51, v5  }
0x136: {  	v60 =	vld [tilespmem:s28+$0xFFFFFD30];
	v6 =	vadd.f32 v12, v6;
	v8 =	vadd.f32 v57, v8;
	v12 =	vmul.f32 v57, v57  }
0x137: {  	v61 =	vld [tilespmem:s28+$0xFFFFFD40];
	v7 =	vadd.f32 v59, v7;
	v2 =	vadd.f32 v11, v2;
	v11 =	vmul.f32 v29, v16  }
0x138: {  	v57 =	vmul.f32 v46, v17;
	v59 =	vmul.f32 v48, v17;
	v4 =	vadd.f32 v12, v4  }
0x139: {  	v5 =	vadd.f32 v19, v5;
	v12 =	vmul.f32 v22, v16;
	v19 =	vmul.f32 v38, v38  }
0x13a: {  	v50 =	vld [tilespmem:s28+$0xFFFFFE00];
	v1 =	vadd.f32 v52, v1;
	v42 =	vmul.f32 v11, v11;
	v10 =	vmul.f32 v56, v53  }
0x13b: {  	v25 =	vld [tilespmem:s28+$0xFFFFFE60];
	v3 =	vadd.f32 v55, v3;
	v23 =	vmul.f32 v58, v53;
	v14 =	vmul.f32 v60, v53  }
0x13c: {  	v43 =	vld [tilespmem:s28+$0xFFFFFDD0];
	v1 =	vadd.f32 v63, v1;
	v28 =	vmul.f32 v61, v53;
	v34 =	vmul.f32 v12, v12  }
0x13d: {  	v35 =	vld [tilespmem:s28+$0xFFFFFD90];
	v24 =	vmul.f32 v10, v10;
	v6 =	vadd.f32 v10, v6;
	v26 =	vmul.f32 v23, v23  }
0x13e: {  	v16 =	vld.idx.msk [tilespmem:v54+s11+$0x0], $0xffff;
	v8 =	vadd.f32 v23, v8;
	v30 =	vmul.f32 v14, v14;
	v7 =	vadd.f32 v14, v7  }
0x13f: {  	v37 =	vld [tilespmem:s28+$0xFFFFFDA0];
	v31 =	vmul.f32 v28, v28;
	v2 =	vadd.f32 v28, v2;
	v3 =	vadd.f32 v24, v3  }
0x140: {  	v32 =	vld.idx.msk [tilespmem:v18+s11+$0x0], $0xffff;
	v18 =	vand.u32 $0xFFFFFFFE, v41;
	v4 =	vadd.f32 v26, v4;
	v5 =	vadd.f32 v30, v5  }
0x141: {  	v39 =	vld [tilespmem:s28+$0xFFFFFDB0];
	v18 =	vbroadcast v18, $0x0;
	v1 =	vadd.f32 v31, v1;
	v6 =	vadd.f32 v12, v6  }
0x142: {  	v40 =	vld [tilespmem:s28+$0xFFFFFDC0];
	v8 =	vadd.f32 v36, v8;
	v12 =	vmul.f32 v36, v36;
	v7 =	vadd.f32 v38, v7  }
0x143: {  	s31 =	sadd.s32 $0x7D, s30;
	v29 =	vld [tilespmem:s28+$0xFFFFFE70];
	v2 =	vadd.f32 v11, v2;
	v11 =	vmul.f32 v50, v17;
	v13 =	vmul.f32 v25, v16  }
0x144: {  	v36 =	vmov s31;
	v4 =	vadd.f32 v12, v4;
	v12 =	vmul.f32 v43, v17  }
0x145: {  	s31 =	sadd.s32 $0x7E, s30;
	v5 =	vadd.f32 v19, v5;
	v19 =	vmul.f32 v59, v59;
	v63 =	vmul.f32 v11, v11  }
0x146: {  	v41 =	vmov s31;
	v10 =	vmul.f32 v35, v32;
	v44 =	vmul.f32 v37, v32  }
0x147: {  	v48 =	vld [tilespmem:s28+$0xFFFFFED0];
	v3 =	vadd.f32 v34, v3;
	v14 =	vmul.f32 v39, v32;
	v49 =	vmul.f32 v40, v32  }
0x148: {  	v56 =	vld [tilespmem:s28+$0xFFFFFE10];
	v9 =	vand.u32 $0xFFFFFFFE, v41;
	v37 =	vmul.f32 v13, v13;
	v39 =	vmul.f32 v29, v16  }
0x149: {  	v31 =	vld [tilespmem:s28+$0xFFFFFE80];
	v1 =	vadd.f32 v42, v1;
	v9 =	vbroadcast v9, $0x0;
	v55 =	vmul.f32 v12, v12  }
0x14a: {  	v58 =	vld [tilespmem:s28+$0xFFFFFE20];
	v45 =	vmul.f32 v10, v10;
	v6 =	vadd.f32 v10, v6;
	v47 =	vmul.f32 v44, v44  }
0x14b: {  	v60 =	vld [tilespmem:s28+$0xFFFFFE30];
	v8 =	vadd.f32 v44, v8;
	v51 =	vmul.f32 v14, v14;
	v7 =	vadd.f32 v14, v7  }
0x14c: {  	v52 =	vmul.f32 v49, v49;
	v53 =	vld.idx.msk [tilespmem:v18+s11+$0x0], $0xffff;
	v2 =	vadd.f32 v49, v2;
	v18 =	vand.u32 $0xFFFFFFFE, v62  }
0x14d: {  	v23 =	vld [tilespmem:s28+$0xFFFFFE50];
	v42 =	vmul.f32 v39, v39;
	v3 =	vadd.f32 v45, v3;
	v4 =	vadd.f32 v47, v4  }
0x14e: {  	v61 =	vld [tilespmem:s28+$0xFFFFFE40];
	v43 =	vmul.f32 v31, v16;
	v5 =	vadd.f32 v51, v5;
	v1 =	vadd.f32 v52, v1  }
0x14f: {  	v46 =	vld.idx.msk [tilespmem:v36+s11+$0x0], $0xffff;
	v6 =	vadd.f32 v12, v6;
	v8 =	vadd.f32 v57, v8;
	v12 =	vmul.f32 v57, v57  }
0x150: {  	v50 =	vld [tilespmem:s28+$0xFFFFFEE0];
	v18 =	vbroadcast v18, $0x0;
	v7 =	vadd.f32 v59, v7;
	v2 =	vadd.f32 v11, v2  }
0x151: {  	v21 =	vld [tilespmem:s28+$0xFFFFFF30];
	v47 =	vmul.f32 v43, v43;
	v3 =	vadd.f32 v55, v3;
	v4 =	vadd.f32 v12, v4  }
0x152: {  	v54 =	vld [tilespmem:s28+$0xFFFFFF00];
	v5 =	vadd.f32 v19, v5;
	v12 =	vmul.f32 v23, v16;
	v10 =	vmul.f32 v56, v53  }
0x153: {  	v38 =	vld [tilespmem:s28+$0xFFFFFEA0];
	s31 =	sadd.s32 $0x7F, s30;
	v1 =	vadd.f32 v63, v1;
	v24 =	vmul.f32 v58, v53;
	v14 =	vmul.f32 v60, v53  }
0x154: {  	v52 =	vld [tilespmem:s28+$0xFFFFFEF0];
	v28 =	vmul.f32 v61, v53;
	v56 =	vmul.f32 v48, v46;
	v58 =	vmov s31;
	s31 =	sadd.s32 $0x80, s30  }
0x155: {  	v57 =	vld [tilespmem:s28+$0xFFFFFF10];
	v59 =	vmul.f32 v50, v46;
	v34 =	vmul.f32 v12, v12;
	v61 =	vmov s31  }
0x156: {  	v9 =	vld.idx.msk [tilespmem:v9+s11+$0x0], $0xffff;
	v26 =	vmul.f32 v10, v10;
	v6 =	vadd.f32 v10, v6;
	v27 =	vmul.f32 v24, v24  }
0x157: {  	v63 =	vld [tilespmem:s28+$0xFFFFFF40];
	v8 =	vadd.f32 v24, v8;
	v30 =	vmul.f32 v14, v14;
	v7 =	vadd.f32 v14, v7  }
0x158: {  	v60 =	vld [tilespmem:s28+$0xFFFFFF20];
	v32 =	vmul.f32 v28, v28;
	v2 =	vadd.f32 v28, v2;
	v19 =	vmul.f32 v59, v59  }
0x159: {  	v33 =	vld.idx.msk [tilespmem:v18+s11+$0x0], $0xffff;
	v18 =	vand.u32 $0xFFFFFFFE, v61;
	v10 =	vmul.f32 v54, v46;
	v3 =	vadd.f32 v26, v3  }
0x15a: {  	v35 =	vld [tilespmem:s28+$0xFFFFFE90];
	v22 =	vbroadcast v18, $0x0;
	v4 =	vadd.f32 v27, v4;
	v5 =	vadd.f32 v30, v5  }
0x15b: {  	v40 =	vld [tilespmem:s28+$0xFFFFFEB0];
	v1 =	vadd.f32 v32, v1;
	v6 =	vadd.f32 v12, v6;
	v12 =	vmul.f32 v52, v46  }
0x15c: {  	v44 =	vld [tilespmem:s28+$0xFFFFFEC0];
	v8 =	vadd.f32 v13, v8;
	v13 =	vmul.f32 v56, v56;
	v23 =	vmul.f32 v57, v9  }
0x15d: {  	v7 =	vadd.f32 v39, v7;
	v25 =	vmul.f32 v10, v10;
	v29 =	vmul.f32 v21, v9  }
0x15e: {  	v2 =	vadd.f32 v43, v2;
	v17 =	vmul.f32 v60, v9;
	v9 =	vmul.f32 v63, v9  }
0x15f: {  	v3 =	vadd.f32 v34, v3;
	v62 =	vmul.f32 v12, v12;
	v27 =	vmul.f32 v23, v23  }
0x160: {  	v4 =	vadd.f32 v37, v4;
	v45 =	vmul.f32 v35, v33;
	v14 =	vmul.f32 v38, v33  }
0x161: {  	v26 =	vld [tilespmem:s28+$0xFFFFFF50];
	v5 =	vadd.f32 v42, v5;
	v11 =	vmul.f32 v40, v33;
	v15 =	vmul.f32 v44, v33  }
0x162: {  	s30 =	sadd.s32 $0x81, s30;
	v24 =	vld.idx.msk [tilespmem:v58+s11+$0x0], $0xffff;
	v1 =	vadd.f32 v47, v1;
	v31 =	vmul.f32 v17, v17;
	v33 =	vmul.f32 v29, v29  }
0x163: {  	v28 =	vld [tilespmem:s28+$0xFFFFFF60];
	v35 =	vmov s30;
	v49 =	vmul.f32 v45, v45;
	v6 =	vadd.f32 v45, v6  }
0x164: {  	v32 =	vld [tilespmem:s28+$0xFFFFFF80];
	v51 =	vmul.f32 v14, v14;
	v53 =	vmul.f32 v11, v11;
	v8 =	vadd.f32 v14, v8  }
0x165: {  	v30 =	vld [tilespmem:s28+$0xFFFFFF70];
	v7 =	vadd.f32 v11, v7;
	v55 =	vmul.f32 v15, v15;
	v2 =	vadd.f32 v15, v2  }
0x166: {  	v38 =	vmul.f32 v9, v9;
	v3 =	vadd.f32 v49, v3;
	v4 =	vadd.f32 v51, v4  }
0x167: {  	v36 =	vmul.f32 v26, v24;
	v5 =	vadd.f32 v53, v5;
	v1 =	vadd.f32 v55, v1  }
0x168: {  	v37 =	vld [tilespmem:s28+$0xFFFFFF90];
	v18 =	vmul.f32 v28, v24;
	v6 =	vadd.f32 v56, v6;
	v8 =	vadd.f32 v59, v8  }
0x169: {  	v34 =	vld.idx.msk [tilespmem:v22+s11+$0x0], $0xffff;
	v44 =	vmul.f32 v32, v24;
	v7 =	vadd.f32 v12, v7;
	v2 =	vadd.f32 v10, v2  }
0x16a: {  	v39 =	vld [tilespmem:s28+$0xFFFFFFA0];
	v12 =	vmul.f32 v30, v24;
	v3 =	vadd.f32 v13, v3;
	v4 =	vadd.f32 v19, v4  }
0x16b: {  	v41 =	vld [tilespmem:s28+$0xFFFFFFB0];
	v40 =	vmul.f32 v36, v36;
	v5 =	vadd.f32 v62, v5;
	v1 =	vadd.f32 v25, v1  }
0x16c: {  	v43 =	vld [tilespmem:s28+$0xFFFFFFC0];
	v42 =	vmul.f32 v18, v18;
	v6 =	vadd.f32 v23, v6;
	v8 =	vadd.f32 v17, v8  }
0x16d: {  	v48 =	vmul.f32 v44, v44;
	v7 =	vadd.f32 v29, v7;
	v2 =	vadd.f32 v9, v2  }
0x16e: {  	v57 =	vld [tilespmem:s28+$0x0];
	v45 =	vmul.f32 v12, v12;
	v46 =	vmul.f32 v37, v34;
	v3 =	vadd.f32 v27, v3  }
0x16f: {  	v47 =	vld [tilespmem:s28+$0xFFFFFFD0];
	v51 =	vmul.f32 v39, v34;
	v4 =	vadd.f32 v31, v4;
	v5 =	vadd.f32 v33, v5  }
0x170: {  	v16 =	vld.idx.msk [tilespmem:v35+s11+$0x0], $0xffff;
	v52 =	vmul.f32 v41, v34;
	v1 =	vadd.f32 v38, v1;
	v6 =	vadd.f32 v36, v6  }
0x171: {  	v49 =	vld [tilespmem:s28+$0xFFFFFFE0];
	v54 =	vmul.f32 v43, v34;
	v8 =	vadd.f32 v18, v8;
	v7 =	vadd.f32 v12, v7  }
0x172: {  	v55 =	vld [tilespmem:s28+$0xFFFFFFF0];
	v2 =	vadd.f32 v44, v2;
	v50 =	vmul.f32 v46, v46;
	v53 =	vmul.f32 v51, v51  }
0x173: {  	v56 =	vmul.f32 v52, v52;
	v3 =	vadd.f32 v40, v3;
	v4 =	vadd.f32 v42, v4  }
0x174: {  	v58 =	vmul.f32 v54, v54;
	v5 =	vadd.f32 v45, v5;
	v1 =	vadd.f32 v48, v1  }
0x175: {  	v6 =	vadd.f32 v46, v6;
	v8 =	vadd.f32 v51, v8;
	v11 =	vmul.f32 v47, v16  }
0x176: {  	v14 =	vmul.f32 v49, v16;
	v7 =	vadd.f32 v52, v7;
	v2 =	vadd.f32 v54, v2  }
0x177: {  	v61 =	vmul.f32 v55, v16;
	v62 =	vmul.f32 v57, v16;
	v3 =	vadd.f32 v50, v3  }
0x178: {  	v4 =	vadd.f32 v53, v4;
	v5 =	vadd.f32 v56, v5;
	v59 =	vmul.f32 v11, v11  }
0x179: {  	v1 =	vadd.f32 v58, v1;
	v60 =	vmul.f32 v14, v14;
	v6 =	vadd.f32 v11, v6  }
0x17a: {  	v8 =	vadd.f32 v14, v8;
	v7 =	vadd.f32 v61, v7;
	v10 =	vmul.f32 v61, v61  }
0x17b: {  	v2 =	vadd.f32 v62, v2;
	v3 =	vadd.f32 v59, v3;
	v6 =	vmul.f32 v6, v6  }
0x17c: {  	v9 =	vmul.f32 v62, v62;
	v4 =	vadd.f32 v60, v4;
	v8 =	vmul.f32 v8, v8  }
0x17d: {  	v5 =	vadd.f32 v10, v5;
	v63 =	vmul.f32 v7, v7;
	v3 =	vsub.f32 v6, v3  }
0x17e: {  	v1 =	vadd.f32 v9, v1;
	v2 =	vmul.f32 v2, v2;
	v4 =	vsub.f32 v8, v4  }
0x17f: {  	p2 =	sne.s32 s26, $0x4E;
	v5 =	vsub.f32 v63, v5;
	v3 =	vmul.f32 $5.000000000e-01, v3  }
.Ltmp1:
0x180: {  	v1 =	vsub.f32 v2, v1;
	v4 =	vmul.f32 $5.000000000e-01, v4;
	(pc) =	sbr.rel @p2 .LBB2_5-.Ltmp1, $4  }
0x181: {  	v2 =	vmul.f32 $5.000000000e-01, v5;
	[tilespmem:s23+$0xFFFFFFD0] =	vst v3  }
0x182: {  	v1 =	vmul.f32 $5.000000000e-01, v1;
	[tilespmem:s23+$0xFFFFFFE0] =	vst v4  }
0x183: {  	[tilespmem:s23+$0xFFFFFFF0] =	vst v2  }
0x184: {  	s26 =	sadd.s32 $0x1A, s26;
	s28 =	sadd.s32 $0x680, s28;
	[tilespmem:s23+$0x0] =	vst v1;
	s23 =	sadd.s32 $0x80, s23  }
.Ltmp2:
0x185: {  	(pc) =	sbr.rel @p1 .LBB2_8-.Ltmp2, $1  }
0x186: {  	_ =	sdelay $0x3  }
0x187: {  	s23 =	smul.u32 $0x340, s25  }
.Ltmp3:
0x188: {  	_ = 	snop;
	(pc) =	sbr.rel .LBB2_2-.Ltmp3, $4  }
0x189: {  	_ = 	snop  }
0x18a: {  	s25 =	sadd.s32 $0x1, s25;
	s22 =	sadd.s32 $0x400, s22;
	s23 =	sshra.s32 s23, $0x2  }
0x18b: {  	s24 =	sadd.s32 $0xD0, s24;
	s29 =	sadd.s32 $0x400, s29;
	s23 =	sadd.s32 $0x138, s23  }
0x18c: {  	[tilespmem:s14], [sflag:$0x2] =	stream.indirect.gather [hbm4b:s3+s12], $0x40, s23, s12, $0xb8;
	[tilespmem:$0xB370] =	vst v63  }
.LBB2_8:
0x18d: {  	s22 =	simm.s32 $0x0  }
0x18e: {  	[tilespmem:s17], [sflag:$0x3] =	stream.indirect.gather [spmem:s1], $0x1, s22, s12, $0xb8;
	[tilespmem:$0xB370] =	vst v63  }
0x18f: {  	s23 =	simm.s32 $0x1A68  }
0x190: {  	[tilespmem:s23], [sflag:$0x3] =	stream.indirect.gather [spmem:s1], $0x1, s12, s12, $0xb8;
	[tilespmem:$0xB370] =	vst v63  }
0x191: {  	s29 =	simm.s32 $0xD0;
	s24 =	simm.s32 $0x1AD0  }
0x192: {  	[tilespmem:s24], [sflag:$0x3] =	stream.indirect.gather [spmem:s1], $0x1, s29, s12, $0xb8;
	[tilespmem:$0xB370] =	vst v63  }
0x193: {  	s30 =	simm.s32 $0x138;
	s31 =	simm.s32 $0x1B38  }
0x194: {  	[tilespmem:s31], [sflag:$0x3] =	stream.indirect.gather [spmem:s1], $0x1, s30, s12, $0xb8;
	[tilespmem:$0xB370] =	vst v63  }
0x195: {  	s25 =	simm.s32 $0x1A0;
	s26 =	simm.s32 $0x1BA0  }
0x196: {  	[tilespmem:s26], [sflag:$0x3] =	stream.indirect.gather [spmem:s1], $0x1, s25, s12, $0xb8;
	[tilespmem:$0xB370] =	vst v63  }
0x197: {  	s28 =	simm.s32 $0x208;
	s29 =	simm.s32 $0x1C08  }
0x198: {  	[tilespmem:s29], [sflag:$0x3] =	stream.indirect.gather [spmem:s1], $0x1, s28, s12, $0xb8;
	[tilespmem:$0xB370] =	vst v63  }
0x199: {  	s30 =	simm.s32 $0x270;
	s31 =	simm.s32 $0x1C70  }
0x19a: {  	[tilespmem:s31], [sflag:$0x3] =	stream.indirect.gather [spmem:s1], $0x1, s30, s12, $0xb8;
	[tilespmem:$0xB370] =	vst v63  }
0x19b: {  	s25 =	simm.s32 $0x2D8;
	s26 =	simm.s32 $0x1CD8  }
0x19c: {  	[tilespmem:s26], [sflag:$0x3] =	stream.indirect.gather [spmem:s1], $0x1, s25, s12, $0xb8;
	[tilespmem:$0xB370] =	vst v63  }
0x19d: {  	s28 =	simm.s32 $0x340;
	s29 =	simm.s32 $0x1D40  }
0x19e: {  	[tilespmem:s29], [sflag:$0x3] =	stream.indirect.gather [spmem:s1], $0x1, s28, s12, $0xb8;
	[tilespmem:$0xB370] =	vst v63  }
0x19f: {  	s30 =	simm.s32 $0x3A8;
	s31 =	simm.s32 $0x1DA8  }
0x1a0: {  	[tilespmem:s31], [sflag:$0x3] =	stream.indirect.gather [spmem:s1], $0x1, s30, s12, $0xb8;
	[tilespmem:$0xB370] =	vst v63  }
0x1a1: {  	s25 =	simm.s32 $0x410;
	s26 =	simm.s32 $0x1E10  }
0x1a2: {  	[tilespmem:s26], [sflag:$0x3] =	stream.indirect.gather [spmem:s1], $0x1, s25, s12, $0xb8;
	[tilespmem:$0xB370] =	vst v63  }
0x1a3: {  	s28 =	simm.s32 $0x478;
	s29 =	simm.s32 $0x1E78  }
0x1a4: {  	[tilespmem:s29], [sflag:$0x3] =	stream.indirect.gather [spmem:s1], $0x1, s28, s12, $0xb8;
	[tilespmem:$0xB370] =	vst v63  }
0x1a5: {  	s30 =	simm.s32 $0x4E0;
	s31 =	simm.s32 $0x1EE0  }
0x1a6: {  	[tilespmem:s31], [sflag:$0x3] =	stream.indirect.gather [spmem:s1], $0x1, s30, s12, $0xb8;
	[tilespmem:$0xB370] =	vst v63  }
0x1a7: {  	s25 =	simm.s32 $0x548;
	s26 =	simm.s32 $0x1F48  }
0x1a8: {  	[tilespmem:s26], [sflag:$0x3] =	stream.indirect.gather [spmem:s1], $0x1, s25, s12, $0xb8;
	[tilespmem:$0xB370] =	vst v63  }
0x1a9: {  	s28 =	simm.s32 $0x5B0;
	s29 =	simm.s32 $0x1FB0  }
0x1aa: {  	[tilespmem:s29], [sflag:$0x3] =	stream.indirect.gather [spmem:s1], $0x1, s28, s12, $0xb8;
	[tilespmem:$0xB370] =	vst v63  }
0x1ab: {  	s30 =	simm.s32 $0x618;
	s31 =	simm.s32 $0x2018  }
0x1ac: {  	[tilespmem:s31], [sflag:$0x3] =	stream.indirect.gather [spmem:s1], $0x1, s30, s12, $0xb8;
	[tilespmem:$0xB370] =	vst v63  }
0x1ad: {  	s25 =	simm.s32 $0x680;
	s26 =	simm.s32 $0x2080  }
0x1ae: {  	[tilespmem:s26], [sflag:$0x3] =	stream.indirect.gather [spmem:s1], $0x1, s25, s12, $0xb8;
	[tilespmem:$0xB370] =	vst v63  }
0x1af: {  	s28 =	simm.s32 $0x6E8;
	s29 =	simm.s32 $0x20E8  }
0x1b0: {  	[tilespmem:s29], [sflag:$0x3] =	stream.indirect.gather [spmem:s1], $0x1, s28, s12, $0xb8;
	[tilespmem:$0xB370] =	vst v63  }
0x1b1: {  	s30 =	simm.s32 $0x750;
	s31 =	simm.s32 $0x2150  }
0x1b2: {  	[tilespmem:s31], [sflag:$0x3] =	stream.indirect.gather [spmem:s1], $0x1, s30, s12, $0xb8;
	[tilespmem:$0xB370] =	vst v63  }
0x1b3: {  	s25 =	simm.s32 $0x7B8;
	s26 =	simm.s32 $0x21B8  }
0x1b4: {  	[tilespmem:s26], [sflag:$0x3] =	stream.indirect.gather [spmem:s1], $0x1, s25, s12, $0xb8;
	[tilespmem:$0xB370] =	vst v63  }
0x1b5: {  	s28 =	simm.s32 $0x820;
	s29 =	simm.s32 $0x2220  }
0x1b6: {  	[tilespmem:s29], [sflag:$0x3] =	stream.indirect.gather [spmem:s1], $0x1, s28, s12, $0xb8;
	[tilespmem:$0xB370] =	vst v63  }
0x1b7: {  	s30 =	simm.s32 $0x888;
	s31 =	simm.s32 $0x2288  }
0x1b8: {  	[tilespmem:s31], [sflag:$0x3] =	stream.indirect.gather [spmem:s1], $0x1, s30, s12, $0xb8;
	[tilespmem:$0xB370] =	vst v63  }
0x1b9: {  	s25 =	simm.s32 $0x8F0;
	s26 =	simm.s32 $0x22F0  }
0x1ba: {  	[tilespmem:s26], [sflag:$0x3] =	stream.indirect.gather [spmem:s1], $0x1, s25, s12, $0xb8;
	[tilespmem:$0xB370] =	vst v63  }
0x1bb: {  	s28 =	simm.s32 $0x958;
	s29 =	simm.s32 $0x2358  }
0x1bc: {  	[tilespmem:s29], [sflag:$0x3] =	stream.indirect.gather [spmem:s1], $0x1, s28, s12, $0xb8;
	[tilespmem:$0xB370] =	vst v63  }
0x1bd: {  	s30 =	simm.s32 $0x9C0;
	s31 =	simm.s32 $0x23C0  }
0x1be: {  	[tilespmem:s31], [sflag:$0x3] =	stream.indirect.gather [spmem:s1], $0x1, s30, s12, $0xb8;
	[tilespmem:$0xB370] =	vst v63  }
0x1bf: {  	s25 =	simm.s32 $0xA28;
	s26 =	simm.s32 $0x2428  }
0x1c0: {  	[tilespmem:s26], [sflag:$0x3] =	stream.indirect.gather [spmem:s1], $0x1, s25, s12, $0xb8;
	[tilespmem:$0xB370] =	vst v63  }
0x1c1: {  	s28 =	simm.s32 $0xA90;
	s29 =	simm.s32 $0x2490  }
0x1c2: {  	[tilespmem:s29], [sflag:$0x3] =	stream.indirect.gather [spmem:s1], $0x1, s28, s12, $0xb8;
	[tilespmem:$0xB370] =	vst v63  }
0x1c3: {  	s30 =	simm.s32 $0xAF8;
	s31 =	simm.s32 $0x24F8  }
0x1c4: {  	[tilespmem:s31], [sflag:$0x3] =	stream.indirect.gather [spmem:s1], $0x1, s30, s12, $0xb8;
	[tilespmem:$0xB370] =	vst v63  }
0x1c5: {  	s25 =	simm.s32 $0xB60;
	s26 =	simm.s32 $0x2560  }
0x1c6: {  	[tilespmem:s26], [sflag:$0x3] =	stream.indirect.gather [spmem:s1], $0x1, s25, s12, $0xb8;
	[tilespmem:$0xB370] =	vst v63  }
0x1c7: {  	s28 =	simm.s32 $0xBC8;
	s29 =	simm.s32 $0x25C8  }
0x1c8: {  	[tilespmem:s29], [sflag:$0x3] =	stream.indirect.gather [spmem:s1], $0x1, s28, s12, $0xb8;
	[tilespmem:$0xB370] =	vst v63  }
0x1c9: {  	s30 =	simm.s32 $0xC30  }
0x1ca: {  	[tilespmem:s0], [sflag:$0x3] =	stream.indirect.gather [spmem:s1], $0x1, s30, s12, $0xb8;
	[tilespmem:$0xB370] =	vst v63  }
0x1cb: {  	_ = 	snop  }
0x1cc: {  	[tilespmem:s18], [sflag:$0x3] =	stream.indirect.gather [spmem:s1], $0x1, s13, s12, $0xb8;
	[tilespmem:$0xB370] =	vst v63  }
0x1cd: {  	_ =	swait.ge [sflag:s19], $0x68  }
0x1ce: {  	[sflag:s19] =	ssyncset.done $0x0  }
0x1cf: {  	[sflag:s19] =	ssyncadd.s32 $0xFFFFFF98  }
0x1d0: {  	_ =	swait.ge [sflag:s19], $0x68  }
0x1d1: {  	[sflag:s19] =	ssyncset.done $0x0  }
0x1d2: {  	[sflag:s19] =	ssyncadd.s32 $0xFFFFFF98  }
0x1d3: {  	_ =	swait.ge [sflag:s19], $0x68  }
0x1d4: {  	[sflag:s19] =	ssyncset.done $0x0  }
0x1d5: {  	[sflag:s19] =	ssyncadd.s32 $0xFFFFFF98  }
0x1d6: {  	_ =	swait.ge [sflag:s19], $0x68  }
0x1d7: {  	[sflag:s19] =	ssyncset.done $0x0  }
0x1d8: {  	[sflag:s19] =	ssyncadd.s32 $0xFFFFFF98  }
0x1d9: {  	_ =	swait.ge [sflag:s19], $0x68  }
0x1da: {  	[sflag:s19] =	ssyncset.done $0x0  }
0x1db: {  	[sflag:s19] =	ssyncadd.s32 $0xFFFFFF98  }
0x1dc: {  	_ =	swait.ge [sflag:s19], $0x68  }
0x1dd: {  	[sflag:s19] =	ssyncset.done $0x0  }
0x1de: {  	[sflag:s19] =	ssyncadd.s32 $0xFFFFFF98  }
0x1df: {  	_ =	swait.ge [sflag:s19], $0x68  }
0x1e0: {  	[sflag:s19] =	ssyncset.done $0x0  }
0x1e1: {  	[sflag:s19] =	ssyncadd.s32 $0xFFFFFF98  }
0x1e2: {  	_ =	swait.ge [sflag:s19], $0x68  }
0x1e3: {  	[sflag:s19] =	ssyncset.done $0x0  }
0x1e4: {  	[sflag:s19] =	ssyncadd.s32 $0xFFFFFF98  }
0x1e5: {  	_ =	swait.ge [sflag:s19], $0x68  }
0x1e6: {  	[sflag:s19] =	ssyncset.done $0x0  }
0x1e7: {  	[sflag:s19] =	ssyncadd.s32 $0xFFFFFF98  }
0x1e8: {  	_ =	swait.ge [sflag:s19], $0x68  }
0x1e9: {  	[sflag:s19] =	ssyncset.done $0x0  }
0x1ea: {  	[sflag:s19] =	ssyncadd.s32 $0xFFFFFF98  }
0x1eb: {  	_ =	swait.ge [sflag:s19], $0x68  }
0x1ec: {  	[sflag:s19] =	ssyncset.done $0x0  }
0x1ed: {  	[sflag:s19] =	ssyncadd.s32 $0xFFFFFF98  }
0x1ee: {  	_ =	swait.ge [sflag:s19], $0x68  }
0x1ef: {  	[sflag:s19] =	ssyncset.done $0x0  }
0x1f0: {  	[sflag:s19] =	ssyncadd.s32 $0xFFFFFF98  }
0x1f1: {  	_ =	swait.ge [sflag:s19], $0x68  }
0x1f2: {  	[sflag:s19] =	ssyncset.done $0x0  }
0x1f3: {  	[sflag:s19] =	ssyncadd.s32 $0xFFFFFF98  }
0x1f4: {  	_ =	swait.ge [sflag:s19], $0x68  }
0x1f5: {  	[sflag:s19] =	ssyncset.done $0x0  }
0x1f6: {  	[sflag:s19] =	ssyncadd.s32 $0xFFFFFF98  }
0x1f7: {  	_ =	swait.ge [sflag:s19], $0x68  }
0x1f8: {  	[sflag:s19] =	ssyncset.done $0x0  }
0x1f9: {  	[sflag:s19] =	ssyncadd.s32 $0xFFFFFF98  }
0x1fa: {  	_ =	swait.ge [sflag:s19], $0x68  }
0x1fb: {  	[sflag:s19] =	ssyncset.done $0x0  }
0x1fc: {  	[sflag:s19] =	ssyncadd.s32 $0xFFFFFF98  }
0x1fd: {  	_ =	swait.ge [sflag:s19], $0x68  }
0x1fe: {  	[sflag:s19] =	ssyncset.done $0x0  }
0x1ff: {  	[sflag:s19] =	ssyncadd.s32 $0xFFFFFF98  }
0x200: {  	_ =	swait.ge [sflag:s19], $0x68  }
0x201: {  	[sflag:s19] =	ssyncset.done $0x0  }
0x202: {  	[sflag:s19] =	ssyncadd.s32 $0xFFFFFF98  }
0x203: {  	_ =	swait.ge [sflag:s19], $0x68  }
0x204: {  	[sflag:s19] =	ssyncset.done $0x0  }
0x205: {  	[sflag:s19] =	ssyncadd.s32 $0xFFFFFF98  }
0x206: {  	_ =	swait.ge [sflag:s19], $0x68  }
0x207: {  	[sflag:s19] =	ssyncset.done $0x0  }
0x208: {  	[sflag:s19] =	ssyncadd.s32 $0xFFFFFF98  }
0x209: {  	_ =	swait.ge [sflag:s19], $0x68  }
0x20a: {  	[sflag:s19] =	ssyncset.done $0x0  }
0x20b: {  	[sflag:s19] =	ssyncadd.s32 $0xFFFFFF98  }
0x20c: {  	_ =	swait.ge [sflag:s19], $0x68  }
0x20d: {  	[sflag:s19] =	ssyncset.done $0x0  }
0x20e: {  	[sflag:s19] =	ssyncadd.s32 $0xFFFFFF98  }
0x20f: {  	_ =	swait.ge [sflag:s19], $0x68  }
0x210: {  	[sflag:s19] =	ssyncset.done $0x0  }
0x211: {  	[sflag:s19] =	ssyncadd.s32 $0xFFFFFF98  }
0x212: {  	_ =	swait.ge [sflag:s19], $0x68  }
0x213: {  	[sflag:s19] =	ssyncset.done $0x0  }
0x214: {  	[sflag:s19] =	ssyncadd.s32 $0xFFFFFF98  }
0x215: {  	_ =	swait.ge [sflag:s19], $0x68  }
0x216: {  	[sflag:s19] =	ssyncset.done $0x0  }
0x217: {  	[sflag:s19] =	ssyncadd.s32 $0xFFFFFF98  }
0x218: {  	_ =	swait.ge [sflag:s19], $0x68  }
0x219: {  	[sflag:s19] =	ssyncset.done $0x0  }
0x21a: {  	[sflag:s19] =	ssyncadd.s32 $0xFFFFFF98  }
0x21b: {  	_ =	swait.ge [sflag:s19], $0x68  }
0x21c: {  	[sflag:s19] =	ssyncset.done $0x0  }
0x21d: {  	[sflag:s19] =	ssyncadd.s32 $0xFFFFFF98  }
0x21e: {  	_ =	swait.ge [sflag:s19], $0x68  }
0x21f: {  	[sflag:s19] =	ssyncset.done $0x0  }
0x220: {  	[sflag:s19] =	ssyncadd.s32 $0xFFFFFF98  }
0x221: {  	_ =	swait.ge [sflag:s19], $0x68  }
0x222: {  	[sflag:s19] =	ssyncset.done $0x0  }
0x223: {  	[sflag:s19] =	ssyncadd.s32 $0xFFFFFF98  }
0x224: {  	_ =	swait.ge [sflag:s19], $0x68  }
0x225: {  	[sflag:s19] =	ssyncset.done $0x0  }
0x226: {  	v2 =	vor.u32 s22, v0;
	[sflag:s19] =	ssyncadd.s32 $0xFFFFFF98  }
0x227: {  	v1 =	vmul.u32 $0x1A, v2;
	_ =	swait.ge [sflag:s19], $0x68  }
0x228: {  	[sflag:s19] =	ssyncset.done $0x0  }
0x229: {  	[sflag:s19] =	ssyncadd.s32 $0xFFFFFF98  }
0x22a: {  	v3 =	vor.u32 $0x1, v1;
	_ =	swait.ge [sflag:s19], $0x68  }
0x22b: {  	[sflag:s19] =	ssyncset.done $0x0  }
0x22c: {  	v4 =	vadd.s32 $0x2, v1;
	[sflag:s19] =	ssyncadd.s32 $0xFFFFFF98  }
0x22d: {  	v5 =	vld.idx.msk [tilespmem:v1+s11+$0x0], $0xffff  }
0x22e: {  	v7 =	vadd.s32 $0x3, v1;
	v6 =	vld.idx.msk [tilespmem:v1+s17+$0x0], $0xffff  }
0x22f: {  	v8 =	vld.idx.msk [tilespmem:v3+s17+$0x0], $0xffff  }
0x230: {  	v9 =	vadd.s32 $0x4, v1;
	v3 =	vld.idx.msk [tilespmem:v3+s11+$0x0], $0xffff  }
0x231: {  	v10 =	vld.idx.msk [tilespmem:v4+s17+$0x0], $0xffff  }
0x232: {  	v11 =	vadd.s32 $0x5, v1;
	v4 =	vld.idx.msk [tilespmem:v4+s11+$0x0], $0xffff  }
0x233: {  	v12 =	vld.idx.msk [tilespmem:v7+s17+$0x0], $0xffff;
	v5 =	vmul.f32 v5, v6  }
0x234: {  	v6 =	vld.idx.msk [tilespmem:v7+s11+$0x0], $0xffff;
	v7 =	vadd.s32 $0x6, v1  }
0x235: {  	v13 =	vld.idx.msk [tilespmem:v9+s17+$0x0], $0xffff;
	v3 =	vmul.f32 v3, v8;
	v5 =	vadd.f32 $0.0e+00, v5  }
0x236: {  	v32 =	vadd.s32 $0x7, v1;
	v8 =	vld.idx.msk [tilespmem:v9+s11+$0x0], $0xffff  }
0x237: {  	v15 =	vand.u32 $0xFFE, v1;
	v14 =	vld.idx.msk [tilespmem:v11+s17+$0x0], $0xffff;
	v4 =	vmul.f32 v4, v10;
	v3 =	vadd.f32 v3, v5  }
0x238: {  	v33 =	vadd.s32 $0x8, v15;
	v5 =	vld.idx.msk [tilespmem:v11+s11+$0x0], $0xffff  }
0x239: {  	v34 =	vld.idx.msk [tilespmem:v7+s17+$0x0], $0xffff;
	v3 =	vadd.f32 v4, v3;
	v4 =	vmul.f32 v6, v12  }
0x23a: {  	v6 =	vld.idx.msk [tilespmem:v7+s11+$0x0], $0xffff;
	v7 =	vadd.s32 $0x9, v1  }
0x23b: {  	v35 =	vld.idx.msk [tilespmem:v32+s17+$0x0], $0xffff;
	v3 =	vadd.f32 v4, v3;
	v4 =	vmul.f32 v8, v13  }
0x23c: {  	v36 =	vadd.s32 $0xA, v1;
	v8 =	vld.idx.msk [tilespmem:v32+s11+$0x0], $0xffff  }
0x23d: {  	v37 =	vld.idx.msk [tilespmem:v33+s17+$0x0], $0xffff;
	v3 =	vadd.f32 v4, v3;
	v4 =	vmul.f32 v5, v14  }
0x23e: {  	v38 =	vadd.s32 $0xB, v1;
	v5 =	vld.idx.msk [tilespmem:v33+s11+$0x0], $0xffff  }
0x23f: {  	v39 =	vld.idx.msk [tilespmem:v7+s17+$0x0], $0xffff;
	v3 =	vadd.f32 v4, v3;
	v4 =	vmul.f32 v6, v34  }
0x240: {  	v6 =	vld.idx.msk [tilespmem:v7+s11+$0x0], $0xffff;
	v7 =	vadd.s32 $0xC, v1  }
0x241: {  	v40 =	vld.idx.msk [tilespmem:v36+s17+$0x0], $0xffff;
	v3 =	vadd.f32 v4, v3;
	v4 =	vmul.f32 v8, v35  }
0x242: {  	v41 =	vadd.s32 $0xD, v1;
	v8 =	vld.idx.msk [tilespmem:v36+s11+$0x0], $0xffff  }
0x243: {  	v42 =	vld.idx.msk [tilespmem:v38+s17+$0x0], $0xffff;
	v3 =	vadd.f32 v4, v3;
	v4 =	vmul.f32 v5, v37  }
0x244: {  	v43 =	vadd.s32 $0xE, v1;
	v5 =	vld.idx.msk [tilespmem:v38+s11+$0x0], $0xffff  }
0x245: {  	v44 =	vld.idx.msk [tilespmem:v7+s17+$0x0], $0xffff;
	v3 =	vadd.f32 v4, v3;
	v4 =	vmul.f32 v6, v39  }
0x246: {  	v6 =	vld.idx.msk [tilespmem:v7+s11+$0x0], $0xffff;
	v7 =	vadd.s32 $0xF, v1  }
0x247: {  	v45 =	vld.idx.msk [tilespmem:v41+s17+$0x0], $0xffff;
	v3 =	vadd.f32 v4, v3;
	v4 =	vmul.f32 v8, v40  }
0x248: {  	v46 =	vadd.s32 $0x10, v15;
	v8 =	vld.idx.msk [tilespmem:v41+s11+$0x0], $0xffff  }
0x249: {  	v47 =	vld.idx.msk [tilespmem:v43+s17+$0x0], $0xffff;
	v3 =	vadd.f32 v4, v3;
	v4 =	vmul.f32 v5, v42  }
0x24a: {  	v48 =	vadd.s32 $0x11, v1;
	v5 =	vld.idx.msk [tilespmem:v43+s11+$0x0], $0xffff  }
0x24b: {  	v49 =	vld.idx.msk [tilespmem:v7+s17+$0x0], $0xffff;
	v3 =	vadd.f32 v4, v3;
	v4 =	vmul.f32 v6, v44  }
0x24c: {  	v6 =	vld.idx.msk [tilespmem:v7+s11+$0x0], $0xffff;
	v7 =	vadd.s32 $0x12, v1  }
0x24d: {  	v50 =	vld.idx.msk [tilespmem:v46+s17+$0x0], $0xffff;
	v3 =	vadd.f32 v4, v3;
	v4 =	vmul.f32 v8, v45  }
0x24e: {  	v51 =	vadd.s32 $0x13, v1;
	v8 =	vld.idx.msk [tilespmem:v46+s11+$0x0], $0xffff  }
0x24f: {  	v52 =	vld.idx.msk [tilespmem:v48+s17+$0x0], $0xffff;
	v3 =	vadd.f32 v4, v3;
	v4 =	vmul.f32 v5, v47  }
0x250: {  	v53 =	vadd.s32 $0x14, v1;
	v5 =	vld.idx.msk [tilespmem:v48+s11+$0x0], $0xffff  }
0x251: {  	v54 =	vld.idx.msk [tilespmem:v7+s17+$0x0], $0xffff;
	v3 =	vadd.f32 v4, v3;
	v4 =	vmul.f32 v6, v49  }
0x252: {  	v6 =	vld.idx.msk [tilespmem:v7+s11+$0x0], $0xffff;
	v7 =	vadd.s32 $0x15, v1  }
0x253: {  	v55 =	vld.idx.msk [tilespmem:v51+s17+$0x0], $0xffff;
	v3 =	vadd.f32 v4, v3;
	v4 =	vmul.f32 v8, v50  }
0x254: {  	v56 =	vadd.s32 $0x16, v1;
	v8 =	vld.idx.msk [tilespmem:v51+s11+$0x0], $0xffff  }
0x255: {  	v57 =	vld.idx.msk [tilespmem:v53+s17+$0x0], $0xffff;
	v3 =	vadd.f32 v4, v3;
	v4 =	vmul.f32 v5, v52  }
0x256: {  	v58 =	vadd.s32 $0x17, v1;
	v5 =	vld.idx.msk [tilespmem:v53+s11+$0x0], $0xffff  }
0x257: {  	v59 =	vld.idx.msk [tilespmem:v7+s17+$0x0], $0xffff;
	v3 =	vadd.f32 v4, v3;
	v4 =	vmul.f32 v6, v54  }
0x258: {  	v6 =	vld.idx.msk [tilespmem:v7+s11+$0x0], $0xffff  }
0x259: {  	v60 =	vld.idx.msk [tilespmem:v56+s17+$0x0], $0xffff;
	v3 =	vadd.f32 v4, v3;
	v4 =	vmul.f32 v8, v55  }
0x25a: {  	v8 =	vld.idx.msk [tilespmem:v56+s11+$0x0], $0xffff  }
0x25b: {  	v61 =	vld.idx.msk [tilespmem:v58+s17+$0x0], $0xffff;
	v7 =	vadd.s32 $0x18, v15;
	v3 =	vadd.f32 v4, v3;
	v4 =	vmul.f32 v5, v57  }
0x25c: {  	v5 =	vld.idx.msk [tilespmem:v58+s11+$0x0], $0xffff  }
0x25d: {  	v62 =	vadd.s32 $0x19, v1;
	v3 =	vadd.f32 v4, v3;
	v4 =	vmul.f32 v6, v59;
	_ =	sdelay $0x1  }
0x25e: {  	v1 =	vadd.f32 v4, v3;
	v3 =	vmul.f32 v8, v60  }
0x25f: {  	v63 =	vld.idx.msk [tilespmem:v7+s17+$0x0], $0xffff  }
0x260: {  	v7 =	vld.idx.msk [tilespmem:v7+s11+$0x0], $0xffff;
	v5 =	vmul.f32 v5, v61;
	v4 =	vadd.f32 v3, v1  }
0x261: {  	v3 =	vld.idx.msk [tilespmem:v62+s17+$0x0], $0xffff  }
0x262: {  	v6 =	vadd.f32 v5, v4;
	v4 =	vld.idx.msk [tilespmem:v62+s11+$0x0], $0xffff;
	_ =	sdelay $0x1  }
0x263: {  	s31 =	simm.s32 $0x10  }
0x264: {  	v1 =	vor.u32 s31, v0;
	v7 =	vmul.f32 v7, v63;
	v5 =	vshll.u32 v2, $0x7  }
0x265: {  	s22 =	simm.s32 $0x20;
	v2 =	vmul.u32 $0x1A, v1;
	v5 =	vor.u32 $0x40, v5  }
.LBB2_9:
0x266: {  	p1 =	sne.s32 s22, $0x70;
	v6 =	vadd.f32 v7, v6;
	v3 =	vmul.f32 v4, v3;
	_ =	sdelay $0x1  }
0x267: {  	v4 =	vor.u32 $0x1, v2;
	v3 =	vadd.f32 v3, v6;
	_ =	sdelay $0x1  }
0x268: {  	v6 =	vadd.s32 $0x2, v2;
	[tilespmem:v5+s20+$0x0] =	vst.idx.msk $0xffff, v3  }
0x269: {  	v3 =	vld.idx.msk [tilespmem:v2+s11+$0x0], $0xffff  }
0x26a: {  	v7 =	vadd.s32 $0x3, v2;
	v5 =	vld.idx.msk [tilespmem:v2+s17+$0x0], $0xffff  }
0x26b: {  	v8 =	vld.idx.msk [tilespmem:v4+s17+$0x0], $0xffff  }
0x26c: {  	v9 =	vadd.s32 $0x4, v2;
	v4 =	vld.idx.msk [tilespmem:v4+s11+$0x0], $0xffff  }
0x26d: {  	v10 =	vld.idx.msk [tilespmem:v6+s17+$0x0], $0xffff  }
0x26e: {  	v11 =	vadd.s32 $0x5, v2;
	v6 =	vld.idx.msk [tilespmem:v6+s11+$0x0], $0xffff  }
0x26f: {  	v12 =	vld.idx.msk [tilespmem:v7+s17+$0x0], $0xffff  }
0x270: {  	v3 =	vmul.f32 v3, v5;
	v5 =	vld.idx.msk [tilespmem:v7+s11+$0x0], $0xffff;
	v7 =	vadd.s32 $0x6, v2  }
0x271: {  	v13 =	vld.idx.msk [tilespmem:v9+s17+$0x0], $0xffff  }
0x272: {  	v3 =	vadd.f32 $0.0e+00, v3;
	v4 =	vmul.f32 v4, v8;
	v8 =	vld.idx.msk [tilespmem:v9+s11+$0x0], $0xffff;
	v9 =	vadd.s32 $0x7, v2  }
0x273: {  	v15 =	vand.u32 $0xFFE, v2;
	v14 =	vld.idx.msk [tilespmem:v11+s17+$0x0], $0xffff  }
0x274: {  	v3 =	vadd.f32 v4, v3;
	v4 =	vmul.f32 v6, v10;
	v10 =	vadd.s32 $0x8, v15;
	v6 =	vld.idx.msk [tilespmem:v11+s11+$0x0], $0xffff  }
0x275: {  	v11 =	vld.idx.msk [tilespmem:v7+s17+$0x0], $0xffff  }
0x276: {  	v3 =	vadd.f32 v4, v3;
	v4 =	vmul.f32 v5, v12;
	v5 =	vld.idx.msk [tilespmem:v7+s11+$0x0], $0xffff;
	v7 =	vadd.s32 $0x9, v2  }
0x277: {  	v12 =	vld.idx.msk [tilespmem:v9+s17+$0x0], $0xffff  }
0x278: {  	v3 =	vadd.f32 v4, v3;
	v4 =	vmul.f32 v8, v13;
	v8 =	vld.idx.msk [tilespmem:v9+s11+$0x0], $0xffff;
	v9 =	vadd.s32 $0xA, v2  }
0x279: {  	v13 =	vld.idx.msk [tilespmem:v10+s17+$0x0], $0xffff  }
0x27a: {  	v3 =	vadd.f32 v4, v3;
	v4 =	vmul.f32 v6, v14;
	v6 =	vld.idx.msk [tilespmem:v10+s11+$0x0], $0xffff;
	v10 =	vadd.s32 $0xB, v2  }
0x27b: {  	v14 =	vld.idx.msk [tilespmem:v7+s17+$0x0], $0xffff  }
0x27c: {  	v3 =	vadd.f32 v4, v3;
	v4 =	vmul.f32 v5, v11;
	v5 =	vld.idx.msk [tilespmem:v7+s11+$0x0], $0xffff;
	v7 =	vadd.s32 $0xC, v2  }
0x27d: {  	v11 =	vld.idx.msk [tilespmem:v9+s17+$0x0], $0xffff  }
0x27e: {  	v3 =	vadd.f32 v4, v3;
	v4 =	vmul.f32 v8, v12;
	v8 =	vld.idx.msk [tilespmem:v9+s11+$0x0], $0xffff;
	v9 =	vadd.s32 $0xD, v2  }
0x27f: {  	v12 =	vld.idx.msk [tilespmem:v10+s17+$0x0], $0xffff  }
0x280: {  	v3 =	vadd.f32 v4, v3;
	v4 =	vmul.f32 v6, v13;
	v6 =	vld.idx.msk [tilespmem:v10+s11+$0x0], $0xffff;
	v10 =	vadd.s32 $0xE, v2  }
0x281: {  	v13 =	vld.idx.msk [tilespmem:v7+s17+$0x0], $0xffff  }
0x282: {  	v3 =	vadd.f32 v4, v3;
	v4 =	vmul.f32 v5, v14;
	v5 =	vld.idx.msk [tilespmem:v7+s11+$0x0], $0xffff;
	v7 =	vadd.s32 $0xF, v2  }
0x283: {  	v14 =	vld.idx.msk [tilespmem:v9+s17+$0x0], $0xffff  }
0x284: {  	v3 =	vadd.f32 v4, v3;
	v4 =	vmul.f32 v8, v11;
	v8 =	vld.idx.msk [tilespmem:v9+s11+$0x0], $0xffff;
	v9 =	vadd.s32 $0x10, v15  }
0x285: {  	v11 =	vld.idx.msk [tilespmem:v10+s17+$0x0], $0xffff  }
0x286: {  	v3 =	vadd.f32 v4, v3;
	v4 =	vmul.f32 v6, v12;
	v6 =	vld.idx.msk [tilespmem:v10+s11+$0x0], $0xffff;
	v10 =	vadd.s32 $0x11, v2  }
0x287: {  	v12 =	vld.idx.msk [tilespmem:v7+s17+$0x0], $0xffff  }
0x288: {  	v3 =	vadd.f32 v4, v3;
	v4 =	vmul.f32 v5, v13;
	v5 =	vld.idx.msk [tilespmem:v7+s11+$0x0], $0xffff;
	v7 =	vadd.s32 $0x12, v2  }
0x289: {  	v13 =	vld.idx.msk [tilespmem:v9+s17+$0x0], $0xffff  }
0x28a: {  	v3 =	vadd.f32 v4, v3;
	v4 =	vmul.f32 v8, v14;
	v8 =	vld.idx.msk [tilespmem:v9+s11+$0x0], $0xffff;
	v9 =	vadd.s32 $0x13, v2  }
0x28b: {  	v14 =	vld.idx.msk [tilespmem:v10+s17+$0x0], $0xffff  }
0x28c: {  	v3 =	vadd.f32 v4, v3;
	v4 =	vmul.f32 v6, v11;
	v6 =	vld.idx.msk [tilespmem:v10+s11+$0x0], $0xffff;
	v10 =	vadd.s32 $0x14, v2  }
0x28d: {  	v11 =	vld.idx.msk [tilespmem:v7+s17+$0x0], $0xffff  }
0x28e: {  	v3 =	vadd.f32 v4, v3;
	v4 =	vmul.f32 v5, v12;
	v5 =	vld.idx.msk [tilespmem:v7+s11+$0x0], $0xffff;
	v7 =	vadd.s32 $0x15, v2  }
0x28f: {  	v12 =	vld.idx.msk [tilespmem:v9+s17+$0x0], $0xffff  }
0x290: {  	v3 =	vadd.f32 v4, v3;
	v4 =	vmul.f32 v8, v13;
	v8 =	vld.idx.msk [tilespmem:v9+s11+$0x0], $0xffff;
	v9 =	vadd.s32 $0x16, v2  }
0x291: {  	v13 =	vld.idx.msk [tilespmem:v10+s17+$0x0], $0xffff  }
0x292: {  	v3 =	vadd.f32 v4, v3;
	v4 =	vmul.f32 v6, v14;
	v6 =	vld.idx.msk [tilespmem:v10+s11+$0x0], $0xffff;
	v10 =	vadd.s32 $0x17, v2  }
0x293: {  	v14 =	vld.idx.msk [tilespmem:v7+s17+$0x0], $0xffff  }
0x294: {  	v3 =	vadd.f32 v4, v3;
	v4 =	vmul.f32 v5, v11;
	v5 =	vld.idx.msk [tilespmem:v7+s11+$0x0], $0xffff;
	v7 =	vadd.s32 $0x18, v15  }
0x295: {  	v11 =	vld.idx.msk [tilespmem:v9+s17+$0x0], $0xffff  }
0x296: {  	v2 =	vadd.s32 $0x19, v2;
	v3 =	vadd.f32 v4, v3;
	v4 =	vmul.f32 v8, v12;
	v8 =	vld.idx.msk [tilespmem:v9+s11+$0x0], $0xffff  }
0x297: {  	v9 =	vld.idx.msk [tilespmem:v10+s17+$0x0], $0xffff  }
0x298: {  	v3 =	vadd.f32 v4, v3;
	v4 =	vmul.f32 v6, v13;
	v6 =	vld.idx.msk [tilespmem:v10+s11+$0x0], $0xffff  }
0x299: {  	v10 =	vld.idx.msk [tilespmem:v7+s17+$0x0], $0xffff  }
0x29a: {  	v4 =	vadd.f32 v4, v3;
	v5 =	vmul.f32 v5, v14;
	v7 =	vld.idx.msk [tilespmem:v7+s11+$0x0], $0xffff  }
0x29b: {  	v3 =	vld.idx.msk [tilespmem:v2+s17+$0x0], $0xffff  }
0x29c: {  	v5 =	vadd.f32 v5, v4;
	v8 =	vmul.f32 v8, v11;
	v4 =	vld.idx.msk [tilespmem:v2+s11+$0x0], $0xffff  }
.Ltmp4:
0x29d: {  	(pc) =	sbr.rel @p1 .LBB2_9-.Ltmp4, $4  }
0x29e: {  	v2 =	vadd.f32 v8, v5;
	v5 =	vmul.f32 v6, v9  }
0x29f: {  	v8 =	vor.u32 s22, v0  }
0x2a0: {  	v6 =	vadd.f32 v5, v2;
	v7 =	vmul.f32 v7, v10;
	v5 =	vshll.u32 v1, $0x7;
	v1 =	vmovc v8  }
0x2a1: {  	s22 =	sadd.s32 $0x10, s22;
	v2 =	vmul.u32 $0x1A, v1;
	v5 =	vor.u32 $0x40, v5  }
0x2a2: {  	v6 =	vadd.f32 v7, v6;
	v3 =	vmul.f32 v4, v3;
	_ =	sdelay $0x1  }
0x2a3: {  	v25 =	vor.u32 $0x1, v2;
	v3 =	vadd.f32 v3, v6;
	_ =	sdelay $0x1  }
0x2a4: {  	v26 =	vadd.s32 $0x2, v2;
	[tilespmem:v5+s20+$0x0] =	vst.idx.msk $0xffff, v3  }
0x2a5: {  	v3 =	vld.idx.msk [tilespmem:v2+s11+$0x0], $0xffff  }
0x2a6: {  	v27 =	vadd.s32 $0x3, v2;
	v5 =	vld.idx.msk [tilespmem:v2+s17+$0x0], $0xffff  }
0x2a7: {  	v8 =	vld.idx.msk [tilespmem:v25+s17+$0x0], $0xffff  }
0x2a8: {  	v9 =	vadd.s32 $0x4, v2;
	v4 =	vld.idx.msk [tilespmem:v25+s11+$0x0], $0xffff  }
0x2a9: {  	v10 =	vld.idx.msk [tilespmem:v26+s17+$0x0], $0xffff  }
0x2aa: {  	v11 =	vadd.s32 $0x5, v2;
	v6 =	vld.idx.msk [tilespmem:v26+s11+$0x0], $0xffff  }
0x2ab: {  	v12 =	vld.idx.msk [tilespmem:v27+s17+$0x0], $0xffff;
	v3 =	vmul.f32 v3, v5  }
0x2ac: {  	v29 =	vadd.s32 $0x6, v2;
	v28 =	vld.idx.msk [tilespmem:v27+s11+$0x0], $0xffff  }
0x2ad: {  	v13 =	vld.idx.msk [tilespmem:v9+s17+$0x0], $0xffff;
	v4 =	vmul.f32 v4, v8;
	v3 =	vadd.f32 $0.0e+00, v3  }
0x2ae: {  	v31 =	vadd.s32 $0x7, v2;
	v30 =	vld.idx.msk [tilespmem:v9+s11+$0x0], $0xffff  }
0x2af: {  	v15 =	vand.u32 $0xFFE, v2;
	v14 =	vld.idx.msk [tilespmem:v11+s17+$0x0], $0xffff;
	v32 =	vmul.f32 v6, v10;
	v3 =	vadd.f32 v4, v3  }
0x2b0: {  	v34 =	vadd.s32 $0x8, v15;
	v33 =	vld.idx.msk [tilespmem:v11+s11+$0x0], $0xffff  }
0x2b1: {  	v35 =	vld.idx.msk [tilespmem:v29+s17+$0x0], $0xffff;
	v36 =	vmul.f32 v28, v12;
	v3 =	vadd.f32 v32, v3  }
0x2b2: {  	v38 =	vadd.s32 $0x9, v2;
	v37 =	vld.idx.msk [tilespmem:v29+s11+$0x0], $0xffff  }
0x2b3: {  	v39 =	vld.idx.msk [tilespmem:v31+s17+$0x0], $0xffff;
	v40 =	vmul.f32 v30, v13;
	v3 =	vadd.f32 v36, v3  }
0x2b4: {  	v42 =	vadd.s32 $0xA, v2;
	v41 =	vld.idx.msk [tilespmem:v31+s11+$0x0], $0xffff  }
0x2b5: {  	v43 =	vld.idx.msk [tilespmem:v34+s17+$0x0], $0xffff;
	v44 =	vmul.f32 v33, v14;
	v3 =	vadd.f32 v40, v3  }
0x2b6: {  	v46 =	vadd.s32 $0xB, v2;
	v45 =	vld.idx.msk [tilespmem:v34+s11+$0x0], $0xffff  }
0x2b7: {  	v47 =	vld.idx.msk [tilespmem:v38+s17+$0x0], $0xffff;
	v48 =	vmul.f32 v37, v35;
	v3 =	vadd.f32 v44, v3  }
0x2b8: {  	v50 =	vadd.s32 $0xC, v2;
	v49 =	vld.idx.msk [tilespmem:v38+s11+$0x0], $0xffff  }
0x2b9: {  	v51 =	vld.idx.msk [tilespmem:v42+s17+$0x0], $0xffff;
	v52 =	vmul.f32 v41, v39;
	v3 =	vadd.f32 v48, v3  }
0x2ba: {  	v54 =	vadd.s32 $0xD, v2;
	v53 =	vld.idx.msk [tilespmem:v42+s11+$0x0], $0xffff  }
0x2bb: {  	v55 =	vld.idx.msk [tilespmem:v46+s17+$0x0], $0xffff;
	v56 =	vmul.f32 v45, v43;
	v3 =	vadd.f32 v52, v3  }
0x2bc: {  	v58 =	vadd.s32 $0xE, v2;
	v57 =	vld.idx.msk [tilespmem:v46+s11+$0x0], $0xffff  }
0x2bd: {  	v59 =	vld.idx.msk [tilespmem:v50+s17+$0x0], $0xffff;
	v60 =	vmul.f32 v49, v47;
	v3 =	vadd.f32 v56, v3  }
0x2be: {  	v62 =	vadd.s32 $0xF, v2;
	v61 =	vld.idx.msk [tilespmem:v50+s11+$0x0], $0xffff  }
0x2bf: {  	v63 =	vld.idx.msk [tilespmem:v54+s17+$0x0], $0xffff;
	v16 =	vmul.f32 v53, v51;
	v3 =	vadd.f32 v60, v3  }
0x2c0: {  	v18 =	vadd.s32 $0x10, v15;
	v17 =	vld.idx.msk [tilespmem:v54+s11+$0x0], $0xffff  }
0x2c1: {  	v19 =	vld.idx.msk [tilespmem:v58+s17+$0x0], $0xffff;
	v20 =	vmul.f32 v57, v55;
	v3 =	vadd.f32 v16, v3  }
0x2c2: {  	v22 =	vadd.s32 $0x11, v2;
	v21 =	vld.idx.msk [tilespmem:v58+s11+$0x0], $0xffff  }
0x2c3: {  	v23 =	vld.idx.msk [tilespmem:v62+s17+$0x0], $0xffff;
	v24 =	vmul.f32 v61, v59;
	v3 =	vadd.f32 v20, v3  }
0x2c4: {  	v25 =	vld.idx.msk [tilespmem:v62+s11+$0x0], $0xffff;
	v26 =	vadd.s32 $0x12, v2  }
0x2c5: {  	v27 =	vld.idx.msk [tilespmem:v18+s17+$0x0], $0xffff;
	v28 =	vmul.f32 v17, v63;
	v3 =	vadd.f32 v24, v3  }
0x2c6: {  	v29 =	vld.idx.msk [tilespmem:v18+s11+$0x0], $0xffff;
	v30 =	vadd.s32 $0x13, v2  }
0x2c7: {  	v31 =	vld.idx.msk [tilespmem:v22+s17+$0x0], $0xffff;
	v32 =	vmul.f32 v21, v19;
	v3 =	vadd.f32 v28, v3  }
0x2c8: {  	v34 =	vadd.s32 $0x14, v2;
	v33 =	vld.idx.msk [tilespmem:v22+s11+$0x0], $0xffff  }
0x2c9: {  	v35 =	vld.idx.msk [tilespmem:v26+s17+$0x0], $0xffff;
	v36 =	vmul.f32 v25, v23;
	v3 =	vadd.f32 v32, v3  }
0x2ca: {  	v38 =	vadd.s32 $0x15, v2;
	v37 =	vld.idx.msk [tilespmem:v26+s11+$0x0], $0xffff  }
0x2cb: {  	v39 =	vld.idx.msk [tilespmem:v30+s17+$0x0], $0xffff;
	v40 =	vmul.f32 v29, v27;
	v3 =	vadd.f32 v36, v3  }
0x2cc: {  	v42 =	vadd.s32 $0x16, v2;
	v41 =	vld.idx.msk [tilespmem:v30+s11+$0x0], $0xffff  }
0x2cd: {  	v43 =	vld.idx.msk [tilespmem:v34+s17+$0x0], $0xffff;
	v44 =	vmul.f32 v33, v31;
	v3 =	vadd.f32 v40, v3  }
0x2ce: {  	v46 =	vadd.s32 $0x17, v2;
	v45 =	vld.idx.msk [tilespmem:v34+s11+$0x0], $0xffff  }
0x2cf: {  	v47 =	vld.idx.msk [tilespmem:v38+s17+$0x0], $0xffff;
	v48 =	vmul.f32 v37, v35;
	v3 =	vadd.f32 v44, v3  }
0x2d0: {  	v50 =	vadd.s32 $0x18, v15;
	v49 =	vld.idx.msk [tilespmem:v38+s11+$0x0], $0xffff  }
0x2d1: {  	v51 =	vld.idx.msk [tilespmem:v42+s17+$0x0], $0xffff;
	v52 =	vmul.f32 v41, v39;
	v3 =	vadd.f32 v48, v3  }
0x2d2: {  	v53 =	vld.idx.msk [tilespmem:v42+s11+$0x0], $0xffff;
	v2 =	vadd.s32 $0x19, v2  }
0x2d3: {  	v54 =	vld.idx.msk [tilespmem:v46+s17+$0x0], $0xffff;
	v55 =	vmul.f32 v45, v43;
	v3 =	vadd.f32 v52, v3  }
0x2d4: {  	v56 =	vld.idx.msk [tilespmem:v46+s11+$0x0], $0xffff  }
0x2d5: {  	v57 =	vld.idx.msk [tilespmem:v50+s17+$0x0], $0xffff;
	v58 =	vmul.f32 v49, v47;
	v3 =	vadd.f32 v55, v3  }
0x2d6: {  	v59 =	vld.idx.msk [tilespmem:v50+s11+$0x0], $0xffff  }
0x2d7: {  	v61 =	vmul.f32 v53, v51;
	v60 =	vld.idx.msk [tilespmem:v2+s17+$0x0], $0xffff;
	v3 =	vadd.f32 v58, v3  }
0x2d8: {  	v2 =	vld.idx.msk [tilespmem:v2+s11+$0x0], $0xffff  }
0x2d9: {  	v62 =	vmul.f32 v56, v54;
	v3 =	vadd.f32 v61, v3;
	_ =	sdelay $0x1  }
0x2da: {  	v1 =	vshll.u32 v1, $0x7;
	v63 =	vmul.f32 v59, v57;
	v3 =	vadd.f32 v62, v3  }
0x2db: {  	v1 =	vor.u32 $0x40, v1  }
0x2dc: {  	v2 =	vmul.f32 v2, v60;
	v3 =	vadd.f32 v63, v3;
	_ =	sdelay $0x1  }
0x2dd: {  	s21 =	sadd.s32 $0x1, s21;
	v2 =	vadd.f32 v2, v3  }
0x2de: {  	p1 =	sne.s32 s21, s8  }
.Ltmp5:
0x2df: {  	[tilespmem:v1+s20+$0x0] =	vst.idx.msk $0xffff, v2;
	(pc) =	sbr.rel @p1 .LBB2_1-.Ltmp5, $4  }
0x2e0: {  	[hbm4b:s7+s2] =	stream.linear.scatter [tilespmem:s20], [sflag:$0x5], $0x4000, $0x38;
	[tilespmem:$0xB370] =	vst v63  }
0x2e1: {  	_ =	swait.ge [sflag:s10], $0x4000  }
0x2e2: {  	[sflag:s10] =	ssyncset.done $0x0  }
0x2e3: {  	[sflag:s10] =	ssyncadd.s32 $0xFFFFC000  }
0x2e4: {  	_ =	sfence.sel $0x180000  }
0x2e5: {  	[bflag:$0x0] =	sbarrier.arrive $0xFFFF  }
0x2e6: {  	_ =	strace $0x90000047  }
0x2e7: {  	[bflag:$0x2] =	sbarrier.arrive $0xFFFF  }
0x2e8: {  	s0 =	rddreg [dreg:$0x2]  }
0x2e9: {  	s0 =	sadd.s32 @!p0 $0x100000, s0  }
0x2ea: {  	[sflag:s0] =	ssyncadd.tile.s32 @!p0 $0x1;
	_ =	shalt  }
.Lfunc_end2:
_tile_overlayer_lowered:
.L_overlay_start_2:
0x2eb: {  	(tag) =	ssettag $0x2  }
0x2ec: {  	s0 =	rddreg [dreg:$0x0];
	s2 =	stileid.u32  }
0x2ed: {  	s1 =	rddreg [dreg:$0x1];
	p0 =	sne.s32 s2, $0x0  }
0x2ee: {  	s3 =	rddreg [dreg:$0x2];
	[bflag:$0x3] =	sbarrier.arrive $0xFFFF;
	s2 =	simm.s32 @!p0 $0x1C05  }
0x2ef: {  	[timem:s3], [sflag:s2] =	dma.local @!p0 [hbm:s0], s1  }
0x2f0: {  	s0 =	simm.s32 @!p0 $0x5  }
0x2f1: {  	_ =	swait.ge @!p0 [sflag:s0], s1  }
0x2f2: {  	s1 =	ssub.s32 @!p0 $0x0, s1;
	[sflag:s0] =	ssyncset.done @!p0 $0x0  }
0x2f3: {  	[sflag:s0] =	ssyncadd.s32 @!p0 s1  }
0x2f4: {  	[bflag:$0x3] =	sbarrier.arrive $0xFFFF  }
0x2f5: {  	_ =	shalt  }

</sc_bundles>
